<compile_context>
chip_gen: v7x
topology: tpu7x:2x2x1
jax: 0.10.2.dev20260603
libtpu: 0.0.44.dev20260713+nightly
codegen_flags: <defaults>
</compile_context>

<pallas_src>
import functools

import jax
import jax.numpy as jnp
from jax import lax
from jax.experimental import pallas as pl
from jax.experimental.pallas import tpu as pltpu
from jax.experimental.pallas import tpu_sc as plsc

N = 10000
D = 128
E = 320000
EPS = 1e-5
BATCH = 100

NC = 2
NS = 16
NW = NC * NS
EW = E // NW
K = 80
NCH = EW // K
NBUF = 3
NBI = 6
STR = 624
STR_LAST = N - (NS - 1) * STR

_mesh = plsc.VectorSubcoreMesh(core_axis_name="c", subcore_axis_name="s")


@functools.partial(
    pl.kernel,
    out_type=jax.ShapeDtypeStruct((NC, N, D), jnp.float32),
    mesh=_mesh,
    scratch_types=[
        pltpu.VMEM_SHARED((N, D), jnp.float32),
        pltpu.VMEM((NBI, K), jnp.int32),
        pltpu.VMEM((NBI, K), jnp.int32),
        [pltpu.VMEM((K, D), jnp.float32)] * NBUF,
        [pltpu.SemaphoreType.DMA] * NBUF,
        [pltpu.SemaphoreType.DMA] * NBI,
        [pltpu.SemaphoreType.DMA] * NBI,
    ],
)
def _segment_sum_sc(h_hbm, src_hbm, dst_hbm, zero_hbm, out_hbm,
                    acc_sh, src_v, dst_v, rows, rsem, ssem, dsem):
    c = lax.axis_index("c")
    s = lax.axis_index("s")
    wid = c * NS + s

    def start_idx(i, si):
        off = (wid * NCH + i) * K
        pltpu.make_async_copy(src_hbm.at[pl.ds(off, K)], src_v.at[si],
                              ssem[si]).start()
        pltpu.make_async_copy(dst_hbm.at[pl.ds(off, K)], dst_v.at[si],
                              dsem[si]).start()

    def wait_src(i, si):
        off = (wid * NCH + i) * K
        pltpu.make_async_copy(src_hbm.at[pl.ds(off, K)], src_v.at[si],
                              ssem[si]).wait()

    def wait_dst(i, si):
        off = (wid * NCH + i) * K
        pltpu.make_async_copy(dst_hbm.at[pl.ds(off, K)], dst_v.at[si],
                              dsem[si]).wait()

    def start_g(si, t):
        pltpu.make_async_copy(h_hbm.at[src_v.at[si]], rows[t],
                              rsem[t]).start()

    def wait_g(si, t):
        pltpu.make_async_copy(h_hbm.at[src_v.at[si]], rows[t],
                              rsem[t]).wait()

    for si in range(NBI):
        start_idx(si, si)
    for t in range(NBUF):
        wait_src(t, t)
        start_g(t, t)

    @pl.when(s < NS - 1)
    def _():
        pltpu.sync_copy(zero_hbm.at[pl.ds(0, STR)],
                        acc_sh.at[pl.ds(s * STR, STR)])

    @pl.when(s == NS - 1)
    def _():
        pltpu.sync_copy(zero_hbm,
                        acc_sh.at[pl.ds((NS - 1) * STR, STR_LAST)])

    plsc.subcore_barrier()

    NMAIN = (NCH // NBI) * NBI

    def chunk(j, carry):
        i0 = j * NBI
        for t in range(NBI):
            i = i0 + t
            rt = t % NBUF
            wait_g(t, rt)
            wait_dst(i, t)
            pltpu.sync_copy(rows[rt], acc_sh.at[dst_v.at[t]], add=True)

            @pl.when(i + NBI < NCH)
            def _(i=i, t=t):
                start_idx(i + NBI, t)

            @pl.when(i + NBUF < NCH)
            def _(i=i, t=t, rt=rt):
                wait_src(i + NBUF, (t + NBUF) % NBI)
                start_g((t + NBUF) % NBI, rt)

        return carry

    lax.fori_loop(0, NMAIN // NBI, chunk, 0)
    for i in range(NMAIN, NCH):
        t = i % NBI
        rt = i % NBUF
        wait_g(t, rt)
        wait_dst(i, t)
        pltpu.sync_copy(rows[rt], acc_sh.at[dst_v.at[t]], add=True)
        if i + NBUF < NCH:
            wait_src(i + NBUF, (i + NBUF) % NBI)
            start_g((i + NBUF) % NBI, rt)
    plsc.subcore_barrier()

    @pl.when(s < NS - 1)
    def _():
        pltpu.sync_copy(acc_sh.at[pl.ds(s * STR, STR)],
                        out_hbm.at[c, pl.ds(s * STR, STR)])

    @pl.when(s == NS - 1)
    def _():
        pltpu.sync_copy(acc_sh.at[pl.ds((NS - 1) * STR, STR_LAST)],
                        out_hbm.at[c, pl.ds((NS - 1) * STR, STR_LAST)])


def _init_mm(x_ref, w_ref, o_ref):
    o_ref[...] = jnp.dot(x_ref[...], w_ref[...],
                         preferred_element_type=jnp.float32)


def _layer_tc(p_ref, h_ref, wg_ref, bg_ref, wr_ref, br_ref, g_ref, be_ref,
              o_ref):
    agg = p_ref[0] + p_ref[1]
    t = jnp.dot(agg, wg_ref[...], preferred_element_type=jnp.float32)
    new = jnp.maximum(t + bg_ref[...], 0.0)
    r = jnp.dot(h_ref[...], wr_ref[...], preferred_element_type=jnp.float32)
    new = new + jnp.maximum(r + br_ref[...], 0.0)
    mu = jnp.mean(new, axis=0, keepdims=True)
    cen = new - mu
    var = jnp.mean(cen * cen, axis=0, keepdims=True)
    o_ref[...] = g_ref[...] * cen * lax.rsqrt(var + EPS) + be_ref[...]


def kernel(x, edge_index, batch_size, W_init, Wg0, bg0, Wr0, br0, g0, be0,
           Wg1, bg1, Wr1, br1, g1, be1):
    src = edge_index[0]
    dst = edge_index[1]
    zeros = jnp.zeros((STR_LAST, D), jnp.float32)

    h = pl.pallas_call(
        _init_mm,
        out_shape=jax.ShapeDtypeStruct((N, D), jnp.float32),
    )(x, W_init)

    def layer(hh, Wg, bg, Wr, br, g, be):
        p = _segment_sum_sc(hh, src, dst, zeros)
        return pl.pallas_call(
            _layer_tc,
            out_shape=jax.ShapeDtypeStruct((N, D), jnp.float32),
        )(p, hh, Wg, bg.reshape(1, D), Wr, br.reshape(1, D),
          g.reshape(1, D), be.reshape(1, D))

    h = layer(h, Wg0, bg0, Wr0, br0, g0, be0)
    h = layer(h, Wg1, bg1, Wr1, br1, g1, be1)
    return h.reshape(BATCH, -1, D)

# --- scband reference (transcript-rebuilt; emitter-appended) ---
"""Pipeline reference for scband-molecular-gcn-1065151889674 (READ-ONLY COPY).

The authoritative reference and input builder live on the scoring server;
editing this copy changes nothing except your own understanding.
"""

import jax, jax.numpy as jnp
import numpy as np

N = 10000
E = 320000
IN_FEATS = 128
DIM = 128
BATCH_SIZE = 100
EPS = 1e-5


def setup_inputs(seed: int = 0):
    key = jax.random.key(seed)
    ks = jax.random.split(key, 8)
    x = jax.random.normal(ks[0], (N, IN_FEATS), dtype=jnp.float32)
    edge_index = jax.random.randint(ks[1], (2, E), 0, N, dtype=jnp.int32)
    s = 1.0 / np.sqrt(DIM)
    W_init = jax.random.uniform(ks[2], (IN_FEATS, DIM), jnp.float32, -s, s)
    # padding=True: torch zeroes init_transform.weight[-1] (last output unit)
    W_init = W_init.at[:, -1].set(0.0)
    Wg0 = jax.random.uniform(ks[3], (DIM, DIM), jnp.float32, -s, s)
    bg0 = jnp.zeros((DIM,), jnp.float32)
    Wr0 = jax.random.uniform(ks[4], (DIM, DIM), jnp.float32, -s, s)
    br0 = jnp.zeros((DIM,), jnp.float32)
    g0 = jnp.ones((DIM,), jnp.float32)
    be0 = jnp.zeros((DIM,), jnp.float32)
    Wg1 = jax.random.uniform(ks[5], (DIM, DIM), jnp.float32, -s, s)
    bg1 = jnp.zeros((DIM,), jnp.float32)
    Wr1 = jax.random.uniform(ks[6], (DIM, DIM), jnp.float32, -s, s)
    br1 = jnp.zeros((DIM,), jnp.float32)
    g1 = jnp.ones((DIM,), jnp.float32)
    be1 = jnp.zeros((DIM,), jnp.float32)
    return {"x": x, "edge_index": edge_index, "batch_size": BATCH_SIZE,
            "W_init": W_init,
            "Wg0": Wg0, "bg0": bg0, "Wr0": Wr0, "br0": br0, "g0": g0, "be0": be0,
            "Wg1": Wg1, "bg1": bg1, "Wr1": Wr1, "br1": br1, "g1": g1, "be1": be1}


def _batchnorm(h, gamma, beta):
    mu = jnp.mean(h, axis=0, keepdims=True)
    var = jnp.var(h, axis=0, keepdims=True)
    return gamma * (h - mu) / jnp.sqrt(var + EPS) + beta


def _gcn_layer(h, src, dst, Wg, bg, Wr, br, gamma, beta):
    # DGL GraphConv(norm='none'): aggregate (sum over in-neighbors) then linear
    agg = jax.ops.segment_sum(h[src], dst, num_segments=N)
    new = jax.nn.relu(agg @ Wg + bg)
    # residual connection: new += relu(Linear(h))
    new = new + jax.nn.relu(h @ Wr + br)
    # batchnorm (training-mode batch statistics)
    return _batchnorm(new, gamma, beta)


def reference(x, edge_index, batch_size, W_init, Wg0, bg0, Wr0, br0, g0, be0, Wg1, bg1, Wr1, br1, g1, be1):
    src = edge_index[0]
    dst = edge_index[1]
    h = x @ W_init  # init_transform (no bias)
    h = _gcn_layer(h, src, dst, Wg0, bg0, Wr0, br0, g0, be0)
    h = _gcn_layer(h, src, dst, Wg1, bg1, Wr1, br1, g1, be1)
    h = h + (jnp.asarray(batch_size) * 0).astype(h.dtype)
    return h.reshape(BATCH_SIZE, -1, DIM)

if __name__ == "__main__":
    import jax
    _d = setup_inputs()
    print(jax.jit(kernel)(*tuple(_d.values())))

</pallas_src>

<mosaic_0001>
#map = affine_map<(d0, d1) -> (0, 0)>
#map1 = affine_map<(d0, d1) -> (0)>
#map2 = affine_map<(d0, d1) -> (0, 0, 0)>
module attributes {stable_mosaic.version = 14 : i64} {
  func.func @_segment_sum_sc(%arg0: i32, %arg1: i32, %arg2: memref<10000x128xf32, #tpu.memory_space<hbm>>, %arg3: memref<320000xi32, #tpu.memory_space<hbm>>, %arg4: memref<320000xi32, #tpu.memory_space<hbm>>, %arg5: memref<640x128xf32, #tpu.memory_space<hbm>>, %arg6: memref<2x10000x128xf32, #tpu.memory_space<hbm>>, %arg7: memref<10000x128xf32, #tpu.memory_space<vmem_shared>>, %arg8: memref<6x80xi32, #tpu.memory_space<vmem>>, %arg9: memref<6x80xi32, #tpu.memory_space<vmem>>, %arg10: memref<80x128xf32, #tpu.memory_space<vmem>>, %arg11: memref<80x128xf32, #tpu.memory_space<vmem>>, %arg12: memref<80x128xf32, #tpu.memory_space<vmem>>, %arg13: memref<!tpu.dma_semaphore, #tpu.memory_space<semaphore_mem>>, %arg14: memref<!tpu.dma_semaphore, #tpu.memory_space<semaphore_mem>>, %arg15: memref<!tpu.dma_semaphore, #tpu.memory_space<semaphore_mem>>, %arg16: memref<!tpu.dma_semaphore, #tpu.memory_space<semaphore_mem>>, %arg17: memref<!tpu.dma_semaphore, #tpu.memory_space<semaphore_mem>>, %arg18: memref<!tpu.dma_semaphore, #tpu.memory_space<semaphore_mem>>, %arg19: memref<!tpu.dma_semaphore, #tpu.memory_space<semaphore_mem>>, %arg20: memref<!tpu.dma_semaphore, #tpu.memory_space<semaphore_mem>>, %arg21: memref<!tpu.dma_semaphore, #tpu.memory_space<semaphore_mem>>, %arg22: memref<!tpu.dma_semaphore, #tpu.memory_space<semaphore_mem>>, %arg23: memref<!tpu.dma_semaphore, #tpu.memory_space<semaphore_mem>>, %arg24: memref<!tpu.dma_semaphore, #tpu.memory_space<semaphore_mem>>, %arg25: memref<!tpu.dma_semaphore, #tpu.memory_space<semaphore_mem>>, %arg26: memref<!tpu.dma_semaphore, #tpu.memory_space<semaphore_mem>>, %arg27: memref<!tpu.dma_semaphore, #tpu.memory_space<semaphore_mem>>) attributes {dimension_semantics = [#tpu.dimension_semantics<core_parallel>, #tpu.dimension_semantics<subcore_parallel>], iteration_bounds = array<i64: 2, 16>, scalar_prefetch = 0 : i64, scratch_operands = 21 : i64, tpu.core_type = #tpu.core_type<sc_vector_subcore>, window_params = [{transform_indices = #map}, {transform_indices = #map1}, {transform_indices = #map1}, {transform_indices = #map}, {transform_indices = #map2}]} {
    %mul3A = arith.constant 16 : i32
    %mul3A_0 = arith.muli %arg0, %mul3A : i32
    %add3A = arith.addi %mul3A_0, %arg1 : i32
    %mul3A_1 = arith.constant 125 : i32
    %mul3A_2 = arith.muli %add3A, %mul3A_1 : i32
    %add3A_3 = arith.constant 0 : i32
    %add3A_4 = arith.addi %mul3A_2, %add3A_3 : i32
    %mul3A_5 = arith.constant 80 : i32
    %mul3A_6 = arith.muli %add3A_4, %mul3A_5 : i32
    %dma_start3A = arith.constant 0 : i32
    %dma_start3A_7 = arith.constant 0 : i32
    %dma_start3A_8 = tpu.memref_slice %arg8[%dma_start3A, %dma_start3A_7] : memref<6x80xi32, #tpu.memory_space<vmem>> -> memref<1x80xi32, #tpu.memory_space<vmem>>
    %dma_start3A_9 = tpu.memref_squeeze %dma_start3A_8 : memref<1x80xi32, #tpu.memory_space<vmem>> -> memref<80xi32, #tpu.memory_space<vmem>>
    %dma_start3A_10 = tpu.memref_slice %arg3[%mul3A_6] : memref<320000xi32, #tpu.memory_space<hbm>> -> memref<80xi32, #tpu.memory_space<hbm>>
    %dma_start3A_11 = arith.constant 0 : i32
    %dma_start3A_12 = tpu.memref_slice %arg8[%dma_start3A, %dma_start3A_11] : memref<6x80xi32, #tpu.memory_space<vmem>> -> memref<1x80xi32, #tpu.memory_space<vmem>>
    %dma_start3A_13 = tpu.memref_squeeze %dma_start3A_12 : memref<1x80xi32, #tpu.memory_space<vmem>> -> memref<80xi32, #tpu.memory_space<vmem>>
    %dma_start3A_14 = tpu.memref_slice %arg3[%mul3A_6] : memref<320000xi32, #tpu.memory_space<hbm>> -> memref<80xi32, #tpu.memory_space<hbm>>
    tpu.enqueue_dma source(%dma_start3A_14 : memref<80xi32, #tpu.memory_space<hbm>>) target(%dma_start3A_13 : memref<80xi32, #tpu.memory_space<vmem>>) target_semaphore(%arg16 : memref<!tpu.dma_semaphore, #tpu.memory_space<semaphore_mem>>)
    %dma_start3A_15 = arith.constant 0 : i32
    %dma_start3A_16 = arith.constant 0 : i32
    %dma_start3A_17 = tpu.memref_slice %arg9[%dma_start3A_15, %dma_start3A_16] : memref<6x80xi32, #tpu.memory_space<vmem>> -> memref<1x80xi32, #tpu.memory_space<vmem>>
    %dma_start3A_18 = tpu.memref_squeeze %dma_start3A_17 : memref<1x80xi32, #tpu.memory_space<vmem>> -> memref<80xi32, #tpu.memory_space<vmem>>
    %dma_start3A_19 = tpu.memref_slice %arg4[%mul3A_6] : memref<320000xi32, #tpu.memory_space<hbm>> -> memref<80xi32, #tpu.memory_space<hbm>>
    %dma_start3A_20 = arith.constant 0 : i32
    %dma_start3A_21 = tpu.memref_slice %arg9[%dma_start3A_15, %dma_start3A_20] : memref<6x80xi32, #tpu.memory_space<vmem>> -> memref<1x80xi32, #tpu.memory_space<vmem>>
    %dma_start3A_22 = tpu.memref_squeeze %dma_start3A_21 : memref<1x80xi32, #tpu.memory_space<vmem>> -> memref<80xi32, #tpu.memory_space<vmem>>
    %dma_start3A_23 = tpu.memref_slice %arg4[%mul3A_6] : memref<320000xi32, #tpu.memory_space<hbm>> -> memref<80xi32, #tpu.memory_space<hbm>>
    tpu.enqueue_dma source(%dma_start3A_23 : memref<80xi32, #tpu.memory_space<hbm>>) target(%dma_start3A_22 : memref<80xi32, #tpu.memory_space<vmem>>) target_semaphore(%arg22 : memref<!tpu.dma_semaphore, #tpu.memory_space<semaphore_mem>>)
    %mul3A_24 = arith.constant 125 : i32
    %mul3A_25 = arith.muli %add3A, %mul3A_24 : i32
    %add3A_26 = arith.constant 1 : i32
    %add3A_27 = arith.addi %mul3A_25, %add3A_26 : i32
    %mul3A_28 = arith.constant 80 : i32
    %mul3A_29 = arith.muli %add3A_27, %mul3A_28 : i32
    %dma_start3A_30 = arith.constant 1 : i32
    %dma_start3A_31 = arith.constant 0 : i32
    %dma_start3A_32 = tpu.memref_slice %arg8[%dma_start3A_30, %dma_start3A_31] : memref<6x80xi32, #tpu.memory_space<vmem>> -> memref<1x80xi32, #tpu.memory_space<vmem>>
    %dma_start3A_33 = tpu.memref_squeeze %dma_start3A_32 : memref<1x80xi32, #tpu.memory_space<vmem>> -> memref<80xi32, #tpu.memory_space<vmem>>
    %dma_start3A_34 = tpu.memref_slice %arg3[%mul3A_29] : memref<320000xi32, #tpu.memory_space<hbm>> -> memref<80xi32, #tpu.memory_space<hbm>>
    %dma_start3A_35 = arith.constant 0 : i32
    %dma_start3A_36 = tpu.memref_slice %arg8[%dma_start3A_30, %dma_start3A_35] : memref<6x80xi32, #tpu.memory_space<vmem>> -> memref<1x80xi32, #tpu.memory_space<vmem>>
    %dma_start3A_37 = tpu.memref_squeeze %dma_start3A_36 : memref<1x80xi32, #tpu.memory_space<vmem>> -> memref<80xi32, #tpu.memory_space<vmem>>
    %dma_start3A_38 = tpu.memref_slice %arg3[%mul3A_29] : memref<320000xi32, #tpu.memory_space<hbm>> -> memref<80xi32, #tpu.memory_space<hbm>>
    tpu.enqueue_dma source(%dma_start3A_38 : memref<80xi32, #tpu.memory_space<hbm>>) target(%dma_start3A_37 : memref<80xi32, #tpu.memory_space<vmem>>) target_semaphore(%arg17 : memref<!tpu.dma_semaphore, #tpu.memory_space<semaphore_mem>>)
    %dma_start3A_39 = arith.constant 1 : i32
    %dma_start3A_40 = arith.constant 0 : i32
    %dma_start3A_41 = tpu.memref_slice %arg9[%dma_start3A_39, %dma_start3A_40] : memref<6x80xi32, #tpu.memory_space<vmem>> -> memref<1x80xi32, #tpu.memory_space<vmem>>
    %dma_start3A_42 = tpu.memref_squeeze %dma_start3A_41 : memref<1x80xi32, #tpu.memory_space<vmem>> -> memref<80xi32, #tpu.memory_space<vmem>>
    %dma_start3A_43 = tpu.memref_slice %arg4[%mul3A_29] : memref<320000xi32, #tpu.memory_space<hbm>> -> memref<80xi32, #tpu.memory_space<hbm>>
    %dma_start3A_44 = arith.constant 0 : i32
    %dma_start3A_45 = tpu.memref_slice %arg9[%dma_start3A_39, %dma_start3A_44] : memref<6x80xi32, #tpu.memory_space<vmem>> -> memref<1x80xi32, #tpu.memory_space<vmem>>
    %dma_start3A_46 = tpu.memref_squeeze %dma_start3A_45 : memref<1x80xi32, #tpu.memory_space<vmem>> -> memref<80xi32, #tpu.memory_space<vmem>>
    %dma_start3A_47 = tpu.memref_slice %arg4[%mul3A_29] : memref<320000xi32, #tpu.memory_space<hbm>> -> memref<80xi32, #tpu.memory_space<hbm>>
    tpu.enqueue_dma source(%dma_start3A_47 : memref<80xi32, #tpu.memory_space<hbm>>) target(%dma_start3A_46 : memref<80xi32, #tpu.memory_space<vmem>>) target_semaphore(%arg23 : memref<!tpu.dma_semaphore, #tpu.memory_space<semaphore_mem>>)
    %mul3A_48 = arith.constant 125 : i32
    %mul3A_49 = arith.muli %add3A, %mul3A_48 : i32
    %add3A_50 = arith.constant 2 : i32
    %add3A_51 = arith.addi %mul3A_49, %add3A_50 : i32
    %mul3A_52 = arith.constant 80 : i32
    %mul3A_53 = arith.muli %add3A_51, %mul3A_52 : i32
    %dma_start3A_54 = arith.constant 2 : i32
    %dma_start3A_55 = arith.constant 0 : i32
    %dma_start3A_56 = tpu.memref_slice %arg8[%dma_start3A_54, %dma_start3A_55] : memref<6x80xi32, #tpu.memory_space<vmem>> -> memref<1x80xi32, #tpu.memory_space<vmem>>
    %dma_start3A_57 = tpu.memref_squeeze %dma_start3A_56 : memref<1x80xi32, #tpu.memory_space<vmem>> -> memref<80xi32, #tpu.memory_space<vmem>>
    %dma_start3A_58 = tpu.memref_slice %arg3[%mul3A_53] : memref<320000xi32, #tpu.memory_space<hbm>> -> memref<80xi32, #tpu.memory_space<hbm>>
    %dma_start3A_59 = arith.constant 0 : i32
    %dma_start3A_60 = tpu.memref_slice %arg8[%dma_start3A_54, %dma_start3A_59] : memref<6x80xi32, #tpu.memory_space<vmem>> -> memref<1x80xi32, #tpu.memory_space<vmem>>
    %dma_start3A_61 = tpu.memref_squeeze %dma_start3A_60 : memref<1x80xi32, #tpu.memory_space<vmem>> -> memref<80xi32, #tpu.memory_space<vmem>>
    %dma_start3A_62 = tpu.memref_slice %arg3[%mul3A_53] : memref<320000xi32, #tpu.memory_space<hbm>> -> memref<80xi32, #tpu.memory_space<hbm>>
    tpu.enqueue_dma source(%dma_start3A_62 : memref<80xi32, #tpu.memory_space<hbm>>) target(%dma_start3A_61 : memref<80xi32, #tpu.memory_space<vmem>>) target_semaphore(%arg18 : memref<!tpu.dma_semaphore, #tpu.memory_space<semaphore_mem>>)
    %dma_start3A_63 = arith.constant 2 : i32
    %dma_start3A_64 = arith.constant 0 : i32
    %dma_start3A_65 = tpu.memref_slice %arg9[%dma_start3A_63, %dma_start3A_64] : memref<6x80xi32, #tpu.memory_space<vmem>> -> memref<1x80xi32, #tpu.memory_space<vmem>>
    %dma_start3A_66 = tpu.memref_squeeze %dma_start3A_65 : memref<1x80xi32, #tpu.memory_space<vmem>> -> memref<80xi32, #tpu.memory_space<vmem>>
    %dma_start3A_67 = tpu.memref_slice %arg4[%mul3A_53] : memref<320000xi32, #tpu.memory_space<hbm>> -> memref<80xi32, #tpu.memory_space<hbm>>
    %dma_start3A_68 = arith.constant 0 : i32
    %dma_start3A_69 = tpu.memref_slice %arg9[%dma_start3A_63, %dma_start3A_68] : memref<6x80xi32, #tpu.memory_space<vmem>> -> memref<1x80xi32, #tpu.memory_space<vmem>>
    %dma_start3A_70 = tpu.memref_squeeze %dma_start3A_69 : memref<1x80xi32, #tpu.memory_space<vmem>> -> memref<80xi32, #tpu.memory_space<vmem>>
    %dma_start3A_71 = tpu.memref_slice %arg4[%mul3A_53] : memref<320000xi32, #tpu.memory_space<hbm>> -> memref<80xi32, #tpu.memory_space<hbm>>
    tpu.enqueue_dma source(%dma_start3A_71 : memref<80xi32, #tpu.memory_space<hbm>>) target(%dma_start3A_70 : memref<80xi32, #tpu.memory_space<vmem>>) target_semaphore(%arg24 : memref<!tpu.dma_semaphore, #tpu.memory_space<semaphore_mem>>)
    %mul3A_72 = arith.constant 125 : i32
    %mul3A_73 = arith.muli %add3A, %mul3A_72 : i32
    %add3A_74 = arith.constant 3 : i32
    %add3A_75 = arith.addi %mul3A_73, %add3A_74 : i32
    %mul3A_76 = arith.constant 80 : i32
    %mul3A_77 = arith.muli %add3A_75, %mul3A_76 : i32
    %dma_start3A_78 = arith.constant 3 : i32
    %dma_start3A_79 = arith.constant 0 : i32
    %dma_start3A_80 = tpu.memref_slice %arg8[%dma_start3A_78, %dma_start3A_79] : memref<6x80xi32, #tpu.memory_space<vmem>> -> memref<1x80xi32, #tpu.memory_space<vmem>>
    %dma_start3A_81 = tpu.memref_squeeze %dma_start3A_80 : memref<1x80xi32, #tpu.memory_space<vmem>> -> memref<80xi32, #tpu.memory_space<vmem>>
    %dma_start3A_82 = tpu.memref_slice %arg3[%mul3A_77] : memref<320000xi32, #tpu.memory_space<hbm>> -> memref<80xi32, #tpu.memory_space<hbm>>
    %dma_start3A_83 = arith.constant 0 : i32
    %dma_start3A_84 = tpu.memref_slice %arg8[%dma_start3A_78, %dma_start3A_83] : memref<6x80xi32, #tpu.memory_space<vmem>> -> memref<1x80xi32, #tpu.memory_space<vmem>>
    %dma_start3A_85 = tpu.memref_squeeze %dma_start3A_84 : memref<1x80xi32, #tpu.memory_space<vmem>> -> memref<80xi32, #tpu.memory_space<vmem>>
    %dma_start3A_86 = tpu.memref_slice %arg3[%mul3A_77] : memref<320000xi32, #tpu.memory_space<hbm>> -> memref<80xi32, #tpu.memory_space<hbm>>
    tpu.enqueue_dma source(%dma_start3A_86 : memref<80xi32, #tpu.memory_space<hbm>>) target(%dma_start3A_85 : memref<80xi32, #tpu.memory_space<vmem>>) target_semaphore(%arg19 : memref<!tpu.dma_semaphore, #tpu.memory_space<semaphore_mem>>)
    %dma_start3A_87 = arith.constant 3 : i32
    %dma_start3A_88 = arith.constant 0 : i32
    %dma_start3A_89 = tpu.memref_slice %arg9[%dma_start3A_87, %dma_start3A_88] : memref<6x80xi32, #tpu.memory_space<vmem>> -> memref<1x80xi32, #tpu.memory_space<vmem>>
    %dma_start3A_90 = tpu.memref_squeeze %dma_start3A_89 : memref<1x80xi32, #tpu.memory_space<vmem>> -> memref<80xi32, #tpu.memory_space<vmem>>
    %dma_start3A_91 = tpu.memref_slice %arg4[%mul3A_77] : memref<320000xi32, #tpu.memory_space<hbm>> -> memref<80xi32, #tpu.memory_space<hbm>>
    %dma_start3A_92 = arith.constant 0 : i32
    %dma_start3A_93 = tpu.memref_slice %arg9[%dma_start3A_87, %dma_start3A_92] : memref<6x80xi32, #tpu.memory_space<vmem>> -> memref<1x80xi32, #tpu.memory_space<vmem>>
    %dma_start3A_94 = tpu.memref_squeeze %dma_start3A_93 : memref<1x80xi32, #tpu.memory_space<vmem>> -> memref<80xi32, #tpu.memory_space<vmem>>
    %dma_start3A_95 = tpu.memref_slice %arg4[%mul3A_77] : memref<320000xi32, #tpu.memory_space<hbm>> -> memref<80xi32, #tpu.memory_space<hbm>>
    tpu.enqueue_dma source(%dma_start3A_95 : memref<80xi32, #tpu.memory_space<hbm>>) target(%dma_start3A_94 : memref<80xi32, #tpu.memory_space<vmem>>) target_semaphore(%arg25 : memref<!tpu.dma_semaphore, #tpu.memory_space<semaphore_mem>>)
    %mul3A_96 = arith.constant 125 : i32
    %mul3A_97 = arith.muli %add3A, %mul3A_96 : i32
    %add3A_98 = arith.constant 4 : i32
    %add3A_99 = arith.addi %mul3A_97, %add3A_98 : i32
    %mul3A_100 = arith.constant 80 : i32
    %mul3A_101 = arith.muli %add3A_99, %mul3A_100 : i32
    %dma_start3A_102 = arith.constant 4 : i32
    %dma_start3A_103 = arith.constant 0 : i32
    %dma_start3A_104 = tpu.memref_slice %arg8[%dma_start3A_102, %dma_start3A_103] : memref<6x80xi32, #tpu.memory_space<vmem>> -> memref<1x80xi32, #tpu.memory_space<vmem>>
    %dma_start3A_105 = tpu.memref_squeeze %dma_start3A_104 : memref<1x80xi32, #tpu.memory_space<vmem>> -> memref<80xi32, #tpu.memory_space<vmem>>
    %dma_start3A_106 = tpu.memref_slice %arg3[%mul3A_101] : memref<320000xi32, #tpu.memory_space<hbm>> -> memref<80xi32, #tpu.memory_space<hbm>>
    %dma_start3A_107 = arith.constant 0 : i32
    %dma_start3A_108 = tpu.memref_slice %arg8[%dma_start3A_102, %dma_start3A_107] : memref<6x80xi32, #tpu.memory_space<vmem>> -> memref<1x80xi32, #tpu.memory_space<vmem>>
    %dma_start3A_109 = tpu.memref_squeeze %dma_start3A_108 : memref<1x80xi32, #tpu.memory_space<vmem>> -> memref<80xi32, #tpu.memory_space<vmem>>
    %dma_start3A_110 = tpu.memref_slice %arg3[%mul3A_101] : memref<320000xi32, #tpu.memory_space<hbm>> -> memref<80xi32, #tpu.memory_space<hbm>>
    tpu.enqueue_dma source(%dma_start3A_110 : memref<80xi32, #tpu.memory_space<hbm>>) target(%dma_start3A_109 : memref<80xi32, #tpu.memory_space<vmem>>) target_semaphore(%arg20 : memref<!tpu.dma_semaphore, #tpu.memory_space<semaphore_mem>>)
    %dma_start3A_111 = arith.constant 4 : i32
    %dma_start3A_112 = arith.constant 0 : i32
    %dma_start3A_113 = tpu.memref_slice %arg9[%dma_start3A_111, %dma_start3A_112] : memref<6x80xi32, #tpu.memory_space<vmem>> -> memref<1x80xi32, #tpu.memory_space<vmem>>
    %dma_start3A_114 = tpu.memref_squeeze %dma_start3A_113 : memref<1x80xi32, #tpu.memory_space<vmem>> -> memref<80xi32, #tpu.memory_space<vmem>>
    %dma_start3A_115 = tpu.memref_slice %arg4[%mul3A_101] : memref<320000xi32, #tpu.memory_space<hbm>> -> memref<80xi32, #tpu.memory_space<hbm>>
    %dma_start3A_116 = arith.constant 0 : i32
    %dma_start3A_117 = tpu.memref_slice %arg9[%dma_start3A_111, %dma_start3A_116] : memref<6x80xi32, #tpu.memory_space<vmem>> -> memref<1x80xi32, #tpu.memory_space<vmem>>
    %dma_start3A_118 = tpu.memref_squeeze %dma_start3A_117 : memref<1x80xi32, #tpu.memory_space<vmem>> -> memref<80xi32, #tpu.memory_space<vmem>>
    %dma_start3A_119 = tpu.memref_slice %arg4[%mul3A_101] : memref<320000xi32, #tpu.memory_space<hbm>> -> memref<80xi32, #tpu.memory_space<hbm>>
    tpu.enqueue_dma source(%dma_start3A_119 : memref<80xi32, #tpu.memory_space<hbm>>) target(%dma_start3A_118 : memref<80xi32, #tpu.memory_space<vmem>>) target_semaphore(%arg26 : memref<!tpu.dma_semaphore, #tpu.memory_space<semaphore_mem>>)
    %mul3A_120 = arith.constant 125 : i32
    %mul3A_121 = arith.muli %add3A, %mul3A_120 : i32
    %add3A_122 = arith.constant 5 : i32
    %add3A_123 = arith.addi %mul3A_121, %add3A_122 : i32
    %mul3A_124 = arith.constant 80 : i32
    %mul3A_125 = arith.muli %add3A_123, %mul3A_124 : i32
    %dma_start3A_126 = arith.constant 5 : i32
    %dma_start3A_127 = arith.constant 0 : i32
    %dma_start3A_128 = tpu.memref_slice %arg8[%dma_start3A_126, %dma_start3A_127] : memref<6x80xi32, #tpu.memory_space<vmem>> -> memref<1x80xi32, #tpu.memory_space<vmem>>
    %dma_start3A_129 = tpu.memref_squeeze %dma_start3A_128 : memref<1x80xi32, #tpu.memory_space<vmem>> -> memref<80xi32, #tpu.memory_space<vmem>>
    %dma_start3A_130 = tpu.memref_slice %arg3[%mul3A_125] : memref<320000xi32, #tpu.memory_space<hbm>> -> memref<80xi32, #tpu.memory_space<hbm>>
    %dma_start3A_131 = arith.constant 0 : i32
    %dma_start3A_132 = tpu.memref_slice %arg8[%dma_start3A_126, %dma_start3A_131] : memref<6x80xi32, #tpu.memory_space<vmem>> -> memref<1x80xi32, #tpu.memory_space<vmem>>
    %dma_start3A_133 = tpu.memref_squeeze %dma_start3A_132 : memref<1x80xi32, #tpu.memory_space<vmem>> -> memref<80xi32, #tpu.memory_space<vmem>>
    %dma_start3A_134 = tpu.memref_slice %arg3[%mul3A_125] : memref<320000xi32, #tpu.memory_space<hbm>> -> memref<80xi32, #tpu.memory_space<hbm>>
    tpu.enqueue_dma source(%dma_start3A_134 : memref<80xi32, #tpu.memory_space<hbm>>) target(%dma_start3A_133 : memref<80xi32, #tpu.memory_space<vmem>>) target_semaphore(%arg21 : memref<!tpu.dma_semaphore, #tpu.memory_space<semaphore_mem>>)
    %dma_start3A_135 = arith.constant 5 : i32
    %dma_start3A_136 = arith.constant 0 : i32
    %dma_start3A_137 = tpu.memref_slice %arg9[%dma_start3A_135, %dma_start3A_136] : memref<6x80xi32, #tpu.memory_space<vmem>> -> memref<1x80xi32, #tpu.memory_space<vmem>>
    %dma_start3A_138 = tpu.memref_squeeze %dma_start3A_137 : memref<1x80xi32, #tpu.memory_space<vmem>> -> memref<80xi32, #tpu.memory_space<vmem>>
    %dma_start3A_139 = tpu.memref_slice %arg4[%mul3A_125] : memref<320000xi32, #tpu.memory_space<hbm>> -> memref<80xi32, #tpu.memory_space<hbm>>
    %dma_start3A_140 = arith.constant 0 : i32
    %dma_start3A_141 = tpu.memref_slice %arg9[%dma_start3A_135, %dma_start3A_140] : memref<6x80xi32, #tpu.memory_space<vmem>> -> memref<1x80xi32, #tpu.memory_space<vmem>>
    %dma_start3A_142 = tpu.memref_squeeze %dma_start3A_141 : memref<1x80xi32, #tpu.memory_space<vmem>> -> memref<80xi32, #tpu.memory_space<vmem>>
    %dma_start3A_143 = tpu.memref_slice %arg4[%mul3A_125] : memref<320000xi32, #tpu.memory_space<hbm>> -> memref<80xi32, #tpu.memory_space<hbm>>
    tpu.enqueue_dma source(%dma_start3A_143 : memref<80xi32, #tpu.memory_space<hbm>>) target(%dma_start3A_142 : memref<80xi32, #tpu.memory_space<vmem>>) target_semaphore(%arg27 : memref<!tpu.dma_semaphore, #tpu.memory_space<semaphore_mem>>)
    %mul3A_144 = arith.constant 125 : i32
    %mul3A_145 = arith.muli %add3A, %mul3A_144 : i32
    %add3A_146 = arith.constant 0 : i32
    %add3A_147 = arith.addi %mul3A_145, %add3A_146 : i32
    %mul3A_148 = arith.constant 80 : i32
    %mul3A_149 = arith.muli %add3A_147, %mul3A_148 : i32
    %dma_wait3A = arith.constant 0 : i32
    %dma_wait3A_150 = arith.constant 0 : i32
    %dma_wait3A_151 = tpu.memref_slice %arg8[%dma_wait3A, %dma_wait3A_150] : memref<6x80xi32, #tpu.memory_space<vmem>> -> memref<1x80xi32, #tpu.memory_space<vmem>>
    %dma_wait3A_152 = tpu.memref_squeeze %dma_wait3A_151 : memref<1x80xi32, #tpu.memory_space<vmem>> -> memref<80xi32, #tpu.memory_space<vmem>>
    %dma_wait3A_153 = tpu.memref_slice %arg3[%mul3A_149] : memref<320000xi32, #tpu.memory_space<hbm>> -> memref<80xi32, #tpu.memory_space<hbm>>
    %dma_wait3A_154 = arith.constant 0 : i32
    %dma_wait3A_155 = tpu.memref_slice %arg8[%dma_wait3A, %dma_wait3A_154] : memref<6x80xi32, #tpu.memory_space<vmem>> -> memref<1x80xi32, #tpu.memory_space<vmem>>
    %dma_wait3A_156 = tpu.memref_squeeze %dma_wait3A_155 : memref<1x80xi32, #tpu.memory_space<vmem>> -> memref<80xi32, #tpu.memory_space<vmem>>
    %dma_wait3A_157 = tpu.memref_slice %arg3[%mul3A_149] : memref<320000xi32, #tpu.memory_space<hbm>> -> memref<80xi32, #tpu.memory_space<hbm>>
    tpu.wait_dma2 semaphore(%arg16 : memref<!tpu.dma_semaphore, #tpu.memory_space<semaphore_mem>>) src(%dma_wait3A_157 : memref<80xi32, #tpu.memory_space<hbm>>) dst(%dma_wait3A_156 : memref<80xi32, #tpu.memory_space<vmem>>)
    %dma_start3A_158 = arith.constant 0 : i32
    %dma_start3A_159 = arith.constant 0 : i32
    %dma_start3A_160 = tpu.memref_slice %arg8[%dma_start3A_158, %dma_start3A_159] : memref<6x80xi32, #tpu.memory_space<vmem>> -> memref<1x80xi32, #tpu.memory_space<vmem>>
    %dma_start3A_161 = tpu.memref_squeeze %dma_start3A_160 : memref<1x80xi32, #tpu.memory_space<vmem>> -> memref<80xi32, #tpu.memory_space<vmem>>
    %dma_start3A_162 = arith.constant 0 : i32
    %dma_start3A_163 = arith.constant 0 : i32
    %dma_start3A_164 = tpu.memref_slice %arg2[%dma_start3A_162, %dma_start3A_163] : memref<10000x128xf32, #tpu.memory_space<hbm>> -> memref<10000x128xf32, #tpu.memory_space<hbm>>
    tpu.enqueue_indirect_dma source(%dma_start3A_164 : memref<10000x128xf32, #tpu.memory_space<hbm>>) target(%arg10 : memref<80x128xf32, #tpu.memory_space<vmem>>) offsets(%dma_start3A_161 : memref<80xi32, #tpu.memory_space<vmem>>) semaphore(%arg13 : memref<!tpu.dma_semaphore, #tpu.memory_space<semaphore_mem>>)
    %mul3A_165 = arith.constant 125 : i32
    %mul3A_166 = arith.muli %add3A, %mul3A_165 : i32
    %add3A_167 = arith.constant 1 : i32
    %add3A_168 = arith.addi %mul3A_166, %add3A_167 : i32
    %mul3A_169 = arith.constant 80 : i32
    %mul3A_170 = arith.muli %add3A_168, %mul3A_169 : i32
    %dma_wait3A_171 = arith.constant 1 : i32
    %dma_wait3A_172 = arith.constant 0 : i32
    %dma_wait3A_173 = tpu.memref_slice %arg8[%dma_wait3A_171, %dma_wait3A_172] : memref<6x80xi32, #tpu.memory_space<vmem>> -> memref<1x80xi32, #tpu.memory_space<vmem>>
    %dma_wait3A_174 = tpu.memref_squeeze %dma_wait3A_173 : memref<1x80xi32, #tpu.memory_space<vmem>> -> memref<80xi32, #tpu.memory_space<vmem>>
    %dma_wait3A_175 = tpu.memref_slice %arg3[%mul3A_170] : memref<320000xi32, #tpu.memory_space<hbm>> -> memref<80xi32, #tpu.memory_space<hbm>>
    %dma_wait3A_176 = arith.constant 0 : i32
    %dma_wait3A_177 = tpu.memref_slice %arg8[%dma_wait3A_171, %dma_wait3A_176] : memref<6x80xi32, #tpu.memory_space<vmem>> -> memref<1x80xi32, #tpu.memory_space<vmem>>
    %dma_wait3A_178 = tpu.memref_squeeze %dma_wait3A_177 : memref<1x80xi32, #tpu.memory_space<vmem>> -> memref<80xi32, #tpu.memory_space<vmem>>
    %dma_wait3A_179 = tpu.memref_slice %arg3[%mul3A_170] : memref<320000xi32, #tpu.memory_space<hbm>> -> memref<80xi32, #tpu.memory_space<hbm>>
    tpu.wait_dma2 semaphore(%arg17 : memref<!tpu.dma_semaphore, #tpu.memory_space<semaphore_mem>>) src(%dma_wait3A_179 : memref<80xi32, #tpu.memory_space<hbm>>) dst(%dma_wait3A_178 : memref<80xi32, #tpu.memory_space<vmem>>)
    %dma_start3A_180 = arith.constant 1 : i32
    %dma_start3A_181 = arith.constant 0 : i32
    %dma_start3A_182 = tpu.memref_slice %arg8[%dma_start3A_180, %dma_start3A_181] : memref<6x80xi32, #tpu.memory_space<vmem>> -> memref<1x80xi32, #tpu.memory_space<vmem>>
    %dma_start3A_183 = tpu.memref_squeeze %dma_start3A_182 : memref<1x80xi32, #tpu.memory_space<vmem>> -> memref<80xi32, #tpu.memory_space<vmem>>
    %dma_start3A_184 = arith.constant 0 : i32
    %dma_start3A_185 = arith.constant 0 : i32
    %dma_start3A_186 = tpu.memref_slice %arg2[%dma_start3A_184, %dma_start3A_185] : memref<10000x128xf32, #tpu.memory_space<hbm>> -> memref<10000x128xf32, #tpu.memory_space<hbm>>
    tpu.enqueue_indirect_dma source(%dma_start3A_186 : memref<10000x128xf32, #tpu.memory_space<hbm>>) target(%arg11 : memref<80x128xf32, #tpu.memory_space<vmem>>) offsets(%dma_start3A_183 : memref<80xi32, #tpu.memory_space<vmem>>) semaphore(%arg14 : memref<!tpu.dma_semaphore, #tpu.memory_space<semaphore_mem>>)
    %mul3A_187 = arith.constant 125 : i32
    %mul3A_188 = arith.muli %add3A, %mul3A_187 : i32
    %add3A_189 = arith.constant 2 : i32
    %add3A_190 = arith.addi %mul3A_188, %add3A_189 : i32
    %mul3A_191 = arith.constant 80 : i32
    %mul3A_192 = arith.muli %add3A_190, %mul3A_191 : i32
    %dma_wait3A_193 = arith.constant 2 : i32
    %dma_wait3A_194 = arith.constant 0 : i32
    %dma_wait3A_195 = tpu.memref_slice %arg8[%dma_wait3A_193, %dma_wait3A_194] : memref<6x80xi32, #tpu.memory_space<vmem>> -> memref<1x80xi32, #tpu.memory_space<vmem>>
    %dma_wait3A_196 = tpu.memref_squeeze %dma_wait3A_195 : memref<1x80xi32, #tpu.memory_space<vmem>> -> memref<80xi32, #tpu.memory_space<vmem>>
    %dma_wait3A_197 = tpu.memref_slice %arg3[%mul3A_192] : memref<320000xi32, #tpu.memory_space<hbm>> -> memref<80xi32, #tpu.memory_space<hbm>>
    %dma_wait3A_198 = arith.constant 0 : i32
    %dma_wait3A_199 = tpu.memref_slice %arg8[%dma_wait3A_193, %dma_wait3A_198] : memref<6x80xi32, #tpu.memory_space<vmem>> -> memref<1x80xi32, #tpu.memory_space<vmem>>
    %dma_wait3A_200 = tpu.memref_squeeze %dma_wait3A_199 : memref<1x80xi32, #tpu.memory_space<vmem>> -> memref<80xi32, #tpu.memory_space<vmem>>
    %dma_wait3A_201 = tpu.memref_slice %arg3[%mul3A_192] : memref<320000xi32, #tpu.memory_space<hbm>> -> memref<80xi32, #tpu.memory_space<hbm>>
    tpu.wait_dma2 semaphore(%arg18 : memref<!tpu.dma_semaphore, #tpu.memory_space<semaphore_mem>>) src(%dma_wait3A_201 : memref<80xi32, #tpu.memory_space<hbm>>) dst(%dma_wait3A_200 : memref<80xi32, #tpu.memory_space<vmem>>)
    %dma_start3A_202 = arith.constant 2 : i32
    %dma_start3A_203 = arith.constant 0 : i32
    %dma_start3A_204 = tpu.memref_slice %arg8[%dma_start3A_202, %dma_start3A_203] : memref<6x80xi32, #tpu.memory_space<vmem>> -> memref<1x80xi32, #tpu.memory_space<vmem>>
    %dma_start3A_205 = tpu.memref_squeeze %dma_start3A_204 : memref<1x80xi32, #tpu.memory_space<vmem>> -> memref<80xi32, #tpu.memory_space<vmem>>
    %dma_start3A_206 = arith.constant 0 : i32
    %dma_start3A_207 = arith.constant 0 : i32
    %dma_start3A_208 = tpu.memref_slice %arg2[%dma_start3A_206, %dma_start3A_207] : memref<10000x128xf32, #tpu.memory_space<hbm>> -> memref<10000x128xf32, #tpu.memory_space<hbm>>
    tpu.enqueue_indirect_dma source(%dma_start3A_208 : memref<10000x128xf32, #tpu.memory_space<hbm>>) target(%arg12 : memref<80x128xf32, #tpu.memory_space<vmem>>) offsets(%dma_start3A_205 : memref<80xi32, #tpu.memory_space<vmem>>) semaphore(%arg15 : memref<!tpu.dma_semaphore, #tpu.memory_space<semaphore_mem>>)
    %lt3A = arith.constant 15 : i32
    %lt3A_209 = arith.cmpi slt, %arg1, %lt3A : i32
    %convert_element_type3A = arith.extui %lt3A_209 : i1 to i32
    %cond3A = arith.constant 0 : i32
    %cond3A_210 = arith.cmpi ne, %convert_element_type3A, %cond3A : i32
    scf.if %cond3A_210 {
      %mul3A_389 = arith.constant 624 : i32
      %mul3A_390 = arith.muli %arg1, %mul3A_389 : i32
      "tpu.region"() ({
        %run_scoped3A_391 = tpu.sem_alloc : memref<!tpu.dma_semaphore, #tpu.memory_space<semaphore_mem>>
        %dma_start3A_392 = arith.constant 0 : i32
        %dma_start3A_393 = tpu.memref_slice %arg7[%mul3A_390, %dma_start3A_392] : memref<10000x128xf32, #tpu.memory_space<vmem_shared>> -> memref<624x128xf32, #tpu.memory_space<vmem_shared>>
        %dma_start3A_394 = arith.constant 0 : i32
        %dma_start3A_395 = arith.constant 0 : i32
        %dma_start3A_396 = tpu.memref_slice %arg5[%dma_start3A_394, %dma_start3A_395] : memref<640x128xf32, #tpu.memory_space<hbm>> -> memref<624x128xf32, #tpu.memory_space<hbm>>
        tpu.enqueue_dma source(%dma_start3A_396 : memref<624x128xf32, #tpu.memory_space<hbm>>) target(%dma_start3A_393 : memref<624x128xf32, #tpu.memory_space<vmem_shared>>) target_semaphore(%run_scoped3A_391 : memref<!tpu.dma_semaphore, #tpu.memory_space<semaphore_mem>>)
        %dma_wait3A_397 = arith.constant 0 : i32
        %dma_wait3A_398 = tpu.memref_slice %arg7[%mul3A_390, %dma_wait3A_397] : memref<10000x128xf32, #tpu.memory_space<vmem_shared>> -> memref<624x128xf32, #tpu.memory_space<vmem_shared>>
        %dma_wait3A_399 = arith.constant 0 : i32
        %dma_wait3A_400 = arith.constant 0 : i32
        %dma_wait3A_401 = tpu.memref_slice %arg5[%dma_wait3A_399, %dma_wait3A_400] : memref<640x128xf32, #tpu.memory_space<hbm>> -> memref<624x128xf32, #tpu.memory_space<hbm>>
        tpu.wait_dma2 semaphore(%run_scoped3A_391 : memref<!tpu.dma_semaphore, #tpu.memory_space<semaphore_mem>>) src(%dma_wait3A_401 : memref<624x128xf32, #tpu.memory_space<hbm>>) dst(%dma_wait3A_398 : memref<624x128xf32, #tpu.memory_space<vmem_shared>>)
        tpu.yield
      }) : () -> ()
    } else {
    }
    %eq3A = arith.constant 15 : i32
    %eq3A_211 = arith.cmpi eq, %arg1, %eq3A : i32
    %convert_element_type3A_212 = arith.extui %eq3A_211 : i1 to i32
    %cond3A_213 = arith.constant 0 : i32
    %cond3A_214 = arith.cmpi ne, %convert_element_type3A_212, %cond3A_213 : i32
    scf.if %cond3A_214 {
      "tpu.region"() ({
        %run_scoped3A_389 = tpu.sem_alloc : memref<!tpu.dma_semaphore, #tpu.memory_space<semaphore_mem>>
        %dma_start3A_390 = arith.constant 9360 : i32
        %dma_start3A_391 = arith.constant 0 : i32
        %dma_start3A_392 = tpu.memref_slice %arg7[%dma_start3A_390, %dma_start3A_391] : memref<10000x128xf32, #tpu.memory_space<vmem_shared>> -> memref<640x128xf32, #tpu.memory_space<vmem_shared>>
        tpu.enqueue_dma source(%arg5 : memref<640x128xf32, #tpu.memory_space<hbm>>) target(%dma_start3A_392 : memref<640x128xf32, #tpu.memory_space<vmem_shared>>) target_semaphore(%run_scoped3A_389 : memref<!tpu.dma_semaphore, #tpu.memory_space<semaphore_mem>>)
        %dma_wait3A_393 = arith.constant 9360 : i32
        %dma_wait3A_394 = arith.constant 0 : i32
        %dma_wait3A_395 = tpu.memref_slice %arg7[%dma_wait3A_393, %dma_wait3A_394] : memref<10000x128xf32, #tpu.memory_space<vmem_shared>> -> memref<640x128xf32, #tpu.memory_space<vmem_shared>>
        tpu.wait_dma2 semaphore(%run_scoped3A_389 : memref<!tpu.dma_semaphore, #tpu.memory_space<semaphore_mem>>) src(%arg5 : memref<640x128xf32, #tpu.memory_space<hbm>>) dst(%dma_wait3A_395 : memref<640x128xf32, #tpu.memory_space<vmem_shared>>)
        tpu.yield
      }) : () -> ()
    } else {
    }
    %barrier3A = arith.constant 0 : index
    tpu.barrier barrier_id(%barrier3A)
    %scan3A = arith.constant 0 : i32
    %scan3A_215 = arith.constant 0 : i32
    %scan3A_216 = arith.constant 20 : i32
    %scan3A_217 = arith.addi %scan3A_215, %scan3A_216 : i32
    %scan3A_218 = arith.constant 1 : i32
    scf.for %scan3A_389 = %scan3A_215 to %scan3A_217 step %scan3A_218  : i32 {
      %mul3A_390 = arith.constant 6 : i32
      %mul3A_391 = arith.muli %scan3A_389, %mul3A_390 : i32
      %add3A_392 = arith.constant 0 : i32
      %add3A_393 = arith.addi %mul3A_391, %add3A_392 : i32
      %dma_wait3A_394 = arith.constant 0 : i32
      %dma_wait3A_395 = arith.constant 0 : i32
      %dma_wait3A_396 = tpu.memref_slice %arg8[%dma_wait3A_394, %dma_wait3A_395] : memref<6x80xi32, #tpu.memory_space<vmem>> -> memref<1x80xi32, #tpu.memory_space<vmem>>
      %dma_wait3A_397 = tpu.memref_squeeze %dma_wait3A_396 : memref<1x80xi32, #tpu.memory_space<vmem>> -> memref<80xi32, #tpu.memory_space<vmem>>
      %dma_wait3A_398 = arith.constant 0 : i32
      %dma_wait3A_399 = arith.constant 0 : i32
      %dma_wait3A_400 = tpu.memref_slice %arg2[%dma_wait3A_398, %dma_wait3A_399] : memref<10000x128xf32, #tpu.memory_space<hbm>> -> memref<10000x128xf32, #tpu.memory_space<hbm>>
      tpu.wait_indirect_dma semaphore(%arg13 : memref<!tpu.dma_semaphore, #tpu.memory_space<semaphore_mem>>) src(%dma_wait3A_400 : memref<10000x128xf32, #tpu.memory_space<hbm>>) dst(%arg10 : memref<80x128xf32, #tpu.memory_space<vmem>>)
      %mul3A_401 = arith.constant 125 : i32
      %mul3A_402 = arith.muli %add3A, %mul3A_401 : i32
      %add3A_403 = arith.addi %mul3A_402, %add3A_393 : i32
      %mul3A_404 = arith.constant 80 : i32
      %mul3A_405 = arith.muli %add3A_403, %mul3A_404 : i32
      %dma_wait3A_406 = arith.constant 0 : i32
      %dma_wait3A_407 = arith.constant 0 : i32
      %dma_wait3A_408 = tpu.memref_slice %arg9[%dma_wait3A_406, %dma_wait3A_407] : memref<6x80xi32, #tpu.memory_space<vmem>> -> memref<1x80xi32, #tpu.memory_space<vmem>>
      %dma_wait3A_409 = tpu.memref_squeeze %dma_wait3A_408 : memref<1x80xi32, #tpu.memory_space<vmem>> -> memref<80xi32, #tpu.memory_space<vmem>>
      %dma_wait3A_410 = tpu.memref_slice %arg4[%mul3A_405] : memref<320000xi32, #tpu.memory_space<hbm>> -> memref<80xi32, #tpu.memory_space<hbm>>
      %dma_wait3A_411 = arith.constant 0 : i32
      %dma_wait3A_412 = tpu.memref_slice %arg9[%dma_wait3A_406, %dma_wait3A_411] : memref<6x80xi32, #tpu.memory_space<vmem>> -> memref<1x80xi32, #tpu.memory_space<vmem>>
      %dma_wait3A_413 = tpu.memref_squeeze %dma_wait3A_412 : memref<1x80xi32, #tpu.memory_space<vmem>> -> memref<80xi32, #tpu.memory_space<vmem>>
      %dma_wait3A_414 = tpu.memref_slice %arg4[%mul3A_405] : memref<320000xi32, #tpu.memory_space<hbm>> -> memref<80xi32, #tpu.memory_space<hbm>>
      tpu.wait_dma2 semaphore(%arg22 : memref<!tpu.dma_semaphore, #tpu.memory_space<semaphore_mem>>) src(%dma_wait3A_414 : memref<80xi32, #tpu.memory_space<hbm>>) dst(%dma_wait3A_413 : memref<80xi32, #tpu.memory_space<vmem>>)
      %run_scoped3A_415 = arith.constant 0 : i32
      "tpu.region"() ({
        %run_scoped3A_620 = tpu.sem_alloc : memref<!tpu.dma_semaphore, #tpu.memory_space<semaphore_mem>>
        %dma_start3A_621 = arith.constant 0 : i32
        %dma_start3A_622 = tpu.memref_slice %arg9[%run_scoped3A_415, %dma_start3A_621] : memref<6x80xi32, #tpu.memory_space<vmem>> -> memref<1x80xi32, #tpu.memory_space<vmem>>
        %dma_start3A_623 = tpu.memref_squeeze %dma_start3A_622 : memref<1x80xi32, #tpu.memory_space<vmem>> -> memref<80xi32, #tpu.memory_space<vmem>>
        %dma_start3A_624 = arith.constant 0 : i32
        %dma_start3A_625 = arith.constant 0 : i32
        %dma_start3A_626 = tpu.memref_slice %arg7[%dma_start3A_624, %dma_start3A_625] : memref<10000x128xf32, #tpu.memory_space<vmem_shared>> -> memref<10000x128xf32, #tpu.memory_space<vmem_shared>>
        tpu.enqueue_indirect_dma source(%arg10 : memref<80x128xf32, #tpu.memory_space<vmem>>) target(%dma_start3A_626 : memref<10000x128xf32, #tpu.memory_space<vmem_shared>>) offsets(%dma_start3A_623 : memref<80xi32, #tpu.memory_space<vmem>>) semaphore(%run_scoped3A_620 : memref<!tpu.dma_semaphore, #tpu.memory_space<semaphore_mem>>) {add = true}
        %dma_wait3A_627 = arith.constant 0 : i32
        %dma_wait3A_628 = tpu.memref_slice %arg9[%run_scoped3A_415, %dma_wait3A_627] : memref<6x80xi32, #tpu.memory_space<vmem>> -> memref<1x80xi32, #tpu.memory_space<vmem>>
        %dma_wait3A_629 = tpu.memref_squeeze %dma_wait3A_628 : memref<1x80xi32, #tpu.memory_space<vmem>> -> memref<80xi32, #tpu.memory_space<vmem>>
        %dma_wait3A_630 = arith.constant 0 : i32
        %dma_wait3A_631 = arith.constant 0 : i32
        %dma_wait3A_632 = tpu.memref_slice %arg7[%dma_wait3A_630, %dma_wait3A_631] : memref<10000x128xf32, #tpu.memory_space<vmem_shared>> -> memref<10000x128xf32, #tpu.memory_space<vmem_shared>>
        tpu.wait_indirect_dma semaphore(%run_scoped3A_620 : memref<!tpu.dma_semaphore, #tpu.memory_space<semaphore_mem>>) src(%arg10 : memref<80x128xf32, #tpu.memory_space<vmem>>) dst(%dma_wait3A_632 : memref<10000x128xf32, #tpu.memory_space<vmem_shared>>)
        tpu.yield
      }) : () -> ()
      %add3A_416 = arith.constant 6 : i32
      %add3A_417 = arith.addi %add3A_393, %add3A_416 : i32
      %lt3A_418 = arith.constant 125 : i32
      %lt3A_419 = arith.cmpi slt, %add3A_417, %lt3A_418 : i32
      %convert_element_type3A_420 = arith.extui %lt3A_419 : i1 to i32
      %cond3A_421 = arith.constant 0 : i32
      %cond3A_422 = arith.cmpi ne, %convert_element_type3A_420, %cond3A_421 : i32
      scf.if %cond3A_422 {
        %add3A_620 = arith.constant 6 : i32
        %add3A_621 = arith.addi %add3A_393, %add3A_620 : i32
        %mul3A_622 = arith.constant 125 : i32
        %mul3A_623 = arith.muli %add3A, %mul3A_622 : i32
        %add3A_624 = arith.addi %mul3A_623, %add3A_621 : i32
        %mul3A_625 = arith.constant 80 : i32
        %mul3A_626 = arith.muli %add3A_624, %mul3A_625 : i32
        %dma_start3A_627 = arith.constant 0 : i32
        %dma_start3A_628 = arith.constant 0 : i32
        %dma_start3A_629 = tpu.memref_slice %arg8[%dma_start3A_627, %dma_start3A_628] : memref<6x80xi32, #tpu.memory_space<vmem>> -> memref<1x80xi32, #tpu.memory_space<vmem>>
        %dma_start3A_630 = tpu.memref_squeeze %dma_start3A_629 : memref<1x80xi32, #tpu.memory_space<vmem>> -> memref<80xi32, #tpu.memory_space<vmem>>
        %dma_start3A_631 = tpu.memref_slice %arg3[%mul3A_626] : memref<320000xi32, #tpu.memory_space<hbm>> -> memref<80xi32, #tpu.memory_space<hbm>>
        %dma_start3A_632 = arith.constant 0 : i32
        %dma_start3A_633 = tpu.memref_slice %arg8[%dma_start3A_627, %dma_start3A_632] : memref<6x80xi32, #tpu.memory_space<vmem>> -> memref<1x80xi32, #tpu.memory_space<vmem>>
        %dma_start3A_634 = tpu.memref_squeeze %dma_start3A_633 : memref<1x80xi32, #tpu.memory_space<vmem>> -> memref<80xi32, #tpu.memory_space<vmem>>
        %dma_start3A_635 = tpu.memref_slice %arg3[%mul3A_626] : memref<320000xi32, #tpu.memory_space<hbm>> -> memref<80xi32, #tpu.memory_space<hbm>>
        tpu.enqueue_dma source(%dma_start3A_635 : memref<80xi32, #tpu.memory_space<hbm>>) target(%dma_start3A_634 : memref<80xi32, #tpu.memory_space<vmem>>) target_semaphore(%arg16 : memref<!tpu.dma_semaphore, #tpu.memory_space<semaphore_mem>>)
        %dma_start3A_636 = arith.constant 0 : i32
        %dma_start3A_637 = arith.constant 0 : i32
        %dma_start3A_638 = tpu.memref_slice %arg9[%dma_start3A_636, %dma_start3A_637] : memref<6x80xi32, #tpu.memory_space<vmem>> -> memref<1x80xi32, #tpu.memory_space<vmem>>
        %dma_start3A_639 = tpu.memref_squeeze %dma_start3A_638 : memref<1x80xi32, #tpu.memory_space<vmem>> -> memref<80xi32, #tpu.memory_space<vmem>>
        %dma_start3A_640 = tpu.memref_slice %arg4[%mul3A_626] : memref<320000xi32, #tpu.memory_space<hbm>> -> memref<80xi32, #tpu.memory_space<hbm>>
        %dma_start3A_641 = arith.constant 0 : i32
        %dma_start3A_642 = tpu.memref_slice %arg9[%dma_start3A_636, %dma_start3A_641] : memref<6x80xi32, #tpu.memory_space<vmem>> -> memref<1x80xi32, #tpu.memory_space<vmem>>
        %dma_start3A_643 = tpu.memref_squeeze %dma_start3A_642 : memref<1x80xi32, #tpu.memory_space<vmem>> -> memref<80xi32, #tpu.memory_space<vmem>>
        %dma_start3A_644 = tpu.memref_slice %arg4[%mul3A_626] : memref<320000xi32, #tpu.memory_space<hbm>> -> memref<80xi32, #tpu.memory_space<hbm>>
        tpu.enqueue_dma source(%dma_start3A_644 : memref<80xi32, #tpu.memory_space<hbm>>) target(%dma_start3A_643 : memref<80xi32, #tpu.memory_space<vmem>>) target_semaphore(%arg22 : memref<!tpu.dma_semaphore, #tpu.memory_space<semaphore_mem>>)
      } else {
      }
      %add3A_423 = arith.constant 3 : i32
      %add3A_424 = arith.addi %add3A_393, %add3A_423 : i32
      %lt3A_425 = arith.constant 125 : i32
      %lt3A_426 = arith.cmpi slt, %add3A_424, %lt3A_425 : i32
      %convert_element_type3A_427 = arith.extui %lt3A_426 : i1 to i32
      %cond3A_428 = arith.constant 0 : i32
      %cond3A_429 = arith.cmpi ne, %convert_element_type3A_427, %cond3A_428 : i32
      scf.if %cond3A_429 {
        %add3A_620 = arith.constant 3 : i32
        %add3A_621 = arith.addi %add3A_393, %add3A_620 : i32
        %mul3A_622 = arith.constant 125 : i32
        %mul3A_623 = arith.muli %add3A, %mul3A_622 : i32
        %add3A_624 = arith.addi %mul3A_623, %add3A_621 : i32
        %mul3A_625 = arith.constant 80 : i32
        %mul3A_626 = arith.muli %add3A_624, %mul3A_625 : i32
        %dma_wait3A_627 = arith.constant 3 : i32
        %dma_wait3A_628 = arith.constant 0 : i32
        %dma_wait3A_629 = tpu.memref_slice %arg8[%dma_wait3A_627, %dma_wait3A_628] : memref<6x80xi32, #tpu.memory_space<vmem>> -> memref<1x80xi32, #tpu.memory_space<vmem>>
        %dma_wait3A_630 = tpu.memref_squeeze %dma_wait3A_629 : memref<1x80xi32, #tpu.memory_space<vmem>> -> memref<80xi32, #tpu.memory_space<vmem>>
        %dma_wait3A_631 = tpu.memref_slice %arg3[%mul3A_626] : memref<320000xi32, #tpu.memory_space<hbm>> -> memref<80xi32, #tpu.memory_space<hbm>>
        %dma_wait3A_632 = arith.constant 0 : i32
        %dma_wait3A_633 = tpu.memref_slice %arg8[%dma_wait3A_627, %dma_wait3A_632] : memref<6x80xi32, #tpu.memory_space<vmem>> -> memref<1x80xi32, #tpu.memory_space<vmem>>
        %dma_wait3A_634 = tpu.memref_squeeze %dma_wait3A_633 : memref<1x80xi32, #tpu.memory_space<vmem>> -> memref<80xi32, #tpu.memory_space<vmem>>
        %dma_wait3A_635 = tpu.memref_slice %arg3[%mul3A_626] : memref<320000xi32, #tpu.memory_space<hbm>> -> memref<80xi32, #tpu.memory_space<hbm>>
        tpu.wait_dma2 semaphore(%arg19 : memref<!tpu.dma_semaphore, #tpu.memory_space<semaphore_mem>>) src(%dma_wait3A_635 : memref<80xi32, #tpu.memory_space<hbm>>) dst(%dma_wait3A_634 : memref<80xi32, #tpu.memory_space<vmem>>)
        %dma_start3A_636 = arith.constant 3 : i32
        %dma_start3A_637 = arith.constant 0 : i32
        %dma_start3A_638 = tpu.memref_slice %arg8[%dma_start3A_636, %dma_start3A_637] : memref<6x80xi32, #tpu.memory_space<vmem>> -> memref<1x80xi32, #tpu.memory_space<vmem>>
        %dma_start3A_639 = tpu.memref_squeeze %dma_start3A_638 : memref<1x80xi32, #tpu.memory_space<vmem>> -> memref<80xi32, #tpu.memory_space<vmem>>
        %dma_start3A_640 = arith.constant 0 : i32
        %dma_start3A_641 = arith.constant 0 : i32
        %dma_start3A_642 = tpu.memref_slice %arg2[%dma_start3A_640, %dma_start3A_641] : memref<10000x128xf32, #tpu.memory_space<hbm>> -> memref<10000x128xf32, #tpu.memory_space<hbm>>
        tpu.enqueue_indirect_dma source(%dma_start3A_642 : memref<10000x128xf32, #tpu.memory_space<hbm>>) target(%arg10 : memref<80x128xf32, #tpu.memory_space<vmem>>) offsets(%dma_start3A_639 : memref<80xi32, #tpu.memory_space<vmem>>) semaphore(%arg13 : memref<!tpu.dma_semaphore, #tpu.memory_space<semaphore_mem>>)
      } else {
      }
      %add3A_430 = arith.constant 1 : i32
      %add3A_431 = arith.addi %mul3A_391, %add3A_430 : i32
      %dma_wait3A_432 = arith.constant 1 : i32
      %dma_wait3A_433 = arith.constant 0 : i32
      %dma_wait3A_434 = tpu.memref_slice %arg8[%dma_wait3A_432, %dma_wait3A_433] : memref<6x80xi32, #tpu.memory_space<vmem>> -> memref<1x80xi32, #tpu.memory_space<vmem>>
      %dma_wait3A_435 = tpu.memref_squeeze %dma_wait3A_434 : memref<1x80xi32, #tpu.memory_space<vmem>> -> memref<80xi32, #tpu.memory_space<vmem>>
      %dma_wait3A_436 = arith.constant 0 : i32
      %dma_wait3A_437 = arith.constant 0 : i32
      %dma_wait3A_438 = tpu.memref_slice %arg2[%dma_wait3A_436, %dma_wait3A_437] : memref<10000x128xf32, #tpu.memory_space<hbm>> -> memref<10000x128xf32, #tpu.memory_space<hbm>>
      tpu.wait_indirect_dma semaphore(%arg14 : memref<!tpu.dma_semaphore, #tpu.memory_space<semaphore_mem>>) src(%dma_wait3A_438 : memref<10000x128xf32, #tpu.memory_space<hbm>>) dst(%arg11 : memref<80x128xf32, #tpu.memory_space<vmem>>)
      %mul3A_439 = arith.constant 125 : i32
      %mul3A_440 = arith.muli %add3A, %mul3A_439 : i32
      %add3A_441 = arith.addi %mul3A_440, %add3A_431 : i32
      %mul3A_442 = arith.constant 80 : i32
      %mul3A_443 = arith.muli %add3A_441, %mul3A_442 : i32
      %dma_wait3A_444 = arith.constant 1 : i32
      %dma_wait3A_445 = arith.constant 0 : i32
      %dma_wait3A_446 = tpu.memref_slice %arg9[%dma_wait3A_444, %dma_wait3A_445] : memref<6x80xi32, #tpu.memory_space<vmem>> -> memref<1x80xi32, #tpu.memory_space<vmem>>
      %dma_wait3A_447 = tpu.memref_squeeze %dma_wait3A_446 : memref<1x80xi32, #tpu.memory_space<vmem>> -> memref<80xi32, #tpu.memory_space<vmem>>
      %dma_wait3A_448 = tpu.memref_slice %arg4[%mul3A_443] : memref<320000xi32, #tpu.memory_space<hbm>> -> memref<80xi32, #tpu.memory_space<hbm>>
      %dma_wait3A_449 = arith.constant 0 : i32
      %dma_wait3A_450 = tpu.memref_slice %arg9[%dma_wait3A_444, %dma_wait3A_449] : memref<6x80xi32, #tpu.memory_space<vmem>> -> memref<1x80xi32, #tpu.memory_space<vmem>>
      %dma_wait3A_451 = tpu.memref_squeeze %dma_wait3A_450 : memref<1x80xi32, #tpu.memory_space<vmem>> -> memref<80xi32, #tpu.memory_space<vmem>>
      %dma_wait3A_452 = tpu.memref_slice %arg4[%mul3A_443] : memref<320000xi32, #tpu.memory_space<hbm>> -> memref<80xi32, #tpu.memory_space<hbm>>
      tpu.wait_dma2 semaphore(%arg23 : memref<!tpu.dma_semaphore, #tpu.memory_space<semaphore_mem>>) src(%dma_wait3A_452 : memref<80xi32, #tpu.memory_space<hbm>>) dst(%dma_wait3A_451 : memref<80xi32, #tpu.memory_space<vmem>>)
      %run_scoped3A_453 = arith.constant 1 : i32
      "tpu.region"() ({
        %run_scoped3A_620 = tpu.sem_alloc : memref<!tpu.dma_semaphore, #tpu.memory_space<semaphore_mem>>
        %dma_start3A_621 = arith.constant 0 : i32
        %dma_start3A_622 = tpu.memref_slice %arg9[%run_scoped3A_453, %dma_start3A_621] : memref<6x80xi32, #tpu.memory_space<vmem>> -> memref<1x80xi32, #tpu.memory_space<vmem>>
        %dma_start3A_623 = tpu.memref_squeeze %dma_start3A_622 : memref<1x80xi32, #tpu.memory_space<vmem>> -> memref<80xi32, #tpu.memory_space<vmem>>
        %dma_start3A_624 = arith.constant 0 : i32
        %dma_start3A_625 = arith.constant 0 : i32
        %dma_start3A_626 = tpu.memref_slice %arg7[%dma_start3A_624, %dma_start3A_625] : memref<10000x128xf32, #tpu.memory_space<vmem_shared>> -> memref<10000x128xf32, #tpu.memory_space<vmem_shared>>
        tpu.enqueue_indirect_dma source(%arg11 : memref<80x128xf32, #tpu.memory_space<vmem>>) target(%dma_start3A_626 : memref<10000x128xf32, #tpu.memory_space<vmem_shared>>) offsets(%dma_start3A_623 : memref<80xi32, #tpu.memory_space<vmem>>) semaphore(%run_scoped3A_620 : memref<!tpu.dma_semaphore, #tpu.memory_space<semaphore_mem>>) {add = true}
        %dma_wait3A_627 = arith.constant 0 : i32
        %dma_wait3A_628 = tpu.memref_slice %arg9[%run_scoped3A_453, %dma_wait3A_627] : memref<6x80xi32, #tpu.memory_space<vmem>> -> memref<1x80xi32, #tpu.memory_space<vmem>>
        %dma_wait3A_629 = tpu.memref_squeeze %dma_wait3A_628 : memref<1x80xi32, #tpu.memory_space<vmem>> -> memref<80xi32, #tpu.memory_space<vmem>>
        %dma_wait3A_630 = arith.constant 0 : i32
        %dma_wait3A_631 = arith.constant 0 : i32
        %dma_wait3A_632 = tpu.memref_slice %arg7[%dma_wait3A_630, %dma_wait3A_631] : memref<10000x128xf32, #tpu.memory_space<vmem_shared>> -> memref<10000x128xf32, #tpu.memory_space<vmem_shared>>
        tpu.wait_indirect_dma semaphore(%run_scoped3A_620 : memref<!tpu.dma_semaphore, #tpu.memory_space<semaphore_mem>>) src(%arg11 : memref<80x128xf32, #tpu.memory_space<vmem>>) dst(%dma_wait3A_632 : memref<10000x128xf32, #tpu.memory_space<vmem_shared>>)
        tpu.yield
      }) : () -> ()
      %add3A_454 = arith.constant 6 : i32
      %add3A_455 = arith.addi %add3A_431, %add3A_454 : i32
      %lt3A_456 = arith.constant 125 : i32
      %lt3A_457 = arith.cmpi slt, %add3A_455, %lt3A_456 : i32
      %convert_element_type3A_458 = arith.extui %lt3A_457 : i1 to i32
      %cond3A_459 = arith.constant 0 : i32
      %cond3A_460 = arith.cmpi ne, %convert_element_type3A_458, %cond3A_459 : i32
      scf.if %cond3A_460 {
        %add3A_620 = arith.constant 6 : i32
        %add3A_621 = arith.addi %add3A_431, %add3A_620 : i32
        %mul3A_622 = arith.constant 125 : i32
        %mul3A_623 = arith.muli %add3A, %mul3A_622 : i32
        %add3A_624 = arith.addi %mul3A_623, %add3A_621 : i32
        %mul3A_625 = arith.constant 80 : i32
        %mul3A_626 = arith.muli %add3A_624, %mul3A_625 : i32
        %dma_start3A_627 = arith.constant 1 : i32
        %dma_start3A_628 = arith.constant 0 : i32
        %dma_start3A_629 = tpu.memref_slice %arg8[%dma_start3A_627, %dma_start3A_628] : memref<6x80xi32, #tpu.memory_space<vmem>> -> memref<1x80xi32, #tpu.memory_space<vmem>>
        %dma_start3A_630 = tpu.memref_squeeze %dma_start3A_629 : memref<1x80xi32, #tpu.memory_space<vmem>> -> memref<80xi32, #tpu.memory_space<vmem>>
        %dma_start3A_631 = tpu.memref_slice %arg3[%mul3A_626] : memref<320000xi32, #tpu.memory_space<hbm>> -> memref<80xi32, #tpu.memory_space<hbm>>
        %dma_start3A_632 = arith.constant 0 : i32
        %dma_start3A_633 = tpu.memref_slice %arg8[%dma_start3A_627, %dma_start3A_632] : memref<6x80xi32, #tpu.memory_space<vmem>> -> memref<1x80xi32, #tpu.memory_space<vmem>>
        %dma_start3A_634 = tpu.memref_squeeze %dma_start3A_633 : memref<1x80xi32, #tpu.memory_space<vmem>> -> memref<80xi32, #tpu.memory_space<vmem>>
        %dma_start3A_635 = tpu.memref_slice %arg3[%mul3A_626] : memref<320000xi32, #tpu.memory_space<hbm>> -> memref<80xi32, #tpu.memory_space<hbm>>
        tpu.enqueue_dma source(%dma_start3A_635 : memref<80xi32, #tpu.memory_space<hbm>>) target(%dma_start3A_634 : memref<80xi32, #tpu.memory_space<vmem>>) target_semaphore(%arg17 : memref<!tpu.dma_semaphore, #tpu.memory_space<semaphore_mem>>)
        %dma_start3A_636 = arith.constant 1 : i32
        %dma_start3A_637 = arith.constant 0 : i32
        %dma_start3A_638 = tpu.memref_slice %arg9[%dma_start3A_636, %dma_start3A_637] : memref<6x80xi32, #tpu.memory_space<vmem>> -> memref<1x80xi32, #tpu.memory_space<vmem>>
        %dma_start3A_639 = tpu.memref_squeeze %dma_start3A_638 : memref<1x80xi32, #tpu.memory_space<vmem>> -> memref<80xi32, #tpu.memory_space<vmem>>
        %dma_start3A_640 = tpu.memref_slice %arg4[%mul3A_626] : memref<320000xi32, #tpu.memory_space<hbm>> -> memref<80xi32, #tpu.memory_space<hbm>>
        %dma_start3A_641 = arith.constant 0 : i32
        %dma_start3A_642 = tpu.memref_slice %arg9[%dma_start3A_636, %dma_start3A_641] : memref<6x80xi32, #tpu.memory_space<vmem>> -> memref<1x80xi32, #tpu.memory_space<vmem>>
        %dma_start3A_643 = tpu.memref_squeeze %dma_start3A_642 : memref<1x80xi32, #tpu.memory_space<vmem>> -> memref<80xi32, #tpu.memory_space<vmem>>
        %dma_start3A_644 = tpu.memref_slice %arg4[%mul3A_626] : memref<320000xi32, #tpu.memory_space<hbm>> -> memref<80xi32, #tpu.memory_space<hbm>>
        tpu.enqueue_dma source(%dma_start3A_644 : memref<80xi32, #tpu.memory_space<hbm>>) target(%dma_start3A_643 : memref<80xi32, #tpu.memory_space<vmem>>) target_semaphore(%arg23 : memref<!tpu.dma_semaphore, #tpu.memory_space<semaphore_mem>>)
      } else {
      }
      %add3A_461 = arith.constant 3 : i32
      %add3A_462 = arith.addi %add3A_431, %add3A_461 : i32
      %lt3A_463 = arith.constant 125 : i32
      %lt3A_464 = arith.cmpi slt, %add3A_462, %lt3A_463 : i32
      %convert_element_type3A_465 = arith.extui %lt3A_464 : i1 to i32
      %cond3A_466 = arith.constant 0 : i32
      %cond3A_467 = arith.cmpi ne, %convert_element_type3A_465, %cond3A_466 : i32
      scf.if %cond3A_467 {
        %add3A_620 = arith.constant 3 : i32
        %add3A_621 = arith.addi %add3A_431, %add3A_620 : i32
        %mul3A_622 = arith.constant 125 : i32
        %mul3A_623 = arith.muli %add3A, %mul3A_622 : i32
        %add3A_624 = arith.addi %mul3A_623, %add3A_621 : i32
        %mul3A_625 = arith.constant 80 : i32
        %mul3A_626 = arith.muli %add3A_624, %mul3A_625 : i32
        %dma_wait3A_627 = arith.constant 4 : i32
        %dma_wait3A_628 = arith.constant 0 : i32
        %dma_wait3A_629 = tpu.memref_slice %arg8[%dma_wait3A_627, %dma_wait3A_628] : memref<6x80xi32, #tpu.memory_space<vmem>> -> memref<1x80xi32, #tpu.memory_space<vmem>>
        %dma_wait3A_630 = tpu.memref_squeeze %dma_wait3A_629 : memref<1x80xi32, #tpu.memory_space<vmem>> -> memref<80xi32, #tpu.memory_space<vmem>>
        %dma_wait3A_631 = tpu.memref_slice %arg3[%mul3A_626] : memref<320000xi32, #tpu.memory_space<hbm>> -> memref<80xi32, #tpu.memory_space<hbm>>
        %dma_wait3A_632 = arith.constant 0 : i32
        %dma_wait3A_633 = tpu.memref_slice %arg8[%dma_wait3A_627, %dma_wait3A_632] : memref<6x80xi32, #tpu.memory_space<vmem>> -> memref<1x80xi32, #tpu.memory_space<vmem>>
        %dma_wait3A_634 = tpu.memref_squeeze %dma_wait3A_633 : memref<1x80xi32, #tpu.memory_space<vmem>> -> memref<80xi32, #tpu.memory_space<vmem>>
        %dma_wait3A_635 = tpu.memref_slice %arg3[%mul3A_626] : memref<320000xi32, #tpu.memory_space<hbm>> -> memref<80xi32, #tpu.memory_space<hbm>>
        tpu.wait_dma2 semaphore(%arg20 : memref<!tpu.dma_semaphore, #tpu.memory_space<semaphore_mem>>) src(%dma_wait3A_635 : memref<80xi32, #tpu.memory_space<hbm>>) dst(%dma_wait3A_634 : memref<80xi32, #tpu.memory_space<vmem>>)
        %dma_start3A_636 = arith.constant 4 : i32
        %dma_start3A_637 = arith.constant 0 : i32
        %dma_start3A_638 = tpu.memref_slice %arg8[%dma_start3A_636, %dma_start3A_637] : memref<6x80xi32, #tpu.memory_space<vmem>> -> memref<1x80xi32, #tpu.memory_space<vmem>>
        %dma_start3A_639 = tpu.memref_squeeze %dma_start3A_638 : memref<1x80xi32, #tpu.memory_space<vmem>> -> memref<80xi32, #tpu.memory_space<vmem>>
        %dma_start3A_640 = arith.constant 0 : i32
        %dma_start3A_641 = arith.constant 0 : i32
        %dma_start3A_642 = tpu.memref_slice %arg2[%dma_start3A_640, %dma_start3A_641] : memref<10000x128xf32, #tpu.memory_space<hbm>> -> memref<10000x128xf32, #tpu.memory_space<hbm>>
        tpu.enqueue_indirect_dma source(%dma_start3A_642 : memref<10000x128xf32, #tpu.memory_space<hbm>>) target(%arg11 : memref<80x128xf32, #tpu.memory_space<vmem>>) offsets(%dma_start3A_639 : memref<80xi32, #tpu.memory_space<vmem>>) semaphore(%arg14 : memref<!tpu.dma_semaphore, #tpu.memory_space<semaphore_mem>>)
      } else {
      }
      %add3A_468 = arith.constant 2 : i32
      %add3A_469 = arith.addi %mul3A_391, %add3A_468 : i32
      %dma_wait3A_470 = arith.constant 2 : i32
      %dma_wait3A_471 = arith.constant 0 : i32
      %dma_wait3A_472 = tpu.memref_slice %arg8[%dma_wait3A_470, %dma_wait3A_471] : memref<6x80xi32, #tpu.memory_space<vmem>> -> memref<1x80xi32, #tpu.memory_space<vmem>>
      %dma_wait3A_473 = tpu.memref_squeeze %dma_wait3A_472 : memref<1x80xi32, #tpu.memory_space<vmem>> -> memref<80xi32, #tpu.memory_space<vmem>>
      %dma_wait3A_474 = arith.constant 0 : i32
      %dma_wait3A_475 = arith.constant 0 : i32
      %dma_wait3A_476 = tpu.memref_slice %arg2[%dma_wait3A_474, %dma_wait3A_475] : memref<10000x128xf32, #tpu.memory_space<hbm>> -> memref<10000x128xf32, #tpu.memory_space<hbm>>
      tpu.wait_indirect_dma semaphore(%arg15 : memref<!tpu.dma_semaphore, #tpu.memory_space<semaphore_mem>>) src(%dma_wait3A_476 : memref<10000x128xf32, #tpu.memory_space<hbm>>) dst(%arg12 : memref<80x128xf32, #tpu.memory_space<vmem>>)
      %mul3A_477 = arith.constant 125 : i32
      %mul3A_478 = arith.muli %add3A, %mul3A_477 : i32
      %add3A_479 = arith.addi %mul3A_478, %add3A_469 : i32
      %mul3A_480 = arith.constant 80 : i32
      %mul3A_481 = arith.muli %add3A_479, %mul3A_480 : i32
      %dma_wait3A_482 = arith.constant 2 : i32
      %dma_wait3A_483 = arith.constant 0 : i32
      %dma_wait3A_484 = tpu.memref_slice %arg9[%dma_wait3A_482, %dma_wait3A_483] : memref<6x80xi32, #tpu.memory_space<vmem>> -> memref<1x80xi32, #tpu.memory_space<vmem>>
      %dma_wait3A_485 = tpu.memref_squeeze %dma_wait3A_484 : memref<1x80xi32, #tpu.memory_space<vmem>> -> memref<80xi32, #tpu.memory_space<vmem>>
      %dma_wait3A_486 = tpu.memref_slice %arg4[%mul3A_481] : memref<320000xi32, #tpu.memory_space<hbm>> -> memref<80xi32, #tpu.memory_space<hbm>>
      %dma_wait3A_487 = arith.constant 0 : i32
      %dma_wait3A_488 = tpu.memref_slice %arg9[%dma_wait3A_482, %dma_wait3A_487] : memref<6x80xi32, #tpu.memory_space<vmem>> -> memref<1x80xi32, #tpu.memory_space<vmem>>
      %dma_wait3A_489 = tpu.memref_squeeze %dma_wait3A_488 : memref<1x80xi32, #tpu.memory_space<vmem>> -> memref<80xi32, #tpu.memory_space<vmem>>
      %dma_wait3A_490 = tpu.memref_slice %arg4[%mul3A_481] : memref<320000xi32, #tpu.memory_space<hbm>> -> memref<80xi32, #tpu.memory_space<hbm>>
      tpu.wait_dma2 semaphore(%arg24 : memref<!tpu.dma_semaphore, #tpu.memory_space<semaphore_mem>>) src(%dma_wait3A_490 : memref<80xi32, #tpu.memory_space<hbm>>) dst(%dma_wait3A_489 : memref<80xi32, #tpu.memory_space<vmem>>)
      %run_scoped3A_491 = arith.constant 2 : i32
      "tpu.region"() ({
        %run_scoped3A_620 = tpu.sem_alloc : memref<!tpu.dma_semaphore, #tpu.memory_space<semaphore_mem>>
        %dma_start3A_621 = arith.constant 0 : i32
        %dma_start3A_622 = tpu.memref_slice %arg9[%run_scoped3A_491, %dma_start3A_621] : memref<6x80xi32, #tpu.memory_space<vmem>> -> memref<1x80xi32, #tpu.memory_space<vmem>>
        %dma_start3A_623 = tpu.memref_squeeze %dma_start3A_622 : memref<1x80xi32, #tpu.memory_space<vmem>> -> memref<80xi32, #tpu.memory_space<vmem>>
        %dma_start3A_624 = arith.constant 0 : i32
        %dma_start3A_625 = arith.constant 0 : i32
        %dma_start3A_626 = tpu.memref_slice %arg7[%dma_start3A_624, %dma_start3A_625] : memref<10000x128xf32, #tpu.memory_space<vmem_shared>> -> memref<10000x128xf32, #tpu.memory_space<vmem_shared>>
        tpu.enqueue_indirect_dma source(%arg12 : memref<80x128xf32, #tpu.memory_space<vmem>>) target(%dma_start3A_626 : memref<10000x128xf32, #tpu.memory_space<vmem_shared>>) offsets(%dma_start3A_623 : memref<80xi32, #tpu.memory_space<vmem>>) semaphore(%run_scoped3A_620 : memref<!tpu.dma_semaphore, #tpu.memory_space<semaphore_mem>>) {add = true}
        %dma_wait3A_627 = arith.constant 0 : i32
        %dma_wait3A_628 = tpu.memref_slice %arg9[%run_scoped3A_491, %dma_wait3A_627] : memref<6x80xi32, #tpu.memory_space<vmem>> -> memref<1x80xi32, #tpu.memory_space<vmem>>
        %dma_wait3A_629 = tpu.memref_squeeze %dma_wait3A_628 : memref<1x80xi32, #tpu.memory_space<vmem>> -> memref<80xi32, #tpu.memory_space<vmem>>
        %dma_wait3A_630 = arith.constant 0 : i32
        %dma_wait3A_631 = arith.constant 0 : i32
        %dma_wait3A_632 = tpu.memref_slice %arg7[%dma_wait3A_630, %dma_wait3A_631] : memref<10000x128xf32, #tpu.memory_space<vmem_shared>> -> memref<10000x128xf32, #tpu.memory_space<vmem_shared>>
        tpu.wait_indirect_dma semaphore(%run_scoped3A_620 : memref<!tpu.dma_semaphore, #tpu.memory_space<semaphore_mem>>) src(%arg12 : memref<80x128xf32, #tpu.memory_space<vmem>>) dst(%dma_wait3A_632 : memref<10000x128xf32, #tpu.memory_space<vmem_shared>>)
        tpu.yield
      }) : () -> ()
      %add3A_492 = arith.constant 6 : i32
      %add3A_493 = arith.addi %add3A_469, %add3A_492 : i32
      %lt3A_494 = arith.constant 125 : i32
      %lt3A_495 = arith.cmpi slt, %add3A_493, %lt3A_494 : i32
      %convert_element_type3A_496 = arith.extui %lt3A_495 : i1 to i32
      %cond3A_497 = arith.constant 0 : i32
      %cond3A_498 = arith.cmpi ne, %convert_element_type3A_496, %cond3A_497 : i32
      scf.if %cond3A_498 {
        %add3A_620 = arith.constant 6 : i32
        %add3A_621 = arith.addi %add3A_469, %add3A_620 : i32
        %mul3A_622 = arith.constant 125 : i32
        %mul3A_623 = arith.muli %add3A, %mul3A_622 : i32
        %add3A_624 = arith.addi %mul3A_623, %add3A_621 : i32
        %mul3A_625 = arith.constant 80 : i32
        %mul3A_626 = arith.muli %add3A_624, %mul3A_625 : i32
        %dma_start3A_627 = arith.constant 2 : i32
        %dma_start3A_628 = arith.constant 0 : i32
        %dma_start3A_629 = tpu.memref_slice %arg8[%dma_start3A_627, %dma_start3A_628] : memref<6x80xi32, #tpu.memory_space<vmem>> -> memref<1x80xi32, #tpu.memory_space<vmem>>
        %dma_start3A_630 = tpu.memref_squeeze %dma_start3A_629 : memref<1x80xi32, #tpu.memory_space<vmem>> -> memref<80xi32, #tpu.memory_space<vmem>>
        %dma_start3A_631 = tpu.memref_slice %arg3[%mul3A_626] : memref<320000xi32, #tpu.memory_space<hbm>> -> memref<80xi32, #tpu.memory_space<hbm>>
        %dma_start3A_632 = arith.constant 0 : i32
        %dma_start3A_633 = tpu.memref_slice %arg8[%dma_start3A_627, %dma_start3A_632] : memref<6x80xi32, #tpu.memory_space<vmem>> -> memref<1x80xi32, #tpu.memory_space<vmem>>
        %dma_start3A_634 = tpu.memref_squeeze %dma_start3A_633 : memref<1x80xi32, #tpu.memory_space<vmem>> -> memref<80xi32, #tpu.memory_space<vmem>>
        %dma_start3A_635 = tpu.memref_slice %arg3[%mul3A_626] : memref<320000xi32, #tpu.memory_space<hbm>> -> memref<80xi32, #tpu.memory_space<hbm>>
        tpu.enqueue_dma source(%dma_start3A_635 : memref<80xi32, #tpu.memory_space<hbm>>) target(%dma_start3A_634 : memref<80xi32, #tpu.memory_space<vmem>>) target_semaphore(%arg18 : memref<!tpu.dma_semaphore, #tpu.memory_space<semaphore_mem>>)
        %dma_start3A_636 = arith.constant 2 : i32
        %dma_start3A_637 = arith.constant 0 : i32
        %dma_start3A_638 = tpu.memref_slice %arg9[%dma_start3A_636, %dma_start3A_637] : memref<6x80xi32, #tpu.memory_space<vmem>> -> memref<1x80xi32, #tpu.memory_space<vmem>>
        %dma_start3A_639 = tpu.memref_squeeze %dma_start3A_638 : memref<1x80xi32, #tpu.memory_space<vmem>> -> memref<80xi32, #tpu.memory_space<vmem>>
        %dma_start3A_640 = tpu.memref_slice %arg4[%mul3A_626] : memref<320000xi32, #tpu.memory_space<hbm>> -> memref<80xi32, #tpu.memory_space<hbm>>
        %dma_start3A_641 = arith.constant 0 : i32
        %dma_start3A_642 = tpu.memref_slice %arg9[%dma_start3A_636, %dma_start3A_641] : memref<6x80xi32, #tpu.memory_space<vmem>> -> memref<1x80xi32, #tpu.memory_space<vmem>>
        %dma_start3A_643 = tpu.memref_squeeze %dma_start3A_642 : memref<1x80xi32, #tpu.memory_space<vmem>> -> memref<80xi32, #tpu.memory_space<vmem>>
        %dma_start3A_644 = tpu.memref_slice %arg4[%mul3A_626] : memref<320000xi32, #tpu.memory_space<hbm>> -> memref<80xi32, #tpu.memory_space<hbm>>
        tpu.enqueue_dma source(%dma_start3A_644 : memref<80xi32, #tpu.memory_space<hbm>>) target(%dma_start3A_643 : memref<80xi32, #tpu.memory_space<vmem>>) target_semaphore(%arg24 : memref<!tpu.dma_semaphore, #tpu.memory_space<semaphore_mem>>)
      } else {
      }
      %add3A_499 = arith.constant 3 : i32
      %add3A_500 = arith.addi %add3A_469, %add3A_499 : i32
      %lt3A_501 = arith.constant 125 : i32
      %lt3A_502 = arith.cmpi slt, %add3A_500, %lt3A_501 : i32
      %convert_element_type3A_503 = arith.extui %lt3A_502 : i1 to i32
      %cond3A_504 = arith.constant 0 : i32
      %cond3A_505 = arith.cmpi ne, %convert_element_type3A_503, %cond3A_504 : i32
      scf.if %cond3A_505 {
        %add3A_620 = arith.constant 3 : i32
        %add3A_621 = arith.addi %add3A_469, %add3A_620 : i32
        %mul3A_622 = arith.constant 125 : i32
        %mul3A_623 = arith.muli %add3A, %mul3A_622 : i32
        %add3A_624 = arith.addi %mul3A_623, %add3A_621 : i32
        %mul3A_625 = arith.constant 80 : i32
        %mul3A_626 = arith.muli %add3A_624, %mul3A_625 : i32
        %dma_wait3A_627 = arith.constant 5 : i32
        %dma_wait3A_628 = arith.constant 0 : i32
        %dma_wait3A_629 = tpu.memref_slice %arg8[%dma_wait3A_627, %dma_wait3A_628] : memref<6x80xi32, #tpu.memory_space<vmem>> -> memref<1x80xi32, #tpu.memory_space<vmem>>
        %dma_wait3A_630 = tpu.memref_squeeze %dma_wait3A_629 : memref<1x80xi32, #tpu.memory_space<vmem>> -> memref<80xi32, #tpu.memory_space<vmem>>
        %dma_wait3A_631 = tpu.memref_slice %arg3[%mul3A_626] : memref<320000xi32, #tpu.memory_space<hbm>> -> memref<80xi32, #tpu.memory_space<hbm>>
        %dma_wait3A_632 = arith.constant 0 : i32
        %dma_wait3A_633 = tpu.memref_slice %arg8[%dma_wait3A_627, %dma_wait3A_632] : memref<6x80xi32, #tpu.memory_space<vmem>> -> memref<1x80xi32, #tpu.memory_space<vmem>>
        %dma_wait3A_634 = tpu.memref_squeeze %dma_wait3A_633 : memref<1x80xi32, #tpu.memory_space<vmem>> -> memref<80xi32, #tpu.memory_space<vmem>>
        %dma_wait3A_635 = tpu.memref_slice %arg3[%mul3A_626] : memref<320000xi32, #tpu.memory_space<hbm>> -> memref<80xi32, #tpu.memory_space<hbm>>
        tpu.wait_dma2 semaphore(%arg21 : memref<!tpu.dma_semaphore, #tpu.memory_space<semaphore_mem>>) src(%dma_wait3A_635 : memref<80xi32, #tpu.memory_space<hbm>>) dst(%dma_wait3A_634 : memref<80xi32, #tpu.memory_space<vmem>>)
        %dma_start3A_636 = arith.constant 5 : i32
        %dma_start3A_637 = arith.constant 0 : i32
        %dma_start3A_638 = tpu.memref_slice %arg8[%dma_start3A_636, %dma_start3A_637] : memref<6x80xi32, #tpu.memory_space<vmem>> -> memref<1x80xi32, #tpu.memory_space<vmem>>
        %dma_start3A_639 = tpu.memref_squeeze %dma_start3A_638 : memref<1x80xi32, #tpu.memory_space<vmem>> -> memref<80xi32, #tpu.memory_space<vmem>>
        %dma_start3A_640 = arith.constant 0 : i32
        %dma_start3A_641 = arith.constant 0 : i32
        %dma_start3A_642 = tpu.memref_slice %arg2[%dma_start3A_640, %dma_start3A_641] : memref<10000x128xf32, #tpu.memory_space<hbm>> -> memref<10000x128xf32, #tpu.memory_space<hbm>>
        tpu.enqueue_indirect_dma source(%dma_start3A_642 : memref<10000x128xf32, #tpu.memory_space<hbm>>) target(%arg12 : memref<80x128xf32, #tpu.memory_space<vmem>>) offsets(%dma_start3A_639 : memref<80xi32, #tpu.memory_space<vmem>>) semaphore(%arg15 : memref<!tpu.dma_semaphore, #tpu.memory_space<semaphore_mem>>)
      } else {
      }
      %add3A_506 = arith.constant 3 : i32
      %add3A_507 = arith.addi %mul3A_391, %add3A_506 : i32
      %dma_wait3A_508 = arith.constant 3 : i32
      %dma_wait3A_509 = arith.constant 0 : i32
      %dma_wait3A_510 = tpu.memref_slice %arg8[%dma_wait3A_508, %dma_wait3A_509] : memref<6x80xi32, #tpu.memory_space<vmem>> -> memref<1x80xi32, #tpu.memory_space<vmem>>
      %dma_wait3A_511 = tpu.memref_squeeze %dma_wait3A_510 : memref<1x80xi32, #tpu.memory_space<vmem>> -> memref<80xi32, #tpu.memory_space<vmem>>
      %dma_wait3A_512 = arith.constant 0 : i32
      %dma_wait3A_513 = arith.constant 0 : i32
      %dma_wait3A_514 = tpu.memref_slice %arg2[%dma_wait3A_512, %dma_wait3A_513] : memref<10000x128xf32, #tpu.memory_space<hbm>> -> memref<10000x128xf32, #tpu.memory_space<hbm>>
      tpu.wait_indirect_dma semaphore(%arg13 : memref<!tpu.dma_semaphore, #tpu.memory_space<semaphore_mem>>) src(%dma_wait3A_514 : memref<10000x128xf32, #tpu.memory_space<hbm>>) dst(%arg10 : memref<80x128xf32, #tpu.memory_space<vmem>>)
      %mul3A_515 = arith.constant 125 : i32
      %mul3A_516 = arith.muli %add3A, %mul3A_515 : i32
      %add3A_517 = arith.addi %mul3A_516, %add3A_507 : i32
      %mul3A_518 = arith.constant 80 : i32
      %mul3A_519 = arith.muli %add3A_517, %mul3A_518 : i32
      %dma_wait3A_520 = arith.constant 3 : i32
      %dma_wait3A_521 = arith.constant 0 : i32
      %dma_wait3A_522 = tpu.memref_slice %arg9[%dma_wait3A_520, %dma_wait3A_521] : memref<6x80xi32, #tpu.memory_space<vmem>> -> memref<1x80xi32, #tpu.memory_space<vmem>>
      %dma_wait3A_523 = tpu.memref_squeeze %dma_wait3A_522 : memref<1x80xi32, #tpu.memory_space<vmem>> -> memref<80xi32, #tpu.memory_space<vmem>>
      %dma_wait3A_524 = tpu.memref_slice %arg4[%mul3A_519] : memref<320000xi32, #tpu.memory_space<hbm>> -> memref<80xi32, #tpu.memory_space<hbm>>
      %dma_wait3A_525 = arith.constant 0 : i32
      %dma_wait3A_526 = tpu.memref_slice %arg9[%dma_wait3A_520, %dma_wait3A_525] : memref<6x80xi32, #tpu.memory_space<vmem>> -> memref<1x80xi32, #tpu.memory_space<vmem>>
      %dma_wait3A_527 = tpu.memref_squeeze %dma_wait3A_526 : memref<1x80xi32, #tpu.memory_space<vmem>> -> memref<80xi32, #tpu.memory_space<vmem>>
      %dma_wait3A_528 = tpu.memref_slice %arg4[%mul3A_519] : memref<320000xi32, #tpu.memory_space<hbm>> -> memref<80xi32, #tpu.memory_space<hbm>>
      tpu.wait_dma2 semaphore(%arg25 : memref<!tpu.dma_semaphore, #tpu.memory_space<semaphore_mem>>) src(%dma_wait3A_528 : memref<80xi32, #tpu.memory_space<hbm>>) dst(%dma_wait3A_527 : memref<80xi32, #tpu.memory_space<vmem>>)
      %run_scoped3A_529 = arith.constant 3 : i32
      "tpu.region"() ({
        %run_scoped3A_620 = tpu.sem_alloc : memref<!tpu.dma_semaphore, #tpu.memory_space<semaphore_mem>>
        %dma_start3A_621 = arith.constant 0 : i32
        %dma_start3A_622 = tpu.memref_slice %arg9[%run_scoped3A_529, %dma_start3A_621] : memref<6x80xi32, #tpu.memory_space<vmem>> -> memref<1x80xi32, #tpu.memory_space<vmem>>
        %dma_start3A_623 = tpu.memref_squeeze %dma_start3A_622 : memref<1x80xi32, #tpu.memory_space<vmem>> -> memref<80xi32, #tpu.memory_space<vmem>>
        %dma_start3A_624 = arith.constant 0 : i32
        %dma_start3A_625 = arith.constant 0 : i32
        %dma_start3A_626 = tpu.memref_slice %arg7[%dma_start3A_624, %dma_start3A_625] : memref<10000x128xf32, #tpu.memory_space<vmem_shared>> -> memref<10000x128xf32, #tpu.memory_space<vmem_shared>>
        tpu.enqueue_indirect_dma source(%arg10 : memref<80x128xf32, #tpu.memory_space<vmem>>) target(%dma_start3A_626 : memref<10000x128xf32, #tpu.memory_space<vmem_shared>>) offsets(%dma_start3A_623 : memref<80xi32, #tpu.memory_space<vmem>>) semaphore(%run_scoped3A_620 : memref<!tpu.dma_semaphore, #tpu.memory_space<semaphore_mem>>) {add = true}
        %dma_wait3A_627 = arith.constant 0 : i32
        %dma_wait3A_628 = tpu.memref_slice %arg9[%run_scoped3A_529, %dma_wait3A_627] : memref<6x80xi32, #tpu.memory_space<vmem>> -> memref<1x80xi32, #tpu.memory_space<vmem>>
        %dma_wait3A_629 = tpu.memref_squeeze %dma_wait3A_628 : memref<1x80xi32, #tpu.memory_space<vmem>> -> memref<80xi32, #tpu.memory_space<vmem>>
        %dma_wait3A_630 = arith.constant 0 : i32
        %dma_wait3A_631 = arith.constant 0 : i32
        %dma_wait3A_632 = tpu.memref_slice %arg7[%dma_wait3A_630, %dma_wait3A_631] : memref<10000x128xf32, #tpu.memory_space<vmem_shared>> -> memref<10000x128xf32, #tpu.memory_space<vmem_shared>>
        tpu.wait_indirect_dma semaphore(%run_scoped3A_620 : memref<!tpu.dma_semaphore, #tpu.memory_space<semaphore_mem>>) src(%arg10 : memref<80x128xf32, #tpu.memory_space<vmem>>) dst(%dma_wait3A_632 : memref<10000x128xf32, #tpu.memory_space<vmem_shared>>)
        tpu.yield
      }) : () -> ()
      %add3A_530 = arith.constant 6 : i32
      %add3A_531 = arith.addi %add3A_507, %add3A_530 : i32
      %lt3A_532 = arith.constant 125 : i32
      %lt3A_533 = arith.cmpi slt, %add3A_531, %lt3A_532 : i32
      %convert_element_type3A_534 = arith.extui %lt3A_533 : i1 to i32
      %cond3A_535 = arith.constant 0 : i32
      %cond3A_536 = arith.cmpi ne, %convert_element_type3A_534, %cond3A_535 : i32
      scf.if %cond3A_536 {
        %add3A_620 = arith.constant 6 : i32
        %add3A_621 = arith.addi %add3A_507, %add3A_620 : i32
        %mul3A_622 = arith.constant 125 : i32
        %mul3A_623 = arith.muli %add3A, %mul3A_622 : i32
        %add3A_624 = arith.addi %mul3A_623, %add3A_621 : i32
        %mul3A_625 = arith.constant 80 : i32
        %mul3A_626 = arith.muli %add3A_624, %mul3A_625 : i32
        %dma_start3A_627 = arith.constant 3 : i32
        %dma_start3A_628 = arith.constant 0 : i32
        %dma_start3A_629 = tpu.memref_slice %arg8[%dma_start3A_627, %dma_start3A_628] : memref<6x80xi32, #tpu.memory_space<vmem>> -> memref<1x80xi32, #tpu.memory_space<vmem>>
        %dma_start3A_630 = tpu.memref_squeeze %dma_start3A_629 : memref<1x80xi32, #tpu.memory_space<vmem>> -> memref<80xi32, #tpu.memory_space<vmem>>
        %dma_start3A_631 = tpu.memref_slice %arg3[%mul3A_626] : memref<320000xi32, #tpu.memory_space<hbm>> -> memref<80xi32, #tpu.memory_space<hbm>>
        %dma_start3A_632 = arith.constant 0 : i32
        %dma_start3A_633 = tpu.memref_slice %arg8[%dma_start3A_627, %dma_start3A_632] : memref<6x80xi32, #tpu.memory_space<vmem>> -> memref<1x80xi32, #tpu.memory_space<vmem>>
        %dma_start3A_634 = tpu.memref_squeeze %dma_start3A_633 : memref<1x80xi32, #tpu.memory_space<vmem>> -> memref<80xi32, #tpu.memory_space<vmem>>
        %dma_start3A_635 = tpu.memref_slice %arg3[%mul3A_626] : memref<320000xi32, #tpu.memory_space<hbm>> -> memref<80xi32, #tpu.memory_space<hbm>>
        tpu.enqueue_dma source(%dma_start3A_635 : memref<80xi32, #tpu.memory_space<hbm>>) target(%dma_start3A_634 : memref<80xi32, #tpu.memory_space<vmem>>) target_semaphore(%arg19 : memref<!tpu.dma_semaphore, #tpu.memory_space<semaphore_mem>>)
        %dma_start3A_636 = arith.constant 3 : i32
        %dma_start3A_637 = arith.constant 0 : i32
        %dma_start3A_638 = tpu.memref_slice %arg9[%dma_start3A_636, %dma_start3A_637] : memref<6x80xi32, #tpu.memory_space<vmem>> -> memref<1x80xi32, #tpu.memory_space<vmem>>
        %dma_start3A_639 = tpu.memref_squeeze %dma_start3A_638 : memref<1x80xi32, #tpu.memory_space<vmem>> -> memref<80xi32, #tpu.memory_space<vmem>>
        %dma_start3A_640 = tpu.memref_slice %arg4[%mul3A_626] : memref<320000xi32, #tpu.memory_space<hbm>> -> memref<80xi32, #tpu.memory_space<hbm>>
        %dma_start3A_641 = arith.constant 0 : i32
        %dma_start3A_642 = tpu.memref_slice %arg9[%dma_start3A_636, %dma_start3A_641] : memref<6x80xi32, #tpu.memory_space<vmem>> -> memref<1x80xi32, #tpu.memory_space<vmem>>
        %dma_start3A_643 = tpu.memref_squeeze %dma_start3A_642 : memref<1x80xi32, #tpu.memory_space<vmem>> -> memref<80xi32, #tpu.memory_space<vmem>>
        %dma_start3A_644 = tpu.memref_slice %arg4[%mul3A_626] : memref<320000xi32, #tpu.memory_space<hbm>> -> memref<80xi32, #tpu.memory_space<hbm>>
        tpu.enqueue_dma source(%dma_start3A_644 : memref<80xi32, #tpu.memory_space<hbm>>) target(%dma_start3A_643 : memref<80xi32, #tpu.memory_space<vmem>>) target_semaphore(%arg25 : memref<!tpu.dma_semaphore, #tpu.memory_space<semaphore_mem>>)
      } else {
      }
      %add3A_537 = arith.constant 3 : i32
      %add3A_538 = arith.addi %add3A_507, %add3A_537 : i32
      %lt3A_539 = arith.constant 125 : i32
      %lt3A_540 = arith.cmpi slt, %add3A_538, %lt3A_539 : i32
      %convert_element_type3A_541 = arith.extui %lt3A_540 : i1 to i32
      %cond3A_542 = arith.constant 0 : i32
      %cond3A_543 = arith.cmpi ne, %convert_element_type3A_541, %cond3A_542 : i32
      scf.if %cond3A_543 {
        %add3A_620 = arith.constant 3 : i32
        %add3A_621 = arith.addi %add3A_507, %add3A_620 : i32
        %mul3A_622 = arith.constant 125 : i32
        %mul3A_623 = arith.muli %add3A, %mul3A_622 : i32
        %add3A_624 = arith.addi %mul3A_623, %add3A_621 : i32
        %mul3A_625 = arith.constant 80 : i32
        %mul3A_626 = arith.muli %add3A_624, %mul3A_625 : i32
        %dma_wait3A_627 = arith.constant 0 : i32
        %dma_wait3A_628 = arith.constant 0 : i32
        %dma_wait3A_629 = tpu.memref_slice %arg8[%dma_wait3A_627, %dma_wait3A_628] : memref<6x80xi32, #tpu.memory_space<vmem>> -> memref<1x80xi32, #tpu.memory_space<vmem>>
        %dma_wait3A_630 = tpu.memref_squeeze %dma_wait3A_629 : memref<1x80xi32, #tpu.memory_space<vmem>> -> memref<80xi32, #tpu.memory_space<vmem>>
        %dma_wait3A_631 = tpu.memref_slice %arg3[%mul3A_626] : memref<320000xi32, #tpu.memory_space<hbm>> -> memref<80xi32, #tpu.memory_space<hbm>>
        %dma_wait3A_632 = arith.constant 0 : i32
        %dma_wait3A_633 = tpu.memref_slice %arg8[%dma_wait3A_627, %dma_wait3A_632] : memref<6x80xi32, #tpu.memory_space<vmem>> -> memref<1x80xi32, #tpu.memory_space<vmem>>
        %dma_wait3A_634 = tpu.memref_squeeze %dma_wait3A_633 : memref<1x80xi32, #tpu.memory_space<vmem>> -> memref<80xi32, #tpu.memory_space<vmem>>
        %dma_wait3A_635 = tpu.memref_slice %arg3[%mul3A_626] : memref<320000xi32, #tpu.memory_space<hbm>> -> memref<80xi32, #tpu.memory_space<hbm>>
        tpu.wait_dma2 semaphore(%arg16 : memref<!tpu.dma_semaphore, #tpu.memory_space<semaphore_mem>>) src(%dma_wait3A_635 : memref<80xi32, #tpu.memory_space<hbm>>) dst(%dma_wait3A_634 : memref<80xi32, #tpu.memory_space<vmem>>)
        %dma_start3A_636 = arith.constant 0 : i32
        %dma_start3A_637 = arith.constant 0 : i32
        %dma_start3A_638 = tpu.memref_slice %arg8[%dma_start3A_636, %dma_start3A_637] : memref<6x80xi32, #tpu.memory_space<vmem>> -> memref<1x80xi32, #tpu.memory_space<vmem>>
        %dma_start3A_639 = tpu.memref_squeeze %dma_start3A_638 : memref<1x80xi32, #tpu.memory_space<vmem>> -> memref<80xi32, #tpu.memory_space<vmem>>
        %dma_start3A_640 = arith.constant 0 : i32
        %dma_start3A_641 = arith.constant 0 : i32
        %dma_start3A_642 = tpu.memref_slice %arg2[%dma_start3A_640, %dma_start3A_641] : memref<10000x128xf32, #tpu.memory_space<hbm>> -> memref<10000x128xf32, #tpu.memory_space<hbm>>
        tpu.enqueue_indirect_dma source(%dma_start3A_642 : memref<10000x128xf32, #tpu.memory_space<hbm>>) target(%arg10 : memref<80x128xf32, #tpu.memory_space<vmem>>) offsets(%dma_start3A_639 : memref<80xi32, #tpu.memory_space<vmem>>) semaphore(%arg13 : memref<!tpu.dma_semaphore, #tpu.memory_space<semaphore_mem>>)
      } else {
      }
      %add3A_544 = arith.constant 4 : i32
      %add3A_545 = arith.addi %mul3A_391, %add3A_544 : i32
      %dma_wait3A_546 = arith.constant 4 : i32
      %dma_wait3A_547 = arith.constant 0 : i32
      %dma_wait3A_548 = tpu.memref_slice %arg8[%dma_wait3A_546, %dma_wait3A_547] : memref<6x80xi32, #tpu.memory_space<vmem>> -> memref<1x80xi32, #tpu.memory_space<vmem>>
      %dma_wait3A_549 = tpu.memref_squeeze %dma_wait3A_548 : memref<1x80xi32, #tpu.memory_space<vmem>> -> memref<80xi32, #tpu.memory_space<vmem>>
      %dma_wait3A_550 = arith.constant 0 : i32
      %dma_wait3A_551 = arith.constant 0 : i32
      %dma_wait3A_552 = tpu.memref_slice %arg2[%dma_wait3A_550, %dma_wait3A_551] : memref<10000x128xf32, #tpu.memory_space<hbm>> -> memref<10000x128xf32, #tpu.memory_space<hbm>>
      tpu.wait_indirect_dma semaphore(%arg14 : memref<!tpu.dma_semaphore, #tpu.memory_space<semaphore_mem>>) src(%dma_wait3A_552 : memref<10000x128xf32, #tpu.memory_space<hbm>>) dst(%arg11 : memref<80x128xf32, #tpu.memory_space<vmem>>)
      %mul3A_553 = arith.constant 125 : i32
      %mul3A_554 = arith.muli %add3A, %mul3A_553 : i32
      %add3A_555 = arith.addi %mul3A_554, %add3A_545 : i32
      %mul3A_556 = arith.constant 80 : i32
      %mul3A_557 = arith.muli %add3A_555, %mul3A_556 : i32
      %dma_wait3A_558 = arith.constant 4 : i32
      %dma_wait3A_559 = arith.constant 0 : i32
      %dma_wait3A_560 = tpu.memref_slice %arg9[%dma_wait3A_558, %dma_wait3A_559] : memref<6x80xi32, #tpu.memory_space<vmem>> -> memref<1x80xi32, #tpu.memory_space<vmem>>
      %dma_wait3A_561 = tpu.memref_squeeze %dma_wait3A_560 : memref<1x80xi32, #tpu.memory_space<vmem>> -> memref<80xi32, #tpu.memory_space<vmem>>
      %dma_wait3A_562 = tpu.memref_slice %arg4[%mul3A_557] : memref<320000xi32, #tpu.memory_space<hbm>> -> memref<80xi32, #tpu.memory_space<hbm>>
      %dma_wait3A_563 = arith.constant 0 : i32
      %dma_wait3A_564 = tpu.memref_slice %arg9[%dma_wait3A_558, %dma_wait3A_563] : memref<6x80xi32, #tpu.memory_space<vmem>> -> memref<1x80xi32, #tpu.memory_space<vmem>>
      %dma_wait3A_565 = tpu.memref_squeeze %dma_wait3A_564 : memref<1x80xi32, #tpu.memory_space<vmem>> -> memref<80xi32, #tpu.memory_space<vmem>>
      %dma_wait3A_566 = tpu.memref_slice %arg4[%mul3A_557] : memref<320000xi32, #tpu.memory_space<hbm>> -> memref<80xi32, #tpu.memory_space<hbm>>
      tpu.wait_dma2 semaphore(%arg26 : memref<!tpu.dma_semaphore, #tpu.memory_space<semaphore_mem>>) src(%dma_wait3A_566 : memref<80xi32, #tpu.memory_space<hbm>>) dst(%dma_wait3A_565 : memref<80xi32, #tpu.memory_space<vmem>>)
      %run_scoped3A_567 = arith.constant 4 : i32
      "tpu.region"() ({
        %run_scoped3A_620 = tpu.sem_alloc : memref<!tpu.dma_semaphore, #tpu.memory_space<semaphore_mem>>
        %dma_start3A_621 = arith.constant 0 : i32
        %dma_start3A_622 = tpu.memref_slice %arg9[%run_scoped3A_567, %dma_start3A_621] : memref<6x80xi32, #tpu.memory_space<vmem>> -> memref<1x80xi32, #tpu.memory_space<vmem>>
        %dma_start3A_623 = tpu.memref_squeeze %dma_start3A_622 : memref<1x80xi32, #tpu.memory_space<vmem>> -> memref<80xi32, #tpu.memory_space<vmem>>
        %dma_start3A_624 = arith.constant 0 : i32
        %dma_start3A_625 = arith.constant 0 : i32
        %dma_start3A_626 = tpu.memref_slice %arg7[%dma_start3A_624, %dma_start3A_625] : memref<10000x128xf32, #tpu.memory_space<vmem_shared>> -> memref<10000x128xf32, #tpu.memory_space<vmem_shared>>
        tpu.enqueue_indirect_dma source(%arg11 : memref<80x128xf32, #tpu.memory_space<vmem>>) target(%dma_start3A_626 : memref<10000x128xf32, #tpu.memory_space<vmem_shared>>) offsets(%dma_start3A_623 : memref<80xi32, #tpu.memory_space<vmem>>) semaphore(%run_scoped3A_620 : memref<!tpu.dma_semaphore, #tpu.memory_space<semaphore_mem>>) {add = true}
        %dma_wait3A_627 = arith.constant 0 : i32
        %dma_wait3A_628 = tpu.memref_slice %arg9[%run_scoped3A_567, %dma_wait3A_627] : memref<6x80xi32, #tpu.memory_space<vmem>> -> memref<1x80xi32, #tpu.memory_space<vmem>>
        %dma_wait3A_629 = tpu.memref_squeeze %dma_wait3A_628 : memref<1x80xi32, #tpu.memory_space<vmem>> -> memref<80xi32, #tpu.memory_space<vmem>>
        %dma_wait3A_630 = arith.constant 0 : i32
        %dma_wait3A_631 = arith.constant 0 : i32
        %dma_wait3A_632 = tpu.memref_slice %arg7[%dma_wait3A_630, %dma_wait3A_631] : memref<10000x128xf32, #tpu.memory_space<vmem_shared>> -> memref<10000x128xf32, #tpu.memory_space<vmem_shared>>
        tpu.wait_indirect_dma semaphore(%run_scoped3A_620 : memref<!tpu.dma_semaphore, #tpu.memory_space<semaphore_mem>>) src(%arg11 : memref<80x128xf32, #tpu.memory_space<vmem>>) dst(%dma_wait3A_632 : memref<10000x128xf32, #tpu.memory_space<vmem_shared>>)
        tpu.yield
      }) : () -> ()
      %add3A_568 = arith.constant 6 : i32
      %add3A_569 = arith.addi %add3A_545, %add3A_568 : i32
      %lt3A_570 = arith.constant 125 : i32
      %lt3A_571 = arith.cmpi slt, %add3A_569, %lt3A_570 : i32
      %convert_element_type3A_572 = arith.extui %lt3A_571 : i1 to i32
      %cond3A_573 = arith.constant 0 : i32
      %cond3A_574 = arith.cmpi ne, %convert_element_type3A_572, %cond3A_573 : i32
      scf.if %cond3A_574 {
        %add3A_620 = arith.constant 6 : i32
        %add3A_621 = arith.addi %add3A_545, %add3A_620 : i32
        %mul3A_622 = arith.constant 125 : i32
        %mul3A_623 = arith.muli %add3A, %mul3A_622 : i32
        %add3A_624 = arith.addi %mul3A_623, %add3A_621 : i32
        %mul3A_625 = arith.constant 80 : i32
        %mul3A_626 = arith.muli %add3A_624, %mul3A_625 : i32
        %dma_start3A_627 = arith.constant 4 : i32
        %dma_start3A_628 = arith.constant 0 : i32
        %dma_start3A_629 = tpu.memref_slice %arg8[%dma_start3A_627, %dma_start3A_628] : memref<6x80xi32, #tpu.memory_space<vmem>> -> memref<1x80xi32, #tpu.memory_space<vmem>>
        %dma_start3A_630 = tpu.memref_squeeze %dma_start3A_629 : memref<1x80xi32, #tpu.memory_space<vmem>> -> memref<80xi32, #tpu.memory_space<vmem>>
        %dma_start3A_631 = tpu.memref_slice %arg3[%mul3A_626] : memref<320000xi32, #tpu.memory_space<hbm>> -> memref<80xi32, #tpu.memory_space<hbm>>
        %dma_start3A_632 = arith.constant 0 : i32
        %dma_start3A_633 = tpu.memref_slice %arg8[%dma_start3A_627, %dma_start3A_632] : memref<6x80xi32, #tpu.memory_space<vmem>> -> memref<1x80xi32, #tpu.memory_space<vmem>>
        %dma_start3A_634 = tpu.memref_squeeze %dma_start3A_633 : memref<1x80xi32, #tpu.memory_space<vmem>> -> memref<80xi32, #tpu.memory_space<vmem>>
        %dma_start3A_635 = tpu.memref_slice %arg3[%mul3A_626] : memref<320000xi32, #tpu.memory_space<hbm>> -> memref<80xi32, #tpu.memory_space<hbm>>
        tpu.enqueue_dma source(%dma_start3A_635 : memref<80xi32, #tpu.memory_space<hbm>>) target(%dma_start3A_634 : memref<80xi32, #tpu.memory_space<vmem>>) target_semaphore(%arg20 : memref<!tpu.dma_semaphore, #tpu.memory_space<semaphore_mem>>)
        %dma_start3A_636 = arith.constant 4 : i32
        %dma_start3A_637 = arith.constant 0 : i32
        %dma_start3A_638 = tpu.memref_slice %arg9[%dma_start3A_636, %dma_start3A_637] : memref<6x80xi32, #tpu.memory_space<vmem>> -> memref<1x80xi32, #tpu.memory_space<vmem>>
        %dma_start3A_639 = tpu.memref_squeeze %dma_start3A_638 : memref<1x80xi32, #tpu.memory_space<vmem>> -> memref<80xi32, #tpu.memory_space<vmem>>
        %dma_start3A_640 = tpu.memref_slice %arg4[%mul3A_626] : memref<320000xi32, #tpu.memory_space<hbm>> -> memref<80xi32, #tpu.memory_space<hbm>>
        %dma_start3A_641 = arith.constant 0 : i32
        %dma_start3A_642 = tpu.memref_slice %arg9[%dma_start3A_636, %dma_start3A_641] : memref<6x80xi32, #tpu.memory_space<vmem>> -> memref<1x80xi32, #tpu.memory_space<vmem>>
        %dma_start3A_643 = tpu.memref_squeeze %dma_start3A_642 : memref<1x80xi32, #tpu.memory_space<vmem>> -> memref<80xi32, #tpu.memory_space<vmem>>
        %dma_start3A_644 = tpu.memref_slice %arg4[%mul3A_626] : memref<320000xi32, #tpu.memory_space<hbm>> -> memref<80xi32, #tpu.memory_space<hbm>>
        tpu.enqueue_dma source(%dma_start3A_644 : memref<80xi32, #tpu.memory_space<hbm>>) target(%dma_start3A_643 : memref<80xi32, #tpu.memory_space<vmem>>) target_semaphore(%arg26 : memref<!tpu.dma_semaphore, #tpu.memory_space<semaphore_mem>>)
      } else {
      }
      %add3A_575 = arith.constant 3 : i32
      %add3A_576 = arith.addi %add3A_545, %add3A_575 : i32
      %lt3A_577 = arith.constant 125 : i32
      %lt3A_578 = arith.cmpi slt, %add3A_576, %lt3A_577 : i32
      %convert_element_type3A_579 = arith.extui %lt3A_578 : i1 to i32
      %cond3A_580 = arith.constant 0 : i32
      %cond3A_581 = arith.cmpi ne, %convert_element_type3A_579, %cond3A_580 : i32
      scf.if %cond3A_581 {
        %add3A_620 = arith.constant 3 : i32
        %add3A_621 = arith.addi %add3A_545, %add3A_620 : i32
        %mul3A_622 = arith.constant 125 : i32
        %mul3A_623 = arith.muli %add3A, %mul3A_622 : i32
        %add3A_624 = arith.addi %mul3A_623, %add3A_621 : i32
        %mul3A_625 = arith.constant 80 : i32
        %mul3A_626 = arith.muli %add3A_624, %mul3A_625 : i32
        %dma_wait3A_627 = arith.constant 1 : i32
        %dma_wait3A_628 = arith.constant 0 : i32
        %dma_wait3A_629 = tpu.memref_slice %arg8[%dma_wait3A_627, %dma_wait3A_628] : memref<6x80xi32, #tpu.memory_space<vmem>> -> memref<1x80xi32, #tpu.memory_space<vmem>>
        %dma_wait3A_630 = tpu.memref_squeeze %dma_wait3A_629 : memref<1x80xi32, #tpu.memory_space<vmem>> -> memref<80xi32, #tpu.memory_space<vmem>>
        %dma_wait3A_631 = tpu.memref_slice %arg3[%mul3A_626] : memref<320000xi32, #tpu.memory_space<hbm>> -> memref<80xi32, #tpu.memory_space<hbm>>
        %dma_wait3A_632 = arith.constant 0 : i32
        %dma_wait3A_633 = tpu.memref_slice %arg8[%dma_wait3A_627, %dma_wait3A_632] : memref<6x80xi32, #tpu.memory_space<vmem>> -> memref<1x80xi32, #tpu.memory_space<vmem>>
        %dma_wait3A_634 = tpu.memref_squeeze %dma_wait3A_633 : memref<1x80xi32, #tpu.memory_space<vmem>> -> memref<80xi32, #tpu.memory_space<vmem>>
        %dma_wait3A_635 = tpu.memref_slice %arg3[%mul3A_626] : memref<320000xi32, #tpu.memory_space<hbm>> -> memref<80xi32, #tpu.memory_space<hbm>>
        tpu.wait_dma2 semaphore(%arg17 : memref<!tpu.dma_semaphore, #tpu.memory_space<semaphore_mem>>) src(%dma_wait3A_635 : memref<80xi32, #tpu.memory_space<hbm>>) dst(%dma_wait3A_634 : memref<80xi32, #tpu.memory_space<vmem>>)
        %dma_start3A_636 = arith.constant 1 : i32
        %dma_start3A_637 = arith.constant 0 : i32
        %dma_start3A_638 = tpu.memref_slice %arg8[%dma_start3A_636, %dma_start3A_637] : memref<6x80xi32, #tpu.memory_space<vmem>> -> memref<1x80xi32, #tpu.memory_space<vmem>>
        %dma_start3A_639 = tpu.memref_squeeze %dma_start3A_638 : memref<1x80xi32, #tpu.memory_space<vmem>> -> memref<80xi32, #tpu.memory_space<vmem>>
        %dma_start3A_640 = arith.constant 0 : i32
        %dma_start3A_641 = arith.constant 0 : i32
        %dma_start3A_642 = tpu.memref_slice %arg2[%dma_start3A_640, %dma_start3A_641] : memref<10000x128xf32, #tpu.memory_space<hbm>> -> memref<10000x128xf32, #tpu.memory_space<hbm>>
        tpu.enqueue_indirect_dma source(%dma_start3A_642 : memref<10000x128xf32, #tpu.memory_space<hbm>>) target(%arg11 : memref<80x128xf32, #tpu.memory_space<vmem>>) offsets(%dma_start3A_639 : memref<80xi32, #tpu.memory_space<vmem>>) semaphore(%arg14 : memref<!tpu.dma_semaphore, #tpu.memory_space<semaphore_mem>>)
      } else {
      }
      %add3A_582 = arith.constant 5 : i32
      %add3A_583 = arith.addi %mul3A_391, %add3A_582 : i32
      %dma_wait3A_584 = arith.constant 5 : i32
      %dma_wait3A_585 = arith.constant 0 : i32
      %dma_wait3A_586 = tpu.memref_slice %arg8[%dma_wait3A_584, %dma_wait3A_585] : memref<6x80xi32, #tpu.memory_space<vmem>> -> memref<1x80xi32, #tpu.memory_space<vmem>>
      %dma_wait3A_587 = tpu.memref_squeeze %dma_wait3A_586 : memref<1x80xi32, #tpu.memory_space<vmem>> -> memref<80xi32, #tpu.memory_space<vmem>>
      %dma_wait3A_588 = arith.constant 0 : i32
      %dma_wait3A_589 = arith.constant 0 : i32
      %dma_wait3A_590 = tpu.memref_slice %arg2[%dma_wait3A_588, %dma_wait3A_589] : memref<10000x128xf32, #tpu.memory_space<hbm>> -> memref<10000x128xf32, #tpu.memory_space<hbm>>
      tpu.wait_indirect_dma semaphore(%arg15 : memref<!tpu.dma_semaphore, #tpu.memory_space<semaphore_mem>>) src(%dma_wait3A_590 : memref<10000x128xf32, #tpu.memory_space<hbm>>) dst(%arg12 : memref<80x128xf32, #tpu.memory_space<vmem>>)
      %mul3A_591 = arith.constant 125 : i32
      %mul3A_592 = arith.muli %add3A, %mul3A_591 : i32
      %add3A_593 = arith.addi %mul3A_592, %add3A_583 : i32
      %mul3A_594 = arith.constant 80 : i32
      %mul3A_595 = arith.muli %add3A_593, %mul3A_594 : i32
      %dma_wait3A_596 = arith.constant 5 : i32
      %dma_wait3A_597 = arith.constant 0 : i32
      %dma_wait3A_598 = tpu.memref_slice %arg9[%dma_wait3A_596, %dma_wait3A_597] : memref<6x80xi32, #tpu.memory_space<vmem>> -> memref<1x80xi32, #tpu.memory_space<vmem>>
      %dma_wait3A_599 = tpu.memref_squeeze %dma_wait3A_598 : memref<1x80xi32, #tpu.memory_space<vmem>> -> memref<80xi32, #tpu.memory_space<vmem>>
      %dma_wait3A_600 = tpu.memref_slice %arg4[%mul3A_595] : memref<320000xi32, #tpu.memory_space<hbm>> -> memref<80xi32, #tpu.memory_space<hbm>>
      %dma_wait3A_601 = arith.constant 0 : i32
      %dma_wait3A_602 = tpu.memref_slice %arg9[%dma_wait3A_596, %dma_wait3A_601] : memref<6x80xi32, #tpu.memory_space<vmem>> -> memref<1x80xi32, #tpu.memory_space<vmem>>
      %dma_wait3A_603 = tpu.memref_squeeze %dma_wait3A_602 : memref<1x80xi32, #tpu.memory_space<vmem>> -> memref<80xi32, #tpu.memory_space<vmem>>
      %dma_wait3A_604 = tpu.memref_slice %arg4[%mul3A_595] : memref<320000xi32, #tpu.memory_space<hbm>> -> memref<80xi32, #tpu.memory_space<hbm>>
      tpu.wait_dma2 semaphore(%arg27 : memref<!tpu.dma_semaphore, #tpu.memory_space<semaphore_mem>>) src(%dma_wait3A_604 : memref<80xi32, #tpu.memory_space<hbm>>) dst(%dma_wait3A_603 : memref<80xi32, #tpu.memory_space<vmem>>)
      %run_scoped3A_605 = arith.constant 5 : i32
      "tpu.region"() ({
        %run_scoped3A_620 = tpu.sem_alloc : memref<!tpu.dma_semaphore, #tpu.memory_space<semaphore_mem>>
        %dma_start3A_621 = arith.constant 0 : i32
        %dma_start3A_622 = tpu.memref_slice %arg9[%run_scoped3A_605, %dma_start3A_621] : memref<6x80xi32, #tpu.memory_space<vmem>> -> memref<1x80xi32, #tpu.memory_space<vmem>>
        %dma_start3A_623 = tpu.memref_squeeze %dma_start3A_622 : memref<1x80xi32, #tpu.memory_space<vmem>> -> memref<80xi32, #tpu.memory_space<vmem>>
        %dma_start3A_624 = arith.constant 0 : i32
        %dma_start3A_625 = arith.constant 0 : i32
        %dma_start3A_626 = tpu.memref_slice %arg7[%dma_start3A_624, %dma_start3A_625] : memref<10000x128xf32, #tpu.memory_space<vmem_shared>> -> memref<10000x128xf32, #tpu.memory_space<vmem_shared>>
        tpu.enqueue_indirect_dma source(%arg12 : memref<80x128xf32, #tpu.memory_space<vmem>>) target(%dma_start3A_626 : memref<10000x128xf32, #tpu.memory_space<vmem_shared>>) offsets(%dma_start3A_623 : memref<80xi32, #tpu.memory_space<vmem>>) semaphore(%run_scoped3A_620 : memref<!tpu.dma_semaphore, #tpu.memory_space<semaphore_mem>>) {add = true}
        %dma_wait3A_627 = arith.constant 0 : i32
        %dma_wait3A_628 = tpu.memref_slice %arg9[%run_scoped3A_605, %dma_wait3A_627] : memref<6x80xi32, #tpu.memory_space<vmem>> -> memref<1x80xi32, #tpu.memory_space<vmem>>
        %dma_wait3A_629 = tpu.memref_squeeze %dma_wait3A_628 : memref<1x80xi32, #tpu.memory_space<vmem>> -> memref<80xi32, #tpu.memory_space<vmem>>
        %dma_wait3A_630 = arith.constant 0 : i32
        %dma_wait3A_631 = arith.constant 0 : i32
        %dma_wait3A_632 = tpu.memref_slice %arg7[%dma_wait3A_630, %dma_wait3A_631] : memref<10000x128xf32, #tpu.memory_space<vmem_shared>> -> memref<10000x128xf32, #tpu.memory_space<vmem_shared>>
        tpu.wait_indirect_dma semaphore(%run_scoped3A_620 : memref<!tpu.dma_semaphore, #tpu.memory_space<semaphore_mem>>) src(%arg12 : memref<80x128xf32, #tpu.memory_space<vmem>>) dst(%dma_wait3A_632 : memref<10000x128xf32, #tpu.memory_space<vmem_shared>>)
        tpu.yield
      }) : () -> ()
      %add3A_606 = arith.constant 6 : i32
      %add3A_607 = arith.addi %add3A_583, %add3A_606 : i32
      %lt3A_608 = arith.constant 125 : i32
      %lt3A_609 = arith.cmpi slt, %add3A_607, %lt3A_608 : i32
      %convert_element_type3A_610 = arith.extui %lt3A_609 : i1 to i32
      %cond3A_611 = arith.constant 0 : i32
      %cond3A_612 = arith.cmpi ne, %convert_element_type3A_610, %cond3A_611 : i32
      scf.if %cond3A_612 {
        %add3A_620 = arith.constant 6 : i32
        %add3A_621 = arith.addi %add3A_583, %add3A_620 : i32
        %mul3A_622 = arith.constant 125 : i32
        %mul3A_623 = arith.muli %add3A, %mul3A_622 : i32
        %add3A_624 = arith.addi %mul3A_623, %add3A_621 : i32
        %mul3A_625 = arith.constant 80 : i32
        %mul3A_626 = arith.muli %add3A_624, %mul3A_625 : i32
        %dma_start3A_627 = arith.constant 5 : i32
        %dma_start3A_628 = arith.constant 0 : i32
        %dma_start3A_629 = tpu.memref_slice %arg8[%dma_start3A_627, %dma_start3A_628] : memref<6x80xi32, #tpu.memory_space<vmem>> -> memref<1x80xi32, #tpu.memory_space<vmem>>
        %dma_start3A_630 = tpu.memref_squeeze %dma_start3A_629 : memref<1x80xi32, #tpu.memory_space<vmem>> -> memref<80xi32, #tpu.memory_space<vmem>>
        %dma_start3A_631 = tpu.memref_slice %arg3[%mul3A_626] : memref<320000xi32, #tpu.memory_space<hbm>> -> memref<80xi32, #tpu.memory_space<hbm>>
        %dma_start3A_632 = arith.constant 0 : i32
        %dma_start3A_633 = tpu.memref_slice %arg8[%dma_start3A_627, %dma_start3A_632] : memref<6x80xi32, #tpu.memory_space<vmem>> -> memref<1x80xi32, #tpu.memory_space<vmem>>
        %dma_start3A_634 = tpu.memref_squeeze %dma_start3A_633 : memref<1x80xi32, #tpu.memory_space<vmem>> -> memref<80xi32, #tpu.memory_space<vmem>>
        %dma_start3A_635 = tpu.memref_slice %arg3[%mul3A_626] : memref<320000xi32, #tpu.memory_space<hbm>> -> memref<80xi32, #tpu.memory_space<hbm>>
        tpu.enqueue_dma source(%dma_start3A_635 : memref<80xi32, #tpu.memory_space<hbm>>) target(%dma_start3A_634 : memref<80xi32, #tpu.memory_space<vmem>>) target_semaphore(%arg21 : memref<!tpu.dma_semaphore, #tpu.memory_space<semaphore_mem>>)
        %dma_start3A_636 = arith.constant 5 : i32
        %dma_start3A_637 = arith.constant 0 : i32
        %dma_start3A_638 = tpu.memref_slice %arg9[%dma_start3A_636, %dma_start3A_637] : memref<6x80xi32, #tpu.memory_space<vmem>> -> memref<1x80xi32, #tpu.memory_space<vmem>>
        %dma_start3A_639 = tpu.memref_squeeze %dma_start3A_638 : memref<1x80xi32, #tpu.memory_space<vmem>> -> memref<80xi32, #tpu.memory_space<vmem>>
        %dma_start3A_640 = tpu.memref_slice %arg4[%mul3A_626] : memref<320000xi32, #tpu.memory_space<hbm>> -> memref<80xi32, #tpu.memory_space<hbm>>
        %dma_start3A_641 = arith.constant 0 : i32
        %dma_start3A_642 = tpu.memref_slice %arg9[%dma_start3A_636, %dma_start3A_641] : memref<6x80xi32, #tpu.memory_space<vmem>> -> memref<1x80xi32, #tpu.memory_space<vmem>>
        %dma_start3A_643 = tpu.memref_squeeze %dma_start3A_642 : memref<1x80xi32, #tpu.memory_space<vmem>> -> memref<80xi32, #tpu.memory_space<vmem>>
        %dma_start3A_644 = tpu.memref_slice %arg4[%mul3A_626] : memref<320000xi32, #tpu.memory_space<hbm>> -> memref<80xi32, #tpu.memory_space<hbm>>
        tpu.enqueue_dma source(%dma_start3A_644 : memref<80xi32, #tpu.memory_space<hbm>>) target(%dma_start3A_643 : memref<80xi32, #tpu.memory_space<vmem>>) target_semaphore(%arg27 : memref<!tpu.dma_semaphore, #tpu.memory_space<semaphore_mem>>)
      } else {
      }
      %add3A_613 = arith.constant 3 : i32
      %add3A_614 = arith.addi %add3A_583, %add3A_613 : i32
      %lt3A_615 = arith.constant 125 : i32
      %lt3A_616 = arith.cmpi slt, %add3A_614, %lt3A_615 : i32
      %convert_element_type3A_617 = arith.extui %lt3A_616 : i1 to i32
      %cond3A_618 = arith.constant 0 : i32
      %cond3A_619 = arith.cmpi ne, %convert_element_type3A_617, %cond3A_618 : i32
      scf.if %cond3A_619 {
        %add3A_620 = arith.constant 3 : i32
        %add3A_621 = arith.addi %add3A_583, %add3A_620 : i32
        %mul3A_622 = arith.constant 125 : i32
        %mul3A_623 = arith.muli %add3A, %mul3A_622 : i32
        %add3A_624 = arith.addi %mul3A_623, %add3A_621 : i32
        %mul3A_625 = arith.constant 80 : i32
        %mul3A_626 = arith.muli %add3A_624, %mul3A_625 : i32
        %dma_wait3A_627 = arith.constant 2 : i32
        %dma_wait3A_628 = arith.constant 0 : i32
        %dma_wait3A_629 = tpu.memref_slice %arg8[%dma_wait3A_627, %dma_wait3A_628] : memref<6x80xi32, #tpu.memory_space<vmem>> -> memref<1x80xi32, #tpu.memory_space<vmem>>
        %dma_wait3A_630 = tpu.memref_squeeze %dma_wait3A_629 : memref<1x80xi32, #tpu.memory_space<vmem>> -> memref<80xi32, #tpu.memory_space<vmem>>
        %dma_wait3A_631 = tpu.memref_slice %arg3[%mul3A_626] : memref<320000xi32, #tpu.memory_space<hbm>> -> memref<80xi32, #tpu.memory_space<hbm>>
        %dma_wait3A_632 = arith.constant 0 : i32
        %dma_wait3A_633 = tpu.memref_slice %arg8[%dma_wait3A_627, %dma_wait3A_632] : memref<6x80xi32, #tpu.memory_space<vmem>> -> memref<1x80xi32, #tpu.memory_space<vmem>>
        %dma_wait3A_634 = tpu.memref_squeeze %dma_wait3A_633 : memref<1x80xi32, #tpu.memory_space<vmem>> -> memref<80xi32, #tpu.memory_space<vmem>>
        %dma_wait3A_635 = tpu.memref_slice %arg3[%mul3A_626] : memref<320000xi32, #tpu.memory_space<hbm>> -> memref<80xi32, #tpu.memory_space<hbm>>
        tpu.wait_dma2 semaphore(%arg18 : memref<!tpu.dma_semaphore, #tpu.memory_space<semaphore_mem>>) src(%dma_wait3A_635 : memref<80xi32, #tpu.memory_space<hbm>>) dst(%dma_wait3A_634 : memref<80xi32, #tpu.memory_space<vmem>>)
        %dma_start3A_636 = arith.constant 2 : i32
        %dma_start3A_637 = arith.constant 0 : i32
        %dma_start3A_638 = tpu.memref_slice %arg8[%dma_start3A_636, %dma_start3A_637] : memref<6x80xi32, #tpu.memory_space<vmem>> -> memref<1x80xi32, #tpu.memory_space<vmem>>
        %dma_start3A_639 = tpu.memref_squeeze %dma_start3A_638 : memref<1x80xi32, #tpu.memory_space<vmem>> -> memref<80xi32, #tpu.memory_space<vmem>>
        %dma_start3A_640 = arith.constant 0 : i32
        %dma_start3A_641 = arith.constant 0 : i32
        %dma_start3A_642 = tpu.memref_slice %arg2[%dma_start3A_640, %dma_start3A_641] : memref<10000x128xf32, #tpu.memory_space<hbm>> -> memref<10000x128xf32, #tpu.memory_space<hbm>>
        tpu.enqueue_indirect_dma source(%dma_start3A_642 : memref<10000x128xf32, #tpu.memory_space<hbm>>) target(%arg12 : memref<80x128xf32, #tpu.memory_space<vmem>>) offsets(%dma_start3A_639 : memref<80xi32, #tpu.memory_space<vmem>>) semaphore(%arg15 : memref<!tpu.dma_semaphore, #tpu.memory_space<semaphore_mem>>)
      } else {
      }
    }
    %scan3A_219 = arith.constant 20 : i32
    %dma_wait3A_220 = arith.constant 0 : i32
    %dma_wait3A_221 = arith.constant 0 : i32
    %dma_wait3A_222 = tpu.memref_slice %arg8[%dma_wait3A_220, %dma_wait3A_221] : memref<6x80xi32, #tpu.memory_space<vmem>> -> memref<1x80xi32, #tpu.memory_space<vmem>>
    %dma_wait3A_223 = tpu.memref_squeeze %dma_wait3A_222 : memref<1x80xi32, #tpu.memory_space<vmem>> -> memref<80xi32, #tpu.memory_space<vmem>>
    %dma_wait3A_224 = arith.constant 0 : i32
    %dma_wait3A_225 = arith.constant 0 : i32
    %dma_wait3A_226 = tpu.memref_slice %arg2[%dma_wait3A_224, %dma_wait3A_225] : memref<10000x128xf32, #tpu.memory_space<hbm>> -> memref<10000x128xf32, #tpu.memory_space<hbm>>
    tpu.wait_indirect_dma semaphore(%arg13 : memref<!tpu.dma_semaphore, #tpu.memory_space<semaphore_mem>>) src(%dma_wait3A_226 : memref<10000x128xf32, #tpu.memory_space<hbm>>) dst(%arg10 : memref<80x128xf32, #tpu.memory_space<vmem>>)
    %mul3A_227 = arith.constant 125 : i32
    %mul3A_228 = arith.muli %add3A, %mul3A_227 : i32
    %add3A_229 = arith.constant 120 : i32
    %add3A_230 = arith.addi %mul3A_228, %add3A_229 : i32
    %mul3A_231 = arith.constant 80 : i32
    %mul3A_232 = arith.muli %add3A_230, %mul3A_231 : i32
    %dma_wait3A_233 = arith.constant 0 : i32
    %dma_wait3A_234 = arith.constant 0 : i32
    %dma_wait3A_235 = tpu.memref_slice %arg9[%dma_wait3A_233, %dma_wait3A_234] : memref<6x80xi32, #tpu.memory_space<vmem>> -> memref<1x80xi32, #tpu.memory_space<vmem>>
    %dma_wait3A_236 = tpu.memref_squeeze %dma_wait3A_235 : memref<1x80xi32, #tpu.memory_space<vmem>> -> memref<80xi32, #tpu.memory_space<vmem>>
    %dma_wait3A_237 = tpu.memref_slice %arg4[%mul3A_232] : memref<320000xi32, #tpu.memory_space<hbm>> -> memref<80xi32, #tpu.memory_space<hbm>>
    %dma_wait3A_238 = arith.constant 0 : i32
    %dma_wait3A_239 = tpu.memref_slice %arg9[%dma_wait3A_233, %dma_wait3A_238] : memref<6x80xi32, #tpu.memory_space<vmem>> -> memref<1x80xi32, #tpu.memory_space<vmem>>
    %dma_wait3A_240 = tpu.memref_squeeze %dma_wait3A_239 : memref<1x80xi32, #tpu.memory_space<vmem>> -> memref<80xi32, #tpu.memory_space<vmem>>
    %dma_wait3A_241 = tpu.memref_slice %arg4[%mul3A_232] : memref<320000xi32, #tpu.memory_space<hbm>> -> memref<80xi32, #tpu.memory_space<hbm>>
    tpu.wait_dma2 semaphore(%arg22 : memref<!tpu.dma_semaphore, #tpu.memory_space<semaphore_mem>>) src(%dma_wait3A_241 : memref<80xi32, #tpu.memory_space<hbm>>) dst(%dma_wait3A_240 : memref<80xi32, #tpu.memory_space<vmem>>)
    %run_scoped3A = arith.constant 0 : i32
    "tpu.region"() ({
      %run_scoped3A_389 = tpu.sem_alloc : memref<!tpu.dma_semaphore, #tpu.memory_space<semaphore_mem>>
      %dma_start3A_390 = arith.constant 0 : i32
      %dma_start3A_391 = tpu.memref_slice %arg9[%run_scoped3A, %dma_start3A_390] : memref<6x80xi32, #tpu.memory_space<vmem>> -> memref<1x80xi32, #tpu.memory_space<vmem>>
      %dma_start3A_392 = tpu.memref_squeeze %dma_start3A_391 : memref<1x80xi32, #tpu.memory_space<vmem>> -> memref<80xi32, #tpu.memory_space<vmem>>
      %dma_start3A_393 = arith.constant 0 : i32
      %dma_start3A_394 = arith.constant 0 : i32
      %dma_start3A_395 = tpu.memref_slice %arg7[%dma_start3A_393, %dma_start3A_394] : memref<10000x128xf32, #tpu.memory_space<vmem_shared>> -> memref<10000x128xf32, #tpu.memory_space<vmem_shared>>
      tpu.enqueue_indirect_dma source(%arg10 : memref<80x128xf32, #tpu.memory_space<vmem>>) target(%dma_start3A_395 : memref<10000x128xf32, #tpu.memory_space<vmem_shared>>) offsets(%dma_start3A_392 : memref<80xi32, #tpu.memory_space<vmem>>) semaphore(%run_scoped3A_389 : memref<!tpu.dma_semaphore, #tpu.memory_space<semaphore_mem>>) {add = true}
      %dma_wait3A_396 = arith.constant 0 : i32
      %dma_wait3A_397 = tpu.memref_slice %arg9[%run_scoped3A, %dma_wait3A_396] : memref<6x80xi32, #tpu.memory_space<vmem>> -> memref<1x80xi32, #tpu.memory_space<vmem>>
      %dma_wait3A_398 = tpu.memref_squeeze %dma_wait3A_397 : memref<1x80xi32, #tpu.memory_space<vmem>> -> memref<80xi32, #tpu.memory_space<vmem>>
      %dma_wait3A_399 = arith.constant 0 : i32
      %dma_wait3A_400 = arith.constant 0 : i32
      %dma_wait3A_401 = tpu.memref_slice %arg7[%dma_wait3A_399, %dma_wait3A_400] : memref<10000x128xf32, #tpu.memory_space<vmem_shared>> -> memref<10000x128xf32, #tpu.memory_space<vmem_shared>>
      tpu.wait_indirect_dma semaphore(%run_scoped3A_389 : memref<!tpu.dma_semaphore, #tpu.memory_space<semaphore_mem>>) src(%arg10 : memref<80x128xf32, #tpu.memory_space<vmem>>) dst(%dma_wait3A_401 : memref<10000x128xf32, #tpu.memory_space<vmem_shared>>)
      tpu.yield
    }) : () -> ()
    %mul3A_242 = arith.constant 125 : i32
    %mul3A_243 = arith.muli %add3A, %mul3A_242 : i32
    %add3A_244 = arith.constant 123 : i32
    %add3A_245 = arith.addi %mul3A_243, %add3A_244 : i32
    %mul3A_246 = arith.constant 80 : i32
    %mul3A_247 = arith.muli %add3A_245, %mul3A_246 : i32
    %dma_wait3A_248 = arith.constant 3 : i32
    %dma_wait3A_249 = arith.constant 0 : i32
    %dma_wait3A_250 = tpu.memref_slice %arg8[%dma_wait3A_248, %dma_wait3A_249] : memref<6x80xi32, #tpu.memory_space<vmem>> -> memref<1x80xi32, #tpu.memory_space<vmem>>
    %dma_wait3A_251 = tpu.memref_squeeze %dma_wait3A_250 : memref<1x80xi32, #tpu.memory_space<vmem>> -> memref<80xi32, #tpu.memory_space<vmem>>
    %dma_wait3A_252 = tpu.memref_slice %arg3[%mul3A_247] : memref<320000xi32, #tpu.memory_space<hbm>> -> memref<80xi32, #tpu.memory_space<hbm>>
    %dma_wait3A_253 = arith.constant 0 : i32
    %dma_wait3A_254 = tpu.memref_slice %arg8[%dma_wait3A_248, %dma_wait3A_253] : memref<6x80xi32, #tpu.memory_space<vmem>> -> memref<1x80xi32, #tpu.memory_space<vmem>>
    %dma_wait3A_255 = tpu.memref_squeeze %dma_wait3A_254 : memref<1x80xi32, #tpu.memory_space<vmem>> -> memref<80xi32, #tpu.memory_space<vmem>>
    %dma_wait3A_256 = tpu.memref_slice %arg3[%mul3A_247] : memref<320000xi32, #tpu.memory_space<hbm>> -> memref<80xi32, #tpu.memory_space<hbm>>
    tpu.wait_dma2 semaphore(%arg19 : memref<!tpu.dma_semaphore, #tpu.memory_space<semaphore_mem>>) src(%dma_wait3A_256 : memref<80xi32, #tpu.memory_space<hbm>>) dst(%dma_wait3A_255 : memref<80xi32, #tpu.memory_space<vmem>>)
    %dma_start3A_257 = arith.constant 3 : i32
    %dma_start3A_258 = arith.constant 0 : i32
    %dma_start3A_259 = tpu.memref_slice %arg8[%dma_start3A_257, %dma_start3A_258] : memref<6x80xi32, #tpu.memory_space<vmem>> -> memref<1x80xi32, #tpu.memory_space<vmem>>
    %dma_start3A_260 = tpu.memref_squeeze %dma_start3A_259 : memref<1x80xi32, #tpu.memory_space<vmem>> -> memref<80xi32, #tpu.memory_space<vmem>>
    %dma_start3A_261 = arith.constant 0 : i32
    %dma_start3A_262 = arith.constant 0 : i32
    %dma_start3A_263 = tpu.memref_slice %arg2[%dma_start3A_261, %dma_start3A_262] : memref<10000x128xf32, #tpu.memory_space<hbm>> -> memref<10000x128xf32, #tpu.memory_space<hbm>>
    tpu.enqueue_indirect_dma source(%dma_start3A_263 : memref<10000x128xf32, #tpu.memory_space<hbm>>) target(%arg10 : memref<80x128xf32, #tpu.memory_space<vmem>>) offsets(%dma_start3A_260 : memref<80xi32, #tpu.memory_space<vmem>>) semaphore(%arg13 : memref<!tpu.dma_semaphore, #tpu.memory_space<semaphore_mem>>)
    %dma_wait3A_264 = arith.constant 1 : i32
    %dma_wait3A_265 = arith.constant 0 : i32
    %dma_wait3A_266 = tpu.memref_slice %arg8[%dma_wait3A_264, %dma_wait3A_265] : memref<6x80xi32, #tpu.memory_space<vmem>> -> memref<1x80xi32, #tpu.memory_space<vmem>>
    %dma_wait3A_267 = tpu.memref_squeeze %dma_wait3A_266 : memref<1x80xi32, #tpu.memory_space<vmem>> -> memref<80xi32, #tpu.memory_space<vmem>>
    %dma_wait3A_268 = arith.constant 0 : i32
    %dma_wait3A_269 = arith.constant 0 : i32
    %dma_wait3A_270 = tpu.memref_slice %arg2[%dma_wait3A_268, %dma_wait3A_269] : memref<10000x128xf32, #tpu.memory_space<hbm>> -> memref<10000x128xf32, #tpu.memory_space<hbm>>
    tpu.wait_indirect_dma semaphore(%arg14 : memref<!tpu.dma_semaphore, #tpu.memory_space<semaphore_mem>>) src(%dma_wait3A_270 : memref<10000x128xf32, #tpu.memory_space<hbm>>) dst(%arg11 : memref<80x128xf32, #tpu.memory_space<vmem>>)
    %mul3A_271 = arith.constant 125 : i32
    %mul3A_272 = arith.muli %add3A, %mul3A_271 : i32
    %add3A_273 = arith.constant 121 : i32
    %add3A_274 = arith.addi %mul3A_272, %add3A_273 : i32
    %mul3A_275 = arith.constant 80 : i32
    %mul3A_276 = arith.muli %add3A_274, %mul3A_275 : i32
    %dma_wait3A_277 = arith.constant 1 : i32
    %dma_wait3A_278 = arith.constant 0 : i32
    %dma_wait3A_279 = tpu.memref_slice %arg9[%dma_wait3A_277, %dma_wait3A_278] : memref<6x80xi32, #tpu.memory_space<vmem>> -> memref<1x80xi32, #tpu.memory_space<vmem>>
    %dma_wait3A_280 = tpu.memref_squeeze %dma_wait3A_279 : memref<1x80xi32, #tpu.memory_space<vmem>> -> memref<80xi32, #tpu.memory_space<vmem>>
    %dma_wait3A_281 = tpu.memref_slice %arg4[%mul3A_276] : memref<320000xi32, #tpu.memory_space<hbm>> -> memref<80xi32, #tpu.memory_space<hbm>>
    %dma_wait3A_282 = arith.constant 0 : i32
    %dma_wait3A_283 = tpu.memref_slice %arg9[%dma_wait3A_277, %dma_wait3A_282] : memref<6x80xi32, #tpu.memory_space<vmem>> -> memref<1x80xi32, #tpu.memory_space<vmem>>
    %dma_wait3A_284 = tpu.memref_squeeze %dma_wait3A_283 : memref<1x80xi32, #tpu.memory_space<vmem>> -> memref<80xi32, #tpu.memory_space<vmem>>
    %dma_wait3A_285 = tpu.memref_slice %arg4[%mul3A_276] : memref<320000xi32, #tpu.memory_space<hbm>> -> memref<80xi32, #tpu.memory_space<hbm>>
    tpu.wait_dma2 semaphore(%arg23 : memref<!tpu.dma_semaphore, #tpu.memory_space<semaphore_mem>>) src(%dma_wait3A_285 : memref<80xi32, #tpu.memory_space<hbm>>) dst(%dma_wait3A_284 : memref<80xi32, #tpu.memory_space<vmem>>)
    %run_scoped3A_286 = arith.constant 1 : i32
    "tpu.region"() ({
      %run_scoped3A_389 = tpu.sem_alloc : memref<!tpu.dma_semaphore, #tpu.memory_space<semaphore_mem>>
      %dma_start3A_390 = arith.constant 0 : i32
      %dma_start3A_391 = tpu.memref_slice %arg9[%run_scoped3A_286, %dma_start3A_390] : memref<6x80xi32, #tpu.memory_space<vmem>> -> memref<1x80xi32, #tpu.memory_space<vmem>>
      %dma_start3A_392 = tpu.memref_squeeze %dma_start3A_391 : memref<1x80xi32, #tpu.memory_space<vmem>> -> memref<80xi32, #tpu.memory_space<vmem>>
      %dma_start3A_393 = arith.constant 0 : i32
      %dma_start3A_394 = arith.constant 0 : i32
      %dma_start3A_395 = tpu.memref_slice %arg7[%dma_start3A_393, %dma_start3A_394] : memref<10000x128xf32, #tpu.memory_space<vmem_shared>> -> memref<10000x128xf32, #tpu.memory_space<vmem_shared>>
      tpu.enqueue_indirect_dma source(%arg11 : memref<80x128xf32, #tpu.memory_space<vmem>>) target(%dma_start3A_395 : memref<10000x128xf32, #tpu.memory_space<vmem_shared>>) offsets(%dma_start3A_392 : memref<80xi32, #tpu.memory_space<vmem>>) semaphore(%run_scoped3A_389 : memref<!tpu.dma_semaphore, #tpu.memory_space<semaphore_mem>>) {add = true}
      %dma_wait3A_396 = arith.constant 0 : i32
      %dma_wait3A_397 = tpu.memref_slice %arg9[%run_scoped3A_286, %dma_wait3A_396] : memref<6x80xi32, #tpu.memory_space<vmem>> -> memref<1x80xi32, #tpu.memory_space<vmem>>
      %dma_wait3A_398 = tpu.memref_squeeze %dma_wait3A_397 : memref<1x80xi32, #tpu.memory_space<vmem>> -> memref<80xi32, #tpu.memory_space<vmem>>
      %dma_wait3A_399 = arith.constant 0 : i32
      %dma_wait3A_400 = arith.constant 0 : i32
      %dma_wait3A_401 = tpu.memref_slice %arg7[%dma_wait3A_399, %dma_wait3A_400] : memref<10000x128xf32, #tpu.memory_space<vmem_shared>> -> memref<10000x128xf32, #tpu.memory_space<vmem_shared>>
      tpu.wait_indirect_dma semaphore(%run_scoped3A_389 : memref<!tpu.dma_semaphore, #tpu.memory_space<semaphore_mem>>) src(%arg11 : memref<80x128xf32, #tpu.memory_space<vmem>>) dst(%dma_wait3A_401 : memref<10000x128xf32, #tpu.memory_space<vmem_shared>>)
      tpu.yield
    }) : () -> ()
    %mul3A_287 = arith.constant 125 : i32
    %mul3A_288 = arith.muli %add3A, %mul3A_287 : i32
    %add3A_289 = arith.constant 124 : i32
    %add3A_290 = arith.addi %mul3A_288, %add3A_289 : i32
    %mul3A_291 = arith.constant 80 : i32
    %mul3A_292 = arith.muli %add3A_290, %mul3A_291 : i32
    %dma_wait3A_293 = arith.constant 4 : i32
    %dma_wait3A_294 = arith.constant 0 : i32
    %dma_wait3A_295 = tpu.memref_slice %arg8[%dma_wait3A_293, %dma_wait3A_294] : memref<6x80xi32, #tpu.memory_space<vmem>> -> memref<1x80xi32, #tpu.memory_space<vmem>>
    %dma_wait3A_296 = tpu.memref_squeeze %dma_wait3A_295 : memref<1x80xi32, #tpu.memory_space<vmem>> -> memref<80xi32, #tpu.memory_space<vmem>>
    %dma_wait3A_297 = tpu.memref_slice %arg3[%mul3A_292] : memref<320000xi32, #tpu.memory_space<hbm>> -> memref<80xi32, #tpu.memory_space<hbm>>
    %dma_wait3A_298 = arith.constant 0 : i32
    %dma_wait3A_299 = tpu.memref_slice %arg8[%dma_wait3A_293, %dma_wait3A_298] : memref<6x80xi32, #tpu.memory_space<vmem>> -> memref<1x80xi32, #tpu.memory_space<vmem>>
    %dma_wait3A_300 = tpu.memref_squeeze %dma_wait3A_299 : memref<1x80xi32, #tpu.memory_space<vmem>> -> memref<80xi32, #tpu.memory_space<vmem>>
    %dma_wait3A_301 = tpu.memref_slice %arg3[%mul3A_292] : memref<320000xi32, #tpu.memory_space<hbm>> -> memref<80xi32, #tpu.memory_space<hbm>>
    tpu.wait_dma2 semaphore(%arg20 : memref<!tpu.dma_semaphore, #tpu.memory_space<semaphore_mem>>) src(%dma_wait3A_301 : memref<80xi32, #tpu.memory_space<hbm>>) dst(%dma_wait3A_300 : memref<80xi32, #tpu.memory_space<vmem>>)
    %dma_start3A_302 = arith.constant 4 : i32
    %dma_start3A_303 = arith.constant 0 : i32
    %dma_start3A_304 = tpu.memref_slice %arg8[%dma_start3A_302, %dma_start3A_303] : memref<6x80xi32, #tpu.memory_space<vmem>> -> memref<1x80xi32, #tpu.memory_space<vmem>>
    %dma_start3A_305 = tpu.memref_squeeze %dma_start3A_304 : memref<1x80xi32, #tpu.memory_space<vmem>> -> memref<80xi32, #tpu.memory_space<vmem>>
    %dma_start3A_306 = arith.constant 0 : i32
    %dma_start3A_307 = arith.constant 0 : i32
    %dma_start3A_308 = tpu.memref_slice %arg2[%dma_start3A_306, %dma_start3A_307] : memref<10000x128xf32, #tpu.memory_space<hbm>> -> memref<10000x128xf32, #tpu.memory_space<hbm>>
    tpu.enqueue_indirect_dma source(%dma_start3A_308 : memref<10000x128xf32, #tpu.memory_space<hbm>>) target(%arg11 : memref<80x128xf32, #tpu.memory_space<vmem>>) offsets(%dma_start3A_305 : memref<80xi32, #tpu.memory_space<vmem>>) semaphore(%arg14 : memref<!tpu.dma_semaphore, #tpu.memory_space<semaphore_mem>>)
    %dma_wait3A_309 = arith.constant 2 : i32
    %dma_wait3A_310 = arith.constant 0 : i32
    %dma_wait3A_311 = tpu.memref_slice %arg8[%dma_wait3A_309, %dma_wait3A_310] : memref<6x80xi32, #tpu.memory_space<vmem>> -> memref<1x80xi32, #tpu.memory_space<vmem>>
    %dma_wait3A_312 = tpu.memref_squeeze %dma_wait3A_311 : memref<1x80xi32, #tpu.memory_space<vmem>> -> memref<80xi32, #tpu.memory_space<vmem>>
    %dma_wait3A_313 = arith.constant 0 : i32
    %dma_wait3A_314 = arith.constant 0 : i32
    %dma_wait3A_315 = tpu.memref_slice %arg2[%dma_wait3A_313, %dma_wait3A_314] : memref<10000x128xf32, #tpu.memory_space<hbm>> -> memref<10000x128xf32, #tpu.memory_space<hbm>>
    tpu.wait_indirect_dma semaphore(%arg15 : memref<!tpu.dma_semaphore, #tpu.memory_space<semaphore_mem>>) src(%dma_wait3A_315 : memref<10000x128xf32, #tpu.memory_space<hbm>>) dst(%arg12 : memref<80x128xf32, #tpu.memory_space<vmem>>)
    %mul3A_316 = arith.constant 125 : i32
    %mul3A_317 = arith.muli %add3A, %mul3A_316 : i32
    %add3A_318 = arith.constant 122 : i32
    %add3A_319 = arith.addi %mul3A_317, %add3A_318 : i32
    %mul3A_320 = arith.constant 80 : i32
    %mul3A_321 = arith.muli %add3A_319, %mul3A_320 : i32
    %dma_wait3A_322 = arith.constant 2 : i32
    %dma_wait3A_323 = arith.constant 0 : i32
    %dma_wait3A_324 = tpu.memref_slice %arg9[%dma_wait3A_322, %dma_wait3A_323] : memref<6x80xi32, #tpu.memory_space<vmem>> -> memref<1x80xi32, #tpu.memory_space<vmem>>
    %dma_wait3A_325 = tpu.memref_squeeze %dma_wait3A_324 : memref<1x80xi32, #tpu.memory_space<vmem>> -> memref<80xi32, #tpu.memory_space<vmem>>
    %dma_wait3A_326 = tpu.memref_slice %arg4[%mul3A_321] : memref<320000xi32, #tpu.memory_space<hbm>> -> memref<80xi32, #tpu.memory_space<hbm>>
    %dma_wait3A_327 = arith.constant 0 : i32
    %dma_wait3A_328 = tpu.memref_slice %arg9[%dma_wait3A_322, %dma_wait3A_327] : memref<6x80xi32, #tpu.memory_space<vmem>> -> memref<1x80xi32, #tpu.memory_space<vmem>>
    %dma_wait3A_329 = tpu.memref_squeeze %dma_wait3A_328 : memref<1x80xi32, #tpu.memory_space<vmem>> -> memref<80xi32, #tpu.memory_space<vmem>>
    %dma_wait3A_330 = tpu.memref_slice %arg4[%mul3A_321] : memref<320000xi32, #tpu.memory_space<hbm>> -> memref<80xi32, #tpu.memory_space<hbm>>
    tpu.wait_dma2 semaphore(%arg24 : memref<!tpu.dma_semaphore, #tpu.memory_space<semaphore_mem>>) src(%dma_wait3A_330 : memref<80xi32, #tpu.memory_space<hbm>>) dst(%dma_wait3A_329 : memref<80xi32, #tpu.memory_space<vmem>>)
    %run_scoped3A_331 = arith.constant 2 : i32
    "tpu.region"() ({
      %run_scoped3A_389 = tpu.sem_alloc : memref<!tpu.dma_semaphore, #tpu.memory_space<semaphore_mem>>
      %dma_start3A_390 = arith.constant 0 : i32
      %dma_start3A_391 = tpu.memref_slice %arg9[%run_scoped3A_331, %dma_start3A_390] : memref<6x80xi32, #tpu.memory_space<vmem>> -> memref<1x80xi32, #tpu.memory_space<vmem>>
      %dma_start3A_392 = tpu.memref_squeeze %dma_start3A_391 : memref<1x80xi32, #tpu.memory_space<vmem>> -> memref<80xi32, #tpu.memory_space<vmem>>
      %dma_start3A_393 = arith.constant 0 : i32
      %dma_start3A_394 = arith.constant 0 : i32
      %dma_start3A_395 = tpu.memref_slice %arg7[%dma_start3A_393, %dma_start3A_394] : memref<10000x128xf32, #tpu.memory_space<vmem_shared>> -> memref<10000x128xf32, #tpu.memory_space<vmem_shared>>
      tpu.enqueue_indirect_dma source(%arg12 : memref<80x128xf32, #tpu.memory_space<vmem>>) target(%dma_start3A_395 : memref<10000x128xf32, #tpu.memory_space<vmem_shared>>) offsets(%dma_start3A_392 : memref<80xi32, #tpu.memory_space<vmem>>) semaphore(%run_scoped3A_389 : memref<!tpu.dma_semaphore, #tpu.memory_space<semaphore_mem>>) {add = true}
      %dma_wait3A_396 = arith.constant 0 : i32
      %dma_wait3A_397 = tpu.memref_slice %arg9[%run_scoped3A_331, %dma_wait3A_396] : memref<6x80xi32, #tpu.memory_space<vmem>> -> memref<1x80xi32, #tpu.memory_space<vmem>>
      %dma_wait3A_398 = tpu.memref_squeeze %dma_wait3A_397 : memref<1x80xi32, #tpu.memory_space<vmem>> -> memref<80xi32, #tpu.memory_space<vmem>>
      %dma_wait3A_399 = arith.constant 0 : i32
      %dma_wait3A_400 = arith.constant 0 : i32
      %dma_wait3A_401 = tpu.memref_slice %arg7[%dma_wait3A_399, %dma_wait3A_400] : memref<10000x128xf32, #tpu.memory_space<vmem_shared>> -> memref<10000x128xf32, #tpu.memory_space<vmem_shared>>
      tpu.wait_indirect_dma semaphore(%run_scoped3A_389 : memref<!tpu.dma_semaphore, #tpu.memory_space<semaphore_mem>>) src(%arg12 : memref<80x128xf32, #tpu.memory_space<vmem>>) dst(%dma_wait3A_401 : memref<10000x128xf32, #tpu.memory_space<vmem_shared>>)
      tpu.yield
    }) : () -> ()
    %dma_wait3A_332 = arith.constant 3 : i32
    %dma_wait3A_333 = arith.constant 0 : i32
    %dma_wait3A_334 = tpu.memref_slice %arg8[%dma_wait3A_332, %dma_wait3A_333] : memref<6x80xi32, #tpu.memory_space<vmem>> -> memref<1x80xi32, #tpu.memory_space<vmem>>
    %dma_wait3A_335 = tpu.memref_squeeze %dma_wait3A_334 : memref<1x80xi32, #tpu.memory_space<vmem>> -> memref<80xi32, #tpu.memory_space<vmem>>
    %dma_wait3A_336 = arith.constant 0 : i32
    %dma_wait3A_337 = arith.constant 0 : i32
    %dma_wait3A_338 = tpu.memref_slice %arg2[%dma_wait3A_336, %dma_wait3A_337] : memref<10000x128xf32, #tpu.memory_space<hbm>> -> memref<10000x128xf32, #tpu.memory_space<hbm>>
    tpu.wait_indirect_dma semaphore(%arg13 : memref<!tpu.dma_semaphore, #tpu.memory_space<semaphore_mem>>) src(%dma_wait3A_338 : memref<10000x128xf32, #tpu.memory_space<hbm>>) dst(%arg10 : memref<80x128xf32, #tpu.memory_space<vmem>>)
    %mul3A_339 = arith.constant 125 : i32
    %mul3A_340 = arith.muli %add3A, %mul3A_339 : i32
    %add3A_341 = arith.constant 123 : i32
    %add3A_342 = arith.addi %mul3A_340, %add3A_341 : i32
    %mul3A_343 = arith.constant 80 : i32
    %mul3A_344 = arith.muli %add3A_342, %mul3A_343 : i32
    %dma_wait3A_345 = arith.constant 3 : i32
    %dma_wait3A_346 = arith.constant 0 : i32
    %dma_wait3A_347 = tpu.memref_slice %arg9[%dma_wait3A_345, %dma_wait3A_346] : memref<6x80xi32, #tpu.memory_space<vmem>> -> memref<1x80xi32, #tpu.memory_space<vmem>>
    %dma_wait3A_348 = tpu.memref_squeeze %dma_wait3A_347 : memref<1x80xi32, #tpu.memory_space<vmem>> -> memref<80xi32, #tpu.memory_space<vmem>>
    %dma_wait3A_349 = tpu.memref_slice %arg4[%mul3A_344] : memref<320000xi32, #tpu.memory_space<hbm>> -> memref<80xi32, #tpu.memory_space<hbm>>
    %dma_wait3A_350 = arith.constant 0 : i32
    %dma_wait3A_351 = tpu.memref_slice %arg9[%dma_wait3A_345, %dma_wait3A_350] : memref<6x80xi32, #tpu.memory_space<vmem>> -> memref<1x80xi32, #tpu.memory_space<vmem>>
    %dma_wait3A_352 = tpu.memref_squeeze %dma_wait3A_351 : memref<1x80xi32, #tpu.memory_space<vmem>> -> memref<80xi32, #tpu.memory_space<vmem>>
    %dma_wait3A_353 = tpu.memref_slice %arg4[%mul3A_344] : memref<320000xi32, #tpu.memory_space<hbm>> -> memref<80xi32, #tpu.memory_space<hbm>>
    tpu.wait_dma2 semaphore(%arg25 : memref<!tpu.dma_semaphore, #tpu.memory_space<semaphore_mem>>) src(%dma_wait3A_353 : memref<80xi32, #tpu.memory_space<hbm>>) dst(%dma_wait3A_352 : memref<80xi32, #tpu.memory_space<vmem>>)
    %run_scoped3A_354 = arith.constant 3 : i32
    "tpu.region"() ({
      %run_scoped3A_389 = tpu.sem_alloc : memref<!tpu.dma_semaphore, #tpu.memory_space<semaphore_mem>>
      %dma_start3A_390 = arith.constant 0 : i32
      %dma_start3A_391 = tpu.memref_slice %arg9[%run_scoped3A_354, %dma_start3A_390] : memref<6x80xi32, #tpu.memory_space<vmem>> -> memref<1x80xi32, #tpu.memory_space<vmem>>
      %dma_start3A_392 = tpu.memref_squeeze %dma_start3A_391 : memref<1x80xi32, #tpu.memory_space<vmem>> -> memref<80xi32, #tpu.memory_space<vmem>>
      %dma_start3A_393 = arith.constant 0 : i32
      %dma_start3A_394 = arith.constant 0 : i32
      %dma_start3A_395 = tpu.memref_slice %arg7[%dma_start3A_393, %dma_start3A_394] : memref<10000x128xf32, #tpu.memory_space<vmem_shared>> -> memref<10000x128xf32, #tpu.memory_space<vmem_shared>>
      tpu.enqueue_indirect_dma source(%arg10 : memref<80x128xf32, #tpu.memory_space<vmem>>) target(%dma_start3A_395 : memref<10000x128xf32, #tpu.memory_space<vmem_shared>>) offsets(%dma_start3A_392 : memref<80xi32, #tpu.memory_space<vmem>>) semaphore(%run_scoped3A_389 : memref<!tpu.dma_semaphore, #tpu.memory_space<semaphore_mem>>) {add = true}
      %dma_wait3A_396 = arith.constant 0 : i32
      %dma_wait3A_397 = tpu.memref_slice %arg9[%run_scoped3A_354, %dma_wait3A_396] : memref<6x80xi32, #tpu.memory_space<vmem>> -> memref<1x80xi32, #tpu.memory_space<vmem>>
      %dma_wait3A_398 = tpu.memref_squeeze %dma_wait3A_397 : memref<1x80xi32, #tpu.memory_space<vmem>> -> memref<80xi32, #tpu.memory_space<vmem>>
      %dma_wait3A_399 = arith.constant 0 : i32
      %dma_wait3A_400 = arith.constant 0 : i32
      %dma_wait3A_401 = tpu.memref_slice %arg7[%dma_wait3A_399, %dma_wait3A_400] : memref<10000x128xf32, #tpu.memory_space<vmem_shared>> -> memref<10000x128xf32, #tpu.memory_space<vmem_shared>>
      tpu.wait_indirect_dma semaphore(%run_scoped3A_389 : memref<!tpu.dma_semaphore, #tpu.memory_space<semaphore_mem>>) src(%arg10 : memref<80x128xf32, #tpu.memory_space<vmem>>) dst(%dma_wait3A_401 : memref<10000x128xf32, #tpu.memory_space<vmem_shared>>)
      tpu.yield
    }) : () -> ()
    %dma_wait3A_355 = arith.constant 4 : i32
    %dma_wait3A_356 = arith.constant 0 : i32
    %dma_wait3A_357 = tpu.memref_slice %arg8[%dma_wait3A_355, %dma_wait3A_356] : memref<6x80xi32, #tpu.memory_space<vmem>> -> memref<1x80xi32, #tpu.memory_space<vmem>>
    %dma_wait3A_358 = tpu.memref_squeeze %dma_wait3A_357 : memref<1x80xi32, #tpu.memory_space<vmem>> -> memref<80xi32, #tpu.memory_space<vmem>>
    %dma_wait3A_359 = arith.constant 0 : i32
    %dma_wait3A_360 = arith.constant 0 : i32
    %dma_wait3A_361 = tpu.memref_slice %arg2[%dma_wait3A_359, %dma_wait3A_360] : memref<10000x128xf32, #tpu.memory_space<hbm>> -> memref<10000x128xf32, #tpu.memory_space<hbm>>
    tpu.wait_indirect_dma semaphore(%arg14 : memref<!tpu.dma_semaphore, #tpu.memory_space<semaphore_mem>>) src(%dma_wait3A_361 : memref<10000x128xf32, #tpu.memory_space<hbm>>) dst(%arg11 : memref<80x128xf32, #tpu.memory_space<vmem>>)
    %mul3A_362 = arith.constant 125 : i32
    %mul3A_363 = arith.muli %add3A, %mul3A_362 : i32
    %add3A_364 = arith.constant 124 : i32
    %add3A_365 = arith.addi %mul3A_363, %add3A_364 : i32
    %mul3A_366 = arith.constant 80 : i32
    %mul3A_367 = arith.muli %add3A_365, %mul3A_366 : i32
    %dma_wait3A_368 = arith.constant 4 : i32
    %dma_wait3A_369 = arith.constant 0 : i32
    %dma_wait3A_370 = tpu.memref_slice %arg9[%dma_wait3A_368, %dma_wait3A_369] : memref<6x80xi32, #tpu.memory_space<vmem>> -> memref<1x80xi32, #tpu.memory_space<vmem>>
    %dma_wait3A_371 = tpu.memref_squeeze %dma_wait3A_370 : memref<1x80xi32, #tpu.memory_space<vmem>> -> memref<80xi32, #tpu.memory_space<vmem>>
    %dma_wait3A_372 = tpu.memref_slice %arg4[%mul3A_367] : memref<320000xi32, #tpu.memory_space<hbm>> -> memref<80xi32, #tpu.memory_space<hbm>>
    %dma_wait3A_373 = arith.constant 0 : i32
    %dma_wait3A_374 = tpu.memref_slice %arg9[%dma_wait3A_368, %dma_wait3A_373] : memref<6x80xi32, #tpu.memory_space<vmem>> -> memref<1x80xi32, #tpu.memory_space<vmem>>
    %dma_wait3A_375 = tpu.memref_squeeze %dma_wait3A_374 : memref<1x80xi32, #tpu.memory_space<vmem>> -> memref<80xi32, #tpu.memory_space<vmem>>
    %dma_wait3A_376 = tpu.memref_slice %arg4[%mul3A_367] : memref<320000xi32, #tpu.memory_space<hbm>> -> memref<80xi32, #tpu.memory_space<hbm>>
    tpu.wait_dma2 semaphore(%arg26 : memref<!tpu.dma_semaphore, #tpu.memory_space<semaphore_mem>>) src(%dma_wait3A_376 : memref<80xi32, #tpu.memory_space<hbm>>) dst(%dma_wait3A_375 : memref<80xi32, #tpu.memory_space<vmem>>)
    %run_scoped3A_377 = arith.constant 4 : i32
    "tpu.region"() ({
      %run_scoped3A_389 = tpu.sem_alloc : memref<!tpu.dma_semaphore, #tpu.memory_space<semaphore_mem>>
      %dma_start3A_390 = arith.constant 0 : i32
      %dma_start3A_391 = tpu.memref_slice %arg9[%run_scoped3A_377, %dma_start3A_390] : memref<6x80xi32, #tpu.memory_space<vmem>> -> memref<1x80xi32, #tpu.memory_space<vmem>>
      %dma_start3A_392 = tpu.memref_squeeze %dma_start3A_391 : memref<1x80xi32, #tpu.memory_space<vmem>> -> memref<80xi32, #tpu.memory_space<vmem>>
      %dma_start3A_393 = arith.constant 0 : i32
      %dma_start3A_394 = arith.constant 0 : i32
      %dma_start3A_395 = tpu.memref_slice %arg7[%dma_start3A_393, %dma_start3A_394] : memref<10000x128xf32, #tpu.memory_space<vmem_shared>> -> memref<10000x128xf32, #tpu.memory_space<vmem_shared>>
      tpu.enqueue_indirect_dma source(%arg11 : memref<80x128xf32, #tpu.memory_space<vmem>>) target(%dma_start3A_395 : memref<10000x128xf32, #tpu.memory_space<vmem_shared>>) offsets(%dma_start3A_392 : memref<80xi32, #tpu.memory_space<vmem>>) semaphore(%run_scoped3A_389 : memref<!tpu.dma_semaphore, #tpu.memory_space<semaphore_mem>>) {add = true}
      %dma_wait3A_396 = arith.constant 0 : i32
      %dma_wait3A_397 = tpu.memref_slice %arg9[%run_scoped3A_377, %dma_wait3A_396] : memref<6x80xi32, #tpu.memory_space<vmem>> -> memref<1x80xi32, #tpu.memory_space<vmem>>
      %dma_wait3A_398 = tpu.memref_squeeze %dma_wait3A_397 : memref<1x80xi32, #tpu.memory_space<vmem>> -> memref<80xi32, #tpu.memory_space<vmem>>
      %dma_wait3A_399 = arith.constant 0 : i32
      %dma_wait3A_400 = arith.constant 0 : i32
      %dma_wait3A_401 = tpu.memref_slice %arg7[%dma_wait3A_399, %dma_wait3A_400] : memref<10000x128xf32, #tpu.memory_space<vmem_shared>> -> memref<10000x128xf32, #tpu.memory_space<vmem_shared>>
      tpu.wait_indirect_dma semaphore(%run_scoped3A_389 : memref<!tpu.dma_semaphore, #tpu.memory_space<semaphore_mem>>) src(%arg11 : memref<80x128xf32, #tpu.memory_space<vmem>>) dst(%dma_wait3A_401 : memref<10000x128xf32, #tpu.memory_space<vmem_shared>>)
      tpu.yield
    }) : () -> ()
    %barrier3A_378 = arith.constant 0 : index
    tpu.barrier barrier_id(%barrier3A_378)
    %lt3A_379 = arith.constant 15 : i32
    %lt3A_380 = arith.cmpi slt, %arg1, %lt3A_379 : i32
    %convert_element_type3A_381 = arith.extui %lt3A_380 : i1 to i32
    %cond3A_382 = arith.constant 0 : i32
    %cond3A_383 = arith.cmpi ne, %convert_element_type3A_381, %cond3A_382 : i32
    scf.if %cond3A_383 {
      %mul3A_389 = arith.constant 624 : i32
      %mul3A_390 = arith.muli %arg1, %mul3A_389 : i32
      %mul3A_391 = arith.constant 624 : i32
      %mul3A_392 = arith.muli %arg1, %mul3A_391 : i32
      "tpu.region"() ({
        %run_scoped3A_393 = tpu.sem_alloc : memref<!tpu.dma_semaphore, #tpu.memory_space<semaphore_mem>>
        %dma_start3A_394 = arith.constant 0 : i32
        %dma_start3A_395 = tpu.memref_slice %arg6[%arg0, %mul3A_392, %dma_start3A_394] : memref<2x10000x128xf32, #tpu.memory_space<hbm>> -> memref<1x624x128xf32, #tpu.memory_space<hbm>>
        %dma_start3A_396 = tpu.memref_squeeze %dma_start3A_395 : memref<1x624x128xf32, #tpu.memory_space<hbm>> -> memref<624x128xf32, #tpu.memory_space<hbm>>
        %dma_start3A_397 = arith.constant 0 : i32
        %dma_start3A_398 = tpu.memref_slice %arg7[%mul3A_390, %dma_start3A_397] : memref<10000x128xf32, #tpu.memory_space<vmem_shared>> -> memref<624x128xf32, #tpu.memory_space<vmem_shared>>
        tpu.enqueue_dma source(%dma_start3A_398 : memref<624x128xf32, #tpu.memory_space<vmem_shared>>) target(%dma_start3A_396 : memref<624x128xf32, #tpu.memory_space<hbm>>) target_semaphore(%run_scoped3A_393 : memref<!tpu.dma_semaphore, #tpu.memory_space<semaphore_mem>>)
        %dma_wait3A_399 = arith.constant 0 : i32
        %dma_wait3A_400 = tpu.memref_slice %arg6[%arg0, %mul3A_392, %dma_wait3A_399] : memref<2x10000x128xf32, #tpu.memory_space<hbm>> -> memref<1x624x128xf32, #tpu.memory_space<hbm>>
        %dma_wait3A_401 = tpu.memref_squeeze %dma_wait3A_400 : memref<1x624x128xf32, #tpu.memory_space<hbm>> -> memref<624x128xf32, #tpu.memory_space<hbm>>
        %dma_wait3A_402 = arith.constant 0 : i32
        %dma_wait3A_403 = tpu.memref_slice %arg7[%mul3A_390, %dma_wait3A_402] : memref<10000x128xf32, #tpu.memory_space<vmem_shared>> -> memref<624x128xf32, #tpu.memory_space<vmem_shared>>
        tpu.wait_dma2 semaphore(%run_scoped3A_393 : memref<!tpu.dma_semaphore, #tpu.memory_space<semaphore_mem>>) src(%dma_wait3A_403 : memref<624x128xf32, #tpu.memory_space<vmem_shared>>) dst(%dma_wait3A_401 : memref<624x128xf32, #tpu.memory_space<hbm>>)
        tpu.yield
      }) : () -> ()
    } else {
    }
    %eq3A_384 = arith.constant 15 : i32
    %eq3A_385 = arith.cmpi eq, %arg1, %eq3A_384 : i32
    %convert_element_type3A_386 = arith.extui %eq3A_385 : i1 to i32
    %cond3A_387 = arith.constant 0 : i32
    %cond3A_388 = arith.cmpi ne, %convert_element_type3A_386, %cond3A_387 : i32
    scf.if %cond3A_388 {
      "tpu.region"() ({
        %run_scoped3A_389 = tpu.sem_alloc : memref<!tpu.dma_semaphore, #tpu.memory_space<semaphore_mem>>
        %dma_start3A_390 = arith.constant 9360 : i32
        %dma_start3A_391 = arith.constant 0 : i32
        %dma_start3A_392 = tpu.memref_slice %arg6[%arg0, %dma_start3A_390, %dma_start3A_391] : memref<2x10000x128xf32, #tpu.memory_space<hbm>> -> memref<1x640x128xf32, #tpu.memory_space<hbm>>
        %dma_start3A_393 = tpu.memref_squeeze %dma_start3A_392 : memref<1x640x128xf32, #tpu.memory_space<hbm>> -> memref<640x128xf32, #tpu.memory_space<hbm>>
        %dma_start3A_394 = arith.constant 9360 : i32
        %dma_start3A_395 = arith.constant 0 : i32
        %dma_start3A_396 = tpu.memref_slice %arg7[%dma_start3A_394, %dma_start3A_395] : memref<10000x128xf32, #tpu.memory_space<vmem_shared>> -> memref<640x128xf32, #tpu.memory_space<vmem_shared>>
        tpu.enqueue_dma source(%dma_start3A_396 : memref<640x128xf32, #tpu.memory_space<vmem_shared>>) target(%dma_start3A_393 : memref<640x128xf32, #tpu.memory_space<hbm>>) target_semaphore(%run_scoped3A_389 : memref<!tpu.dma_semaphore, #tpu.memory_space<semaphore_mem>>)
        %dma_wait3A_397 = arith.constant 9360 : i32
        %dma_wait3A_398 = arith.constant 0 : i32
        %dma_wait3A_399 = tpu.memref_slice %arg6[%arg0, %dma_wait3A_397, %dma_wait3A_398] : memref<2x10000x128xf32, #tpu.memory_space<hbm>> -> memref<1x640x128xf32, #tpu.memory_space<hbm>>
        %dma_wait3A_400 = tpu.memref_squeeze %dma_wait3A_399 : memref<1x640x128xf32, #tpu.memory_space<hbm>> -> memref<640x128xf32, #tpu.memory_space<hbm>>
        %dma_wait3A_401 = arith.constant 9360 : i32
        %dma_wait3A_402 = arith.constant 0 : i32
        %dma_wait3A_403 = tpu.memref_slice %arg7[%dma_wait3A_401, %dma_wait3A_402] : memref<10000x128xf32, #tpu.memory_space<vmem_shared>> -> memref<640x128xf32, #tpu.memory_space<vmem_shared>>
        tpu.wait_dma2 semaphore(%run_scoped3A_389 : memref<!tpu.dma_semaphore, #tpu.memory_space<semaphore_mem>>) src(%dma_wait3A_403 : memref<640x128xf32, #tpu.memory_space<vmem_shared>>) dst(%dma_wait3A_400 : memref<640x128xf32, #tpu.memory_space<hbm>>)
        tpu.yield
      }) : () -> ()
    } else {
    }
    return
  }
}

#map = affine_map<(d0, d1) -> (0, 0)>
#map1 = affine_map<(d0, d1) -> (0)>
#map2 = affine_map<(d0, d1) -> (0, 0, 0)>
module attributes {stable_mosaic.version = 14 : i64} {
  func.func @_segment_sum_sc(%arg0: i32, %arg1: i32, %arg2: memref<10000x128xf32, #tpu.memory_space<hbm>>, %arg3: memref<320000xi32, #tpu.memory_space<hbm>>, %arg4: memref<320000xi32, #tpu.memory_space<hbm>>, %arg5: memref<640x128xf32, #tpu.memory_space<hbm>>, %arg6: memref<2x10000x128xf32, #tpu.memory_space<hbm>>, %arg7: memref<10000x128xf32, #tpu.memory_space<vmem_shared>>, %arg8: memref<6x80xi32, #tpu.memory_space<vmem>>, %arg9: memref<6x80xi32, #tpu.memory_space<vmem>>, %arg10: memref<80x128xf32, #tpu.memory_space<vmem>>, %arg11: memref<80x128xf32, #tpu.memory_space<vmem>>, %arg12: memref<80x128xf32, #tpu.memory_space<vmem>>, %arg13: memref<!tpu.dma_semaphore, #tpu.memory_space<semaphore_mem>>, %arg14: memref<!tpu.dma_semaphore, #tpu.memory_space<semaphore_mem>>, %arg15: memref<!tpu.dma_semaphore, #tpu.memory_space<semaphore_mem>>, %arg16: memref<!tpu.dma_semaphore, #tpu.memory_space<semaphore_mem>>, %arg17: memref<!tpu.dma_semaphore, #tpu.memory_space<semaphore_mem>>, %arg18: memref<!tpu.dma_semaphore, #tpu.memory_space<semaphore_mem>>, %arg19: memref<!tpu.dma_semaphore, #tpu.memory_space<semaphore_mem>>, %arg20: memref<!tpu.dma_semaphore, #tpu.memory_space<semaphore_mem>>, %arg21: memref<!tpu.dma_semaphore, #tpu.memory_space<semaphore_mem>>, %arg22: memref<!tpu.dma_semaphore, #tpu.memory_space<semaphore_mem>>, %arg23: memref<!tpu.dma_semaphore, #tpu.memory_space<semaphore_mem>>, %arg24: memref<!tpu.dma_semaphore, #tpu.memory_space<semaphore_mem>>, %arg25: memref<!tpu.dma_semaphore, #tpu.memory_space<semaphore_mem>>, %arg26: memref<!tpu.dma_semaphore, #tpu.memory_space<semaphore_mem>>, %arg27: memref<!tpu.dma_semaphore, #tpu.memory_space<semaphore_mem>>) attributes {dimension_semantics = [#tpu.dimension_semantics<core_parallel>, #tpu.dimension_semantics<subcore_parallel>], iteration_bounds = array<i64: 2, 16>, scalar_prefetch = 0 : i64, scratch_operands = 21 : i64, tpu.core_type = #tpu.core_type<sc_vector_subcore>, window_params = [{transform_indices = #map}, {transform_indices = #map1}, {transform_indices = #map1}, {transform_indices = #map}, {transform_indices = #map2}]} {
    %mul3A = arith.constant 16 : i32
    %mul3A_0 = arith.muli %arg0, %mul3A : i32
    %add3A = arith.addi %mul3A_0, %arg1 : i32
    %mul3A_1 = arith.constant 125 : i32
    %mul3A_2 = arith.muli %add3A, %mul3A_1 : i32
    %add3A_3 = arith.constant 0 : i32
    %add3A_4 = arith.addi %mul3A_2, %add3A_3 : i32
    %mul3A_5 = arith.constant 80 : i32
    %mul3A_6 = arith.muli %add3A_4, %mul3A_5 : i32
    %dma_start3A = arith.constant 0 : i32
    %dma_start3A_7 = arith.constant 0 : i32
    %dma_start3A_8 = tpu.memref_slice %arg8[%dma_start3A, %dma_start3A_7] : memref<6x80xi32, #tpu.memory_space<vmem>> -> memref<1x80xi32, #tpu.memory_space<vmem>>
    %dma_start3A_9 = tpu.memref_squeeze %dma_start3A_8 : memref<1x80xi32, #tpu.memory_space<vmem>> -> memref<80xi32, #tpu.memory_space<vmem>>
    %dma_start3A_10 = tpu.memref_slice %arg3[%mul3A_6] : memref<320000xi32, #tpu.memory_space<hbm>> -> memref<80xi32, #tpu.memory_space<hbm>>
    %dma_start3A_11 = arith.constant 0 : i32
    %dma_start3A_12 = tpu.memref_slice %arg8[%dma_start3A, %dma_start3A_11] : memref<6x80xi32, #tpu.memory_space<vmem>> -> memref<1x80xi32, #tpu.memory_space<vmem>>
    %dma_start3A_13 = tpu.memref_squeeze %dma_start3A_12 : memref<1x80xi32, #tpu.memory_space<vmem>> -> memref<80xi32, #tpu.memory_space<vmem>>
    %dma_start3A_14 = tpu.memref_slice %arg3[%mul3A_6] : memref<320000xi32, #tpu.memory_space<hbm>> -> memref<80xi32, #tpu.memory_space<hbm>>
    tpu.enqueue_dma source(%dma_start3A_14 : memref<80xi32, #tpu.memory_space<hbm>>) target(%dma_start3A_13 : memref<80xi32, #tpu.memory_space<vmem>>) target_semaphore(%arg16 : memref<!tpu.dma_semaphore, #tpu.memory_space<semaphore_mem>>)
    %dma_start3A_15 = arith.constant 0 : i32
    %dma_start3A_16 = arith.constant 0 : i32
    %dma_start3A_17 = tpu.memref_slice %arg9[%dma_start3A_15, %dma_start3A_16] : memref<6x80xi32, #tpu.memory_space<vmem>> -> memref<1x80xi32, #tpu.memory_space<vmem>>
    %dma_start3A_18 = tpu.memref_squeeze %dma_start3A_17 : memref<1x80xi32, #tpu.memory_space<vmem>> -> memref<80xi32, #tpu.memory_space<vmem>>
    %dma_start3A_19 = tpu.memref_slice %arg4[%mul3A_6] : memref<320000xi32, #tpu.memory_space<hbm>> -> memref<80xi32, #tpu.memory_space<hbm>>
    %dma_start3A_20 = arith.constant 0 : i32
    %dma_start3A_21 = tpu.memref_slice %arg9[%dma_start3A_15, %dma_start3A_20] : memref<6x80xi32, #tpu.memory_space<vmem>> -> memref<1x80xi32, #tpu.memory_space<vmem>>
    %dma_start3A_22 = tpu.memref_squeeze %dma_start3A_21 : memref<1x80xi32, #tpu.memory_space<vmem>> -> memref<80xi32, #tpu.memory_space<vmem>>
    %dma_start3A_23 = tpu.memref_slice %arg4[%mul3A_6] : memref<320000xi32, #tpu.memory_space<hbm>> -> memref<80xi32, #tpu.memory_space<hbm>>
    tpu.enqueue_dma source(%dma_start3A_23 : memref<80xi32, #tpu.memory_space<hbm>>) target(%dma_start3A_22 : memref<80xi32, #tpu.memory_space<vmem>>) target_semaphore(%arg22 : memref<!tpu.dma_semaphore, #tpu.memory_space<semaphore_mem>>)
    %mul3A_24 = arith.constant 125 : i32
    %mul3A_25 = arith.muli %add3A, %mul3A_24 : i32
    %add3A_26 = arith.constant 1 : i32
    %add3A_27 = arith.addi %mul3A_25, %add3A_26 : i32
    %mul3A_28 = arith.constant 80 : i32
    %mul3A_29 = arith.muli %add3A_27, %mul3A_28 : i32
    %dma_start3A_30 = arith.constant 1 : i32
    %dma_start3A_31 = arith.constant 0 : i32
    %dma_start3A_32 = tpu.memref_slice %arg8[%dma_start3A_30, %dma_start3A_31] : memref<6x80xi32, #tpu.memory_space<vmem>> -> memref<1x80xi32, #tpu.memory_space<vmem>>
    %dma_start3A_33 = tpu.memref_squeeze %dma_start3A_32 : memref<1x80xi32, #tpu.memory_space<vmem>> -> memref<80xi32, #tpu.memory_space<vmem>>
    %dma_start3A_34 = tpu.memref_slice %arg3[%mul3A_29] : memref<320000xi32, #tpu.memory_space<hbm>> -> memref<80xi32, #tpu.memory_space<hbm>>
    %dma_start3A_35 = arith.constant 0 : i32
    %dma_start3A_36 = tpu.memref_slice %arg8[%dma_start3A_30, %dma_start3A_35] : memref<6x80xi32, #tpu.memory_space<vmem>> -> memref<1x80xi32, #tpu.memory_space<vmem>>
    %dma_start3A_37 = tpu.memref_squeeze %dma_start3A_36 : memref<1x80xi32, #tpu.memory_space<vmem>> -> memref<80xi32, #tpu.memory_space<vmem>>
    %dma_start3A_38 = tpu.memref_slice %arg3[%mul3A_29] : memref<320000xi32, #tpu.memory_space<hbm>> -> memref<80xi32, #tpu.memory_space<hbm>>
    tpu.enqueue_dma source(%dma_start3A_38 : memref<80xi32, #tpu.memory_space<hbm>>) target(%dma_start3A_37 : memref<80xi32, #tpu.memory_space<vmem>>) target_semaphore(%arg17 : memref<!tpu.dma_semaphore, #tpu.memory_space<semaphore_mem>>)
    %dma_start3A_39 = arith.constant 1 : i32
    %dma_start3A_40 = arith.constant 0 : i32
    %dma_start3A_41 = tpu.memref_slice %arg9[%dma_start3A_39, %dma_start3A_40] : memref<6x80xi32, #tpu.memory_space<vmem>> -> memref<1x80xi32, #tpu.memory_space<vmem>>
    %dma_start3A_42 = tpu.memref_squeeze %dma_start3A_41 : memref<1x80xi32, #tpu.memory_space<vmem>> -> memref<80xi32, #tpu.memory_space<vmem>>
    %dma_start3A_43 = tpu.memref_slice %arg4[%mul3A_29] : memref<320000xi32, #tpu.memory_space<hbm>> -> memref<80xi32, #tpu.memory_space<hbm>>
    %dma_start3A_44 = arith.constant 0 : i32
    %dma_start3A_45 = tpu.memref_slice %arg9[%dma_start3A_39, %dma_start3A_44] : memref<6x80xi32, #tpu.memory_space<vmem>> -> memref<1x80xi32, #tpu.memory_space<vmem>>
    %dma_start3A_46 = tpu.memref_squeeze %dma_start3A_45 : memref<1x80xi32, #tpu.memory_space<vmem>> -> memref<80xi32, #tpu.memory_space<vmem>>
    %dma_start3A_47 = tpu.memref_slice %arg4[%mul3A_29] : memref<320000xi32, #tpu.memory_space<hbm>> -> memref<80xi32, #tpu.memory_space<hbm>>
    tpu.enqueue_dma source(%dma_start3A_47 : memref<80xi32, #tpu.memory_space<hbm>>) target(%dma_start3A_46 : memref<80xi32, #tpu.memory_space<vmem>>) target_semaphore(%arg23 : memref<!tpu.dma_semaphore, #tpu.memory_space<semaphore_mem>>)
    %mul3A_48 = arith.constant 125 : i32
    %mul3A_49 = arith.muli %add3A, %mul3A_48 : i32
    %add3A_50 = arith.constant 2 : i32
    %add3A_51 = arith.addi %mul3A_49, %add3A_50 : i32
    %mul3A_52 = arith.constant 80 : i32
    %mul3A_53 = arith.muli %add3A_51, %mul3A_52 : i32
    %dma_start3A_54 = arith.constant 2 : i32
    %dma_start3A_55 = arith.constant 0 : i32
    %dma_start3A_56 = tpu.memref_slice %arg8[%dma_start3A_54, %dma_start3A_55] : memref<6x80xi32, #tpu.memory_space<vmem>> -> memref<1x80xi32, #tpu.memory_space<vmem>>
    %dma_start3A_57 = tpu.memref_squeeze %dma_start3A_56 : memref<1x80xi32, #tpu.memory_space<vmem>> -> memref<80xi32, #tpu.memory_space<vmem>>
    %dma_start3A_58 = tpu.memref_slice %arg3[%mul3A_53] : memref<320000xi32, #tpu.memory_space<hbm>> -> memref<80xi32, #tpu.memory_space<hbm>>
    %dma_start3A_59 = arith.constant 0 : i32
    %dma_start3A_60 = tpu.memref_slice %arg8[%dma_start3A_54, %dma_start3A_59] : memref<6x80xi32, #tpu.memory_space<vmem>> -> memref<1x80xi32, #tpu.memory_space<vmem>>
    %dma_start3A_61 = tpu.memref_squeeze %dma_start3A_60 : memref<1x80xi32, #tpu.memory_space<vmem>> -> memref<80xi32, #tpu.memory_space<vmem>>
    %dma_start3A_62 = tpu.memref_slice %arg3[%mul3A_53] : memref<320000xi32, #tpu.memory_space<hbm>> -> memref<80xi32, #tpu.memory_space<hbm>>
    tpu.enqueue_dma source(%dma_start3A_62 : memref<80xi32, #tpu.memory_space<hbm>>) target(%dma_start3A_61 : memref<80xi32, #tpu.memory_space<vmem>>) target_semaphore(%arg18 : memref<!tpu.dma_semaphore, #tpu.memory_space<semaphore_mem>>)
    %dma_start3A_63 = arith.constant 2 : i32
    %dma_start3A_64 = arith.constant 0 : i32
    %dma_start3A_65 = tpu.memref_slice %arg9[%dma_start3A_63, %dma_start3A_64] : memref<6x80xi32, #tpu.memory_space<vmem>> -> memref<1x80xi32, #tpu.memory_space<vmem>>
    %dma_start3A_66 = tpu.memref_squeeze %dma_start3A_65 : memref<1x80xi32, #tpu.memory_space<vmem>> -> memref<80xi32, #tpu.memory_space<vmem>>
    %dma_start3A_67 = tpu.memref_slice %arg4[%mul3A_53] : memref<320000xi32, #tpu.memory_space<hbm>> -> memref<80xi32, #tpu.memory_space<hbm>>
    %dma_start3A_68 = arith.constant 0 : i32
    %dma_start3A_69 = tpu.memref_slice %arg9[%dma_start3A_63, %dma_start3A_68] : memref<6x80xi32, #tpu.memory_space<vmem>> -> memref<1x80xi32, #tpu.memory_space<vmem>>
    %dma_start3A_70 = tpu.memref_squeeze %dma_start3A_69 : memref<1x80xi32, #tpu.memory_space<vmem>> -> memref<80xi32, #tpu.memory_space<vmem>>
    %dma_start3A_71 = tpu.memref_slice %arg4[%mul3A_53] : memref<320000xi32, #tpu.memory_space<hbm>> -> memref<80xi32, #tpu.memory_space<hbm>>
    tpu.enqueue_dma source(%dma_start3A_71 : memref<80xi32, #tpu.memory_space<hbm>>) target(%dma_start3A_70 : memref<80xi32, #tpu.memory_space<vmem>>) target_semaphore(%arg24 : memref<!tpu.dma_semaphore, #tpu.memory_space<semaphore_mem>>)
    %mul3A_72 = arith.constant 125 : i32
    %mul3A_73 = arith.muli %add3A, %mul3A_72 : i32
    %add3A_74 = arith.constant 3 : i32
    %add3A_75 = arith.addi %mul3A_73, %add3A_74 : i32
    %mul3A_76 = arith.constant 80 : i32
    %mul3A_77 = arith.muli %add3A_75, %mul3A_76 : i32
    %dma_start3A_78 = arith.constant 3 : i32
    %dma_start3A_79 = arith.constant 0 : i32
    %dma_start3A_80 = tpu.memref_slice %arg8[%dma_start3A_78, %dma_start3A_79] : memref<6x80xi32, #tpu.memory_space<vmem>> -> memref<1x80xi32, #tpu.memory_space<vmem>>
    %dma_start3A_81 = tpu.memref_squeeze %dma_start3A_80 : memref<1x80xi32, #tpu.memory_space<vmem>> -> memref<80xi32, #tpu.memory_space<vmem>>
    %dma_start3A_82 = tpu.memref_slice %arg3[%mul3A_77] : memref<320000xi32, #tpu.memory_space<hbm>> -> memref<80xi32, #tpu.memory_space<hbm>>
    %dma_start3A_83 = arith.constant 0 : i32
    %dma_start3A_84 = tpu.memref_slice %arg8[%dma_start3A_78, %dma_start3A_83] : memref<6x80xi32, #tpu.memory_space<vmem>> -> memref<1x80xi32, #tpu.memory_space<vmem>>
    %dma_start3A_85 = tpu.memref_squeeze %dma_start3A_84 : memref<1x80xi32, #tpu.memory_space<vmem>> -> memref<80xi32, #tpu.memory_space<vmem>>
    %dma_start3A_86 = tpu.memref_slice %arg3[%mul3A_77] : memref<320000xi32, #tpu.memory_space<hbm>> -> memref<80xi32, #tpu.memory_space<hbm>>
    tpu.enqueue_dma source(%dma_start3A_86 : memref<80xi32, #tpu.memory_space<hbm>>) target(%dma_start3A_85 : memref<80xi32, #tpu.memory_space<vmem>>) target_semaphore(%arg19 : memref<!tpu.dma_semaphore, #tpu.memory_space<semaphore_mem>>)
    %dma_start3A_87 = arith.constant 3 : i32
    %dma_start3A_88 = arith.constant 0 : i32
    %dma_start3A_89 = tpu.memref_slice %arg9[%dma_start3A_87, %dma_start3A_88] : memref<6x80xi32, #tpu.memory_space<vmem>> -> memref<1x80xi32, #tpu.memory_space<vmem>>
    %dma_start3A_90 = tpu.memref_squeeze %dma_start3A_89 : memref<1x80xi32, #tpu.memory_space<vmem>> -> memref<80xi32, #tpu.memory_space<vmem>>
    %dma_start3A_91 = tpu.memref_slice %arg4[%mul3A_77] : memref<320000xi32, #tpu.memory_space<hbm>> -> memref<80xi32, #tpu.memory_space<hbm>>
    %dma_start3A_92 = arith.constant 0 : i32
    %dma_start3A_93 = tpu.memref_slice %arg9[%dma_start3A_87, %dma_start3A_92] : memref<6x80xi32, #tpu.memory_space<vmem>> -> memref<1x80xi32, #tpu.memory_space<vmem>>
    %dma_start3A_94 = tpu.memref_squeeze %dma_start3A_93 : memref<1x80xi32, #tpu.memory_space<vmem>> -> memref<80xi32, #tpu.memory_space<vmem>>
    %dma_start3A_95 = tpu.memref_slice %arg4[%mul3A_77] : memref<320000xi32, #tpu.memory_space<hbm>> -> memref<80xi32, #tpu.memory_space<hbm>>
    tpu.enqueue_dma source(%dma_start3A_95 : memref<80xi32, #tpu.memory_space<hbm>>) target(%dma_start3A_94 : memref<80xi32, #tpu.memory_space<vmem>>) target_semaphore(%arg25 : memref<!tpu.dma_semaphore, #tpu.memory_space<semaphore_mem>>)
    %mul3A_96 = arith.constant 125 : i32
    %mul3A_97 = arith.muli %add3A, %mul3A_96 : i32
    %add3A_98 = arith.constant 4 : i32
    %add3A_99 = arith.addi %mul3A_97, %add3A_98 : i32
    %mul3A_100 = arith.constant 80 : i32
    %mul3A_101 = arith.muli %add3A_99, %mul3A_100 : i32
    %dma_start3A_102 = arith.constant 4 : i32
    %dma_start3A_103 = arith.constant 0 : i32
    %dma_start3A_104 = tpu.memref_slice %arg8[%dma_start3A_102, %dma_start3A_103] : memref<6x80xi32, #tpu.memory_space<vmem>> -> memref<1x80xi32, #tpu.memory_space<vmem>>
    %dma_start3A_105 = tpu.memref_squeeze %dma_start3A_104 : memref<1x80xi32, #tpu.memory_space<vmem>> -> memref<80xi32, #tpu.memory_space<vmem>>
    %dma_start3A_106 = tpu.memref_slice %arg3[%mul3A_101] : memref<320000xi32, #tpu.memory_space<hbm>> -> memref<80xi32, #tpu.memory_space<hbm>>
    %dma_start3A_107 = arith.constant 0 : i32
    %dma_start3A_108 = tpu.memref_slice %arg8[%dma_start3A_102, %dma_start3A_107] : memref<6x80xi32, #tpu.memory_space<vmem>> -> memref<1x80xi32, #tpu.memory_space<vmem>>
    %dma_start3A_109 = tpu.memref_squeeze %dma_start3A_108 : memref<1x80xi32, #tpu.memory_space<vmem>> -> memref<80xi32, #tpu.memory_space<vmem>>
    %dma_start3A_110 = tpu.memref_slice %arg3[%mul3A_101] : memref<320000xi32, #tpu.memory_space<hbm>> -> memref<80xi32, #tpu.memory_space<hbm>>
    tpu.enqueue_dma source(%dma_start3A_110 : memref<80xi32, #tpu.memory_space<hbm>>) target(%dma_start3A_109 : memref<80xi32, #tpu.memory_space<vmem>>) target_semaphore(%arg20 : memref<!tpu.dma_semaphore, #tpu.memory_space<semaphore_mem>>)
    %dma_start3A_111 = arith.constant 4 : i32
    %dma_start3A_112 = arith.constant 0 : i32
    %dma_start3A_113 = tpu.memref_slice %arg9[%dma_start3A_111, %dma_start3A_112] : memref<6x80xi32, #tpu.memory_space<vmem>> -> memref<1x80xi32, #tpu.memory_space<vmem>>
    %dma_start3A_114 = tpu.memref_squeeze %dma_start3A_113 : memref<1x80xi32, #tpu.memory_space<vmem>> -> memref<80xi32, #tpu.memory_space<vmem>>
    %dma_start3A_115 = tpu.memref_slice %arg4[%mul3A_101] : memref<320000xi32, #tpu.memory_space<hbm>> -> memref<80xi32, #tpu.memory_space<hbm>>
    %dma_start3A_116 = arith.constant 0 : i32
    %dma_start3A_117 = tpu.memref_slice %arg9[%dma_start3A_111, %dma_start3A_116] : memref<6x80xi32, #tpu.memory_space<vmem>> -> memref<1x80xi32, #tpu.memory_space<vmem>>
    %dma_start3A_118 = tpu.memref_squeeze %dma_start3A_117 : memref<1x80xi32, #tpu.memory_space<vmem>> -> memref<80xi32, #tpu.memory_space<vmem>>
    %dma_start3A_119 = tpu.memref_slice %arg4[%mul3A_101] : memref<320000xi32, #tpu.memory_space<hbm>> -> memref<80xi32, #tpu.memory_space<hbm>>
    tpu.enqueue_dma source(%dma_start3A_119 : memref<80xi32, #tpu.memory_space<hbm>>) target(%dma_start3A_118 : memref<80xi32, #tpu.memory_space<vmem>>) target_semaphore(%arg26 : memref<!tpu.dma_semaphore, #tpu.memory_space<semaphore_mem>>)
    %mul3A_120 = arith.constant 125 : i32
    %mul3A_121 = arith.muli %add3A, %mul3A_120 : i32
    %add3A_122 = arith.constant 5 : i32
    %add3A_123 = arith.addi %mul3A_121, %add3A_122 : i32
    %mul3A_124 = arith.constant 80 : i32
    %mul3A_125 = arith.muli %add3A_123, %mul3A_124 : i32
    %dma_start3A_126 = arith.constant 5 : i32
    %dma_start3A_127 = arith.constant 0 : i32
    %dma_start3A_128 = tpu.memref_slice %arg8[%dma_start3A_126, %dma_start3A_127] : memref<6x80xi32, #tpu.memory_space<vmem>> -> memref<1x80xi32, #tpu.memory_space<vmem>>
    %dma_start3A_129 = tpu.memref_squeeze %dma_start3A_128 : memref<1x80xi32, #tpu.memory_space<vmem>> -> memref<80xi32, #tpu.memory_space<vmem>>
    %dma_start3A_130 = tpu.memref_slice %arg3[%mul3A_125] : memref<320000xi32, #tpu.memory_space<hbm>> -> memref<80xi32, #tpu.memory_space<hbm>>
    %dma_start3A_131 = arith.constant 0 : i32
    %dma_start3A_132 = tpu.memref_slice %arg8[%dma_start3A_126, %dma_start3A_131] : memref<6x80xi32, #tpu.memory_space<vmem>> -> memref<1x80xi32, #tpu.memory_space<vmem>>
    %dma_start3A_133 = tpu.memref_squeeze %dma_start3A_132 : memref<1x80xi32, #tpu.memory_space<vmem>> -> memref<80xi32, #tpu.memory_space<vmem>>
    %dma_start3A_134 = tpu.memref_slice %arg3[%mul3A_125] : memref<320000xi32, #tpu.memory_space<hbm>> -> memref<80xi32, #tpu.memory_space<hbm>>
    tpu.enqueue_dma source(%dma_start3A_134 : memref<80xi32, #tpu.memory_space<hbm>>) target(%dma_start3A_133 : memref<80xi32, #tpu.memory_space<vmem>>) target_semaphore(%arg21 : memref<!tpu.dma_semaphore, #tpu.memory_space<semaphore_mem>>)
    %dma_start3A_135 = arith.constant 5 : i32
    %dma_start3A_136 = arith.constant 0 : i32
    %dma_start3A_137 = tpu.memref_slice %arg9[%dma_start3A_135, %dma_start3A_136] : memref<6x80xi32, #tpu.memory_space<vmem>> -> memref<1x80xi32, #tpu.memory_space<vmem>>
    %dma_start3A_138 = tpu.memref_squeeze %dma_start3A_137 : memref<1x80xi32, #tpu.memory_space<vmem>> -> memref<80xi32, #tpu.memory_space<vmem>>
    %dma_start3A_139 = tpu.memref_slice %arg4[%mul3A_125] : memref<320000xi32, #tpu.memory_space<hbm>> -> memref<80xi32, #tpu.memory_space<hbm>>
    %dma_start3A_140 = arith.constant 0 : i32
    %dma_start3A_141 = tpu.memref_slice %arg9[%dma_start3A_135, %dma_start3A_140] : memref<6x80xi32, #tpu.memory_space<vmem>> -> memref<1x80xi32, #tpu.memory_space<vmem>>
    %dma_start3A_142 = tpu.memref_squeeze %dma_start3A_141 : memref<1x80xi32, #tpu.memory_space<vmem>> -> memref<80xi32, #tpu.memory_space<vmem>>
    %dma_start3A_143 = tpu.memref_slice %arg4[%mul3A_125] : memref<320000xi32, #tpu.memory_space<hbm>> -> memref<80xi32, #tpu.memory_space<hbm>>
    tpu.enqueue_dma source(%dma_start3A_143 : memref<80xi32, #tpu.memory_space<hbm>>) target(%dma_start3A_142 : memref<80xi32, #tpu.memory_space<vmem>>) target_semaphore(%arg27 : memref<!tpu.dma_semaphore, #tpu.memory_space<semaphore_mem>>)
    %mul3A_144 = arith.constant 125 : i32
    %mul3A_145 = arith.muli %add3A, %mul3A_144 : i32
    %add3A_146 = arith.constant 0 : i32
    %add3A_147 = arith.addi %mul3A_145, %add3A_146 : i32
    %mul3A_148 = arith.constant 80 : i32
    %mul3A_149 = arith.muli %add3A_147, %mul3A_148 : i32
    %dma_wait3A = arith.constant 0 : i32
    %dma_wait3A_150 = arith.constant 0 : i32
    %dma_wait3A_151 = tpu.memref_slice %arg8[%dma_wait3A, %dma_wait3A_150] : memref<6x80xi32, #tpu.memory_space<vmem>> -> memref<1x80xi32, #tpu.memory_space<vmem>>
    %dma_wait3A_152 = tpu.memref_squeeze %dma_wait3A_151 : memref<1x80xi32, #tpu.memory_space<vmem>> -> memref<80xi32, #tpu.memory_space<vmem>>
    %dma_wait3A_153 = tpu.memref_slice %arg3[%mul3A_149] : memref<320000xi32, #tpu.memory_space<hbm>> -> memref<80xi32, #tpu.memory_space<hbm>>
    %dma_wait3A_154 = arith.constant 0 : i32
    %dma_wait3A_155 = tpu.memref_slice %arg8[%dma_wait3A, %dma_wait3A_154] : memref<6x80xi32, #tpu.memory_space<vmem>> -> memref<1x80xi32, #tpu.memory_space<vmem>>
    %dma_wait3A_156 = tpu.memref_squeeze %dma_wait3A_155 : memref<1x80xi32, #tpu.memory_space<vmem>> -> memref<80xi32, #tpu.memory_space<vmem>>
    %dma_wait3A_157 = tpu.memref_slice %arg3[%mul3A_149] : memref<320000xi32, #tpu.memory_space<hbm>> -> memref<80xi32, #tpu.memory_space<hbm>>
    tpu.wait_dma2 semaphore(%arg16 : memref<!tpu.dma_semaphore, #tpu.memory_space<semaphore_mem>>) src(%dma_wait3A_157 : memref<80xi32, #tpu.memory_space<hbm>>) dst(%dma_wait3A_156 : memref<80xi32, #tpu.memory_space<vmem>>)
    %dma_start3A_158 = arith.constant 0 : i32
    %dma_start3A_159 = arith.constant 0 : i32
    %dma_start3A_160 = tpu.memref_slice %arg8[%dma_start3A_158, %dma_start3A_159] : memref<6x80xi32, #tpu.memory_space<vmem>> -> memref<1x80xi32, #tpu.memory_space<vmem>>
    %dma_start3A_161 = tpu.memref_squeeze %dma_start3A_160 : memref<1x80xi32, #tpu.memory_space<vmem>> -> memref<80xi32, #tpu.memory_space<vmem>>
    %dma_start3A_162 = arith.constant 0 : i32
    %dma_start3A_163 = arith.constant 0 : i32
    %dma_start3A_164 = tpu.memref_slice %arg2[%dma_start3A_162, %dma_start3A_163] : memref<10000x128xf32, #tpu.memory_space<hbm>> -> memref<10000x128xf32, #tpu.memory_space<hbm>>
    tpu.enqueue_indirect_dma source(%dma_start3A_164 : memref<10000x128xf32, #tpu.memory_space<hbm>>) target(%arg10 : memref<80x128xf32, #tpu.memory_space<vmem>>) offsets(%dma_start3A_161 : memref<80xi32, #tpu.memory_space<vmem>>) semaphore(%arg13 : memref<!tpu.dma_semaphore, #tpu.memory_space<semaphore_mem>>)
    %mul3A_165 = arith.constant 125 : i32
    %mul3A_166 = arith.muli %add3A, %mul3A_165 : i32
    %add3A_167 = arith.constant 1 : i32
    %add3A_168 = arith.addi %mul3A_166, %add3A_167 : i32
    %mul3A_169 = arith.constant 80 : i32
    %mul3A_170 = arith.muli %add3A_168, %mul3A_169 : i32
    %dma_wait3A_171 = arith.constant 1 : i32
    %dma_wait3A_172 = arith.constant 0 : i32
    %dma_wait3A_173 = tpu.memref_slice %arg8[%dma_wait3A_171, %dma_wait3A_172] : memref<6x80xi32, #tpu.memory_space<vmem>> -> memref<1x80xi32, #tpu.memory_space<vmem>>
    %dma_wait3A_174 = tpu.memref_squeeze %dma_wait3A_173 : memref<1x80xi32, #tpu.memory_space<vmem>> -> memref<80xi32, #tpu.memory_space<vmem>>
    %dma_wait3A_175 = tpu.memref_slice %arg3[%mul3A_170] : memref<320000xi32, #tpu.memory_space<hbm>> -> memref<80xi32, #tpu.memory_space<hbm>>
    %dma_wait3A_176 = arith.constant 0 : i32
    %dma_wait3A_177 = tpu.memref_slice %arg8[%dma_wait3A_171, %dma_wait3A_176] : memref<6x80xi32, #tpu.memory_space<vmem>> -> memref<1x80xi32, #tpu.memory_space<vmem>>
    %dma_wait3A_178 = tpu.memref_squeeze %dma_wait3A_177 : memref<1x80xi32, #tpu.memory_space<vmem>> -> memref<80xi32, #tpu.memory_space<vmem>>
    %dma_wait3A_179 = tpu.memref_slice %arg3[%mul3A_170] : memref<320000xi32, #tpu.memory_space<hbm>> -> memref<80xi32, #tpu.memory_space<hbm>>
    tpu.wait_dma2 semaphore(%arg17 : memref<!tpu.dma_semaphore, #tpu.memory_space<semaphore_mem>>) src(%dma_wait3A_179 : memref<80xi32, #tpu.memory_space<hbm>>) dst(%dma_wait3A_178 : memref<80xi32, #tpu.memory_space<vmem>>)
    %dma_start3A_180 = arith.constant 1 : i32
    %dma_start3A_181 = arith.constant 0 : i32
    %dma_start3A_182 = tpu.memref_slice %arg8[%dma_start3A_180, %dma_start3A_181] : memref<6x80xi32, #tpu.memory_space<vmem>> -> memref<1x80xi32, #tpu.memory_space<vmem>>
    %dma_start3A_183 = tpu.memref_squeeze %dma_start3A_182 : memref<1x80xi32, #tpu.memory_space<vmem>> -> memref<80xi32, #tpu.memory_space<vmem>>
    %dma_start3A_184 = arith.constant 0 : i32
    %dma_start3A_185 = arith.constant 0 : i32
    %dma_start3A_186 = tpu.memref_slice %arg2[%dma_start3A_184, %dma_start3A_185] : memref<10000x128xf32, #tpu.memory_space<hbm>> -> memref<10000x128xf32, #tpu.memory_space<hbm>>
    tpu.enqueue_indirect_dma source(%dma_start3A_186 : memref<10000x128xf32, #tpu.memory_space<hbm>>) target(%arg11 : memref<80x128xf32, #tpu.memory_space<vmem>>) offsets(%dma_start3A_183 : memref<80xi32, #tpu.memory_space<vmem>>) semaphore(%arg14 : memref<!tpu.dma_semaphore, #tpu.memory_space<semaphore_mem>>)
    %mul3A_187 = arith.constant 125 : i32
    %mul3A_188 = arith.muli %add3A, %mul3A_187 : i32
    %add3A_189 = arith.constant 2 : i32
    %add3A_190 = arith.addi %mul3A_188, %add3A_189 : i32
    %mul3A_191 = arith.constant 80 : i32
    %mul3A_192 = arith.muli %add3A_190, %mul3A_191 : i32
    %dma_wait3A_193 = arith.constant 2 : i32
    %dma_wait3A_194 = arith.constant 0 : i32
    %dma_wait3A_195 = tpu.memref_slice %arg8[%dma_wait3A_193, %dma_wait3A_194] : memref<6x80xi32, #tpu.memory_space<vmem>> -> memref<1x80xi32, #tpu.memory_space<vmem>>
    %dma_wait3A_196 = tpu.memref_squeeze %dma_wait3A_195 : memref<1x80xi32, #tpu.memory_space<vmem>> -> memref<80xi32, #tpu.memory_space<vmem>>
    %dma_wait3A_197 = tpu.memref_slice %arg3[%mul3A_192] : memref<320000xi32, #tpu.memory_space<hbm>> -> memref<80xi32, #tpu.memory_space<hbm>>
    %dma_wait3A_198 = arith.constant 0 : i32
    %dma_wait3A_199 = tpu.memref_slice %arg8[%dma_wait3A_193, %dma_wait3A_198] : memref<6x80xi32, #tpu.memory_space<vmem>> -> memref<1x80xi32, #tpu.memory_space<vmem>>
    %dma_wait3A_200 = tpu.memref_squeeze %dma_wait3A_199 : memref<1x80xi32, #tpu.memory_space<vmem>> -> memref<80xi32, #tpu.memory_space<vmem>>
    %dma_wait3A_201 = tpu.memref_slice %arg3[%mul3A_192] : memref<320000xi32, #tpu.memory_space<hbm>> -> memref<80xi32, #tpu.memory_space<hbm>>
    tpu.wait_dma2 semaphore(%arg18 : memref<!tpu.dma_semaphore, #tpu.memory_space<semaphore_mem>>) src(%dma_wait3A_201 : memref<80xi32, #tpu.memory_space<hbm>>) dst(%dma_wait3A_200 : memref<80xi32, #tpu.memory_space<vmem>>)
    %dma_start3A_202 = arith.constant 2 : i32
    %dma_start3A_203 = arith.constant 0 : i32
    %dma_start3A_204 = tpu.memref_slice %arg8[%dma_start3A_202, %dma_start3A_203] : memref<6x80xi32, #tpu.memory_space<vmem>> -> memref<1x80xi32, #tpu.memory_space<vmem>>
    %dma_start3A_205 = tpu.memref_squeeze %dma_start3A_204 : memref<1x80xi32, #tpu.memory_space<vmem>> -> memref<80xi32, #tpu.memory_space<vmem>>
    %dma_start3A_206 = arith.constant 0 : i32
    %dma_start3A_207 = arith.constant 0 : i32
    %dma_start3A_208 = tpu.memref_slice %arg2[%dma_start3A_206, %dma_start3A_207] : memref<10000x128xf32, #tpu.memory_space<hbm>> -> memref<10000x128xf32, #tpu.memory_space<hbm>>
    tpu.enqueue_indirect_dma source(%dma_start3A_208 : memref<10000x128xf32, #tpu.memory_space<hbm>>) target(%arg12 : memref<80x128xf32, #tpu.memory_space<vmem>>) offsets(%dma_start3A_205 : memref<80xi32, #tpu.memory_space<vmem>>) semaphore(%arg15 : memref<!tpu.dma_semaphore, #tpu.memory_space<semaphore_mem>>)
    %lt3A = arith.constant 15 : i32
    %lt3A_209 = arith.cmpi slt, %arg1, %lt3A : i32
    %convert_element_type3A = arith.extui %lt3A_209 : i1 to i32
    %cond3A = arith.constant 0 : i32
    %cond3A_210 = arith.cmpi ne, %convert_element_type3A, %cond3A : i32
    scf.if %cond3A_210 {
      %mul3A_389 = arith.constant 624 : i32
      %mul3A_390 = arith.muli %arg1, %mul3A_389 : i32
      "tpu.region"() ({
        %run_scoped3A_391 = tpu.sem_alloc : memref<!tpu.dma_semaphore, #tpu.memory_space<semaphore_mem>>
        %dma_start3A_392 = arith.constant 0 : i32
        %dma_start3A_393 = tpu.memref_slice %arg7[%mul3A_390, %dma_start3A_392] : memref<10000x128xf32, #tpu.memory_space<vmem_shared>> -> memref<624x128xf32, #tpu.memory_space<vmem_shared>>
        %dma_start3A_394 = arith.constant 0 : i32
        %dma_start3A_395 = arith.constant 0 : i32
        %dma_start3A_396 = tpu.memref_slice %arg5[%dma_start3A_394, %dma_start3A_395] : memref<640x128xf32, #tpu.memory_space<hbm>> -> memref<624x128xf32, #tpu.memory_space<hbm>>
        tpu.enqueue_dma source(%dma_start3A_396 : memref<624x128xf32, #tpu.memory_space<hbm>>) target(%dma_start3A_393 : memref<624x128xf32, #tpu.memory_space<vmem_shared>>) target_semaphore(%run_scoped3A_391 : memref<!tpu.dma_semaphore, #tpu.memory_space<semaphore_mem>>)
        %dma_wait3A_397 = arith.constant 0 : i32
        %dma_wait3A_398 = tpu.memref_slice %arg7[%mul3A_390, %dma_wait3A_397] : memref<10000x128xf32, #tpu.memory_space<vmem_shared>> -> memref<624x128xf32, #tpu.memory_space<vmem_shared>>
        %dma_wait3A_399 = arith.constant 0 : i32
        %dma_wait3A_400 = arith.constant 0 : i32
        %dma_wait3A_401 = tpu.memref_slice %arg5[%dma_wait3A_399, %dma_wait3A_400] : memref<640x128xf32, #tpu.memory_space<hbm>> -> memref<624x128xf32, #tpu.memory_space<hbm>>
        tpu.wait_dma2 semaphore(%run_scoped3A_391 : memref<!tpu.dma_semaphore, #tpu.memory_space<semaphore_mem>>) src(%dma_wait3A_401 : memref<624x128xf32, #tpu.memory_space<hbm>>) dst(%dma_wait3A_398 : memref<624x128xf32, #tpu.memory_space<vmem_shared>>)
        tpu.yield
      }) : () -> ()
    } else {
    }
    %eq3A = arith.constant 15 : i32
    %eq3A_211 = arith.cmpi eq, %arg1, %eq3A : i32
    %convert_element_type3A_212 = arith.extui %eq3A_211 : i1 to i32
    %cond3A_213 = arith.constant 0 : i32
    %cond3A_214 = arith.cmpi ne, %convert_element_type3A_212, %cond3A_213 : i32
    scf.if %cond3A_214 {
      "tpu.region"() ({
        %run_scoped3A_389 = tpu.sem_alloc : memref<!tpu.dma_semaphore, #tpu.memory_space<semaphore_mem>>
        %dma_start3A_390 = arith.constant 9360 : i32
        %dma_start3A_391 = arith.constant 0 : i32
        %dma_start3A_392 = tpu.memref_slice %arg7[%dma_start3A_390, %dma_start3A_391] : memref<10000x128xf32, #tpu.memory_space<vmem_shared>> -> memref<640x128xf32, #tpu.memory_space<vmem_shared>>
        tpu.enqueue_dma source(%arg5 : memref<640x128xf32, #tpu.memory_space<hbm>>) target(%dma_start3A_392 : memref<640x128xf32, #tpu.memory_space<vmem_shared>>) target_semaphore(%run_scoped3A_389 : memref<!tpu.dma_semaphore, #tpu.memory_space<semaphore_mem>>)
        %dma_wait3A_393 = arith.constant 9360 : i32
        %dma_wait3A_394 = arith.constant 0 : i32
        %dma_wait3A_395 = tpu.memref_slice %arg7[%dma_wait3A_393, %dma_wait3A_394] : memref<10000x128xf32, #tpu.memory_space<vmem_shared>> -> memref<640x128xf32, #tpu.memory_space<vmem_shared>>
        tpu.wait_dma2 semaphore(%run_scoped3A_389 : memref<!tpu.dma_semaphore, #tpu.memory_space<semaphore_mem>>) src(%arg5 : memref<640x128xf32, #tpu.memory_space<hbm>>) dst(%dma_wait3A_395 : memref<640x128xf32, #tpu.memory_space<vmem_shared>>)
        tpu.yield
      }) : () -> ()
    } else {
    }
    %barrier3A = arith.constant 0 : index
    tpu.barrier barrier_id(%barrier3A)
    %scan3A = arith.constant 0 : i32
    %scan3A_215 = arith.constant 0 : i32
    %scan3A_216 = arith.constant 20 : i32
    %scan3A_217 = arith.addi %scan3A_215, %scan3A_216 : i32
    %scan3A_218 = arith.constant 1 : i32
    scf.for %scan3A_389 = %scan3A_215 to %scan3A_217 step %scan3A_218  : i32 {
      %mul3A_390 = arith.constant 6 : i32
      %mul3A_391 = arith.muli %scan3A_389, %mul3A_390 : i32
      %add3A_392 = arith.constant 0 : i32
      %add3A_393 = arith.addi %mul3A_391, %add3A_392 : i32
      %dma_wait3A_394 = arith.constant 0 : i32
      %dma_wait3A_395 = arith.constant 0 : i32
      %dma_wait3A_396 = tpu.memref_slice %arg8[%dma_wait3A_394, %dma_wait3A_395] : memref<6x80xi32, #tpu.memory_space<vmem>> -> memref<1x80xi32, #tpu.memory_space<vmem>>
      %dma_wait3A_397 = tpu.memref_squeeze %dma_wait3A_396 : memref<1x80xi32, #tpu.memory_space<vmem>> -> memref<80xi32, #tpu.memory_space<vmem>>
      %dma_wait3A_398 = arith.constant 0 : i32
      %dma_wait3A_399 = arith.constant 0 : i32
      %dma_wait3A_400 = tpu.memref_slice %arg2[%dma_wait3A_398, %dma_wait3A_399] : memref<10000x128xf32, #tpu.memory_space<hbm>> -> memref<10000x128xf32, #tpu.memory_space<hbm>>
      tpu.wait_indirect_dma semaphore(%arg13 : memref<!tpu.dma_semaphore, #tpu.memory_space<semaphore_mem>>) src(%dma_wait3A_400 : memref<10000x128xf32, #tpu.memory_space<hbm>>) dst(%arg10 : memref<80x128xf32, #tpu.memory_space<vmem>>)
      %mul3A_401 = arith.constant 125 : i32
      %mul3A_402 = arith.muli %add3A, %mul3A_401 : i32
      %add3A_403 = arith.addi %mul3A_402, %add3A_393 : i32
      %mul3A_404 = arith.constant 80 : i32
      %mul3A_405 = arith.muli %add3A_403, %mul3A_404 : i32
      %dma_wait3A_406 = arith.constant 0 : i32
      %dma_wait3A_407 = arith.constant 0 : i32
      %dma_wait3A_408 = tpu.memref_slice %arg9[%dma_wait3A_406, %dma_wait3A_407] : memref<6x80xi32, #tpu.memory_space<vmem>> -> memref<1x80xi32, #tpu.memory_space<vmem>>
      %dma_wait3A_409 = tpu.memref_squeeze %dma_wait3A_408 : memref<1x80xi32, #tpu.memory_space<vmem>> -> memref<80xi32, #tpu.memory_space<vmem>>
      %dma_wait3A_410 = tpu.memref_slice %arg4[%mul3A_405] : memref<320000xi32, #tpu.memory_space<hbm>> -> memref<80xi32, #tpu.memory_space<hbm>>
      %dma_wait3A_411 = arith.constant 0 : i32
      %dma_wait3A_412 = tpu.memref_slice %arg9[%dma_wait3A_406, %dma_wait3A_411] : memref<6x80xi32, #tpu.memory_space<vmem>> -> memref<1x80xi32, #tpu.memory_space<vmem>>
      %dma_wait3A_413 = tpu.memref_squeeze %dma_wait3A_412 : memref<1x80xi32, #tpu.memory_space<vmem>> -> memref<80xi32, #tpu.memory_space<vmem>>
      %dma_wait3A_414 = tpu.memref_slice %arg4[%mul3A_405] : memref<320000xi32, #tpu.memory_space<hbm>> -> memref<80xi32, #tpu.memory_space<hbm>>
      tpu.wait_dma2 semaphore(%arg22 : memref<!tpu.dma_semaphore, #tpu.memory_space<semaphore_mem>>) src(%dma_wait3A_414 : memref<80xi32, #tpu.memory_space<hbm>>) dst(%dma_wait3A_413 : memref<80xi32, #tpu.memory_space<vmem>>)
      %run_scoped3A_415 = arith.constant 0 : i32
      "tpu.region"() ({
        %run_scoped3A_620 = tpu.sem_alloc : memref<!tpu.dma_semaphore, #tpu.memory_space<semaphore_mem>>
        %dma_start3A_621 = arith.constant 0 : i32
        %dma_start3A_622 = tpu.memref_slice %arg9[%run_scoped3A_415, %dma_start3A_621] : memref<6x80xi32, #tpu.memory_space<vmem>> -> memref<1x80xi32, #tpu.memory_space<vmem>>
        %dma_start3A_623 = tpu.memref_squeeze %dma_start3A_622 : memref<1x80xi32, #tpu.memory_space<vmem>> -> memref<80xi32, #tpu.memory_space<vmem>>
        %dma_start3A_624 = arith.constant 0 : i32
        %dma_start3A_625 = arith.constant 0 : i32
        %dma_start3A_626 = tpu.memref_slice %arg7[%dma_start3A_624, %dma_start3A_625] : memref<10000x128xf32, #tpu.memory_space<vmem_shared>> -> memref<10000x128xf32, #tpu.memory_space<vmem_shared>>
        tpu.enqueue_indirect_dma source(%arg10 : memref<80x128xf32, #tpu.memory_space<vmem>>) target(%dma_start3A_626 : memref<10000x128xf32, #tpu.memory_space<vmem_shared>>) offsets(%dma_start3A_623 : memref<80xi32, #tpu.memory_space<vmem>>) semaphore(%run_scoped3A_620 : memref<!tpu.dma_semaphore, #tpu.memory_space<semaphore_mem>>) {add = true}
        %dma_wait3A_627 = arith.constant 0 : i32
        %dma_wait3A_628 = tpu.memref_slice %arg9[%run_scoped3A_415, %dma_wait3A_627] : memref<6x80xi32, #tpu.memory_space<vmem>> -> memref<1x80xi32, #tpu.memory_space<vmem>>
        %dma_wait3A_629 = tpu.memref_squeeze %dma_wait3A_628 : memref<1x80xi32, #tpu.memory_space<vmem>> -> memref<80xi32, #tpu.memory_space<vmem>>
        %dma_wait3A_630 = arith.constant 0 : i32
        %dma_wait3A_631 = arith.constant 0 : i32
        %dma_wait3A_632 = tpu.memref_slice %arg7[%dma_wait3A_630, %dma_wait3A_631] : memref<10000x128xf32, #tpu.memory_space<vmem_shared>> -> memref<10000x128xf32, #tpu.memory_space<vmem_shared>>
        tpu.wait_indirect_dma semaphore(%run_scoped3A_620 : memref<!tpu.dma_semaphore, #tpu.memory_space<semaphore_mem>>) src(%arg10 : memref<80x128xf32, #tpu.memory_space<vmem>>) dst(%dma_wait3A_632 : memref<10000x128xf32, #tpu.memory_space<vmem_shared>>)
        tpu.yield
      }) : () -> ()
      %add3A_416 = arith.constant 6 : i32
      %add3A_417 = arith.addi %add3A_393, %add3A_416 : i32
      %lt3A_418 = arith.constant 125 : i32
      %lt3A_419 = arith.cmpi slt, %add3A_417, %lt3A_418 : i32
      %convert_element_type3A_420 = arith.extui %lt3A_419 : i1 to i32
      %cond3A_421 = arith.constant 0 : i32
      %cond3A_422 = arith.cmpi ne, %convert_element_type3A_420, %cond3A_421 : i32
      scf.if %cond3A_422 {
        %add3A_620 = arith.constant 6 : i32
        %add3A_621 = arith.addi %add3A_393, %add3A_620 : i32
        %mul3A_622 = arith.constant 125 : i32
        %mul3A_623 = arith.muli %add3A, %mul3A_622 : i32
        %add3A_624 = arith.addi %mul3A_623, %add3A_621 : i32
        %mul3A_625 = arith.constant 80 : i32
        %mul3A_626 = arith.muli %add3A_624, %mul3A_625 : i32
        %dma_start3A_627 = arith.constant 0 : i32
        %dma_start3A_628 = arith.constant 0 : i32
        %dma_start3A_629 = tpu.memref_slice %arg8[%dma_start3A_627, %dma_start3A_628] : memref<6x80xi32, #tpu.memory_space<vmem>> -> memref<1x80xi32, #tpu.memory_space<vmem>>
        %dma_start3A_630 = tpu.memref_squeeze %dma_start3A_629 : memref<1x80xi32, #tpu.memory_space<vmem>> -> memref<80xi32, #tpu.memory_space<vmem>>
        %dma_start3A_631 = tpu.memref_slice %arg3[%mul3A_626] : memref<320000xi32, #tpu.memory_space<hbm>> -> memref<80xi32, #tpu.memory_space<hbm>>
        %dma_start3A_632 = arith.constant 0 : i32
        %dma_start3A_633 = tpu.memref_slice %arg8[%dma_start3A_627, %dma_start3A_632] : memref<6x80xi32, #tpu.memory_space<vmem>> -> memref<1x80xi32, #tpu.memory_space<vmem>>
        %dma_start3A_634 = tpu.memref_squeeze %dma_start3A_633 : memref<1x80xi32, #tpu.memory_space<vmem>> -> memref<80xi32, #tpu.memory_space<vmem>>
        %dma_start3A_635 = tpu.memref_slice %arg3[%mul3A_626] : memref<320000xi32, #tpu.memory_space<hbm>> -> memref<80xi32, #tpu.memory_space<hbm>>
        tpu.enqueue_dma source(%dma_start3A_635 : memref<80xi32, #tpu.memory_space<hbm>>) target(%dma_start3A_634 : memref<80xi32, #tpu.memory_space<vmem>>) target_semaphore(%arg16 : memref<!tpu.dma_semaphore, #tpu.memory_space<semaphore_mem>>)
        %dma_start3A_636 = arith.constant 0 : i32
        %dma_start3A_637 = arith.constant 0 : i32
        %dma_start3A_638 = tpu.memref_slice %arg9[%dma_start3A_636, %dma_start3A_637] : memref<6x80xi32, #tpu.memory_space<vmem>> -> memref<1x80xi32, #tpu.memory_space<vmem>>
        %dma_start3A_639 = tpu.memref_squeeze %dma_start3A_638 : memref<1x80xi32, #tpu.memory_space<vmem>> -> memref<80xi32, #tpu.memory_space<vmem>>
        %dma_start3A_640 = tpu.memref_slice %arg4[%mul3A_626] : memref<320000xi32, #tpu.memory_space<hbm>> -> memref<80xi32, #tpu.memory_space<hbm>>
        %dma_start3A_641 = arith.constant 0 : i32
        %dma_start3A_642 = tpu.memref_slice %arg9[%dma_start3A_636, %dma_start3A_641] : memref<6x80xi32, #tpu.memory_space<vmem>> -> memref<1x80xi32, #tpu.memory_space<vmem>>
        %dma_start3A_643 = tpu.memref_squeeze %dma_start3A_642 : memref<1x80xi32, #tpu.memory_space<vmem>> -> memref<80xi32, #tpu.memory_space<vmem>>
        %dma_start3A_644 = tpu.memref_slice %arg4[%mul3A_626] : memref<320000xi32, #tpu.memory_space<hbm>> -> memref<80xi32, #tpu.memory_space<hbm>>
        tpu.enqueue_dma source(%dma_start3A_644 : memref<80xi32, #tpu.memory_space<hbm>>) target(%dma_start3A_643 : memref<80xi32, #tpu.memory_space<vmem>>) target_semaphore(%arg22 : memref<!tpu.dma_semaphore, #tpu.memory_space<semaphore_mem>>)
      } else {
      }
      %add3A_423 = arith.constant 3 : i32
      %add3A_424 = arith.addi %add3A_393, %add3A_423 : i32
      %lt3A_425 = arith.constant 125 : i32
      %lt3A_426 = arith.cmpi slt, %add3A_424, %lt3A_425 : i32
      %convert_element_type3A_427 = arith.extui %lt3A_426 : i1 to i32
      %cond3A_428 = arith.constant 0 : i32
      %cond3A_429 = arith.cmpi ne, %convert_element_type3A_427, %cond3A_428 : i32
      scf.if %cond3A_429 {
        %add3A_620 = arith.constant 3 : i32
        %add3A_621 = arith.addi %add3A_393, %add3A_620 : i32
        %mul3A_622 = arith.constant 125 : i32
        %mul3A_623 = arith.muli %add3A, %mul3A_622 : i32
        %add3A_624 = arith.addi %mul3A_623, %add3A_621 : i32
        %mul3A_625 = arith.constant 80 : i32
        %mul3A_626 = arith.muli %add3A_624, %mul3A_625 : i32
        %dma_wait3A_627 = arith.constant 3 : i32
        %dma_wait3A_628 = arith.constant 0 : i32
        %dma_wait3A_629 = tpu.memref_slice %arg8[%dma_wait3A_627, %dma_wait3A_628] : memref<6x80xi32, #tpu.memory_space<vmem>> -> memref<1x80xi32, #tpu.memory_space<vmem>>
        %dma_wait3A_630 = tpu.memref_squeeze %dma_wait3A_629 : memref<1x80xi32, #tpu.memory_space<vmem>> -> memref<80xi32, #tpu.memory_space<vmem>>
        %dma_wait3A_631 = tpu.memref_slice %arg3[%mul3A_626] : memref<320000xi32, #tpu.memory_space<hbm>> -> memref<80xi32, #tpu.memory_space<hbm>>
        %dma_wait3A_632 = arith.constant 0 : i32
        %dma_wait3A_633 = tpu.memref_slice %arg8[%dma_wait3A_627, %dma_wait3A_632] : memref<6x80xi32, #tpu.memory_space<vmem>> -> memref<1x80xi32, #tpu.memory_space<vmem>>
        %dma_wait3A_634 = tpu.memref_squeeze %dma_wait3A_633 : memref<1x80xi32, #tpu.memory_space<vmem>> -> memref<80xi32, #tpu.memory_space<vmem>>
        %dma_wait3A_635 = tpu.memref_slice %arg3[%mul3A_626] : memref<320000xi32, #tpu.memory_space<hbm>> -> memref<80xi32, #tpu.memory_space<hbm>>
        tpu.wait_dma2 semaphore(%arg19 : memref<!tpu.dma_semaphore, #tpu.memory_space<semaphore_mem>>) src(%dma_wait3A_635 : memref<80xi32, #tpu.memory_space<hbm>>) dst(%dma_wait3A_634 : memref<80xi32, #tpu.memory_space<vmem>>)
        %dma_start3A_636 = arith.constant 3 : i32
        %dma_start3A_637 = arith.constant 0 : i32
        %dma_start3A_638 = tpu.memref_slice %arg8[%dma_start3A_636, %dma_start3A_637] : memref<6x80xi32, #tpu.memory_space<vmem>> -> memref<1x80xi32, #tpu.memory_space<vmem>>
        %dma_start3A_639 = tpu.memref_squeeze %dma_start3A_638 : memref<1x80xi32, #tpu.memory_space<vmem>> -> memref<80xi32, #tpu.memory_space<vmem>>
        %dma_start3A_640 = arith.constant 0 : i32
        %dma_start3A_641 = arith.constant 0 : i32
        %dma_start3A_642 = tpu.memref_slice %arg2[%dma_start3A_640, %dma_start3A_641] : memref<10000x128xf32, #tpu.memory_space<hbm>> -> memref<10000x128xf32, #tpu.memory_space<hbm>>
        tpu.enqueue_indirect_dma source(%dma_start3A_642 : memref<10000x128xf32, #tpu.memory_space<hbm>>) target(%arg10 : memref<80x128xf32, #tpu.memory_space<vmem>>) offsets(%dma_start3A_639 : memref<80xi32, #tpu.memory_space<vmem>>) semaphore(%arg13 : memref<!tpu.dma_semaphore, #tpu.memory_space<semaphore_mem>>)
      } else {
      }
      %add3A_430 = arith.constant 1 : i32
      %add3A_431 = arith.addi %mul3A_391, %add3A_430 : i32
      %dma_wait3A_432 = arith.constant 1 : i32
      %dma_wait3A_433 = arith.constant 0 : i32
      %dma_wait3A_434 = tpu.memref_slice %arg8[%dma_wait3A_432, %dma_wait3A_433] : memref<6x80xi32, #tpu.memory_space<vmem>> -> memref<1x80xi32, #tpu.memory_space<vmem>>
      %dma_wait3A_435 = tpu.memref_squeeze %dma_wait3A_434 : memref<1x80xi32, #tpu.memory_space<vmem>> -> memref<80xi32, #tpu.memory_space<vmem>>
      %dma_wait3A_436 = arith.constant 0 : i32
      %dma_wait3A_437 = arith.constant 0 : i32
      %dma_wait3A_438 = tpu.memref_slice %arg2[%dma_wait3A_436, %dma_wait3A_437] : memref<10000x128xf32, #tpu.memory_space<hbm>> -> memref<10000x128xf32, #tpu.memory_space<hbm>>
      tpu.wait_indirect_dma semaphore(%arg14 : memref<!tpu.dma_semaphore, #tpu.memory_space<semaphore_mem>>) src(%dma_wait3A_438 : memref<10000x128xf32, #tpu.memory_space<hbm>>) dst(%arg11 : memref<80x128xf32, #tpu.memory_space<vmem>>)
      %mul3A_439 = arith.constant 125 : i32
      %mul3A_440 = arith.muli %add3A, %mul3A_439 : i32
      %add3A_441 = arith.addi %mul3A_440, %add3A_431 : i32
      %mul3A_442 = arith.constant 80 : i32
      %mul3A_443 = arith.muli %add3A_441, %mul3A_442 : i32
      %dma_wait3A_444 = arith.constant 1 : i32
      %dma_wait3A_445 = arith.constant 0 : i32
      %dma_wait3A_446 = tpu.memref_slice %arg9[%dma_wait3A_444, %dma_wait3A_445] : memref<6x80xi32, #tpu.memory_space<vmem>> -> memref<1x80xi32, #tpu.memory_space<vmem>>
      %dma_wait3A_447 = tpu.memref_squeeze %dma_wait3A_446 : memref<1x80xi32, #tpu.memory_space<vmem>> -> memref<80xi32, #tpu.memory_space<vmem>>
      %dma_wait3A_448 = tpu.memref_slice %arg4[%mul3A_443] : memref<320000xi32, #tpu.memory_space<hbm>> -> memref<80xi32, #tpu.memory_space<hbm>>
      %dma_wait3A_449 = arith.constant 0 : i32
      %dma_wait3A_450 = tpu.memref_slice %arg9[%dma_wait3A_444, %dma_wait3A_449] : memref<6x80xi32, #tpu.memory_space<vmem>> -> memref<1x80xi32, #tpu.memory_space<vmem>>
      %dma_wait3A_451 = tpu.memref_squeeze %dma_wait3A_450 : memref<1x80xi32, #tpu.memory_space<vmem>> -> memref<80xi32, #tpu.memory_space<vmem>>
      %dma_wait3A_452 = tpu.memref_slice %arg4[%mul3A_443] : memref<320000xi32, #tpu.memory_space<hbm>> -> memref<80xi32, #tpu.memory_space<hbm>>
      tpu.wait_dma2 semaphore(%arg23 : memref<!tpu.dma_semaphore, #tpu.memory_space<semaphore_mem>>) src(%dma_wait3A_452 : memref<80xi32, #tpu.memory_space<hbm>>) dst(%dma_wait3A_451 : memref<80xi32, #tpu.memory_space<vmem>>)
      %run_scoped3A_453 = arith.constant 1 : i32
      "tpu.region"() ({
        %run_scoped3A_620 = tpu.sem_alloc : memref<!tpu.dma_semaphore, #tpu.memory_space<semaphore_mem>>
        %dma_start3A_621 = arith.constant 0 : i32
        %dma_start3A_622 = tpu.memref_slice %arg9[%run_scoped3A_453, %dma_start3A_621] : memref<6x80xi32, #tpu.memory_space<vmem>> -> memref<1x80xi32, #tpu.memory_space<vmem>>
        %dma_start3A_623 = tpu.memref_squeeze %dma_start3A_622 : memref<1x80xi32, #tpu.memory_space<vmem>> -> memref<80xi32, #tpu.memory_space<vmem>>
        %dma_start3A_624 = arith.constant 0 : i32
        %dma_start3A_625 = arith.constant 0 : i32
        %dma_start3A_626 = tpu.memref_slice %arg7[%dma_start3A_624, %dma_start3A_625] : memref<10000x128xf32, #tpu.memory_space<vmem_shared>> -> memref<10000x128xf32, #tpu.memory_space<vmem_shared>>
        tpu.enqueue_indirect_dma source(%arg11 : memref<80x128xf32, #tpu.memory_space<vmem>>) target(%dma_start3A_626 : memref<10000x128xf32, #tpu.memory_space<vmem_shared>>) offsets(%dma_start3A_623 : memref<80xi32, #tpu.memory_space<vmem>>) semaphore(%run_scoped3A_620 : memref<!tpu.dma_semaphore, #tpu.memory_space<semaphore_mem>>) {add = true}
        %dma_wait3A_627 = arith.constant 0 : i32
        %dma_wait3A_628 = tpu.memref_slice %arg9[%run_scoped3A_453, %dma_wait3A_627] : memref<6x80xi32, #tpu.memory_space<vmem>> -> memref<1x80xi32, #tpu.memory_space<vmem>>
        %dma_wait3A_629 = tpu.memref_squeeze %dma_wait3A_628 : memref<1x80xi32, #tpu.memory_space<vmem>> -> memref<80xi32, #tpu.memory_space<vmem>>
        %dma_wait3A_630 = arith.constant 0 : i32
        %dma_wait3A_631 = arith.constant 0 : i32
        %dma_wait3A_632 = tpu.memref_slice %arg7[%dma_wait3A_630, %dma_wait3A_631] : memref<10000x128xf32, #tpu.memory_space<vmem_shared>> -> memref<10000x128xf32, #tpu.memory_space<vmem_shared>>
        tpu.wait_indirect_dma semaphore(%run_scoped3A_620 : memref<!tpu.dma_semaphore, #tpu.memory_space<semaphore_mem>>) src(%arg11 : memref<80x128xf32, #tpu.memory_space<vmem>>) dst(%dma_wait3A_632 : memref<10000x128xf32, #tpu.memory_space<vmem_shared>>)
        tpu.yield
      }) : () -> ()
      %add3A_454 = arith.constant 6 : i32
      %add3A_455 = arith.addi %add3A_431, %add3A_454 : i32
      %lt3A_456 = arith.constant 125 : i32
      %lt3A_457 = arith.cmpi slt, %add3A_455, %lt3A_456 : i32
      %convert_element_type3A_458 = arith.extui %lt3A_457 : i1 to i32
      %cond3A_459 = arith.constant 0 : i32
      %cond3A_460 = arith.cmpi ne, %convert_element_type3A_458, %cond3A_459 : i32
      scf.if %cond3A_460 {
        %add3A_620 = arith.constant 6 : i32
        %add3A_621 = arith.addi %add3A_431, %add3A_620 : i32
        %mul3A_622 = arith.constant 125 : i32
        %mul3A_623 = arith.muli %add3A, %mul3A_622 : i32
        %add3A_624 = arith.addi %mul3A_623, %add3A_621 : i32
        %mul3A_625 = arith.constant 80 : i32
        %mul3A_626 = arith.muli %add3A_624, %mul3A_625 : i32
        %dma_start3A_627 = arith.constant 1 : i32
        %dma_start3A_628 = arith.constant 0 : i32
        %dma_start3A_629 = tpu.memref_slice %arg8[%dma_start3A_627, %dma_start3A_628] : memref<6x80xi32, #tpu.memory_space<vmem>> -> memref<1x80xi32, #tpu.memory_space<vmem>>
        %dma_start3A_630 = tpu.memref_squeeze %dma_start3A_629 : memref<1x80xi32, #tpu.memory_space<vmem>> -> memref<80xi32, #tpu.memory_space<vmem>>
        %dma_start3A_631 = tpu.memref_slice %arg3[%mul3A_626] : memref<320000xi32, #tpu.memory_space<hbm>> -> memref<80xi32, #tpu.memory_space<hbm>>
        %dma_start3A_632 = arith.constant 0 : i32
        %dma_start3A_633 = tpu.memref_slice %arg8[%dma_start3A_627, %dma_start3A_632] : memref<6x80xi32, #tpu.memory_space<vmem>> -> memref<1x80xi32, #tpu.memory_space<vmem>>
        %dma_start3A_634 = tpu.memref_squeeze %dma_start3A_633 : memref<1x80xi32, #tpu.memory_space<vmem>> -> memref<80xi32, #tpu.memory_space<vmem>>
        %dma_start3A_635 = tpu.memref_slice %arg3[%mul3A_626] : memref<320000xi32, #tpu.memory_space<hbm>> -> memref<80xi32, #tpu.memory_space<hbm>>
        tpu.enqueue_dma source(%dma_start3A_635 : memref<80xi32, #tpu.memory_space<hbm>>) target(%dma_start3A_634 : memref<80xi32, #tpu.memory_space<vmem>>) target_semaphore(%arg17 : memref<!tpu.dma_semaphore, #tpu.memory_space<semaphore_mem>>)
        %dma_start3A_636 = arith.constant 1 : i32
        %dma_start3A_637 = arith.constant 0 : i32
        %dma_start3A_638 = tpu.memref_slice %arg9[%dma_start3A_636, %dma_start3A_637] : memref<6x80xi32, #tpu.memory_space<vmem>> -> memref<1x80xi32, #tpu.memory_space<vmem>>
        %dma_start3A_639 = tpu.memref_squeeze %dma_start3A_638 : memref<1x80xi32, #tpu.memory_space<vmem>> -> memref<80xi32, #tpu.memory_space<vmem>>
        %dma_start3A_640 = tpu.memref_slice %arg4[%mul3A_626] : memref<320000xi32, #tpu.memory_space<hbm>> -> memref<80xi32, #tpu.memory_space<hbm>>
        %dma_start3A_641 = arith.constant 0 : i32
        %dma_start3A_642 = tpu.memref_slice %arg9[%dma_start3A_636, %dma_start3A_641] : memref<6x80xi32, #tpu.memory_space<vmem>> -> memref<1x80xi32, #tpu.memory_space<vmem>>
        %dma_start3A_643 = tpu.memref_squeeze %dma_start3A_642 : memref<1x80xi32, #tpu.memory_space<vmem>> -> memref<80xi32, #tpu.memory_space<vmem>>
        %dma_start3A_644 = tpu.memref_slice %arg4[%mul3A_626] : memref<320000xi32, #tpu.memory_space<hbm>> -> memref<80xi32, #tpu.memory_space<hbm>>
        tpu.enqueue_dma source(%dma_start3A_644 : memref<80xi32, #tpu.memory_space<hbm>>) target(%dma_start3A_643 : memref<80xi32, #tpu.memory_space<vmem>>) target_semaphore(%arg23 : memref<!tpu.dma_semaphore, #tpu.memory_space<semaphore_mem>>)
      } else {
      }
      %add3A_461 = arith.constant 3 : i32
      %add3A_462 = arith.addi %add3A_431, %add3A_461 : i32
      %lt3A_463 = arith.constant 125 : i32
      %lt3A_464 = arith.cmpi slt, %add3A_462, %lt3A_463 : i32
      %convert_element_type3A_465 = arith.extui %lt3A_464 : i1 to i32
      %cond3A_466 = arith.constant 0 : i32
      %cond3A_467 = arith.cmpi ne, %convert_element_type3A_465, %cond3A_466 : i32
      scf.if %cond3A_467 {
        %add3A_620 = arith.constant 3 : i32
        %add3A_621 = arith.addi %add3A_431, %add3A_620 : i32
        %mul3A_622 = arith.constant 125 : i32
        %mul3A_623 = arith.muli %add3A, %mul3A_622 : i32
        %add3A_624 = arith.addi %mul3A_623, %add3A_621 : i32
        %mul3A_625 = arith.constant 80 : i32
        %mul3A_626 = arith.muli %add3A_624, %mul3A_625 : i32
        %dma_wait3A_627 = arith.constant 4 : i32
        %dma_wait3A_628 = arith.constant 0 : i32
        %dma_wait3A_629 = tpu.memref_slice %arg8[%dma_wait3A_627, %dma_wait3A_628] : memref<6x80xi32, #tpu.memory_space<vmem>> -> memref<1x80xi32, #tpu.memory_space<vmem>>
        %dma_wait3A_630 = tpu.memref_squeeze %dma_wait3A_629 : memref<1x80xi32, #tpu.memory_space<vmem>> -> memref<80xi32, #tpu.memory_space<vmem>>
        %dma_wait3A_631 = tpu.memref_slice %arg3[%mul3A_626] : memref<320000xi32, #tpu.memory_space<hbm>> -> memref<80xi32, #tpu.memory_space<hbm>>
        %dma_wait3A_632 = arith.constant 0 : i32
        %dma_wait3A_633 = tpu.memref_slice %arg8[%dma_wait3A_627, %dma_wait3A_632] : memref<6x80xi32, #tpu.memory_space<vmem>> -> memref<1x80xi32, #tpu.memory_space<vmem>>
        %dma_wait3A_634 = tpu.memref_squeeze %dma_wait3A_633 : memref<1x80xi32, #tpu.memory_space<vmem>> -> memref<80xi32, #tpu.memory_space<vmem>>
        %dma_wait3A_635 = tpu.memref_slice %arg3[%mul3A_626] : memref<320000xi32, #tpu.memory_space<hbm>> -> memref<80xi32, #tpu.memory_space<hbm>>
        tpu.wait_dma2 semaphore(%arg20 : memref<!tpu.dma_semaphore, #tpu.memory_space<semaphore_mem>>) src(%dma_wait3A_635 : memref<80xi32, #tpu.memory_space<hbm>>) dst(%dma_wait3A_634 : memref<80xi32, #tpu.memory_space<vmem>>)
        %dma_start3A_636 = arith.constant 4 : i32
        %dma_start3A_637 = arith.constant 0 : i32
        %dma_start3A_638 = tpu.memref_slice %arg8[%dma_start3A_636, %dma_start3A_637] : memref<6x80xi32, #tpu.memory_space<vmem>> -> memref<1x80xi32, #tpu.memory_space<vmem>>
        %dma_start3A_639 = tpu.memref_squeeze %dma_start3A_638 : memref<1x80xi32, #tpu.memory_space<vmem>> -> memref<80xi32, #tpu.memory_space<vmem>>
        %dma_start3A_640 = arith.constant 0 : i32
        %dma_start3A_641 = arith.constant 0 : i32
        %dma_start3A_642 = tpu.memref_slice %arg2[%dma_start3A_640, %dma_start3A_641] : memref<10000x128xf32, #tpu.memory_space<hbm>> -> memref<10000x128xf32, #tpu.memory_space<hbm>>
        tpu.enqueue_indirect_dma source(%dma_start3A_642 : memref<10000x128xf32, #tpu.memory_space<hbm>>) target(%arg11 : memref<80x128xf32, #tpu.memory_space<vmem>>) offsets(%dma_start3A_639 : memref<80xi32, #tpu.memory_space<vmem>>) semaphore(%arg14 : memref<!tpu.dma_semaphore, #tpu.memory_space<semaphore_mem>>)
      } else {
      }
      %add3A_468 = arith.constant 2 : i32
      %add3A_469 = arith.addi %mul3A_391, %add3A_468 : i32
      %dma_wait3A_470 = arith.constant 2 : i32
      %dma_wait3A_471 = arith.constant 0 : i32
      %dma_wait3A_472 = tpu.memref_slice %arg8[%dma_wait3A_470, %dma_wait3A_471] : memref<6x80xi32, #tpu.memory_space<vmem>> -> memref<1x80xi32, #tpu.memory_space<vmem>>
      %dma_wait3A_473 = tpu.memref_squeeze %dma_wait3A_472 : memref<1x80xi32, #tpu.memory_space<vmem>> -> memref<80xi32, #tpu.memory_space<vmem>>
      %dma_wait3A_474 = arith.constant 0 : i32
      %dma_wait3A_475 = arith.constant 0 : i32
      %dma_wait3A_476 = tpu.memref_slice %arg2[%dma_wait3A_474, %dma_wait3A_475] : memref<10000x128xf32, #tpu.memory_space<hbm>> -> memref<10000x128xf32, #tpu.memory_space<hbm>>
      tpu.wait_indirect_dma semaphore(%arg15 : memref<!tpu.dma_semaphore, #tpu.memory_space<semaphore_mem>>) src(%dma_wait3A_476 : memref<10000x128xf32, #tpu.memory_space<hbm>>) dst(%arg12 : memref<80x128xf32, #tpu.memory_space<vmem>>)
      %mul3A_477 = arith.constant 125 : i32
      %mul3A_478 = arith.muli %add3A, %mul3A_477 : i32
      %add3A_479 = arith.addi %mul3A_478, %add3A_469 : i32
      %mul3A_480 = arith.constant 80 : i32
      %mul3A_481 = arith.muli %add3A_479, %mul3A_480 : i32
      %dma_wait3A_482 = arith.constant 2 : i32
      %dma_wait3A_483 = arith.constant 0 : i32
      %dma_wait3A_484 = tpu.memref_slice %arg9[%dma_wait3A_482, %dma_wait3A_483] : memref<6x80xi32, #tpu.memory_space<vmem>> -> memref<1x80xi32, #tpu.memory_space<vmem>>
      %dma_wait3A_485 = tpu.memref_squeeze %dma_wait3A_484 : memref<1x80xi32, #tpu.memory_space<vmem>> -> memref<80xi32, #tpu.memory_space<vmem>>
      %dma_wait3A_486 = tpu.memref_slice %arg4[%mul3A_481] : memref<320000xi32, #tpu.memory_space<hbm>> -> memref<80xi32, #tpu.memory_space<hbm>>
      %dma_wait3A_487 = arith.constant 0 : i32
      %dma_wait3A_488 = tpu.memref_slice %arg9[%dma_wait3A_482, %dma_wait3A_487] : memref<6x80xi32, #tpu.memory_space<vmem>> -> memref<1x80xi32, #tpu.memory_space<vmem>>
      %dma_wait3A_489 = tpu.memref_squeeze %dma_wait3A_488 : memref<1x80xi32, #tpu.memory_space<vmem>> -> memref<80xi32, #tpu.memory_space<vmem>>
      %dma_wait3A_490 = tpu.memref_slice %arg4[%mul3A_481] : memref<320000xi32, #tpu.memory_space<hbm>> -> memref<80xi32, #tpu.memory_space<hbm>>
      tpu.wait_dma2 semaphore(%arg24 : memref<!tpu.dma_semaphore, #tpu.memory_space<semaphore_mem>>) src(%dma_wait3A_490 : memref<80xi32, #tpu.memory_space<hbm>>) dst(%dma_wait3A_489 : memref<80xi32, #tpu.memory_space<vmem>>)
      %run_scoped3A_491 = arith.constant 2 : i32
      "tpu.region"() ({
        %run_scoped3A_620 = tpu.sem_alloc : memref<!tpu.dma_semaphore, #tpu.memory_space<semaphore_mem>>
        %dma_start3A_621 = arith.constant 0 : i32
        %dma_start3A_622 = tpu.memref_slice %arg9[%run_scoped3A_491, %dma_start3A_621] : memref<6x80xi32, #tpu.memory_space<vmem>> -> memref<1x80xi32, #tpu.memory_space<vmem>>
        %dma_start3A_623 = tpu.memref_squeeze %dma_start3A_622 : memref<1x80xi32, #tpu.memory_space<vmem>> -> memref<80xi32, #tpu.memory_space<vmem>>
        %dma_start3A_624 = arith.constant 0 : i32
        %dma_start3A_625 = arith.constant 0 : i32
        %dma_start3A_626 = tpu.memref_slice %arg7[%dma_start3A_624, %dma_start3A_625] : memref<10000x128xf32, #tpu.memory_space<vmem_shared>> -> memref<10000x128xf32, #tpu.memory_space<vmem_shared>>
        tpu.enqueue_indirect_dma source(%arg12 : memref<80x128xf32, #tpu.memory_space<vmem>>) target(%dma_start3A_626 : memref<10000x128xf32, #tpu.memory_space<vmem_shared>>) offsets(%dma_start3A_623 : memref<80xi32, #tpu.memory_space<vmem>>) semaphore(%run_scoped3A_620 : memref<!tpu.dma_semaphore, #tpu.memory_space<semaphore_mem>>) {add = true}
        %dma_wait3A_627 = arith.constant 0 : i32
        %dma_wait3A_628 = tpu.memref_slice %arg9[%run_scoped3A_491, %dma_wait3A_627] : memref<6x80xi32, #tpu.memory_space<vmem>> -> memref<1x80xi32, #tpu.memory_space<vmem>>
        %dma_wait3A_629 = tpu.memref_squeeze %dma_wait3A_628 : memref<1x80xi32, #tpu.memory_space<vmem>> -> memref<80xi32, #tpu.memory_space<vmem>>
        %dma_wait3A_630 = arith.constant 0 : i32
        %dma_wait3A_631 = arith.constant 0 : i32
        %dma_wait3A_632 = tpu.memref_slice %arg7[%dma_wait3A_630, %dma_wait3A_631] : memref<10000x128xf32, #tpu.memory_space<vmem_shared>> -> memref<10000x128xf32, #tpu.memory_space<vmem_shared>>
        tpu.wait_indirect_dma semaphore(%run_scoped3A_620 : memref<!tpu.dma_semaphore, #tpu.memory_space<semaphore_mem>>) src(%arg12 : memref<80x128xf32, #tpu.memory_space<vmem>>) dst(%dma_wait3A_632 : memref<10000x128xf32, #tpu.memory_space<vmem_shared>>)
        tpu.yield
      }) : () -> ()
      %add3A_492 = arith.constant 6 : i32
      %add3A_493 = arith.addi %add3A_469, %add3A_492 : i32
      %lt3A_494 = arith.constant 125 : i32
      %lt3A_495 = arith.cmpi slt, %add3A_493, %lt3A_494 : i32
      %convert_element_type3A_496 = arith.extui %lt3A_495 : i1 to i32
      %cond3A_497 = arith.constant 0 : i32
      %cond3A_498 = arith.cmpi ne, %convert_element_type3A_496, %cond3A_497 : i32
      scf.if %cond3A_498 {
        %add3A_620 = arith.constant 6 : i32
        %add3A_621 = arith.addi %add3A_469, %add3A_620 : i32
        %mul3A_622 = arith.constant 125 : i32
        %mul3A_623 = arith.muli %add3A, %mul3A_622 : i32
        %add3A_624 = arith.addi %mul3A_623, %add3A_621 : i32
        %mul3A_625 = arith.constant 80 : i32
        %mul3A_626 = arith.muli %add3A_624, %mul3A_625 : i32
        %dma_start3A_627 = arith.constant 2 : i32
        %dma_start3A_628 = arith.constant 0 : i32
        %dma_start3A_629 = tpu.memref_slice %arg8[%dma_start3A_627, %dma_start3A_628] : memref<6x80xi32, #tpu.memory_space<vmem>> -> memref<1x80xi32, #tpu.memory_space<vmem>>
        %dma_start3A_630 = tpu.memref_squeeze %dma_start3A_629 : memref<1x80xi32, #tpu.memory_space<vmem>> -> memref<80xi32, #tpu.memory_space<vmem>>
        %dma_start3A_631 = tpu.memref_slice %arg3[%mul3A_626] : memref<320000xi32, #tpu.memory_space<hbm>> -> memref<80xi32, #tpu.memory_space<hbm>>
        %dma_start3A_632 = arith.constant 0 : i32
        %dma_start3A_633 = tpu.memref_slice %arg8[%dma_start3A_627, %dma_start3A_632] : memref<6x80xi32, #tpu.memory_space<vmem>> -> memref<1x80xi32, #tpu.memory_space<vmem>>
        %dma_start3A_634 = tpu.memref_squeeze %dma_start3A_633 : memref<1x80xi32, #tpu.memory_space<vmem>> -> memref<80xi32, #tpu.memory_space<vmem>>
        %dma_start3A_635 = tpu.memref_slice %arg3[%mul3A_626] : memref<320000xi32, #tpu.memory_space<hbm>> -> memref<80xi32, #tpu.memory_space<hbm>>
        tpu.enqueue_dma source(%dma_start3A_635 : memref<80xi32, #tpu.memory_space<hbm>>) target(%dma_start3A_634 : memref<80xi32, #tpu.memory_space<vmem>>) target_semaphore(%arg18 : memref<!tpu.dma_semaphore, #tpu.memory_space<semaphore_mem>>)
        %dma_start3A_636 = arith.constant 2 : i32
        %dma_start3A_637 = arith.constant 0 : i32
        %dma_start3A_638 = tpu.memref_slice %arg9[%dma_start3A_636, %dma_start3A_637] : memref<6x80xi32, #tpu.memory_space<vmem>> -> memref<1x80xi32, #tpu.memory_space<vmem>>
        %dma_start3A_639 = tpu.memref_squeeze %dma_start3A_638 : memref<1x80xi32, #tpu.memory_space<vmem>> -> memref<80xi32, #tpu.memory_space<vmem>>
        %dma_start3A_640 = tpu.memref_slice %arg4[%mul3A_626] : memref<320000xi32, #tpu.memory_space<hbm>> -> memref<80xi32, #tpu.memory_space<hbm>>
        %dma_start3A_641 = arith.constant 0 : i32
        %dma_start3A_642 = tpu.memref_slice %arg9[%dma_start3A_636, %dma_start3A_641] : memref<6x80xi32, #tpu.memory_space<vmem>> -> memref<1x80xi32, #tpu.memory_space<vmem>>
        %dma_start3A_643 = tpu.memref_squeeze %dma_start3A_642 : memref<1x80xi32, #tpu.memory_space<vmem>> -> memref<80xi32, #tpu.memory_space<vmem>>
        %dma_start3A_644 = tpu.memref_slice %arg4[%mul3A_626] : memref<320000xi32, #tpu.memory_space<hbm>> -> memref<80xi32, #tpu.memory_space<hbm>>
        tpu.enqueue_dma source(%dma_start3A_644 : memref<80xi32, #tpu.memory_space<hbm>>) target(%dma_start3A_643 : memref<80xi32, #tpu.memory_space<vmem>>) target_semaphore(%arg24 : memref<!tpu.dma_semaphore, #tpu.memory_space<semaphore_mem>>)
      } else {
      }
      %add3A_499 = arith.constant 3 : i32
      %add3A_500 = arith.addi %add3A_469, %add3A_499 : i32
      %lt3A_501 = arith.constant 125 : i32
      %lt3A_502 = arith.cmpi slt, %add3A_500, %lt3A_501 : i32
      %convert_element_type3A_503 = arith.extui %lt3A_502 : i1 to i32
      %cond3A_504 = arith.constant 0 : i32
      %cond3A_505 = arith.cmpi ne, %convert_element_type3A_503, %cond3A_504 : i32
      scf.if %cond3A_505 {
        %add3A_620 = arith.constant 3 : i32
        %add3A_621 = arith.addi %add3A_469, %add3A_620 : i32
        %mul3A_622 = arith.constant 125 : i32
        %mul3A_623 = arith.muli %add3A, %mul3A_622 : i32
        %add3A_624 = arith.addi %mul3A_623, %add3A_621 : i32
        %mul3A_625 = arith.constant 80 : i32
        %mul3A_626 = arith.muli %add3A_624, %mul3A_625 : i32
        %dma_wait3A_627 = arith.constant 5 : i32
        %dma_wait3A_628 = arith.constant 0 : i32
        %dma_wait3A_629 = tpu.memref_slice %arg8[%dma_wait3A_627, %dma_wait3A_628] : memref<6x80xi32, #tpu.memory_space<vmem>> -> memref<1x80xi32, #tpu.memory_space<vmem>>
        %dma_wait3A_630 = tpu.memref_squeeze %dma_wait3A_629 : memref<1x80xi32, #tpu.memory_space<vmem>> -> memref<80xi32, #tpu.memory_space<vmem>>
        %dma_wait3A_631 = tpu.memref_slice %arg3[%mul3A_626] : memref<320000xi32, #tpu.memory_space<hbm>> -> memref<80xi32, #tpu.memory_space<hbm>>
        %dma_wait3A_632 = arith.constant 0 : i32
        %dma_wait3A_633 = tpu.memref_slice %arg8[%dma_wait3A_627, %dma_wait3A_632] : memref<6x80xi32, #tpu.memory_space<vmem>> -> memref<1x80xi32, #tpu.memory_space<vmem>>
        %dma_wait3A_634 = tpu.memref_squeeze %dma_wait3A_633 : memref<1x80xi32, #tpu.memory_space<vmem>> -> memref<80xi32, #tpu.memory_space<vmem>>
        %dma_wait3A_635 = tpu.memref_slice %arg3[%mul3A_626] : memref<320000xi32, #tpu.memory_space<hbm>> -> memref<80xi32, #tpu.memory_space<hbm>>
        tpu.wait_dma2 semaphore(%arg21 : memref<!tpu.dma_semaphore, #tpu.memory_space<semaphore_mem>>) src(%dma_wait3A_635 : memref<80xi32, #tpu.memory_space<hbm>>) dst(%dma_wait3A_634 : memref<80xi32, #tpu.memory_space<vmem>>)
        %dma_start3A_636 = arith.constant 5 : i32
        %dma_start3A_637 = arith.constant 0 : i32
        %dma_start3A_638 = tpu.memref_slice %arg8[%dma_start3A_636, %dma_start3A_637] : memref<6x80xi32, #tpu.memory_space<vmem>> -> memref<1x80xi32, #tpu.memory_space<vmem>>
        %dma_start3A_639 = tpu.memref_squeeze %dma_start3A_638 : memref<1x80xi32, #tpu.memory_space<vmem>> -> memref<80xi32, #tpu.memory_space<vmem>>
        %dma_start3A_640 = arith.constant 0 : i32
        %dma_start3A_641 = arith.constant 0 : i32
        %dma_start3A_642 = tpu.memref_slice %arg2[%dma_start3A_640, %dma_start3A_641] : memref<10000x128xf32, #tpu.memory_space<hbm>> -> memref<10000x128xf32, #tpu.memory_space<hbm>>
        tpu.enqueue_indirect_dma source(%dma_start3A_642 : memref<10000x128xf32, #tpu.memory_space<hbm>>) target(%arg12 : memref<80x128xf32, #tpu.memory_space<vmem>>) offsets(%dma_start3A_639 : memref<80xi32, #tpu.memory_space<vmem>>) semaphore(%arg15 : memref<!tpu.dma_semaphore, #tpu.memory_space<semaphore_mem>>)
      } else {
      }
      %add3A_506 = arith.constant 3 : i32
      %add3A_507 = arith.addi %mul3A_391, %add3A_506 : i32
      %dma_wait3A_508 = arith.constant 3 : i32
      %dma_wait3A_509 = arith.constant 0 : i32
      %dma_wait3A_510 = tpu.memref_slice %arg8[%dma_wait3A_508, %dma_wait3A_509] : memref<6x80xi32, #tpu.memory_space<vmem>> -> memref<1x80xi32, #tpu.memory_space<vmem>>
      %dma_wait3A_511 = tpu.memref_squeeze %dma_wait3A_510 : memref<1x80xi32, #tpu.memory_space<vmem>> -> memref<80xi32, #tpu.memory_space<vmem>>
      %dma_wait3A_512 = arith.constant 0 : i32
      %dma_wait3A_513 = arith.constant 0 : i32
      %dma_wait3A_514 = tpu.memref_slice %arg2[%dma_wait3A_512, %dma_wait3A_513] : memref<10000x128xf32, #tpu.memory_space<hbm>> -> memref<10000x128xf32, #tpu.memory_space<hbm>>
      tpu.wait_indirect_dma semaphore(%arg13 : memref<!tpu.dma_semaphore, #tpu.memory_space<semaphore_mem>>) src(%dma_wait3A_514 : memref<10000x128xf32, #tpu.memory_space<hbm>>) dst(%arg10 : memref<80x128xf32, #tpu.memory_space<vmem>>)
      %mul3A_515 = arith.constant 125 : i32
      %mul3A_516 = arith.muli %add3A, %mul3A_515 : i32
      %add3A_517 = arith.addi %mul3A_516, %add3A_507 : i32
      %mul3A_518 = arith.constant 80 : i32
      %mul3A_519 = arith.muli %add3A_517, %mul3A_518 : i32
      %dma_wait3A_520 = arith.constant 3 : i32
      %dma_wait3A_521 = arith.constant 0 : i32
      %dma_wait3A_522 = tpu.memref_slice %arg9[%dma_wait3A_520, %dma_wait3A_521] : memref<6x80xi32, #tpu.memory_space<vmem>> -> memref<1x80xi32, #tpu.memory_space<vmem>>
      %dma_wait3A_523 = tpu.memref_squeeze %dma_wait3A_522 : memref<1x80xi32, #tpu.memory_space<vmem>> -> memref<80xi32, #tpu.memory_space<vmem>>
      %dma_wait3A_524 = tpu.memref_slice %arg4[%mul3A_519] : memref<320000xi32, #tpu.memory_space<hbm>> -> memref<80xi32, #tpu.memory_space<hbm>>
      %dma_wait3A_525 = arith.constant 0 : i32
      %dma_wait3A_526 = tpu.memref_slice %arg9[%dma_wait3A_520, %dma_wait3A_525] : memref<6x80xi32, #tpu.memory_space<vmem>> -> memref<1x80xi32, #tpu.memory_space<vmem>>
      %dma_wait3A_527 = tpu.memref_squeeze %dma_wait3A_526 : memref<1x80xi32, #tpu.memory_space<vmem>> -> memref<80xi32, #tpu.memory_space<vmem>>
      %dma_wait3A_528 = tpu.memref_slice %arg4[%mul3A_519] : memref<320000xi32, #tpu.memory_space<hbm>> -> memref<80xi32, #tpu.memory_space<hbm>>
      tpu.wait_dma2 semaphore(%arg25 : memref<!tpu.dma_semaphore, #tpu.memory_space<semaphore_mem>>) src(%dma_wait3A_528 : memref<80xi32, #tpu.memory_space<hbm>>) dst(%dma_wait3A_527 : memref<80xi32, #tpu.memory_space<vmem>>)
      %run_scoped3A_529 = arith.constant 3 : i32
      "tpu.region"() ({
        %run_scoped3A_620 = tpu.sem_alloc : memref<!tpu.dma_semaphore, #tpu.memory_space<semaphore_mem>>
        %dma_start3A_621 = arith.constant 0 : i32
        %dma_start3A_622 = tpu.memref_slice %arg9[%run_scoped3A_529, %dma_start3A_621] : memref<6x80xi32, #tpu.memory_space<vmem>> -> memref<1x80xi32, #tpu.memory_space<vmem>>
        %dma_start3A_623 = tpu.memref_squeeze %dma_start3A_622 : memref<1x80xi32, #tpu.memory_space<vmem>> -> memref<80xi32, #tpu.memory_space<vmem>>
        %dma_start3A_624 = arith.constant 0 : i32
        %dma_start3A_625 = arith.constant 0 : i32
        %dma_start3A_626 = tpu.memref_slice %arg7[%dma_start3A_624, %dma_start3A_625] : memref<10000x128xf32, #tpu.memory_space<vmem_shared>> -> memref<10000x128xf32, #tpu.memory_space<vmem_shared>>
        tpu.enqueue_indirect_dma source(%arg10 : memref<80x128xf32, #tpu.memory_space<vmem>>) target(%dma_start3A_626 : memref<10000x128xf32, #tpu.memory_space<vmem_shared>>) offsets(%dma_start3A_623 : memref<80xi32, #tpu.memory_space<vmem>>) semaphore(%run_scoped3A_620 : memref<!tpu.dma_semaphore, #tpu.memory_space<semaphore_mem>>) {add = true}
        %dma_wait3A_627 = arith.constant 0 : i32
        %dma_wait3A_628 = tpu.memref_slice %arg9[%run_scoped3A_529, %dma_wait3A_627] : memref<6x80xi32, #tpu.memory_space<vmem>> -> memref<1x80xi32, #tpu.memory_space<vmem>>
        %dma_wait3A_629 = tpu.memref_squeeze %dma_wait3A_628 : memref<1x80xi32, #tpu.memory_space<vmem>> -> memref<80xi32, #tpu.memory_space<vmem>>
        %dma_wait3A_630 = arith.constant 0 : i32
        %dma_wait3A_631 = arith.constant 0 : i32
        %dma_wait3A_632 = tpu.memref_slice %arg7[%dma_wait3A_630, %dma_wait3A_631] : memref<10000x128xf32, #tpu.memory_space<vmem_shared>> -> memref<10000x128xf32, #tpu.memory_space<vmem_shared>>
        tpu.wait_indirect_dma semaphore(%run_scoped3A_620 : memref<!tpu.dma_semaphore, #tpu.memory_space<semaphore_mem>>) src(%arg10 : memref<80x128xf32, #tpu.memory_space<vmem>>) dst(%dma_wait3A_632 : memref<10000x128xf32, #tpu.memory_space<vmem_shared>>)
        tpu.yield
      }) : () -> ()
      %add3A_530 = arith.constant 6 : i32
      %add3A_531 = arith.addi %add3A_507, %add3A_530 : i32
      %lt3A_532 = arith.constant 125 : i32
      %lt3A_533 = arith.cmpi slt, %add3A_531, %lt3A_532 : i32
      %convert_element_type3A_534 = arith.extui %lt3A_533 : i1 to i32
      %cond3A_535 = arith.constant 0 : i32
      %cond3A_536 = arith.cmpi ne, %convert_element_type3A_534, %cond3A_535 : i32
      scf.if %cond3A_536 {
        %add3A_620 = arith.constant 6 : i32
        %add3A_621 = arith.addi %add3A_507, %add3A_620 : i32
        %mul3A_622 = arith.constant 125 : i32
        %mul3A_623 = arith.muli %add3A, %mul3A_622 : i32
        %add3A_624 = arith.addi %mul3A_623, %add3A_621 : i32
        %mul3A_625 = arith.constant 80 : i32
        %mul3A_626 = arith.muli %add3A_624, %mul3A_625 : i32
        %dma_start3A_627 = arith.constant 3 : i32
        %dma_start3A_628 = arith.constant 0 : i32
        %dma_start3A_629 = tpu.memref_slice %arg8[%dma_start3A_627, %dma_start3A_628] : memref<6x80xi32, #tpu.memory_space<vmem>> -> memref<1x80xi32, #tpu.memory_space<vmem>>
        %dma_start3A_630 = tpu.memref_squeeze %dma_start3A_629 : memref<1x80xi32, #tpu.memory_space<vmem>> -> memref<80xi32, #tpu.memory_space<vmem>>
        %dma_start3A_631 = tpu.memref_slice %arg3[%mul3A_626] : memref<320000xi32, #tpu.memory_space<hbm>> -> memref<80xi32, #tpu.memory_space<hbm>>
        %dma_start3A_632 = arith.constant 0 : i32
        %dma_start3A_633 = tpu.memref_slice %arg8[%dma_start3A_627, %dma_start3A_632] : memref<6x80xi32, #tpu.memory_space<vmem>> -> memref<1x80xi32, #tpu.memory_space<vmem>>
        %dma_start3A_634 = tpu.memref_squeeze %dma_start3A_633 : memref<1x80xi32, #tpu.memory_space<vmem>> -> memref<80xi32, #tpu.memory_space<vmem>>
        %dma_start3A_635 = tpu.memref_slice %arg3[%mul3A_626] : memref<320000xi32, #tpu.memory_space<hbm>> -> memref<80xi32, #tpu.memory_space<hbm>>
        tpu.enqueue_dma source(%dma_start3A_635 : memref<80xi32, #tpu.memory_space<hbm>>) target(%dma_start3A_634 : memref<80xi32, #tpu.memory_space<vmem>>) target_semaphore(%arg19 : memref<!tpu.dma_semaphore, #tpu.memory_space<semaphore_mem>>)
        %dma_start3A_636 = arith.constant 3 : i32
        %dma_start3A_637 = arith.constant 0 : i32
        %dma_start3A_638 = tpu.memref_slice %arg9[%dma_start3A_636, %dma_start3A_637] : memref<6x80xi32, #tpu.memory_space<vmem>> -> memref<1x80xi32, #tpu.memory_space<vmem>>
        %dma_start3A_639 = tpu.memref_squeeze %dma_start3A_638 : memref<1x80xi32, #tpu.memory_space<vmem>> -> memref<80xi32, #tpu.memory_space<vmem>>
        %dma_start3A_640 = tpu.memref_slice %arg4[%mul3A_626] : memref<320000xi32, #tpu.memory_space<hbm>> -> memref<80xi32, #tpu.memory_space<hbm>>
        %dma_start3A_641 = arith.constant 0 : i32
        %dma_start3A_642 = tpu.memref_slice %arg9[%dma_start3A_636, %dma_start3A_641] : memref<6x80xi32, #tpu.memory_space<vmem>> -> memref<1x80xi32, #tpu.memory_space<vmem>>
        %dma_start3A_643 = tpu.memref_squeeze %dma_start3A_642 : memref<1x80xi32, #tpu.memory_space<vmem>> -> memref<80xi32, #tpu.memory_space<vmem>>
        %dma_start3A_644 = tpu.memref_slice %arg4[%mul3A_626] : memref<320000xi32, #tpu.memory_space<hbm>> -> memref<80xi32, #tpu.memory_space<hbm>>
        tpu.enqueue_dma source(%dma_start3A_644 : memref<80xi32, #tpu.memory_space<hbm>>) target(%dma_start3A_643 : memref<80xi32, #tpu.memory_space<vmem>>) target_semaphore(%arg25 : memref<!tpu.dma_semaphore, #tpu.memory_space<semaphore_mem>>)
      } else {
      }
      %add3A_537 = arith.constant 3 : i32
      %add3A_538 = arith.addi %add3A_507, %add3A_537 : i32
      %lt3A_539 = arith.constant 125 : i32
      %lt3A_540 = arith.cmpi slt, %add3A_538, %lt3A_539 : i32
      %convert_element_type3A_541 = arith.extui %lt3A_540 : i1 to i32
      %cond3A_542 = arith.constant 0 : i32
      %cond3A_543 = arith.cmpi ne, %convert_element_type3A_541, %cond3A_542 : i32
      scf.if %cond3A_543 {
        %add3A_620 = arith.constant 3 : i32
        %add3A_621 = arith.addi %add3A_507, %add3A_620 : i32
        %mul3A_622 = arith.constant 125 : i32
        %mul3A_623 = arith.muli %add3A, %mul3A_622 : i32
        %add3A_624 = arith.addi %mul3A_623, %add3A_621 : i32
        %mul3A_625 = arith.constant 80 : i32
        %mul3A_626 = arith.muli %add3A_624, %mul3A_625 : i32
        %dma_wait3A_627 = arith.constant 0 : i32
        %dma_wait3A_628 = arith.constant 0 : i32
        %dma_wait3A_629 = tpu.memref_slice %arg8[%dma_wait3A_627, %dma_wait3A_628] : memref<6x80xi32, #tpu.memory_space<vmem>> -> memref<1x80xi32, #tpu.memory_space<vmem>>
        %dma_wait3A_630 = tpu.memref_squeeze %dma_wait3A_629 : memref<1x80xi32, #tpu.memory_space<vmem>> -> memref<80xi32, #tpu.memory_space<vmem>>
        %dma_wait3A_631 = tpu.memref_slice %arg3[%mul3A_626] : memref<320000xi32, #tpu.memory_space<hbm>> -> memref<80xi32, #tpu.memory_space<hbm>>
        %dma_wait3A_632 = arith.constant 0 : i32
        %dma_wait3A_633 = tpu.memref_slice %arg8[%dma_wait3A_627, %dma_wait3A_632] : memref<6x80xi32, #tpu.memory_space<vmem>> -> memref<1x80xi32, #tpu.memory_space<vmem>>
        %dma_wait3A_634 = tpu.memref_squeeze %dma_wait3A_633 : memref<1x80xi32, #tpu.memory_space<vmem>> -> memref<80xi32, #tpu.memory_space<vmem>>
        %dma_wait3A_635 = tpu.memref_slice %arg3[%mul3A_626] : memref<320000xi32, #tpu.memory_space<hbm>> -> memref<80xi32, #tpu.memory_space<hbm>>
        tpu.wait_dma2 semaphore(%arg16 : memref<!tpu.dma_semaphore, #tpu.memory_space<semaphore_mem>>) src(%dma_wait3A_635 : memref<80xi32, #tpu.memory_space<hbm>>) dst(%dma_wait3A_634 : memref<80xi32, #tpu.memory_space<vmem>>)
        %dma_start3A_636 = arith.constant 0 : i32
        %dma_start3A_637 = arith.constant 0 : i32
        %dma_start3A_638 = tpu.memref_slice %arg8[%dma_start3A_636, %dma_start3A_637] : memref<6x80xi32, #tpu.memory_space<vmem>> -> memref<1x80xi32, #tpu.memory_space<vmem>>
        %dma_start3A_639 = tpu.memref_squeeze %dma_start3A_638 : memref<1x80xi32, #tpu.memory_space<vmem>> -> memref<80xi32, #tpu.memory_space<vmem>>
        %dma_start3A_640 = arith.constant 0 : i32
        %dma_start3A_641 = arith.constant 0 : i32
        %dma_start3A_642 = tpu.memref_slice %arg2[%dma_start3A_640, %dma_start3A_641] : memref<10000x128xf32, #tpu.memory_space<hbm>> -> memref<10000x128xf32, #tpu.memory_space<hbm>>
        tpu.enqueue_indirect_dma source(%dma_start3A_642 : memref<10000x128xf32, #tpu.memory_space<hbm>>) target(%arg10 : memref<80x128xf32, #tpu.memory_space<vmem>>) offsets(%dma_start3A_639 : memref<80xi32, #tpu.memory_space<vmem>>) semaphore(%arg13 : memref<!tpu.dma_semaphore, #tpu.memory_space<semaphore_mem>>)
      } else {
      }
      %add3A_544 = arith.constant 4 : i32
      %add3A_545 = arith.addi %mul3A_391, %add3A_544 : i32
      %dma_wait3A_546 = arith.constant 4 : i32
      %dma_wait3A_547 = arith.constant 0 : i32
      %dma_wait3A_548 = tpu.memref_slice %arg8[%dma_wait3A_546, %dma_wait3A_547] : memref<6x80xi32, #tpu.memory_space<vmem>> -> memref<1x80xi32, #tpu.memory_space<vmem>>
      %dma_wait3A_549 = tpu.memref_squeeze %dma_wait3A_548 : memref<1x80xi32, #tpu.memory_space<vmem>> -> memref<80xi32, #tpu.memory_space<vmem>>
      %dma_wait3A_550 = arith.constant 0 : i32
      %dma_wait3A_551 = arith.constant 0 : i32
      %dma_wait3A_552 = tpu.memref_slice %arg2[%dma_wait3A_550, %dma_wait3A_551] : memref<10000x128xf32, #tpu.memory_space<hbm>> -> memref<10000x128xf32, #tpu.memory_space<hbm>>
      tpu.wait_indirect_dma semaphore(%arg14 : memref<!tpu.dma_semaphore, #tpu.memory_space<semaphore_mem>>) src(%dma_wait3A_552 : memref<10000x128xf32, #tpu.memory_space<hbm>>) dst(%arg11 : memref<80x128xf32, #tpu.memory_space<vmem>>)
      %mul3A_553 = arith.constant 125 : i32
      %mul3A_554 = arith.muli %add3A, %mul3A_553 : i32
      %add3A_555 = arith.addi %mul3A_554, %add3A_545 : i32
      %mul3A_556 = arith.constant 80 : i32
      %mul3A_557 = arith.muli %add3A_555, %mul3A_556 : i32
      %dma_wait3A_558 = arith.constant 4 : i32
      %dma_wait3A_559 = arith.constant 0 : i32
      %dma_wait3A_560 = tpu.memref_slice %arg9[%dma_wait3A_558, %dma_wait3A_559] : memref<6x80xi32, #tpu.memory_space<vmem>> -> memref<1x80xi32, #tpu.memory_space<vmem>>
      %dma_wait3A_561 = tpu.memref_squeeze %dma_wait3A_560 : memref<1x80xi32, #tpu.memory_space<vmem>> -> memref<80xi32, #tpu.memory_space<vmem>>
      %dma_wait3A_562 = tpu.memref_slice %arg4[%mul3A_557] : memref<320000xi32, #tpu.memory_space<hbm>> -> memref<80xi32, #tpu.memory_space<hbm>>
      %dma_wait3A_563 = arith.constant 0 : i32
      %dma_wait3A_564 = tpu.memref_slice %arg9[%dma_wait3A_558, %dma_wait3A_563] : memref<6x80xi32, #tpu.memory_space<vmem>> -> memref<1x80xi32, #tpu.memory_space<vmem>>
      %dma_wait3A_565 = tpu.memref_squeeze %dma_wait3A_564 : memref<1x80xi32, #tpu.memory_space<vmem>> -> memref<80xi32, #tpu.memory_space<vmem>>
      %dma_wait3A_566 = tpu.memref_slice %arg4[%mul3A_557] : memref<320000xi32, #tpu.memory_space<hbm>> -> memref<80xi32, #tpu.memory_space<hbm>>
      tpu.wait_dma2 semaphore(%arg26 : memref<!tpu.dma_semaphore, #tpu.memory_space<semaphore_mem>>) src(%dma_wait3A_566 : memref<80xi32, #tpu.memory_space<hbm>>) dst(%dma_wait3A_565 : memref<80xi32, #tpu.memory_space<vmem>>)
      %run_scoped3A_567 = arith.constant 4 : i32
      "tpu.region"() ({
        %run_scoped3A_620 = tpu.sem_alloc : memref<!tpu.dma_semaphore, #tpu.memory_space<semaphore_mem>>
        %dma_start3A_621 = arith.constant 0 : i32
        %dma_start3A_622 = tpu.memref_slice %arg9[%run_scoped3A_567, %dma_start3A_621] : memref<6x80xi32, #tpu.memory_space<vmem>> -> memref<1x80xi32, #tpu.memory_space<vmem>>
        %dma_start3A_623 = tpu.memref_squeeze %dma_start3A_622 : memref<1x80xi32, #tpu.memory_space<vmem>> -> memref<80xi32, #tpu.memory_space<vmem>>
        %dma_start3A_624 = arith.constant 0 : i32
        %dma_start3A_625 = arith.constant 0 : i32
        %dma_start3A_626 = tpu.memref_slice %arg7[%dma_start3A_624, %dma_start3A_625] : memref<10000x128xf32, #tpu.memory_space<vmem_shared>> -> memref<10000x128xf32, #tpu.memory_space<vmem_shared>>
        tpu.enqueue_indirect_dma source(%arg11 : memref<80x128xf32, #tpu.memory_space<vmem>>) target(%dma_start3A_626 : memref<10000x128xf32, #tpu.memory_space<vmem_shared>>) offsets(%dma_start3A_623 : memref<80xi32, #tpu.memory_space<vmem>>) semaphore(%run_scoped3A_620 : memref<!tpu.dma_semaphore, #tpu.memory_space<semaphore_mem>>) {add = true}
        %dma_wait3A_627 = arith.constant 0 : i32
        %dma_wait3A_628 = tpu.memref_slice %arg9[%run_scoped3A_567, %dma_wait3A_627] : memref<6x80xi32, #tpu.memory_space<vmem>> -> memref<1x80xi32, #tpu.memory_space<vmem>>
        %dma_wait3A_629 = tpu.memref_squeeze %dma_wait3A_628 : memref<1x80xi32, #tpu.memory_space<vmem>> -> memref<80xi32, #tpu.memory_space<vmem>>
        %dma_wait3A_630 = arith.constant 0 : i32
        %dma_wait3A_631 = arith.constant 0 : i32
        %dma_wait3A_632 = tpu.memref_slice %arg7[%dma_wait3A_630, %dma_wait3A_631] : memref<10000x128xf32, #tpu.memory_space<vmem_shared>> -> memref<10000x128xf32, #tpu.memory_space<vmem_shared>>
        tpu.wait_indirect_dma semaphore(%run_scoped3A_620 : memref<!tpu.dma_semaphore, #tpu.memory_space<semaphore_mem>>) src(%arg11 : memref<80x128xf32, #tpu.memory_space<vmem>>) dst(%dma_wait3A_632 : memref<10000x128xf32, #tpu.memory_space<vmem_shared>>)
        tpu.yield
      }) : () -> ()
      %add3A_568 = arith.constant 6 : i32
      %add3A_569 = arith.addi %add3A_545, %add3A_568 : i32
      %lt3A_570 = arith.constant 125 : i32
      %lt3A_571 = arith.cmpi slt, %add3A_569, %lt3A_570 : i32
      %convert_element_type3A_572 = arith.extui %lt3A_571 : i1 to i32
      %cond3A_573 = arith.constant 0 : i32
      %cond3A_574 = arith.cmpi ne, %convert_element_type3A_572, %cond3A_573 : i32
      scf.if %cond3A_574 {
        %add3A_620 = arith.constant 6 : i32
        %add3A_621 = arith.addi %add3A_545, %add3A_620 : i32
        %mul3A_622 = arith.constant 125 : i32
        %mul3A_623 = arith.muli %add3A, %mul3A_622 : i32
        %add3A_624 = arith.addi %mul3A_623, %add3A_621 : i32
        %mul3A_625 = arith.constant 80 : i32
        %mul3A_626 = arith.muli %add3A_624, %mul3A_625 : i32
        %dma_start3A_627 = arith.constant 4 : i32
        %dma_start3A_628 = arith.constant 0 : i32
        %dma_start3A_629 = tpu.memref_slice %arg8[%dma_start3A_627, %dma_start3A_628] : memref<6x80xi32, #tpu.memory_space<vmem>> -> memref<1x80xi32, #tpu.memory_space<vmem>>
        %dma_start3A_630 = tpu.memref_squeeze %dma_start3A_629 : memref<1x80xi32, #tpu.memory_space<vmem>> -> memref<80xi32, #tpu.memory_space<vmem>>
        %dma_start3A_631 = tpu.memref_slice %arg3[%mul3A_626] : memref<320000xi32, #tpu.memory_space<hbm>> -> memref<80xi32, #tpu.memory_space<hbm>>
        %dma_start3A_632 = arith.constant 0 : i32
        %dma_start3A_633 = tpu.memref_slice %arg8[%dma_start3A_627, %dma_start3A_632] : memref<6x80xi32, #tpu.memory_space<vmem>> -> memref<1x80xi32, #tpu.memory_space<vmem>>
        %dma_start3A_634 = tpu.memref_squeeze %dma_start3A_633 : memref<1x80xi32, #tpu.memory_space<vmem>> -> memref<80xi32, #tpu.memory_space<vmem>>
        %dma_start3A_635 = tpu.memref_slice %arg3[%mul3A_626] : memref<320000xi32, #tpu.memory_space<hbm>> -> memref<80xi32, #tpu.memory_space<hbm>>
        tpu.enqueue_dma source(%dma_start3A_635 : memref<80xi32, #tpu.memory_space<hbm>>) target(%dma_start3A_634 : memref<80xi32, #tpu.memory_space<vmem>>) target_semaphore(%arg20 : memref<!tpu.dma_semaphore, #tpu.memory_space<semaphore_mem>>)
        %dma_start3A_636 = arith.constant 4 : i32
        %dma_start3A_637 = arith.constant 0 : i32
        %dma_start3A_638 = tpu.memref_slice %arg9[%dma_start3A_636, %dma_start3A_637] : memref<6x80xi32, #tpu.memory_space<vmem>> -> memref<1x80xi32, #tpu.memory_space<vmem>>
        %dma_start3A_639 = tpu.memref_squeeze %dma_start3A_638 : memref<1x80xi32, #tpu.memory_space<vmem>> -> memref<80xi32, #tpu.memory_space<vmem>>
        %dma_start3A_640 = tpu.memref_slice %arg4[%mul3A_626] : memref<320000xi32, #tpu.memory_space<hbm>> -> memref<80xi32, #tpu.memory_space<hbm>>
        %dma_start3A_641 = arith.constant 0 : i32
        %dma_start3A_642 = tpu.memref_slice %arg9[%dma_start3A_636, %dma_start3A_641] : memref<6x80xi32, #tpu.memory_space<vmem>> -> memref<1x80xi32, #tpu.memory_space<vmem>>
        %dma_start3A_643 = tpu.memref_squeeze %dma_start3A_642 : memref<1x80xi32, #tpu.memory_space<vmem>> -> memref<80xi32, #tpu.memory_space<vmem>>
        %dma_start3A_644 = tpu.memref_slice %arg4[%mul3A_626] : memref<320000xi32, #tpu.memory_space<hbm>> -> memref<80xi32, #tpu.memory_space<hbm>>
        tpu.enqueue_dma source(%dma_start3A_644 : memref<80xi32, #tpu.memory_space<hbm>>) target(%dma_start3A_643 : memref<80xi32, #tpu.memory_space<vmem>>) target_semaphore(%arg26 : memref<!tpu.dma_semaphore, #tpu.memory_space<semaphore_mem>>)
      } else {
      }
      %add3A_575 = arith.constant 3 : i32
      %add3A_576 = arith.addi %add3A_545, %add3A_575 : i32
      %lt3A_577 = arith.constant 125 : i32
      %lt3A_578 = arith.cmpi slt, %add3A_576, %lt3A_577 : i32
      %convert_element_type3A_579 = arith.extui %lt3A_578 : i1 to i32
      %cond3A_580 = arith.constant 0 : i32
      %cond3A_581 = arith.cmpi ne, %convert_element_type3A_579, %cond3A_580 : i32
      scf.if %cond3A_581 {
        %add3A_620 = arith.constant 3 : i32
        %add3A_621 = arith.addi %add3A_545, %add3A_620 : i32
        %mul3A_622 = arith.constant 125 : i32
        %mul3A_623 = arith.muli %add3A, %mul3A_622 : i32
        %add3A_624 = arith.addi %mul3A_623, %add3A_621 : i32
        %mul3A_625 = arith.constant 80 : i32
        %mul3A_626 = arith.muli %add3A_624, %mul3A_625 : i32
        %dma_wait3A_627 = arith.constant 1 : i32
        %dma_wait3A_628 = arith.constant 0 : i32
        %dma_wait3A_629 = tpu.memref_slice %arg8[%dma_wait3A_627, %dma_wait3A_628] : memref<6x80xi32, #tpu.memory_space<vmem>> -> memref<1x80xi32, #tpu.memory_space<vmem>>
        %dma_wait3A_630 = tpu.memref_squeeze %dma_wait3A_629 : memref<1x80xi32, #tpu.memory_space<vmem>> -> memref<80xi32, #tpu.memory_space<vmem>>
        %dma_wait3A_631 = tpu.memref_slice %arg3[%mul3A_626] : memref<320000xi32, #tpu.memory_space<hbm>> -> memref<80xi32, #tpu.memory_space<hbm>>
        %dma_wait3A_632 = arith.constant 0 : i32
        %dma_wait3A_633 = tpu.memref_slice %arg8[%dma_wait3A_627, %dma_wait3A_632] : memref<6x80xi32, #tpu.memory_space<vmem>> -> memref<1x80xi32, #tpu.memory_space<vmem>>
        %dma_wait3A_634 = tpu.memref_squeeze %dma_wait3A_633 : memref<1x80xi32, #tpu.memory_space<vmem>> -> memref<80xi32, #tpu.memory_space<vmem>>
        %dma_wait3A_635 = tpu.memref_slice %arg3[%mul3A_626] : memref<320000xi32, #tpu.memory_space<hbm>> -> memref<80xi32, #tpu.memory_space<hbm>>
        tpu.wait_dma2 semaphore(%arg17 : memref<!tpu.dma_semaphore, #tpu.memory_space<semaphore_mem>>) src(%dma_wait3A_635 : memref<80xi32, #tpu.memory_space<hbm>>) dst(%dma_wait3A_634 : memref<80xi32, #tpu.memory_space<vmem>>)
        %dma_start3A_636 = arith.constant 1 : i32
        %dma_start3A_637 = arith.constant 0 : i32
        %dma_start3A_638 = tpu.memref_slice %arg8[%dma_start3A_636, %dma_start3A_637] : memref<6x80xi32, #tpu.memory_space<vmem>> -> memref<1x80xi32, #tpu.memory_space<vmem>>
        %dma_start3A_639 = tpu.memref_squeeze %dma_start3A_638 : memref<1x80xi32, #tpu.memory_space<vmem>> -> memref<80xi32, #tpu.memory_space<vmem>>
        %dma_start3A_640 = arith.constant 0 : i32
        %dma_start3A_641 = arith.constant 0 : i32
        %dma_start3A_642 = tpu.memref_slice %arg2[%dma_start3A_640, %dma_start3A_641] : memref<10000x128xf32, #tpu.memory_space<hbm>> -> memref<10000x128xf32, #tpu.memory_space<hbm>>
        tpu.enqueue_indirect_dma source(%dma_start3A_642 : memref<10000x128xf32, #tpu.memory_space<hbm>>) target(%arg11 : memref<80x128xf32, #tpu.memory_space<vmem>>) offsets(%dma_start3A_639 : memref<80xi32, #tpu.memory_space<vmem>>) semaphore(%arg14 : memref<!tpu.dma_semaphore, #tpu.memory_space<semaphore_mem>>)
      } else {
      }
      %add3A_582 = arith.constant 5 : i32
      %add3A_583 = arith.addi %mul3A_391, %add3A_582 : i32
      %dma_wait3A_584 = arith.constant 5 : i32
      %dma_wait3A_585 = arith.constant 0 : i32
      %dma_wait3A_586 = tpu.memref_slice %arg8[%dma_wait3A_584, %dma_wait3A_585] : memref<6x80xi32, #tpu.memory_space<vmem>> -> memref<1x80xi32, #tpu.memory_space<vmem>>
      %dma_wait3A_587 = tpu.memref_squeeze %dma_wait3A_586 : memref<1x80xi32, #tpu.memory_space<vmem>> -> memref<80xi32, #tpu.memory_space<vmem>>
      %dma_wait3A_588 = arith.constant 0 : i32
      %dma_wait3A_589 = arith.constant 0 : i32
      %dma_wait3A_590 = tpu.memref_slice %arg2[%dma_wait3A_588, %dma_wait3A_589] : memref<10000x128xf32, #tpu.memory_space<hbm>> -> memref<10000x128xf32, #tpu.memory_space<hbm>>
      tpu.wait_indirect_dma semaphore(%arg15 : memref<!tpu.dma_semaphore, #tpu.memory_space<semaphore_mem>>) src(%dma_wait3A_590 : memref<10000x128xf32, #tpu.memory_space<hbm>>) dst(%arg12 : memref<80x128xf32, #tpu.memory_space<vmem>>)
      %mul3A_591 = arith.constant 125 : i32
      %mul3A_592 = arith.muli %add3A, %mul3A_591 : i32
      %add3A_593 = arith.addi %mul3A_592, %add3A_583 : i32
      %mul3A_594 = arith.constant 80 : i32
      %mul3A_595 = arith.muli %add3A_593, %mul3A_594 : i32
      %dma_wait3A_596 = arith.constant 5 : i32
      %dma_wait3A_597 = arith.constant 0 : i32
      %dma_wait3A_598 = tpu.memref_slice %arg9[%dma_wait3A_596, %dma_wait3A_597] : memref<6x80xi32, #tpu.memory_space<vmem>> -> memref<1x80xi32, #tpu.memory_space<vmem>>
      %dma_wait3A_599 = tpu.memref_squeeze %dma_wait3A_598 : memref<1x80xi32, #tpu.memory_space<vmem>> -> memref<80xi32, #tpu.memory_space<vmem>>
      %dma_wait3A_600 = tpu.memref_slice %arg4[%mul3A_595] : memref<320000xi32, #tpu.memory_space<hbm>> -> memref<80xi32, #tpu.memory_space<hbm>>
      %dma_wait3A_601 = arith.constant 0 : i32
      %dma_wait3A_602 = tpu.memref_slice %arg9[%dma_wait3A_596, %dma_wait3A_601] : memref<6x80xi32, #tpu.memory_space<vmem>> -> memref<1x80xi32, #tpu.memory_space<vmem>>
      %dma_wait3A_603 = tpu.memref_squeeze %dma_wait3A_602 : memref<1x80xi32, #tpu.memory_space<vmem>> -> memref<80xi32, #tpu.memory_space<vmem>>
      %dma_wait3A_604 = tpu.memref_slice %arg4[%mul3A_595] : memref<320000xi32, #tpu.memory_space<hbm>> -> memref<80xi32, #tpu.memory_space<hbm>>
      tpu.wait_dma2 semaphore(%arg27 : memref<!tpu.dma_semaphore, #tpu.memory_space<semaphore_mem>>) src(%dma_wait3A_604 : memref<80xi32, #tpu.memory_space<hbm>>) dst(%dma_wait3A_603 : memref<80xi32, #tpu.memory_space<vmem>>)
      %run_scoped3A_605 = arith.constant 5 : i32
      "tpu.region"() ({
        %run_scoped3A_620 = tpu.sem_alloc : memref<!tpu.dma_semaphore, #tpu.memory_space<semaphore_mem>>
        %dma_start3A_621 = arith.constant 0 : i32
        %dma_start3A_622 = tpu.memref_slice %arg9[%run_scoped3A_605, %dma_start3A_621] : memref<6x80xi32, #tpu.memory_space<vmem>> -> memref<1x80xi32, #tpu.memory_space<vmem>>
        %dma_start3A_623 = tpu.memref_squeeze %dma_start3A_622 : memref<1x80xi32, #tpu.memory_space<vmem>> -> memref<80xi32, #tpu.memory_space<vmem>>
        %dma_start3A_624 = arith.constant 0 : i32
        %dma_start3A_625 = arith.constant 0 : i32
        %dma_start3A_626 = tpu.memref_slice %arg7[%dma_start3A_624, %dma_start3A_625] : memref<10000x128xf32, #tpu.memory_space<vmem_shared>> -> memref<10000x128xf32, #tpu.memory_space<vmem_shared>>
        tpu.enqueue_indirect_dma source(%arg12 : memref<80x128xf32, #tpu.memory_space<vmem>>) target(%dma_start3A_626 : memref<10000x128xf32, #tpu.memory_space<vmem_shared>>) offsets(%dma_start3A_623 : memref<80xi32, #tpu.memory_space<vmem>>) semaphore(%run_scoped3A_620 : memref<!tpu.dma_semaphore, #tpu.memory_space<semaphore_mem>>) {add = true}
        %dma_wait3A_627 = arith.constant 0 : i32
        %dma_wait3A_628 = tpu.memref_slice %arg9[%run_scoped3A_605, %dma_wait3A_627] : memref<6x80xi32, #tpu.memory_space<vmem>> -> memref<1x80xi32, #tpu.memory_space<vmem>>
        %dma_wait3A_629 = tpu.memref_squeeze %dma_wait3A_628 : memref<1x80xi32, #tpu.memory_space<vmem>> -> memref<80xi32, #tpu.memory_space<vmem>>
        %dma_wait3A_630 = arith.constant 0 : i32
        %dma_wait3A_631 = arith.constant 0 : i32
        %dma_wait3A_632 = tpu.memref_slice %arg7[%dma_wait3A_630, %dma_wait3A_631] : memref<10000x128xf32, #tpu.memory_space<vmem_shared>> -> memref<10000x128xf32, #tpu.memory_space<vmem_shared>>
        tpu.wait_indirect_dma semaphore(%run_scoped3A_620 : memref<!tpu.dma_semaphore, #tpu.memory_space<semaphore_mem>>) src(%arg12 : memref<80x128xf32, #tpu.memory_space<vmem>>) dst(%dma_wait3A_632 : memref<10000x128xf32, #tpu.memory_space<vmem_shared>>)
        tpu.yield
      }) : () -> ()
      %add3A_606 = arith.constant 6 : i32
      %add3A_607 = arith.addi %add3A_583, %add3A_606 : i32
      %lt3A_608 = arith.constant 125 : i32
      %lt3A_609 = arith.cmpi slt, %add3A_607, %lt3A_608 : i32
      %convert_element_type3A_610 = arith.extui %lt3A_609 : i1 to i32
      %cond3A_611 = arith.constant 0 : i32
      %cond3A_612 = arith.cmpi ne, %convert_element_type3A_610, %cond3A_611 : i32
      scf.if %cond3A_612 {
        %add3A_620 = arith.constant 6 : i32
        %add3A_621 = arith.addi %add3A_583, %add3A_620 : i32
        %mul3A_622 = arith.constant 125 : i32
        %mul3A_623 = arith.muli %add3A, %mul3A_622 : i32
        %add3A_624 = arith.addi %mul3A_623, %add3A_621 : i32
        %mul3A_625 = arith.constant 80 : i32
        %mul3A_626 = arith.muli %add3A_624, %mul3A_625 : i32
        %dma_start3A_627 = arith.constant 5 : i32
        %dma_start3A_628 = arith.constant 0 : i32
        %dma_start3A_629 = tpu.memref_slice %arg8[%dma_start3A_627, %dma_start3A_628] : memref<6x80xi32, #tpu.memory_space<vmem>> -> memref<1x80xi32, #tpu.memory_space<vmem>>
        %dma_start3A_630 = tpu.memref_squeeze %dma_start3A_629 : memref<1x80xi32, #tpu.memory_space<vmem>> -> memref<80xi32, #tpu.memory_space<vmem>>
        %dma_start3A_631 = tpu.memref_slice %arg3[%mul3A_626] : memref<320000xi32, #tpu.memory_space<hbm>> -> memref<80xi32, #tpu.memory_space<hbm>>
        %dma_start3A_632 = arith.constant 0 : i32
        %dma_start3A_633 = tpu.memref_slice %arg8[%dma_start3A_627, %dma_start3A_632] : memref<6x80xi32, #tpu.memory_space<vmem>> -> memref<1x80xi32, #tpu.memory_space<vmem>>
        %dma_start3A_634 = tpu.memref_squeeze %dma_start3A_633 : memref<1x80xi32, #tpu.memory_space<vmem>> -> memref<80xi32, #tpu.memory_space<vmem>>
        %dma_start3A_635 = tpu.memref_slice %arg3[%mul3A_626] : memref<320000xi32, #tpu.memory_space<hbm>> -> memref<80xi32, #tpu.memory_space<hbm>>
        tpu.enqueue_dma source(%dma_start3A_635 : memref<80xi32, #tpu.memory_space<hbm>>) target(%dma_start3A_634 : memref<80xi32, #tpu.memory_space<vmem>>) target_semaphore(%arg21 : memref<!tpu.dma_semaphore, #tpu.memory_space<semaphore_mem>>)
        %dma_start3A_636 = arith.constant 5 : i32
        %dma_start3A_637 = arith.constant 0 : i32
        %dma_start3A_638 = tpu.memref_slice %arg9[%dma_start3A_636, %dma_start3A_637] : memref<6x80xi32, #tpu.memory_space<vmem>> -> memref<1x80xi32, #tpu.memory_space<vmem>>
        %dma_start3A_639 = tpu.memref_squeeze %dma_start3A_638 : memref<1x80xi32, #tpu.memory_space<vmem>> -> memref<80xi32, #tpu.memory_space<vmem>>
        %dma_start3A_640 = tpu.memref_slice %arg4[%mul3A_626] : memref<320000xi32, #tpu.memory_space<hbm>> -> memref<80xi32, #tpu.memory_space<hbm>>
        %dma_start3A_641 = arith.constant 0 : i32
        %dma_start3A_642 = tpu.memref_slice %arg9[%dma_start3A_636, %dma_start3A_641] : memref<6x80xi32, #tpu.memory_space<vmem>> -> memref<1x80xi32, #tpu.memory_space<vmem>>
        %dma_start3A_643 = tpu.memref_squeeze %dma_start3A_642 : memref<1x80xi32, #tpu.memory_space<vmem>> -> memref<80xi32, #tpu.memory_space<vmem>>
        %dma_start3A_644 = tpu.memref_slice %arg4[%mul3A_626] : memref<320000xi32, #tpu.memory_space<hbm>> -> memref<80xi32, #tpu.memory_space<hbm>>
        tpu.enqueue_dma source(%dma_start3A_644 : memref<80xi32, #tpu.memory_space<hbm>>) target(%dma_start3A_643 : memref<80xi32, #tpu.memory_space<vmem>>) target_semaphore(%arg27 : memref<!tpu.dma_semaphore, #tpu.memory_space<semaphore_mem>>)
      } else {
      }
      %add3A_613 = arith.constant 3 : i32
      %add3A_614 = arith.addi %add3A_583, %add3A_613 : i32
      %lt3A_615 = arith.constant 125 : i32
      %lt3A_616 = arith.cmpi slt, %add3A_614, %lt3A_615 : i32
      %convert_element_type3A_617 = arith.extui %lt3A_616 : i1 to i32
      %cond3A_618 = arith.constant 0 : i32
      %cond3A_619 = arith.cmpi ne, %convert_element_type3A_617, %cond3A_618 : i32
      scf.if %cond3A_619 {
        %add3A_620 = arith.constant 3 : i32
        %add3A_621 = arith.addi %add3A_583, %add3A_620 : i32
        %mul3A_622 = arith.constant 125 : i32
        %mul3A_623 = arith.muli %add3A, %mul3A_622 : i32
        %add3A_624 = arith.addi %mul3A_623, %add3A_621 : i32
        %mul3A_625 = arith.constant 80 : i32
        %mul3A_626 = arith.muli %add3A_624, %mul3A_625 : i32
        %dma_wait3A_627 = arith.constant 2 : i32
        %dma_wait3A_628 = arith.constant 0 : i32
        %dma_wait3A_629 = tpu.memref_slice %arg8[%dma_wait3A_627, %dma_wait3A_628] : memref<6x80xi32, #tpu.memory_space<vmem>> -> memref<1x80xi32, #tpu.memory_space<vmem>>
        %dma_wait3A_630 = tpu.memref_squeeze %dma_wait3A_629 : memref<1x80xi32, #tpu.memory_space<vmem>> -> memref<80xi32, #tpu.memory_space<vmem>>
        %dma_wait3A_631 = tpu.memref_slice %arg3[%mul3A_626] : memref<320000xi32, #tpu.memory_space<hbm>> -> memref<80xi32, #tpu.memory_space<hbm>>
        %dma_wait3A_632 = arith.constant 0 : i32
        %dma_wait3A_633 = tpu.memref_slice %arg8[%dma_wait3A_627, %dma_wait3A_632] : memref<6x80xi32, #tpu.memory_space<vmem>> -> memref<1x80xi32, #tpu.memory_space<vmem>>
        %dma_wait3A_634 = tpu.memref_squeeze %dma_wait3A_633 : memref<1x80xi32, #tpu.memory_space<vmem>> -> memref<80xi32, #tpu.memory_space<vmem>>
        %dma_wait3A_635 = tpu.memref_slice %arg3[%mul3A_626] : memref<320000xi32, #tpu.memory_space<hbm>> -> memref<80xi32, #tpu.memory_space<hbm>>
        tpu.wait_dma2 semaphore(%arg18 : memref<!tpu.dma_semaphore, #tpu.memory_space<semaphore_mem>>) src(%dma_wait3A_635 : memref<80xi32, #tpu.memory_space<hbm>>) dst(%dma_wait3A_634 : memref<80xi32, #tpu.memory_space<vmem>>)
        %dma_start3A_636 = arith.constant 2 : i32
        %dma_start3A_637 = arith.constant 0 : i32
        %dma_start3A_638 = tpu.memref_slice %arg8[%dma_start3A_636, %dma_start3A_637] : memref<6x80xi32, #tpu.memory_space<vmem>> -> memref<1x80xi32, #tpu.memory_space<vmem>>
        %dma_start3A_639 = tpu.memref_squeeze %dma_start3A_638 : memref<1x80xi32, #tpu.memory_space<vmem>> -> memref<80xi32, #tpu.memory_space<vmem>>
        %dma_start3A_640 = arith.constant 0 : i32
        %dma_start3A_641 = arith.constant 0 : i32
        %dma_start3A_642 = tpu.memref_slice %arg2[%dma_start3A_640, %dma_start3A_641] : memref<10000x128xf32, #tpu.memory_space<hbm>> -> memref<10000x128xf32, #tpu.memory_space<hbm>>
        tpu.enqueue_indirect_dma source(%dma_start3A_642 : memref<10000x128xf32, #tpu.memory_space<hbm>>) target(%arg12 : memref<80x128xf32, #tpu.memory_space<vmem>>) offsets(%dma_start3A_639 : memref<80xi32, #tpu.memory_space<vmem>>) semaphore(%arg15 : memref<!tpu.dma_semaphore, #tpu.memory_space<semaphore_mem>>)
      } else {
      }
    }
    %scan3A_219 = arith.constant 20 : i32
    %dma_wait3A_220 = arith.constant 0 : i32
    %dma_wait3A_221 = arith.constant 0 : i32
    %dma_wait3A_222 = tpu.memref_slice %arg8[%dma_wait3A_220, %dma_wait3A_221] : memref<6x80xi32, #tpu.memory_space<vmem>> -> memref<1x80xi32, #tpu.memory_space<vmem>>
    %dma_wait3A_223 = tpu.memref_squeeze %dma_wait3A_222 : memref<1x80xi32, #tpu.memory_space<vmem>> -> memref<80xi32, #tpu.memory_space<vmem>>
    %dma_wait3A_224 = arith.constant 0 : i32
    %dma_wait3A_225 = arith.constant 0 : i32
    %dma_wait3A_226 = tpu.memref_slice %arg2[%dma_wait3A_224, %dma_wait3A_225] : memref<10000x128xf32, #tpu.memory_space<hbm>> -> memref<10000x128xf32, #tpu.memory_space<hbm>>
    tpu.wait_indirect_dma semaphore(%arg13 : memref<!tpu.dma_semaphore, #tpu.memory_space<semaphore_mem>>) src(%dma_wait3A_226 : memref<10000x128xf32, #tpu.memory_space<hbm>>) dst(%arg10 : memref<80x128xf32, #tpu.memory_space<vmem>>)
    %mul3A_227 = arith.constant 125 : i32
    %mul3A_228 = arith.muli %add3A, %mul3A_227 : i32
    %add3A_229 = arith.constant 120 : i32
    %add3A_230 = arith.addi %mul3A_228, %add3A_229 : i32
    %mul3A_231 = arith.constant 80 : i32
    %mul3A_232 = arith.muli %add3A_230, %mul3A_231 : i32
    %dma_wait3A_233 = arith.constant 0 : i32
    %dma_wait3A_234 = arith.constant 0 : i32
    %dma_wait3A_235 = tpu.memref_slice %arg9[%dma_wait3A_233, %dma_wait3A_234] : memref<6x80xi32, #tpu.memory_space<vmem>> -> memref<1x80xi32, #tpu.memory_space<vmem>>
    %dma_wait3A_236 = tpu.memref_squeeze %dma_wait3A_235 : memref<1x80xi32, #tpu.memory_space<vmem>> -> memref<80xi32, #tpu.memory_space<vmem>>
    %dma_wait3A_237 = tpu.memref_slice %arg4[%mul3A_232] : memref<320000xi32, #tpu.memory_space<hbm>> -> memref<80xi32, #tpu.memory_space<hbm>>
    %dma_wait3A_238 = arith.constant 0 : i32
    %dma_wait3A_239 = tpu.memref_slice %arg9[%dma_wait3A_233, %dma_wait3A_238] : memref<6x80xi32, #tpu.memory_space<vmem>> -> memref<1x80xi32, #tpu.memory_space<vmem>>
    %dma_wait3A_240 = tpu.memref_squeeze %dma_wait3A_239 : memref<1x80xi32, #tpu.memory_space<vmem>> -> memref<80xi32, #tpu.memory_space<vmem>>
    %dma_wait3A_241 = tpu.memref_slice %arg4[%mul3A_232] : memref<320000xi32, #tpu.memory_space<hbm>> -> memref<80xi32, #tpu.memory_space<hbm>>
    tpu.wait_dma2 semaphore(%arg22 : memref<!tpu.dma_semaphore, #tpu.memory_space<semaphore_mem>>) src(%dma_wait3A_241 : memref<80xi32, #tpu.memory_space<hbm>>) dst(%dma_wait3A_240 : memref<80xi32, #tpu.memory_space<vmem>>)
    %run_scoped3A = arith.constant 0 : i32
    "tpu.region"() ({
      %run_scoped3A_389 = tpu.sem_alloc : memref<!tpu.dma_semaphore, #tpu.memory_space<semaphore_mem>>
      %dma_start3A_390 = arith.constant 0 : i32
      %dma_start3A_391 = tpu.memref_slice %arg9[%run_scoped3A, %dma_start3A_390] : memref<6x80xi32, #tpu.memory_space<vmem>> -> memref<1x80xi32, #tpu.memory_space<vmem>>
      %dma_start3A_392 = tpu.memref_squeeze %dma_start3A_391 : memref<1x80xi32, #tpu.memory_space<vmem>> -> memref<80xi32, #tpu.memory_space<vmem>>
      %dma_start3A_393 = arith.constant 0 : i32
      %dma_start3A_394 = arith.constant 0 : i32
      %dma_start3A_395 = tpu.memref_slice %arg7[%dma_start3A_393, %dma_start3A_394] : memref<10000x128xf32, #tpu.memory_space<vmem_shared>> -> memref<10000x128xf32, #tpu.memory_space<vmem_shared>>
      tpu.enqueue_indirect_dma source(%arg10 : memref<80x128xf32, #tpu.memory_space<vmem>>) target(%dma_start3A_395 : memref<10000x128xf32, #tpu.memory_space<vmem_shared>>) offsets(%dma_start3A_392 : memref<80xi32, #tpu.memory_space<vmem>>) semaphore(%run_scoped3A_389 : memref<!tpu.dma_semaphore, #tpu.memory_space<semaphore_mem>>) {add = true}
      %dma_wait3A_396 = arith.constant 0 : i32
      %dma_wait3A_397 = tpu.memref_slice %arg9[%run_scoped3A, %dma_wait3A_396] : memref<6x80xi32, #tpu.memory_space<vmem>> -> memref<1x80xi32, #tpu.memory_space<vmem>>
      %dma_wait3A_398 = tpu.memref_squeeze %dma_wait3A_397 : memref<1x80xi32, #tpu.memory_space<vmem>> -> memref<80xi32, #tpu.memory_space<vmem>>
      %dma_wait3A_399 = arith.constant 0 : i32
      %dma_wait3A_400 = arith.constant 0 : i32
      %dma_wait3A_401 = tpu.memref_slice %arg7[%dma_wait3A_399, %dma_wait3A_400] : memref<10000x128xf32, #tpu.memory_space<vmem_shared>> -> memref<10000x128xf32, #tpu.memory_space<vmem_shared>>
      tpu.wait_indirect_dma semaphore(%run_scoped3A_389 : memref<!tpu.dma_semaphore, #tpu.memory_space<semaphore_mem>>) src(%arg10 : memref<80x128xf32, #tpu.memory_space<vmem>>) dst(%dma_wait3A_401 : memref<10000x128xf32, #tpu.memory_space<vmem_shared>>)
      tpu.yield
    }) : () -> ()
    %mul3A_242 = arith.constant 125 : i32
    %mul3A_243 = arith.muli %add3A, %mul3A_242 : i32
    %add3A_244 = arith.constant 123 : i32
    %add3A_245 = arith.addi %mul3A_243, %add3A_244 : i32
    %mul3A_246 = arith.constant 80 : i32
    %mul3A_247 = arith.muli %add3A_245, %mul3A_246 : i32
    %dma_wait3A_248 = arith.constant 3 : i32
    %dma_wait3A_249 = arith.constant 0 : i32
    %dma_wait3A_250 = tpu.memref_slice %arg8[%dma_wait3A_248, %dma_wait3A_249] : memref<6x80xi32, #tpu.memory_space<vmem>> -> memref<1x80xi32, #tpu.memory_space<vmem>>
    %dma_wait3A_251 = tpu.memref_squeeze %dma_wait3A_250 : memref<1x80xi32, #tpu.memory_space<vmem>> -> memref<80xi32, #tpu.memory_space<vmem>>
    %dma_wait3A_252 = tpu.memref_slice %arg3[%mul3A_247] : memref<320000xi32, #tpu.memory_space<hbm>> -> memref<80xi32, #tpu.memory_space<hbm>>
    %dma_wait3A_253 = arith.constant 0 : i32
    %dma_wait3A_254 = tpu.memref_slice %arg8[%dma_wait3A_248, %dma_wait3A_253] : memref<6x80xi32, #tpu.memory_space<vmem>> -> memref<1x80xi32, #tpu.memory_space<vmem>>
    %dma_wait3A_255 = tpu.memref_squeeze %dma_wait3A_254 : memref<1x80xi32, #tpu.memory_space<vmem>> -> memref<80xi32, #tpu.memory_space<vmem>>
    %dma_wait3A_256 = tpu.memref_slice %arg3[%mul3A_247] : memref<320000xi32, #tpu.memory_space<hbm>> -> memref<80xi32, #tpu.memory_space<hbm>>
    tpu.wait_dma2 semaphore(%arg19 : memref<!tpu.dma_semaphore, #tpu.memory_space<semaphore_mem>>) src(%dma_wait3A_256 : memref<80xi32, #tpu.memory_space<hbm>>) dst(%dma_wait3A_255 : memref<80xi32, #tpu.memory_space<vmem>>)
    %dma_start3A_257 = arith.constant 3 : i32
    %dma_start3A_258 = arith.constant 0 : i32
    %dma_start3A_259 = tpu.memref_slice %arg8[%dma_start3A_257, %dma_start3A_258] : memref<6x80xi32, #tpu.memory_space<vmem>> -> memref<1x80xi32, #tpu.memory_space<vmem>>
    %dma_start3A_260 = tpu.memref_squeeze %dma_start3A_259 : memref<1x80xi32, #tpu.memory_space<vmem>> -> memref<80xi32, #tpu.memory_space<vmem>>
    %dma_start3A_261 = arith.constant 0 : i32
    %dma_start3A_262 = arith.constant 0 : i32
    %dma_start3A_263 = tpu.memref_slice %arg2[%dma_start3A_261, %dma_start3A_262] : memref<10000x128xf32, #tpu.memory_space<hbm>> -> memref<10000x128xf32, #tpu.memory_space<hbm>>
    tpu.enqueue_indirect_dma source(%dma_start3A_263 : memref<10000x128xf32, #tpu.memory_space<hbm>>) target(%arg10 : memref<80x128xf32, #tpu.memory_space<vmem>>) offsets(%dma_start3A_260 : memref<80xi32, #tpu.memory_space<vmem>>) semaphore(%arg13 : memref<!tpu.dma_semaphore, #tpu.memory_space<semaphore_mem>>)
    %dma_wait3A_264 = arith.constant 1 : i32
    %dma_wait3A_265 = arith.constant 0 : i32
    %dma_wait3A_266 = tpu.memref_slice %arg8[%dma_wait3A_264, %dma_wait3A_265] : memref<6x80xi32, #tpu.memory_space<vmem>> -> memref<1x80xi32, #tpu.memory_space<vmem>>
    %dma_wait3A_267 = tpu.memref_squeeze %dma_wait3A_266 : memref<1x80xi32, #tpu.memory_space<vmem>> -> memref<80xi32, #tpu.memory_space<vmem>>
    %dma_wait3A_268 = arith.constant 0 : i32
    %dma_wait3A_269 = arith.constant 0 : i32
    %dma_wait3A_270 = tpu.memref_slice %arg2[%dma_wait3A_268, %dma_wait3A_269] : memref<10000x128xf32, #tpu.memory_space<hbm>> -> memref<10000x128xf32, #tpu.memory_space<hbm>>
    tpu.wait_indirect_dma semaphore(%arg14 : memref<!tpu.dma_semaphore, #tpu.memory_space<semaphore_mem>>) src(%dma_wait3A_270 : memref<10000x128xf32, #tpu.memory_space<hbm>>) dst(%arg11 : memref<80x128xf32, #tpu.memory_space<vmem>>)
    %mul3A_271 = arith.constant 125 : i32
    %mul3A_272 = arith.muli %add3A, %mul3A_271 : i32
    %add3A_273 = arith.constant 121 : i32
    %add3A_274 = arith.addi %mul3A_272, %add3A_273 : i32
    %mul3A_275 = arith.constant 80 : i32
    %mul3A_276 = arith.muli %add3A_274, %mul3A_275 : i32
    %dma_wait3A_277 = arith.constant 1 : i32
    %dma_wait3A_278 = arith.constant 0 : i32
    %dma_wait3A_279 = tpu.memref_slice %arg9[%dma_wait3A_277, %dma_wait3A_278] : memref<6x80xi32, #tpu.memory_space<vmem>> -> memref<1x80xi32, #tpu.memory_space<vmem>>
    %dma_wait3A_280 = tpu.memref_squeeze %dma_wait3A_279 : memref<1x80xi32, #tpu.memory_space<vmem>> -> memref<80xi32, #tpu.memory_space<vmem>>
    %dma_wait3A_281 = tpu.memref_slice %arg4[%mul3A_276] : memref<320000xi32, #tpu.memory_space<hbm>> -> memref<80xi32, #tpu.memory_space<hbm>>
    %dma_wait3A_282 = arith.constant 0 : i32
    %dma_wait3A_283 = tpu.memref_slice %arg9[%dma_wait3A_277, %dma_wait3A_282] : memref<6x80xi32, #tpu.memory_space<vmem>> -> memref<1x80xi32, #tpu.memory_space<vmem>>
    %dma_wait3A_284 = tpu.memref_squeeze %dma_wait3A_283 : memref<1x80xi32, #tpu.memory_space<vmem>> -> memref<80xi32, #tpu.memory_space<vmem>>
    %dma_wait3A_285 = tpu.memref_slice %arg4[%mul3A_276] : memref<320000xi32, #tpu.memory_space<hbm>> -> memref<80xi32, #tpu.memory_space<hbm>>
    tpu.wait_dma2 semaphore(%arg23 : memref<!tpu.dma_semaphore, #tpu.memory_space<semaphore_mem>>) src(%dma_wait3A_285 : memref<80xi32, #tpu.memory_space<hbm>>) dst(%dma_wait3A_284 : memref<80xi32, #tpu.memory_space<vmem>>)
    %run_scoped3A_286 = arith.constant 1 : i32
    "tpu.region"() ({
      %run_scoped3A_389 = tpu.sem_alloc : memref<!tpu.dma_semaphore, #tpu.memory_space<semaphore_mem>>
      %dma_start3A_390 = arith.constant 0 : i32
      %dma_start3A_391 = tpu.memref_slice %arg9[%run_scoped3A_286, %dma_start3A_390] : memref<6x80xi32, #tpu.memory_space<vmem>> -> memref<1x80xi32, #tpu.memory_space<vmem>>
      %dma_start3A_392 = tpu.memref_squeeze %dma_start3A_391 : memref<1x80xi32, #tpu.memory_space<vmem>> -> memref<80xi32, #tpu.memory_space<vmem>>
      %dma_start3A_393 = arith.constant 0 : i32
      %dma_start3A_394 = arith.constant 0 : i32
      %dma_start3A_395 = tpu.memref_slice %arg7[%dma_start3A_393, %dma_start3A_394] : memref<10000x128xf32, #tpu.memory_space<vmem_shared>> -> memref<10000x128xf32, #tpu.memory_space<vmem_shared>>
      tpu.enqueue_indirect_dma source(%arg11 : memref<80x128xf32, #tpu.memory_space<vmem>>) target(%dma_start3A_395 : memref<10000x128xf32, #tpu.memory_space<vmem_shared>>) offsets(%dma_start3A_392 : memref<80xi32, #tpu.memory_space<vmem>>) semaphore(%run_scoped3A_389 : memref<!tpu.dma_semaphore, #tpu.memory_space<semaphore_mem>>) {add = true}
      %dma_wait3A_396 = arith.constant 0 : i32
      %dma_wait3A_397 = tpu.memref_slice %arg9[%run_scoped3A_286, %dma_wait3A_396] : memref<6x80xi32, #tpu.memory_space<vmem>> -> memref<1x80xi32, #tpu.memory_space<vmem>>
      %dma_wait3A_398 = tpu.memref_squeeze %dma_wait3A_397 : memref<1x80xi32, #tpu.memory_space<vmem>> -> memref<80xi32, #tpu.memory_space<vmem>>
      %dma_wait3A_399 = arith.constant 0 : i32
      %dma_wait3A_400 = arith.constant 0 : i32
      %dma_wait3A_401 = tpu.memref_slice %arg7[%dma_wait3A_399, %dma_wait3A_400] : memref<10000x128xf32, #tpu.memory_space<vmem_shared>> -> memref<10000x128xf32, #tpu.memory_space<vmem_shared>>
      tpu.wait_indirect_dma semaphore(%run_scoped3A_389 : memref<!tpu.dma_semaphore, #tpu.memory_space<semaphore_mem>>) src(%arg11 : memref<80x128xf32, #tpu.memory_space<vmem>>) dst(%dma_wait3A_401 : memref<10000x128xf32, #tpu.memory_space<vmem_shared>>)
      tpu.yield
    }) : () -> ()
    %mul3A_287 = arith.constant 125 : i32
    %mul3A_288 = arith.muli %add3A, %mul3A_287 : i32
    %add3A_289 = arith.constant 124 : i32
    %add3A_290 = arith.addi %mul3A_288, %add3A_289 : i32
    %mul3A_291 = arith.constant 80 : i32
    %mul3A_292 = arith.muli %add3A_290, %mul3A_291 : i32
    %dma_wait3A_293 = arith.constant 4 : i32
    %dma_wait3A_294 = arith.constant 0 : i32
    %dma_wait3A_295 = tpu.memref_slice %arg8[%dma_wait3A_293, %dma_wait3A_294] : memref<6x80xi32, #tpu.memory_space<vmem>> -> memref<1x80xi32, #tpu.memory_space<vmem>>
    %dma_wait3A_296 = tpu.memref_squeeze %dma_wait3A_295 : memref<1x80xi32, #tpu.memory_space<vmem>> -> memref<80xi32, #tpu.memory_space<vmem>>
    %dma_wait3A_297 = tpu.memref_slice %arg3[%mul3A_292] : memref<320000xi32, #tpu.memory_space<hbm>> -> memref<80xi32, #tpu.memory_space<hbm>>
    %dma_wait3A_298 = arith.constant 0 : i32
    %dma_wait3A_299 = tpu.memref_slice %arg8[%dma_wait3A_293, %dma_wait3A_298] : memref<6x80xi32, #tpu.memory_space<vmem>> -> memref<1x80xi32, #tpu.memory_space<vmem>>
    %dma_wait3A_300 = tpu.memref_squeeze %dma_wait3A_299 : memref<1x80xi32, #tpu.memory_space<vmem>> -> memref<80xi32, #tpu.memory_space<vmem>>
    %dma_wait3A_301 = tpu.memref_slice %arg3[%mul3A_292] : memref<320000xi32, #tpu.memory_space<hbm>> -> memref<80xi32, #tpu.memory_space<hbm>>
    tpu.wait_dma2 semaphore(%arg20 : memref<!tpu.dma_semaphore, #tpu.memory_space<semaphore_mem>>) src(%dma_wait3A_301 : memref<80xi32, #tpu.memory_space<hbm>>) dst(%dma_wait3A_300 : memref<80xi32, #tpu.memory_space<vmem>>)
    %dma_start3A_302 = arith.constant 4 : i32
    %dma_start3A_303 = arith.constant 0 : i32
    %dma_start3A_304 = tpu.memref_slice %arg8[%dma_start3A_302, %dma_start3A_303] : memref<6x80xi32, #tpu.memory_space<vmem>> -> memref<1x80xi32, #tpu.memory_space<vmem>>
    %dma_start3A_305 = tpu.memref_squeeze %dma_start3A_304 : memref<1x80xi32, #tpu.memory_space<vmem>> -> memref<80xi32, #tpu.memory_space<vmem>>
    %dma_start3A_306 = arith.constant 0 : i32
    %dma_start3A_307 = arith.constant 0 : i32
    %dma_start3A_308 = tpu.memref_slice %arg2[%dma_start3A_306, %dma_start3A_307] : memref<10000x128xf32, #tpu.memory_space<hbm>> -> memref<10000x128xf32, #tpu.memory_space<hbm>>
    tpu.enqueue_indirect_dma source(%dma_start3A_308 : memref<10000x128xf32, #tpu.memory_space<hbm>>) target(%arg11 : memref<80x128xf32, #tpu.memory_space<vmem>>) offsets(%dma_start3A_305 : memref<80xi32, #tpu.memory_space<vmem>>) semaphore(%arg14 : memref<!tpu.dma_semaphore, #tpu.memory_space<semaphore_mem>>)
    %dma_wait3A_309 = arith.constant 2 : i32
    %dma_wait3A_310 = arith.constant 0 : i32
    %dma_wait3A_311 = tpu.memref_slice %arg8[%dma_wait3A_309, %dma_wait3A_310] : memref<6x80xi32, #tpu.memory_space<vmem>> -> memref<1x80xi32, #tpu.memory_space<vmem>>
    %dma_wait3A_312 = tpu.memref_squeeze %dma_wait3A_311 : memref<1x80xi32, #tpu.memory_space<vmem>> -> memref<80xi32, #tpu.memory_space<vmem>>
    %dma_wait3A_313 = arith.constant 0 : i32
    %dma_wait3A_314 = arith.constant 0 : i32
    %dma_wait3A_315 = tpu.memref_slice %arg2[%dma_wait3A_313, %dma_wait3A_314] : memref<10000x128xf32, #tpu.memory_space<hbm>> -> memref<10000x128xf32, #tpu.memory_space<hbm>>
    tpu.wait_indirect_dma semaphore(%arg15 : memref<!tpu.dma_semaphore, #tpu.memory_space<semaphore_mem>>) src(%dma_wait3A_315 : memref<10000x128xf32, #tpu.memory_space<hbm>>) dst(%arg12 : memref<80x128xf32, #tpu.memory_space<vmem>>)
    %mul3A_316 = arith.constant 125 : i32
    %mul3A_317 = arith.muli %add3A, %mul3A_316 : i32
    %add3A_318 = arith.constant 122 : i32
    %add3A_319 = arith.addi %mul3A_317, %add3A_318 : i32
    %mul3A_320 = arith.constant 80 : i32
    %mul3A_321 = arith.muli %add3A_319, %mul3A_320 : i32
    %dma_wait3A_322 = arith.constant 2 : i32
    %dma_wait3A_323 = arith.constant 0 : i32
    %dma_wait3A_324 = tpu.memref_slice %arg9[%dma_wait3A_322, %dma_wait3A_323] : memref<6x80xi32, #tpu.memory_space<vmem>> -> memref<1x80xi32, #tpu.memory_space<vmem>>
    %dma_wait3A_325 = tpu.memref_squeeze %dma_wait3A_324 : memref<1x80xi32, #tpu.memory_space<vmem>> -> memref<80xi32, #tpu.memory_space<vmem>>
    %dma_wait3A_326 = tpu.memref_slice %arg4[%mul3A_321] : memref<320000xi32, #tpu.memory_space<hbm>> -> memref<80xi32, #tpu.memory_space<hbm>>
    %dma_wait3A_327 = arith.constant 0 : i32
    %dma_wait3A_328 = tpu.memref_slice %arg9[%dma_wait3A_322, %dma_wait3A_327] : memref<6x80xi32, #tpu.memory_space<vmem>> -> memref<1x80xi32, #tpu.memory_space<vmem>>
    %dma_wait3A_329 = tpu.memref_squeeze %dma_wait3A_328 : memref<1x80xi32, #tpu.memory_space<vmem>> -> memref<80xi32, #tpu.memory_space<vmem>>
    %dma_wait3A_330 = tpu.memref_slice %arg4[%mul3A_321] : memref<320000xi32, #tpu.memory_space<hbm>> -> memref<80xi32, #tpu.memory_space<hbm>>
    tpu.wait_dma2 semaphore(%arg24 : memref<!tpu.dma_semaphore, #tpu.memory_space<semaphore_mem>>) src(%dma_wait3A_330 : memref<80xi32, #tpu.memory_space<hbm>>) dst(%dma_wait3A_329 : memref<80xi32, #tpu.memory_space<vmem>>)
    %run_scoped3A_331 = arith.constant 2 : i32
    "tpu.region"() ({
      %run_scoped3A_389 = tpu.sem_alloc : memref<!tpu.dma_semaphore, #tpu.memory_space<semaphore_mem>>
      %dma_start3A_390 = arith.constant 0 : i32
      %dma_start3A_391 = tpu.memref_slice %arg9[%run_scoped3A_331, %dma_start3A_390] : memref<6x80xi32, #tpu.memory_space<vmem>> -> memref<1x80xi32, #tpu.memory_space<vmem>>
      %dma_start3A_392 = tpu.memref_squeeze %dma_start3A_391 : memref<1x80xi32, #tpu.memory_space<vmem>> -> memref<80xi32, #tpu.memory_space<vmem>>
      %dma_start3A_393 = arith.constant 0 : i32
      %dma_start3A_394 = arith.constant 0 : i32
      %dma_start3A_395 = tpu.memref_slice %arg7[%dma_start3A_393, %dma_start3A_394] : memref<10000x128xf32, #tpu.memory_space<vmem_shared>> -> memref<10000x128xf32, #tpu.memory_space<vmem_shared>>
      tpu.enqueue_indirect_dma source(%arg12 : memref<80x128xf32, #tpu.memory_space<vmem>>) target(%dma_start3A_395 : memref<10000x128xf32, #tpu.memory_space<vmem_shared>>) offsets(%dma_start3A_392 : memref<80xi32, #tpu.memory_space<vmem>>) semaphore(%run_scoped3A_389 : memref<!tpu.dma_semaphore, #tpu.memory_space<semaphore_mem>>) {add = true}
      %dma_wait3A_396 = arith.constant 0 : i32
      %dma_wait3A_397 = tpu.memref_slice %arg9[%run_scoped3A_331, %dma_wait3A_396] : memref<6x80xi32, #tpu.memory_space<vmem>> -> memref<1x80xi32, #tpu.memory_space<vmem>>
      %dma_wait3A_398 = tpu.memref_squeeze %dma_wait3A_397 : memref<1x80xi32, #tpu.memory_space<vmem>> -> memref<80xi32, #tpu.memory_space<vmem>>
      %dma_wait3A_399 = arith.constant 0 : i32
      %dma_wait3A_400 = arith.constant 0 : i32
      %dma_wait3A_401 = tpu.memref_slice %arg7[%dma_wait3A_399, %dma_wait3A_400] : memref<10000x128xf32, #tpu.memory_space<vmem_shared>> -> memref<10000x128xf32, #tpu.memory_space<vmem_shared>>
      tpu.wait_indirect_dma semaphore(%run_scoped3A_389 : memref<!tpu.dma_semaphore, #tpu.memory_space<semaphore_mem>>) src(%arg12 : memref<80x128xf32, #tpu.memory_space<vmem>>) dst(%dma_wait3A_401 : memref<10000x128xf32, #tpu.memory_space<vmem_shared>>)
      tpu.yield
    }) : () -> ()
    %dma_wait3A_332 = arith.constant 3 : i32
    %dma_wait3A_333 = arith.constant 0 : i32
    %dma_wait3A_334 = tpu.memref_slice %arg8[%dma_wait3A_332, %dma_wait3A_333] : memref<6x80xi32, #tpu.memory_space<vmem>> -> memref<1x80xi32, #tpu.memory_space<vmem>>
    %dma_wait3A_335 = tpu.memref_squeeze %dma_wait3A_334 : memref<1x80xi32, #tpu.memory_space<vmem>> -> memref<80xi32, #tpu.memory_space<vmem>>
    %dma_wait3A_336 = arith.constant 0 : i32
    %dma_wait3A_337 = arith.constant 0 : i32
    %dma_wait3A_338 = tpu.memref_slice %arg2[%dma_wait3A_336, %dma_wait3A_337] : memref<10000x128xf32, #tpu.memory_space<hbm>> -> memref<10000x128xf32, #tpu.memory_space<hbm>>
    tpu.wait_indirect_dma semaphore(%arg13 : memref<!tpu.dma_semaphore, #tpu.memory_space<semaphore_mem>>) src(%dma_wait3A_338 : memref<10000x128xf32, #tpu.memory_space<hbm>>) dst(%arg10 : memref<80x128xf32, #tpu.memory_space<vmem>>)
    %mul3A_339 = arith.constant 125 : i32
    %mul3A_340 = arith.muli %add3A, %mul3A_339 : i32
    %add3A_341 = arith.constant 123 : i32
    %add3A_342 = arith.addi %mul3A_340, %add3A_341 : i32
    %mul3A_343 = arith.constant 80 : i32
    %mul3A_344 = arith.muli %add3A_342, %mul3A_343 : i32
    %dma_wait3A_345 = arith.constant 3 : i32
    %dma_wait3A_346 = arith.constant 0 : i32
    %dma_wait3A_347 = tpu.memref_slice %arg9[%dma_wait3A_345, %dma_wait3A_346] : memref<6x80xi32, #tpu.memory_space<vmem>> -> memref<1x80xi32, #tpu.memory_space<vmem>>
    %dma_wait3A_348 = tpu.memref_squeeze %dma_wait3A_347 : memref<1x80xi32, #tpu.memory_space<vmem>> -> memref<80xi32, #tpu.memory_space<vmem>>
    %dma_wait3A_349 = tpu.memref_slice %arg4[%mul3A_344] : memref<320000xi32, #tpu.memory_space<hbm>> -> memref<80xi32, #tpu.memory_space<hbm>>
    %dma_wait3A_350 = arith.constant 0 : i32
    %dma_wait3A_351 = tpu.memref_slice %arg9[%dma_wait3A_345, %dma_wait3A_350] : memref<6x80xi32, #tpu.memory_space<vmem>> -> memref<1x80xi32, #tpu.memory_space<vmem>>
    %dma_wait3A_352 = tpu.memref_squeeze %dma_wait3A_351 : memref<1x80xi32, #tpu.memory_space<vmem>> -> memref<80xi32, #tpu.memory_space<vmem>>
    %dma_wait3A_353 = tpu.memref_slice %arg4[%mul3A_344] : memref<320000xi32, #tpu.memory_space<hbm>> -> memref<80xi32, #tpu.memory_space<hbm>>
    tpu.wait_dma2 semaphore(%arg25 : memref<!tpu.dma_semaphore, #tpu.memory_space<semaphore_mem>>) src(%dma_wait3A_353 : memref<80xi32, #tpu.memory_space<hbm>>) dst(%dma_wait3A_352 : memref<80xi32, #tpu.memory_space<vmem>>)
    %run_scoped3A_354 = arith.constant 3 : i32
    "tpu.region"() ({
      %run_scoped3A_389 = tpu.sem_alloc : memref<!tpu.dma_semaphore, #tpu.memory_space<semaphore_mem>>
      %dma_start3A_390 = arith.constant 0 : i32
      %dma_start3A_391 = tpu.memref_slice %arg9[%run_scoped3A_354, %dma_start3A_390] : memref<6x80xi32, #tpu.memory_space<vmem>> -> memref<1x80xi32, #tpu.memory_space<vmem>>
      %dma_start3A_392 = tpu.memref_squeeze %dma_start3A_391 : memref<1x80xi32, #tpu.memory_space<vmem>> -> memref<80xi32, #tpu.memory_space<vmem>>
      %dma_start3A_393 = arith.constant 0 : i32
      %dma_start3A_394 = arith.constant 0 : i32
      %dma_start3A_395 = tpu.memref_slice %arg7[%dma_start3A_393, %dma_start3A_394] : memref<10000x128xf32, #tpu.memory_space<vmem_shared>> -> memref<10000x128xf32, #tpu.memory_space<vmem_shared>>
      tpu.enqueue_indirect_dma source(%arg10 : memref<80x128xf32, #tpu.memory_space<vmem>>) target(%dma_start3A_395 : memref<10000x128xf32, #tpu.memory_space<vmem_shared>>) offsets(%dma_start3A_392 : memref<80xi32, #tpu.memory_space<vmem>>) semaphore(%run_scoped3A_389 : memref<!tpu.dma_semaphore, #tpu.memory_space<semaphore_mem>>) {add = true}
      %dma_wait3A_396 = arith.constant 0 : i32
      %dma_wait3A_397 = tpu.memref_slice %arg9[%run_scoped3A_354, %dma_wait3A_396] : memref<6x80xi32, #tpu.memory_space<vmem>> -> memref<1x80xi32, #tpu.memory_space<vmem>>
      %dma_wait3A_398 = tpu.memref_squeeze %dma_wait3A_397 : memref<1x80xi32, #tpu.memory_space<vmem>> -> memref<80xi32, #tpu.memory_space<vmem>>
      %dma_wait3A_399 = arith.constant 0 : i32
      %dma_wait3A_400 = arith.constant 0 : i32
      %dma_wait3A_401 = tpu.memref_slice %arg7[%dma_wait3A_399, %dma_wait3A_400] : memref<10000x128xf32, #tpu.memory_space<vmem_shared>> -> memref<10000x128xf32, #tpu.memory_space<vmem_shared>>
      tpu.wait_indirect_dma semaphore(%run_scoped3A_389 : memref<!tpu.dma_semaphore, #tpu.memory_space<semaphore_mem>>) src(%arg10 : memref<80x128xf32, #tpu.memory_space<vmem>>) dst(%dma_wait3A_401 : memref<10000x128xf32, #tpu.memory_space<vmem_shared>>)
      tpu.yield
    }) : () -> ()
    %dma_wait3A_355 = arith.constant 4 : i32
    %dma_wait3A_356 = arith.constant 0 : i32
    %dma_wait3A_357 = tpu.memref_slice %arg8[%dma_wait3A_355, %dma_wait3A_356] : memref<6x80xi32, #tpu.memory_space<vmem>> -> memref<1x80xi32, #tpu.memory_space<vmem>>
    %dma_wait3A_358 = tpu.memref_squeeze %dma_wait3A_357 : memref<1x80xi32, #tpu.memory_space<vmem>> -> memref<80xi32, #tpu.memory_space<vmem>>
    %dma_wait3A_359 = arith.constant 0 : i32
    %dma_wait3A_360 = arith.constant 0 : i32
    %dma_wait3A_361 = tpu.memref_slice %arg2[%dma_wait3A_359, %dma_wait3A_360] : memref<10000x128xf32, #tpu.memory_space<hbm>> -> memref<10000x128xf32, #tpu.memory_space<hbm>>
    tpu.wait_indirect_dma semaphore(%arg14 : memref<!tpu.dma_semaphore, #tpu.memory_space<semaphore_mem>>) src(%dma_wait3A_361 : memref<10000x128xf32, #tpu.memory_space<hbm>>) dst(%arg11 : memref<80x128xf32, #tpu.memory_space<vmem>>)
    %mul3A_362 = arith.constant 125 : i32
    %mul3A_363 = arith.muli %add3A, %mul3A_362 : i32
    %add3A_364 = arith.constant 124 : i32
    %add3A_365 = arith.addi %mul3A_363, %add3A_364 : i32
    %mul3A_366 = arith.constant 80 : i32
    %mul3A_367 = arith.muli %add3A_365, %mul3A_366 : i32
    %dma_wait3A_368 = arith.constant 4 : i32
    %dma_wait3A_369 = arith.constant 0 : i32
    %dma_wait3A_370 = tpu.memref_slice %arg9[%dma_wait3A_368, %dma_wait3A_369] : memref<6x80xi32, #tpu.memory_space<vmem>> -> memref<1x80xi32, #tpu.memory_space<vmem>>
    %dma_wait3A_371 = tpu.memref_squeeze %dma_wait3A_370 : memref<1x80xi32, #tpu.memory_space<vmem>> -> memref<80xi32, #tpu.memory_space<vmem>>
    %dma_wait3A_372 = tpu.memref_slice %arg4[%mul3A_367] : memref<320000xi32, #tpu.memory_space<hbm>> -> memref<80xi32, #tpu.memory_space<hbm>>
    %dma_wait3A_373 = arith.constant 0 : i32
    %dma_wait3A_374 = tpu.memref_slice %arg9[%dma_wait3A_368, %dma_wait3A_373] : memref<6x80xi32, #tpu.memory_space<vmem>> -> memref<1x80xi32, #tpu.memory_space<vmem>>
    %dma_wait3A_375 = tpu.memref_squeeze %dma_wait3A_374 : memref<1x80xi32, #tpu.memory_space<vmem>> -> memref<80xi32, #tpu.memory_space<vmem>>
    %dma_wait3A_376 = tpu.memref_slice %arg4[%mul3A_367] : memref<320000xi32, #tpu.memory_space<hbm>> -> memref<80xi32, #tpu.memory_space<hbm>>
    tpu.wait_dma2 semaphore(%arg26 : memref<!tpu.dma_semaphore, #tpu.memory_space<semaphore_mem>>) src(%dma_wait3A_376 : memref<80xi32, #tpu.memory_space<hbm>>) dst(%dma_wait3A_375 : memref<80xi32, #tpu.memory_space<vmem>>)
    %run_scoped3A_377 = arith.constant 4 : i32
    "tpu.region"() ({
      %run_scoped3A_389 = tpu.sem_alloc : memref<!tpu.dma_semaphore, #tpu.memory_space<semaphore_mem>>
      %dma_start3A_390 = arith.constant 0 : i32
      %dma_start3A_391 = tpu.memref_slice %arg9[%run_scoped3A_377, %dma_start3A_390] : memref<6x80xi32, #tpu.memory_space<vmem>> -> memref<1x80xi32, #tpu.memory_space<vmem>>
      %dma_start3A_392 = tpu.memref_squeeze %dma_start3A_391 : memref<1x80xi32, #tpu.memory_space<vmem>> -> memref<80xi32, #tpu.memory_space<vmem>>
      %dma_start3A_393 = arith.constant 0 : i32
      %dma_start3A_394 = arith.constant 0 : i32
      %dma_start3A_395 = tpu.memref_slice %arg7[%dma_start3A_393, %dma_start3A_394] : memref<10000x128xf32, #tpu.memory_space<vmem_shared>> -> memref<10000x128xf32, #tpu.memory_space<vmem_shared>>
      tpu.enqueue_indirect_dma source(%arg11 : memref<80x128xf32, #tpu.memory_space<vmem>>) target(%dma_start3A_395 : memref<10000x128xf32, #tpu.memory_space<vmem_shared>>) offsets(%dma_start3A_392 : memref<80xi32, #tpu.memory_space<vmem>>) semaphore(%run_scoped3A_389 : memref<!tpu.dma_semaphore, #tpu.memory_space<semaphore_mem>>) {add = true}
      %dma_wait3A_396 = arith.constant 0 : i32
      %dma_wait3A_397 = tpu.memref_slice %arg9[%run_scoped3A_377, %dma_wait3A_396] : memref<6x80xi32, #tpu.memory_space<vmem>> -> memref<1x80xi32, #tpu.memory_space<vmem>>
      %dma_wait3A_398 = tpu.memref_squeeze %dma_wait3A_397 : memref<1x80xi32, #tpu.memory_space<vmem>> -> memref<80xi32, #tpu.memory_space<vmem>>
      %dma_wait3A_399 = arith.constant 0 : i32
      %dma_wait3A_400 = arith.constant 0 : i32
      %dma_wait3A_401 = tpu.memref_slice %arg7[%dma_wait3A_399, %dma_wait3A_400] : memref<10000x128xf32, #tpu.memory_space<vmem_shared>> -> memref<10000x128xf32, #tpu.memory_space<vmem_shared>>
      tpu.wait_indirect_dma semaphore(%run_scoped3A_389 : memref<!tpu.dma_semaphore, #tpu.memory_space<semaphore_mem>>) src(%arg11 : memref<80x128xf32, #tpu.memory_space<vmem>>) dst(%dma_wait3A_401 : memref<10000x128xf32, #tpu.memory_space<vmem_shared>>)
      tpu.yield
    }) : () -> ()
    %barrier3A_378 = arith.constant 0 : index
    tpu.barrier barrier_id(%barrier3A_378)
    %lt3A_379 = arith.constant 15 : i32
    %lt3A_380 = arith.cmpi slt, %arg1, %lt3A_379 : i32
    %convert_element_type3A_381 = arith.extui %lt3A_380 : i1 to i32
    %cond3A_382 = arith.constant 0 : i32
    %cond3A_383 = arith.cmpi ne, %convert_element_type3A_381, %cond3A_382 : i32
    scf.if %cond3A_383 {
      %mul3A_389 = arith.constant 624 : i32
      %mul3A_390 = arith.muli %arg1, %mul3A_389 : i32
      %mul3A_391 = arith.constant 624 : i32
      %mul3A_392 = arith.muli %arg1, %mul3A_391 : i32
      "tpu.region"() ({
        %run_scoped3A_393 = tpu.sem_alloc : memref<!tpu.dma_semaphore, #tpu.memory_space<semaphore_mem>>
        %dma_start3A_394 = arith.constant 0 : i32
        %dma_start3A_395 = tpu.memref_slice %arg6[%arg0, %mul3A_392, %dma_start3A_394] : memref<2x10000x128xf32, #tpu.memory_space<hbm>> -> memref<1x624x128xf32, #tpu.memory_space<hbm>>
        %dma_start3A_396 = tpu.memref_squeeze %dma_start3A_395 : memref<1x624x128xf32, #tpu.memory_space<hbm>> -> memref<624x128xf32, #tpu.memory_space<hbm>>
        %dma_start3A_397 = arith.constant 0 : i32
        %dma_start3A_398 = tpu.memref_slice %arg7[%mul3A_390, %dma_start3A_397] : memref<10000x128xf32, #tpu.memory_space<vmem_shared>> -> memref<624x128xf32, #tpu.memory_space<vmem_shared>>
        tpu.enqueue_dma source(%dma_start3A_398 : memref<624x128xf32, #tpu.memory_space<vmem_shared>>) target(%dma_start3A_396 : memref<624x128xf32, #tpu.memory_space<hbm>>) target_semaphore(%run_scoped3A_393 : memref<!tpu.dma_semaphore, #tpu.memory_space<semaphore_mem>>)
        %dma_wait3A_399 = arith.constant 0 : i32
        %dma_wait3A_400 = tpu.memref_slice %arg6[%arg0, %mul3A_392, %dma_wait3A_399] : memref<2x10000x128xf32, #tpu.memory_space<hbm>> -> memref<1x624x128xf32, #tpu.memory_space<hbm>>
        %dma_wait3A_401 = tpu.memref_squeeze %dma_wait3A_400 : memref<1x624x128xf32, #tpu.memory_space<hbm>> -> memref<624x128xf32, #tpu.memory_space<hbm>>
        %dma_wait3A_402 = arith.constant 0 : i32
        %dma_wait3A_403 = tpu.memref_slice %arg7[%mul3A_390, %dma_wait3A_402] : memref<10000x128xf32, #tpu.memory_space<vmem_shared>> -> memref<624x128xf32, #tpu.memory_space<vmem_shared>>
        tpu.wait_dma2 semaphore(%run_scoped3A_393 : memref<!tpu.dma_semaphore, #tpu.memory_space<semaphore_mem>>) src(%dma_wait3A_403 : memref<624x128xf32, #tpu.memory_space<vmem_shared>>) dst(%dma_wait3A_401 : memref<624x128xf32, #tpu.memory_space<hbm>>)
        tpu.yield
      }) : () -> ()
    } else {
    }
    %eq3A_384 = arith.constant 15 : i32
    %eq3A_385 = arith.cmpi eq, %arg1, %eq3A_384 : i32
    %convert_element_type3A_386 = arith.extui %eq3A_385 : i1 to i32
    %cond3A_387 = arith.constant 0 : i32
    %cond3A_388 = arith.cmpi ne, %convert_element_type3A_386, %cond3A_387 : i32
    scf.if %cond3A_388 {
      "tpu.region"() ({
        %run_scoped3A_389 = tpu.sem_alloc : memref<!tpu.dma_semaphore, #tpu.memory_space<semaphore_mem>>
        %dma_start3A_390 = arith.constant 9360 : i32
        %dma_start3A_391 = arith.constant 0 : i32
        %dma_start3A_392 = tpu.memref_slice %arg6[%arg0, %dma_start3A_390, %dma_start3A_391] : memref<2x10000x128xf32, #tpu.memory_space<hbm>> -> memref<1x640x128xf32, #tpu.memory_space<hbm>>
        %dma_start3A_393 = tpu.memref_squeeze %dma_start3A_392 : memref<1x640x128xf32, #tpu.memory_space<hbm>> -> memref<640x128xf32, #tpu.memory_space<hbm>>
        %dma_start3A_394 = arith.constant 9360 : i32
        %dma_start3A_395 = arith.constant 0 : i32
        %dma_start3A_396 = tpu.memref_slice %arg7[%dma_start3A_394, %dma_start3A_395] : memref<10000x128xf32, #tpu.memory_space<vmem_shared>> -> memref<640x128xf32, #tpu.memory_space<vmem_shared>>
        tpu.enqueue_dma source(%dma_start3A_396 : memref<640x128xf32, #tpu.memory_space<vmem_shared>>) target(%dma_start3A_393 : memref<640x128xf32, #tpu.memory_space<hbm>>) target_semaphore(%run_scoped3A_389 : memref<!tpu.dma_semaphore, #tpu.memory_space<semaphore_mem>>)
        %dma_wait3A_397 = arith.constant 9360 : i32
        %dma_wait3A_398 = arith.constant 0 : i32
        %dma_wait3A_399 = tpu.memref_slice %arg6[%arg0, %dma_wait3A_397, %dma_wait3A_398] : memref<2x10000x128xf32, #tpu.memory_space<hbm>> -> memref<1x640x128xf32, #tpu.memory_space<hbm>>
        %dma_wait3A_400 = tpu.memref_squeeze %dma_wait3A_399 : memref<1x640x128xf32, #tpu.memory_space<hbm>> -> memref<640x128xf32, #tpu.memory_space<hbm>>
        %dma_wait3A_401 = arith.constant 9360 : i32
        %dma_wait3A_402 = arith.constant 0 : i32
        %dma_wait3A_403 = tpu.memref_slice %arg7[%dma_wait3A_401, %dma_wait3A_402] : memref<10000x128xf32, #tpu.memory_space<vmem_shared>> -> memref<640x128xf32, #tpu.memory_space<vmem_shared>>
        tpu.wait_dma2 semaphore(%run_scoped3A_389 : memref<!tpu.dma_semaphore, #tpu.memory_space<semaphore_mem>>) src(%dma_wait3A_403 : memref<640x128xf32, #tpu.memory_space<vmem_shared>>) dst(%dma_wait3A_400 : memref<640x128xf32, #tpu.memory_space<hbm>>)
        tpu.yield
      }) : () -> ()
    } else {
    }
    return
  }
}

module attributes {stable_mosaic.version = 14 : i64} {
  func.func @_init_mm(%arg0: memref<10000x128xf32, #tpu.memory_space<vmem>>, %arg1: memref<128x128xf32, #tpu.memory_space<vmem>>, %arg2: memref<10000x128xf32, #tpu.memory_space<vmem>>) attributes {dimension_semantics = [], scalar_prefetch = 0 : i64, scratch_operands = 0 : i64, tpu.core_type = #tpu.core_type<tc>} {
    %get3A = arith.constant 0 : index
    %get3A_0 = arith.constant 0 : index
    %get3A_1 = vector.load %arg0[%get3A, %get3A_0] : memref<10000x128xf32, #tpu.memory_space<vmem>>, vector<10000x128xf32>
    %get3A_2 = arith.constant 0 : index
    %get3A_3 = arith.constant 0 : index
    %get3A_4 = vector.load %arg1[%get3A_2, %get3A_3] : memref<128x128xf32, #tpu.memory_space<vmem>>, vector<128x128xf32>
    %dot_general3A = arith.constant dense<0.000000e+00> : vector<10000x128xf32>
    %dot_general3A_5 = tpu.matmul %get3A_1, %get3A_4, %dot_general3A {dimension_numbers = #tpu.dot_dimension_numbers<[1], [0], [0], [1], [0, 0, 1, 1], [], []>, transpose_lhs_hint = false} : vector<10000x128xf32>, vector<128x128xf32>, vector<10000x128xf32> -> vector<10000x128xf32>
    %swap3A = arith.constant 0 : index
    %swap3A_6 = arith.constant 0 : index
    %swap3A_7 = vector.load %arg2[%swap3A, %swap3A_6] : memref<10000x128xf32, #tpu.memory_space<vmem>>, vector<10000x128xf32>
    tpu.vector_store %arg2[%swap3A, %swap3A_6], %dot_general3A_5 {strides = array<i32>} : memref<10000x128xf32, #tpu.memory_space<vmem>>, vector<10000x128xf32>,
    return
  }
}

module attributes {stable_mosaic.version = 14 : i64} {
  func.func @_layer_tc(%arg0: memref<2x10000x128xf32, #tpu.memory_space<vmem>>, %arg1: memref<10000x128xf32, #tpu.memory_space<vmem>>, %arg2: memref<128x128xf32, #tpu.memory_space<vmem>>, %arg3: memref<1x128xf32, #tpu.memory_space<vmem>>, %arg4: memref<128x128xf32, #tpu.memory_space<vmem>>, %arg5: memref<1x128xf32, #tpu.memory_space<vmem>>, %arg6: memref<1x128xf32, #tpu.memory_space<vmem>>, %arg7: memref<1x128xf32, #tpu.memory_space<vmem>>, %arg8: memref<10000x128xf32, #tpu.memory_space<vmem>>) attributes {dimension_semantics = [], scalar_prefetch = 0 : i64, scratch_operands = 0 : i64, tpu.core_type = #tpu.core_type<tc>} {
    %get3A = arith.constant 0 : index
    %get3A_0 = arith.constant 0 : index
    %get3A_1 = arith.constant 0 : index
    %get3A_2 = vector.load %arg0[%get3A, %get3A_0, %get3A_1] : memref<2x10000x128xf32, #tpu.memory_space<vmem>>, vector<1x10000x128xf32>
    %get3A_3 = vector.shape_cast %get3A_2 : vector<1x10000x128xf32> to vector<10000x128xf32>
    %get3A_4 = arith.constant 1 : index
    %get3A_5 = arith.constant 0 : index
    %get3A_6 = arith.constant 0 : index
    %get3A_7 = vector.load %arg0[%get3A_4, %get3A_5, %get3A_6] : memref<2x10000x128xf32, #tpu.memory_space<vmem>>, vector<1x10000x128xf32>
    %get3A_8 = vector.shape_cast %get3A_7 : vector<1x10000x128xf32> to vector<10000x128xf32>
    %add3A = arith.addf %get3A_3, %get3A_8 : vector<10000x128xf32>
    %get3A_9 = arith.constant 0 : index
    %get3A_10 = arith.constant 0 : index
    %get3A_11 = vector.load %arg2[%get3A_9, %get3A_10] : memref<128x128xf32, #tpu.memory_space<vmem>>, vector<128x128xf32>
    %dot_general3A = arith.constant dense<0.000000e+00> : vector<10000x128xf32>
    %dot_general3A_12 = tpu.matmul %add3A, %get3A_11, %dot_general3A {dimension_numbers = #tpu.dot_dimension_numbers<[1], [0], [0], [1], [0, 0, 1, 1], [], []>, transpose_lhs_hint = false} : vector<10000x128xf32>, vector<128x128xf32>, vector<10000x128xf32> -> vector<10000x128xf32>
    %get3A_13 = arith.constant 0 : index
    %get3A_14 = arith.constant 0 : index
    %get3A_15 = vector.load %arg3[%get3A_13, %get3A_14] : memref<1x128xf32, #tpu.memory_space<vmem>>, vector<1x128xf32>
    %add3A_16 = vector.broadcast %get3A_15 : vector<1x128xf32> to vector<10000x128xf32>
    %add3A_17 = arith.addf %dot_general3A_12, %add3A_16 : vector<10000x128xf32>
    %max3A = arith.constant 0.000000e+00 : f32
    %max3A_18 = vector.broadcast %max3A : f32 to vector<10000x128xf32>
    %max3A_19 = arith.maximumf %add3A_17, %max3A_18 : vector<10000x128xf32>
    %get3A_20 = arith.constant 0 : index
    %get3A_21 = arith.constant 0 : index
    %get3A_22 = vector.load %arg1[%get3A_20, %get3A_21] : memref<10000x128xf32, #tpu.memory_space<vmem>>, vector<10000x128xf32>
    %get3A_23 = arith.constant 0 : index
    %get3A_24 = arith.constant 0 : index
    %get3A_25 = vector.load %arg4[%get3A_23, %get3A_24] : memref<128x128xf32, #tpu.memory_space<vmem>>, vector<128x128xf32>
    %dot_general3A_26 = arith.constant dense<0.000000e+00> : vector<10000x128xf32>
    %dot_general3A_27 = tpu.matmul %get3A_22, %get3A_25, %dot_general3A_26 {dimension_numbers = #tpu.dot_dimension_numbers<[1], [0], [0], [1], [0, 0, 1, 1], [], []>, transpose_lhs_hint = false} : vector<10000x128xf32>, vector<128x128xf32>, vector<10000x128xf32> -> vector<10000x128xf32>
    %get3A_28 = arith.constant 0 : index
    %get3A_29 = arith.constant 0 : index
    %get3A_30 = vector.load %arg5[%get3A_28, %get3A_29] : memref<1x128xf32, #tpu.memory_space<vmem>>, vector<1x128xf32>
    %add3A_31 = vector.broadcast %get3A_30 : vector<1x128xf32> to vector<10000x128xf32>
    %add3A_32 = arith.addf %dot_general3A_27, %add3A_31 : vector<10000x128xf32>
    %max3A_33 = arith.constant 0.000000e+00 : f32
    %max3A_34 = vector.broadcast %max3A_33 : f32 to vector<10000x128xf32>
    %max3A_35 = arith.maximumf %add3A_32, %max3A_34 : vector<10000x128xf32>
    %add3A_36 = arith.addf %max3A_19, %max3A_35 : vector<10000x128xf32>
    %reduce_sum3A = arith.constant dense<0.000000e+00> : vector<128xf32>
    %reduce_sum3A_37 = vector.multi_reduction <add>, %add3A_36, %reduce_sum3A [0] : vector<10000x128xf32> to vector<128xf32>
    %broadcast_in_dim3A = vector.shape_cast %reduce_sum3A_37 : vector<128xf32> to vector<1x128xf32>
    %div3A = arith.constant 1.000000e+04 : f32
    %div3A_38 = vector.broadcast %div3A : f32 to vector<1x128xf32>
    %div3A_39 = arith.divf %broadcast_in_dim3A, %div3A_38 : vector<1x128xf32>
    %sub3A = vector.broadcast %div3A_39 : vector<1x128xf32> to vector<10000x128xf32>
    %sub3A_40 = arith.subf %add3A_36, %sub3A : vector<10000x128xf32>
    %mul3A = arith.mulf %sub3A_40, %sub3A_40 : vector<10000x128xf32>
    %reduce_sum3A_41 = arith.constant dense<0.000000e+00> : vector<128xf32>
    %reduce_sum3A_42 = vector.multi_reduction <add>, %mul3A, %reduce_sum3A_41 [0] : vector<10000x128xf32> to vector<128xf32>
    %broadcast_in_dim3A_43 = vector.shape_cast %reduce_sum3A_42 : vector<128xf32> to vector<1x128xf32>
    %div3A_44 = arith.constant 1.000000e+04 : f32
    %div3A_45 = vector.broadcast %div3A_44 : f32 to vector<1x128xf32>
    %div3A_46 = arith.divf %broadcast_in_dim3A_43, %div3A_45 : vector<1x128xf32>
    %get3A_47 = arith.constant 0 : index
    %get3A_48 = arith.constant 0 : index
    %get3A_49 = vector.load %arg6[%get3A_47, %get3A_48] : memref<1x128xf32, #tpu.memory_space<vmem>>, vector<1x128xf32>
    %mul3A_50 = vector.broadcast %get3A_49 : vector<1x128xf32> to vector<10000x128xf32>
    %mul3A_51 = arith.mulf %mul3A_50, %sub3A_40 : vector<10000x128xf32>
    %add3A_52 = arith.constant 9.99999974E-6 : f32
    %add3A_53 = vector.broadcast %add3A_52 : f32 to vector<1x128xf32>
    %add3A_54 = arith.addf %div3A_46, %add3A_53 : vector<1x128xf32>
    %rsqrt3A = math.rsqrt %add3A_54 : vector<1x128xf32>
    %mul3A_55 = vector.broadcast %rsqrt3A : vector<1x128xf32> to vector<10000x128xf32>
    %mul3A_56 = arith.mulf %mul3A_51, %mul3A_55 : vector<10000x128xf32>
    %get3A_57 = arith.constant 0 : index
    %get3A_58 = arith.constant 0 : index
    %get3A_59 = vector.load %arg7[%get3A_57, %get3A_58] : memref<1x128xf32, #tpu.memory_space<vmem>>, vector<1x128xf32>
    %add3A_60 = vector.broadcast %get3A_59 : vector<1x128xf32> to vector<10000x128xf32>
    %add3A_61 = arith.addf %mul3A_56, %add3A_60 : vector<10000x128xf32>
    %swap3A = arith.constant 0 : index
    %swap3A_62 = arith.constant 0 : index
    %swap3A_63 = vector.load %arg8[%swap3A, %swap3A_62] : memref<10000x128xf32, #tpu.memory_space<vmem>>, vector<10000x128xf32>
    tpu.vector_store %arg8[%swap3A, %swap3A_62], %add3A_61 {strides = array<i32>} : memref<10000x128xf32, #tpu.memory_space<vmem>>, vector<10000x128xf32>,
    return
  }
}

</mosaic_0001>

<sc_bundles>
// kernel: kernel.10.cloned.1.call-start
scs
__scs_entry_jumppad:
0x0: {  	(pc) =	sbr.rel $0x88, $3  }
0x1: {  	(tag) =	ssettag $0x0;
	lr =	simm.s32 $0x1  }
0x2: {  	[smem:$0x3F92] =	sst lr;
	_ =	strace $0xD0000000  }
0x3: {  	_ = 	snop  }
0x4: {  	_ = 	snop  }
0x5: {  	_ = 	snop  }
0x6: {  	_ = 	snop  }
0x7: {  	_ = 	snop  }
__scs_overlays_trampoline_lowered:
0x8: {  	[smem:$0x3FA1] =	sst s0  }
0x9: {  	[smem:$0x3FA2] =	sst s1  }
0xa: {  	[smem:$0x3FA3] =	sst s2  }
0xb: {  	[smem:$0x3FA4] =	sst s3  }
0xc: {  	[smem:$0x3FA5] =	sst s4  }
0xd: {  	[smem:$0x3FA6] =	sst s5  }
0xe: {  	[smem:$0x3FA7] =	sst s6  }
0xf: {  	[smem:$0x3FA8] =	sst s7  }
0x10: {  	[smem:$0x3FA9] =	sst s8  }
0x11: {  	[smem:$0x3FAA] =	sst s9;
	s0 =	simm.s32 @!p0 $0x0  }
0x12: {  	s1 =	sld [smem:$0x3F90];
	s0 =	simm.s32 @p0 $0x1  }
0x13: {  	[smem:$0x3FAB] =	sst s0;
	s0 =	simm.s32 @!p1 $0x0  }
0x14: {  	s2 =	sld [smem:$0x3F8F];
	s0 =	simm.s32 @p1 $0x1  }
0x15: {  	[smem:$0x3FAC] =	sst s0;
	s0 =	simm.s32 @!p2 $0x0  }
0x16: {  	s3 =	sld [smem:$0x3FDB];
	s0 =	simm.s32 @p2 $0x1  }
0x17: {  	s4 =	simm.s32 $0x1BF5;
	[smem:$0x3FAE] =	sst s0  }
0x18: {  	s0 =	sld [smem:$0x3F91];
	_ =	swait.ge [sflag:s4], $0x0  }
0x19: {  	s7 =	sld [smem:$0x3F92]  }
0x1a: {  	s8 =	sadd.s32 $0xFFFFE003, lr  }
0x1b: {  	s9 =	sadd.s32 $0xFFFFFEF7, lr;
	s5 =	simm.s32 $0xFFFFFFFF;
	p2 =	slt.u32 s8, $0xFFFFF086  }
0x1c: {  	p1 =	slt.u32 s9, $0xF7A;
	s5 =	simm.s32 @!p2 $0x0  }
0x1d: {  	s5 =	simm.s32 @p1 $0x1;
	p0 =	seq.s32 s7, s2  }
0x1e: {  	s7 =	smul.u32 @!p0 $0xF7A, s2;
	p2 =	seq.s32 @!p0 s5, $0x0  }
0x1f: {  	s9 =	smul.u32 $0xF7A, s1;
	s8 =	simm.s32 @!p0 $0x1BF5;
	p2 =	por !p2, p0  }
0x20: {  	[sflag:s8] =	ssyncset.s32 @!p0 $0xFFFFF086;
	s6 =	sadd.s32 @!p0 s3, s7;
	s7 =	simm.s32 @!p0 $0x108  }
0x21: {  	s3 =	sadd.s32 s3, s9;
	s6 =	sadd.s32 @!p0 $0x88, s6;
	s7 =	simm.s32 @p2 $0x1082  }
0x22: {  	[simem:s7], [sflag:s8] =	dma.local @!p0 [hbm:s6], $0xF7A  }
0x23: {  	s9 =	sor.u32 $0xD0000000, s2;
	s6 =	simm.s32 $0x108;
	_ =	swait.ge @!p0 [sflag:s8], $0x0  }
0x24: {  	s3 =	sadd.s32 $0x88, s3;
	s6 =	simm.s32 @!p1 $0x1082;
	[sflag:s4] =	ssyncset.s32 $0xFFFFF086  }
0x25: {  	[simem:s6], [sflag:s4] =	dma.local [hbm:s3], $0xF7A  }
0x26: {  	[smem:$0x3F92] =	sst s1;
	(tag) =	ssettag s2;
	_ =	strace s9  }
0x27: {  	s1 =	sld [smem:$0x3FA2]  }
0x28: {  	s2 =	sld [smem:$0x3FA3]  }
0x29: {  	s4 =	sld [smem:$0x3FA5]  }
0x2a: {  	p0 =	seq.s32 s5, $0x0;
	s5 =	sld [smem:$0x3FA6]  }
0x2b: {  	s6 =	sld [smem:$0x3FA7]  }
0x2c: {  	s7 =	sld [smem:$0x3FA8]  }
0x2d: {  	s3 =	simm.s32 $0x108;
	s8 =	sld [smem:$0x3FA9]  }
0x2e: {  	s3 =	simm.s32 @!p0 $0x1082;
	s9 =	sld [smem:$0x3FAA]  }
0x2f: {  	lr =	sadd.s32 s0, s3;
	s0 =	sld [smem:$0x3FA1]  }
0x30: {  	s3 =	sld [smem:$0x3FA4]  }
0x31: {  	[smem:$0x3FAD] =	sst s10  }
0x32: {  	s10 =	sld [smem:$0x3FAB];
	_ =	sdelay $0x3  }
0x33: {  	p0 =	seq.s32 s10, $0x1;
	s10 =	sld [smem:$0x3FAD];
	_ =	sdelay $0x3  }
0x34: {  	[smem:$0x3FAD] =	sst s10  }
0x35: {  	s10 =	sld [smem:$0x3FAC];
	_ =	sdelay $0x3  }
0x36: {  	p1 =	seq.s32 s10, $0x1;
	s10 =	sld [smem:$0x3FAD];
	_ =	sdelay $0x3  }
0x37: {  	[smem:$0x3FAD] =	sst s10  }
0x38: {  	s10 =	sld [smem:$0x3FAE]  }
0x39: {  	_ = 	snop;
	(pc) =	sbr.ind lr, $3  }
0x3a: {  	_ = 	snop  }
0x3b: {  	_ = 	snop  }
0x3c: {  	p2 =	seq.s32 s10, $0x1;
	s10 =	sld [smem:$0x3FAD]  }
0x3d: {  	_ =	shalt  }
0x3e: {  	_ =	shalt  }
0x3f: {  	_ =	shalt  }
0x40: {  	_ =	shalt  }
0x41: {  	_ =	shalt  }
0x42: {  	_ =	shalt  }
0x43: {  	_ =	shalt  }
0x44: {  	_ =	shalt  }
0x45: {  	_ =	shalt  }
0x46: {  	_ =	shalt  }
0x47: {  	_ =	shalt  }
0x48: {  	_ =	shalt  }
0x49: {  	_ =	shalt  }
0x4a: {  	_ =	shalt  }
0x4b: {  	_ =	shalt  }
0x4c: {  	_ =	shalt  }
0x4d: {  	_ =	shalt  }
0x4e: {  	_ =	shalt  }
0x4f: {  	_ =	shalt  }
0x50: {  	_ =	shalt  }
0x51: {  	_ =	shalt  }
0x52: {  	_ =	shalt  }
0x53: {  	_ =	shalt  }
0x54: {  	_ =	shalt  }
0x55: {  	_ =	shalt  }
0x56: {  	_ =	shalt  }
0x57: {  	_ =	shalt  }
0x58: {  	_ =	shalt  }
0x59: {  	_ =	shalt  }
0x5a: {  	_ =	shalt  }
0x5b: {  	_ =	shalt  }
0x5c: {  	_ =	shalt  }
0x5d: {  	_ =	shalt  }
0x5e: {  	_ =	shalt  }
0x5f: {  	_ =	shalt  }
0x60: {  	_ =	shalt  }
0x61: {  	_ =	shalt  }
0x62: {  	_ =	shalt  }
0x63: {  	_ =	shalt  }
0x64: {  	_ =	shalt  }
0x65: {  	_ =	shalt  }
0x66: {  	_ =	shalt  }
0x67: {  	_ =	shalt  }
0x68: {  	_ =	shalt  }
0x69: {  	_ =	shalt  }
0x6a: {  	_ =	shalt  }
0x6b: {  	_ =	shalt  }
0x6c: {  	_ =	shalt  }
0x6d: {  	_ =	shalt  }
0x6e: {  	_ =	shalt  }
0x6f: {  	_ =	shalt  }
0x70: {  	_ =	shalt  }
0x71: {  	_ =	shalt  }
0x72: {  	_ =	shalt  }
0x73: {  	_ =	shalt  }
0x74: {  	_ =	shalt  }
0x75: {  	_ =	shalt  }
0x76: {  	_ =	shalt  }
0x77: {  	_ =	shalt  }
0x78: {  	_ =	shalt  }
0x79: {  	_ =	shalt  }
0x7a: {  	_ =	shalt  }
0x7b: {  	_ =	shalt  }
0x7c: {  	_ =	shalt  }
0x7d: {  	_ =	shalt  }
0x7e: {  	_ =	shalt  }
0x7f: {  	_ =	shalt  }
0x80: {  	_ =	shalt  }
0x81: {  	_ =	shalt  }
0x82: {  	_ =	shalt  }
0x83: {  	_ =	shalt  }
0x84: {  	_ =	shalt  }
0x85: {  	_ =	shalt  }
0x86: {  	_ =	shalt  }
0x87: {  	_ =	shalt  }
.Lfunc_end0:
.L_simem_size_0:
called_computation.1_lowered:
.L_overlay_start_0:
0x88: {  	s2 =	sld [smem:$0x3FD9]  }
0x89: {  	s3 =	sld [smem:$0x3FFE];
	_ =	sdelay $0x1  }
0x8a: {  	s1 =	srdreg.scid  }
0x8b: {  	s0 =	sand.u32 $0x1, s1  }
0x8c: {  	s17 =	sshll.u32 s0, $0xA;
	s2 =	sadd.s32 s3, s2  }
0x8d: {  	s2 =	sadd.s32 s2, s17  }
0x8e: {  	[smem:$0x3FB9] =	sst s2  }
0x8f: {  	_ = 	snop  }
0x90: {  	s2 =	sld [smem:$0x3FD0];
	(tm) =	ssettm $0x1  }
0x91: {  	s18 =	sld [smem:$0x3FFB];
	_ =	sdelay $0x3  }
0x92: {  	_ =	strace s18  }
0x93: {  	s3 =	sld [smem:$0x3FFC];
	_ =	sdelay $0x3  }
0x94: {  	_ =	strace s3  }
0x95: {  	s3 =	sld [smem:$0x3FFD];
	_ =	sdelay $0x3  }
0x96: {  	_ =	strace s3  }
0x97: {  	_ =	strace $0x8FFFFFFF  }
0x98: {  	s19 =	sld [smem:$0x3FDB];
	_ =	sdelay $0x1  }
0x99: {  	s4 =	simm.s32 $_scs_section_size  }
0x9a: {  	s5 =	simm.s32 $_size__tile_overlayer_lowered;
	s6 =	simm.s32 $_tile_overlayer_lowered  }
0x9b: {  	s22 =	simm.s32 $0x1BFF;
	s21 =	sshll.u32 s6, $0x1;
	s3 =	sadd.s32 s4, s19  }
0x9c: {  	s7 =	simm.s32 $0x0;
	s20 =	sshll.u32 s5, $0x1;
	s5 =	sadd.s32 s21, s3  }
0x9d: {  	[timem:s7], [sflag:s22] =	dma.local [hbm:s5], s20  }
0x9e: {  	_ =	swait.ge [sflag:s22], s20  }
0x9f: {  	s4 =	ssub.s32 $0x0, s20;
	[sflag:s22] =	ssyncset.done $0x0  }
0xa0: {  	[sflag:s22] =	ssyncadd.s32 s4;
	_ =	sdelay $0x1  }
0xa1: {  	s23 =	simm.s32 $0x1B8B  }
0xa2: {  	_ =	swait.ge [sflag:s23], $0x1  }
0xa3: {  	[sflag:s23] =	ssyncset.done $0x0  }
0xa4: {  	s25 =	simm.s32 $0x1B8E;
	s24 =	sld [smem:$0x3FFE];
	[sflag:s23] =	ssyncadd.s32 $0xFFFFFFFF  }
0xa5: {  	s26 =	simm.s32 $execute0_lowered;
	[smem:$0x3FD2] =	sst s25  }
0xa6: {  	s5 =	sshll.u32 s26, $0x1;
	_ =	strace $0x80000049;
	[dreg:$0x1] =	wrdreg $0xFFFFFFFF  }
0xa7: {  	s28 =	simm.s32 $_size_execute0_lowered;
	s3 =	sadd.s32 s3, s5;
	[dreg:$0x0] =	wrdreg $0x0  }
0xa8: {  	s5 =	sshll.u32 s28, $0x1;
	[dreg:$0x2] =	wrdreg s3  }
0xa9: {  	[dreg:$0x3] =	wrdreg s5  }
0xaa: {  	[dreg:$0x4] =	wrdreg $0xC0  }
0xab: {  	_ =	task [dreg:s7], $0x5FFFF  }
0xac: {  	[dreg:$0x1] =	wrdreg $0xFFFFFFFF  }
0xad: {  	[dreg:$0x0] =	wrdreg $0x60  }
0xae: {  	[dreg:$0x2] =	wrdreg s2  }
0xaf: {  	[dreg:$0x3] =	wrdreg s24  }
0xb0: {  	[dreg:$0x4] =	wrdreg $0x0  }
0xb1: {  	[dreg:$0x5] =	wrdreg $0x9  }
0xb2: {  	_ =	task.clear_ibuf [dreg:s7], $0x6FFFF;
	_ =	strace $0x90000049  }
0xb3: {  	s29 =	simm.s32 $0x9;
	_ =	strace $0x8000004B  }
0xb4: {  	_ =	swait.ge [sflag:s29], $0x1  }
0xb5: {  	[sflag:s29] =	ssyncadd.s32 $0xFFFFFFFF  }
0xb6: {  	_ =	strace $0x9000004B  }
0xb7: {  	_ =	sfence  }
0xb8: {  	s30 =	sld [smem:$0x0];
	_ =	sdelay $0x2  }
0xb9: {  	s31 =	sshll.u32 s1, $0xD;
	s1 =	sshrl.u32 s1, $0x2  }
0xba: {  	s3 =	sand.u32 $0x4000, s31;
	s1 =	sadd.s32 s1, s30  }
0xbb: {  	s0 =	sor.u32 s3, s0;
	s1 =	sshll.u32 s1, $0x11  }
0xbc: {  	s0 =	sor.u32 s1, s0  }
0xbd: {  	s0 =	sadd.s32 $0x8F2B, s0  }
0xbe: {  	[sflag:s0] =	ssyncadd.remote.s32 $0x1  }
0xbf: {  	_ =	sfence.sel $0xFFFF  }
0xc0: {  	[dreg:$0x0] =	wrdreg $0xFFFFFFFF;
	(pc) =	sbr.abs _section_cstart, $3  }
0xc1: {  	[dreg:$0x1] =	wrdreg $0xFFFFFFFF  }
0xc2: {  	_ =	task.clear_ibuf [dreg:s7], $0x2FFFF;
	_ =	strace $0x9FFFFFFF  }
0xc3: {  	(tm) =	ssettm $0x7FFFFFFF  }
tec
execute0_lowered:
.L_overlay_start_1:
0x0: {  	(tag) =	ssettag $0x1  }
0x1: {  	s1 =	rddreg [dreg:$0x0]  }
0x2: {  	s0 =	rddreg [dreg:$0x1]  }
0x3: {  	s2 =	rddreg [dreg:$0x2];
	s3 =	srdreg.scid;
	s4 =	simm.s32 $0x0  }
0x4: {  	s13 =	stileid.u32;
	s31 =	simm.s32 $0x13B00;
	s3 =	sand.u32 $0x1, s3  }
0x5: {  	[smem:$0x7FF] =	sst s4;
	s6 =	sadd.s32 $0xCC00, s0;
	s8 =	sadd.s32 $0x2E00, s0  }
0x6: {  	s10 =	sadd.s32 $0x16A00, s0;
	s0 =	sadd.s32 $0x19200, s0;
	s18 =	smul.u32 $0x4E000, s13  }
0x7: {  	s28 =	smul.u32 $0x4E2, s13;
	s29 =	sadd.s32 $0x124800, s2;
	p0 =	seq.s32 s13, $0xF  }
0x8: {  	s5 =	sshll.u32 s3, $0x4;
	_ =	strace $0x8000004A;
	s20 =	smul.u32 $0x138800, s3  }
0x9: {  	s9 =	ssub.s32 $0x2, s3;
	s3 =	smul.u32 $0x4E20, s3;
	s5 =	sor.u32 s13, s5  }
0xa: {  	[dreg:$0x4] =	wrdreg s10;
	s30 =	sshrl.u32 s9, $0x1;
	s7 =	smul.u32 $0x4E2, s5  }
0xb: {  	[dreg:$0x13] =	wrdreg s29;
	s5 =	smul.u32 $0x2710, s5;
	s9 =	ssub.s32 s9, s30  }
0xc: {  	s23 =	sshrl.u32 s18, $0x2;
	s26 =	sadd.s32 s3, s6;
	s30 =	smax.u32 s9, $0x1  }
0xd: {  	s11 =	sadd.s32 s6, s7;
	s5 =	sshrl.u32 s5, $0x3;
	[dreg:$0x15] =	wrdreg s30  }
0xe: {  	s7 =	sadd.s32 s8, s7;
	[dreg:$0x5] =	wrdreg s11;
	s12 =	sadd.s32 $0xA, s5  }
0xf: {  	s3 =	sadd.s32 s3, s8;
	[dreg:$0x6] =	wrdreg s7;
	s11 =	sadd.s32 s6, s12  }
0x10: {  	s14 =	sadd.s32 $0x14, s5;
	s7 =	sadd.s32 s8, s12;
	[dreg:$0x7] =	wrdreg s11  }
0x11: {  	s17 =	sadd.s32 $0x1E, s5;
	s15 =	sadd.s32 s6, s14;
	[dreg:$0x8] =	wrdreg s7  }
0x12: {  	s21 =	sadd.s32 $0x28, s5;
	s16 =	sadd.s32 s8, s14;
	[dreg:$0x9] =	wrdreg s15  }
0x13: {  	s5 =	sadd.s32 $0x32, s5;
	s19 =	sadd.s32 s6, s17;
	[dreg:$0xa] =	wrdreg s16  }
0x14: {  	s12 =	smul.u32 $0x13800, s13;
	s14 =	sadd.s32 s6, s21;
	[dreg:$0xb] =	wrdreg s19  }
0x15: {  	s22 =	sadd.s32 s6, s5;
	s5 =	sadd.s32 s8, s5;
	[dreg:$0xd] =	wrdreg s14  }
0x16: {  	s13 =	simm.s32 $0x13900;
	s6 =	simm.s32 $0x4;
	[dreg:$0xf] =	wrdreg s22  }
0x17: {  	s7 =	sadd.s32 s8, s17;
	s11 =	sadd.s32 s8, s21;
	[dreg:$0x10] =	wrdreg s5  }
0x18: {  	s5 =	sadd.s32 s23, s2;
	s17 =	simm.s32 $0x1;
	s19 =	simm.s32 $0x10  }
0x19: {  	s21 =	simm.s32 $0x2;
	s8 =	simm.s32 $0x3;
	[dreg:$0xc] =	wrdreg s7  }
0x1a: {  	s23 =	simm.s32 $0x9;
	[dreg:$0xe] =	wrdreg s11;
	s24 =	sadd.s32 s12, s20  }
0x1b: {  	s7 =	sshrl.u32 s20, $0x3;
	[dreg:$0x11] =	wrdreg s5;
	s12 =	sadd.s32 s28, s3  }
0x1c: {  	s3 =	simm.s32 $0x13F00;
	s11 =	simm.s32 $0x50;
	s10 =	sshrl.u32 s24, $0x3  }
0x1d: {  	s5 =	simm.s32 $0x0;
	s25 =	sadd.s32 s0, s10;
	s0 =	sadd.s32 s0, s7  }
0x1e: {  	s24 =	sadd.s32 s28, s26;
	[dreg:$0x12] =	wrdreg s25;
	s0 =	sadd.s32 $0x24900, s0  }
0x1f: {  	s26 =	simm.s32 $0x5;
	s7 =	simm.s32 $0x13880;
	[dreg:$0x14] =	wrdreg s0  }
.LBB2_1:
0x20: {  	[dreg:$0x16] =	wrdreg s5  }
0x21: {  	s0 =	rddreg [dreg:$0x5]  }
0x22: {  	[tilespmem:s7], [sflag:$0x4] =	stream.linear.gather [hbm4b:s0+s4], $0x50, $0x38;
	[tilespmem:$0x1B880] =	vst v63  }
0x23: {  	s18 =	rddreg [dreg:$0x6];
	s10 =	simm.s32 $0x13C80  }
0x24: {  	[tilespmem:s10], [sflag:$0xA] =	stream.linear.gather [hbm4b:s18+s4], $0x50, $0x38;
	[tilespmem:$0x1B880] =	vst v63  }
0x25: {  	s20 =	rddreg [dreg:$0x7]  }
0x26: {  	[tilespmem:s13], [sflag:$0x5] =	stream.linear.gather [hbm4b:s20+s4], $0x50, $0x38;
	[tilespmem:$0x1B880] =	vst v63  }
0x27: {  	s22 =	rddreg [dreg:$0x8];
	s15 =	simm.s32 $0x13D00  }
0x28: {  	[tilespmem:s15], [sflag:$0xB] =	stream.linear.gather [hbm4b:s22+s4], $0x50, $0x38;
	[tilespmem:$0x1B880] =	vst v63  }
0x29: {  	s25 =	rddreg [dreg:$0x9];
	s18 =	simm.s32 $0x13980  }
0x2a: {  	[tilespmem:s18], [sflag:$0x6] =	stream.linear.gather [hbm4b:s25+s4], $0x50, $0x38;
	[tilespmem:$0x1B880] =	vst v63  }
0x2b: {  	s28 =	rddreg [dreg:$0xa];
	s20 =	simm.s32 $0x13D80  }
0x2c: {  	[tilespmem:s20], [sflag:$0xC] =	stream.linear.gather [hbm4b:s28+s4], $0x50, $0x38;
	[tilespmem:$0x1B880] =	vst v63  }
0x2d: {  	s29 =	rddreg [dreg:$0xb];
	s22 =	simm.s32 $0x13A00  }
0x2e: {  	[tilespmem:s22], [sflag:$0x7] =	stream.linear.gather [hbm4b:s29+s4], $0x50, $0x38;
	[tilespmem:$0x1B880] =	vst v63  }
0x2f: {  	s5 =	rddreg [dreg:$0xc];
	s25 =	simm.s32 $0x13E00  }
0x30: {  	[tilespmem:s25], [sflag:$0xD] =	stream.linear.gather [hbm4b:s5+s4], $0x50, $0x38;
	[tilespmem:$0x1B880] =	vst v63  }
0x31: {  	s9 =	rddreg [dreg:$0xd];
	s28 =	simm.s32 $0x13A80  }
0x32: {  	[tilespmem:s28], [sflag:$0x8] =	stream.linear.gather [hbm4b:s9+s4], $0x50, $0x38;
	[tilespmem:$0x1B880] =	vst v63  }
0x33: {  	s14 =	rddreg [dreg:$0xe];
	s16 =	simm.s32 $0x13E80  }
0x34: {  	[tilespmem:s16], [sflag:$0xE] =	stream.linear.gather [hbm4b:s14+s4], $0x50, $0x38;
	[tilespmem:$0x1B880] =	vst v63  }
0x35: {  	s29 =	rddreg [dreg:$0xf]  }
0x36: {  	[tilespmem:s31], [sflag:$0x9] =	stream.linear.gather [hbm4b:s29+s4], $0x50, $0x38;
	[tilespmem:$0x1B880] =	vst v63  }
0x37: {  	s5 =	rddreg [dreg:$0x10]  }
0x38: {  	[tilespmem:s3], [sflag:$0xF] =	stream.linear.gather [hbm4b:s5+s4], $0x50, $0x38;
	[tilespmem:$0x1B880] =	vst v63  }
0x39: {  	_ =	swait.ge [sflag:s6], $0x50  }
0x3a: {  	[sflag:s6] =	ssyncset.done $0x0  }
0x3b: {  	s5 =	simm.s32 $0x14080;
	[sflag:s6] =	ssyncadd.s32 $0xFFFFFFB0  }
0x3c: {  	[tilespmem:s5], [sflag:$0x1] =	stream.indirect.gather [hbm4b:s1+s11], $0x80, s7, s11, $0xb8;
	[tilespmem:$0x1B880] =	vst v63  }
0x3d: {  	_ =	swait.ge [sflag:s26], $0x50  }
0x3e: {  	[sflag:s26] =	ssyncset.done $0x0  }
0x3f: {  	s14 =	simm.s32 $0x16880;
	s29 =	simm.s32 $0x6;
	[sflag:s26] =	ssyncadd.s32 $0xFFFFFFB0  }
0x40: {  	[tilespmem:s14], [sflag:$0x2] =	stream.indirect.gather [hbm4b:s1+s11], $0x80, s13, s11, $0xb8;
	[tilespmem:$0x1B880] =	vst v63  }
0x41: {  	_ =	swait.ge [sflag:s29], $0x50  }
0x42: {  	s16 =	simm.s32 $0x19080;
	[sflag:s29] =	ssyncset.done $0x0;
	s0 =	rddreg [dreg:$0x13]  }
0x43: {  	s6 =	rddreg [dreg:$0x4];
	[sflag:s29] =	ssyncadd.s32 $0xFFFFFFB0;
	s3 =	sshrl.u32 @p0 s0, $0x3  }
0x44: {  	[tilespmem:s16], [sflag:$0x3] =	stream.indirect.gather [hbm4b:s1+s11], $0x80, s18, s11, $0xb8;
	[tilespmem:$0x1B880] =	vst v63  }
0x45: {  	s0 =	simm.s32 @p0 $0x1FD0;
	[dreg:$0x17] =	wrdreg s3  }
0x46: {  	[spmem:s3], [sflag:s0] =	dma.local @p0 [hbm:s6], $0x2800  }
0x47: {  	s0 =	simm.s32 @p0 $0x10  }
0x48: {  	s3 =	stileid.u32;
	_ =	swait.ge @p0 [sflag:s0], $0x2800  }
0x49: {  	s3 =	sshll.u32 @!p0 s3, $0x6;
	[sflag:s0] =	ssyncset.done @p0 $0x0  }
0x4a: {  	s3 =	sor.u32 @!p0 $0x1C10, s3;
	[sflag:s0] =	ssyncadd.s32 @p0 $0xFFFFD800;
	s0 =	rddreg [dreg:$0x11]  }
0x4b: {  	[dreg:$0x18] =	wrdreg s3;
	s0 =	sshrl.u32 @!p0 s0, $0x3  }
0x4c: {  	[dreg:$0x19] =	wrdreg s0  }
0x4d: {  	[spmem:s0], [sflag:s3] =	dma.local @!p0 [hbm:s6], $0x2700  }
0x4e: {  	s0 =	simm.s32 @!p0 $0x10  }
0x4f: {  	_ =	swait.ge @!p0 [sflag:s0], $0x2700  }
0x50: {  	[sflag:s0] =	ssyncset.done @!p0 $0x0  }
0x51: {  	[sflag:s0] =	ssyncadd.s32 @!p0 $0xFFFFD900  }
0x52: {  	[bflag:$0x0] =	sbarrier.arrive $0xFFFF  }
0x53: {  	_ =	swait.ge [sflag:s17], $0x2800  }
0x54: {  	[sflag:s17] =	ssyncset.done $0x0  }
0x55: {  	s9 =	simm.s32 $0xA;
	[sflag:s17] =	ssyncadd.s32 $0xFFFFD800  }
0x56: {  	_ =	swait.ge [sflag:s9], $0x50  }
0x57: {  	[sflag:s9] =	ssyncset.done $0x0  }
0x58: {  	[sflag:s9] =	ssyncadd.s32 $0xFFFFFFB0  }
0x59: {  	[spmem:s2] =	stream.indirect.scatter.add.f32 [tilespmem:s5], [sflag:$0x10], $0x80, s10, s11, $0xb8;
	[tilespmem:$0x1B880] =	vst v63  }
0x5a: {  	_ =	swait.ge [sflag:s19], $0x2800  }
0x5b: {  	s0 =	sadd.s32 $0x0, s24;
	[sflag:s19] =	ssyncset.done $0x0  }
0x5c: {  	s3 =	sadd.s32 $0x0, s12;
	s30 =	sadd.s32 $0x3C, s0;
	[sflag:s19] =	ssyncadd.s32 $0xFFFFD800  }
0x5d: {  	[tilespmem:s7], [sflag:$0x4] =	stream.linear.gather [hbm4b:s30+s4], $0x50, $0x38;
	[tilespmem:$0x1B880] =	vst v63  }
0x5e: {  	s30 =	sadd.s32 $0x3C, s3  }
0x5f: {  	[tilespmem:s10], [sflag:$0xA] =	stream.linear.gather [hbm4b:s30+s4], $0x50, $0x38;
	[tilespmem:$0x1B880] =	vst v63  }
0x60: {  	s10 =	simm.s32 $0x7  }
0x61: {  	_ =	swait.ge [sflag:s10], $0x50  }
0x62: {  	[sflag:s10] =	ssyncset.done $0x0  }
0x63: {  	[sflag:s10] =	ssyncadd.s32 $0xFFFFFFB0  }
0x64: {  	[tilespmem:s5], [sflag:$0x1] =	stream.indirect.gather [hbm4b:s1+s11], $0x80, s22, s11, $0xb8;
	[tilespmem:$0x1B880] =	vst v63  }
0x65: {  	_ =	swait.ge [sflag:s21], $0x2800  }
0x66: {  	[sflag:s21] =	ssyncset.done $0x0  }
0x67: {  	s10 =	simm.s32 $0xB;
	[sflag:s21] =	ssyncadd.s32 $0xFFFFD800  }
0x68: {  	_ =	swait.ge [sflag:s10], $0x50  }
0x69: {  	[sflag:s10] =	ssyncset.done $0x0  }
0x6a: {  	[sflag:s10] =	ssyncadd.s32 $0xFFFFFFB0  }
0x6b: {  	[spmem:s2] =	stream.indirect.scatter.add.f32 [tilespmem:s14], [sflag:$0x10], $0x80, s15, s11, $0xb8;
	[tilespmem:$0x1B880] =	vst v63  }
0x6c: {  	_ =	swait.ge [sflag:s19], $0x2800  }
0x6d: {  	[sflag:s19] =	ssyncset.done $0x0  }
0x6e: {  	s30 =	sadd.s32 $0x46, s0;
	[sflag:s19] =	ssyncadd.s32 $0xFFFFD800  }
0x6f: {  	[tilespmem:s13], [sflag:$0x5] =	stream.linear.gather [hbm4b:s30+s4], $0x50, $0x38;
	[tilespmem:$0x1B880] =	vst v63  }
0x70: {  	s10 =	simm.s32 $0x8;
	s30 =	sadd.s32 $0x46, s3  }
0x71: {  	[tilespmem:s15], [sflag:$0xB] =	stream.linear.gather [hbm4b:s30+s4], $0x50, $0x38;
	[tilespmem:$0x1B880] =	vst v63  }
0x72: {  	_ =	swait.ge [sflag:s10], $0x50  }
0x73: {  	[sflag:s10] =	ssyncset.done $0x0  }
0x74: {  	[sflag:s10] =	ssyncadd.s32 $0xFFFFFFB0  }
0x75: {  	[tilespmem:s14], [sflag:$0x2] =	stream.indirect.gather [hbm4b:s1+s11], $0x80, s28, s11, $0xb8;
	[tilespmem:$0x1B880] =	vst v63  }
0x76: {  	_ =	swait.ge [sflag:s8], $0x2800  }
0x77: {  	[sflag:s8] =	ssyncset.done $0x0  }
0x78: {  	s15 =	simm.s32 $0xC;
	[sflag:s8] =	ssyncadd.s32 $0xFFFFD800  }
0x79: {  	_ =	swait.ge [sflag:s15], $0x50  }
0x7a: {  	[sflag:s15] =	ssyncset.done $0x0  }
0x7b: {  	[sflag:s15] =	ssyncadd.s32 $0xFFFFFFB0  }
0x7c: {  	[spmem:s2] =	stream.indirect.scatter.add.f32 [tilespmem:s16], [sflag:$0x10], $0x80, s20, s11, $0xb8;
	[tilespmem:$0x1B880] =	vst v63  }
0x7d: {  	_ =	swait.ge [sflag:s19], $0x2800  }
0x7e: {  	[sflag:s19] =	ssyncset.done $0x0  }
0x7f: {  	s30 =	sadd.s32 $0x50, s0;
	[sflag:s19] =	ssyncadd.s32 $0xFFFFD800  }
0x80: {  	[tilespmem:s18], [sflag:$0x6] =	stream.linear.gather [hbm4b:s30+s4], $0x50, $0x38;
	[tilespmem:$0x1B880] =	vst v63  }
0x81: {  	s30 =	sadd.s32 $0x50, s3  }
0x82: {  	[tilespmem:s20], [sflag:$0xC] =	stream.linear.gather [hbm4b:s30+s4], $0x50, $0x38;
	[tilespmem:$0x1B880] =	vst v63  }
0x83: {  	_ =	swait.ge [sflag:s23], $0x50  }
0x84: {  	[sflag:s23] =	ssyncset.done $0x0  }
0x85: {  	[sflag:s23] =	ssyncadd.s32 $0xFFFFFFB0  }
0x86: {  	[tilespmem:s16], [sflag:$0x3] =	stream.indirect.gather [hbm4b:s1+s11], $0x80, s31, s11, $0xb8;
	[tilespmem:$0x1B880] =	vst v63  }
0x87: {  	_ =	swait.ge [sflag:s17], $0x2800  }
0x88: {  	[sflag:s17] =	ssyncset.done $0x0  }
0x89: {  	s20 =	simm.s32 $0xD;
	[sflag:s17] =	ssyncadd.s32 $0xFFFFD800  }
0x8a: {  	_ =	swait.ge [sflag:s20], $0x50  }
0x8b: {  	[sflag:s20] =	ssyncset.done $0x0  }
0x8c: {  	[sflag:s20] =	ssyncadd.s32 $0xFFFFFFB0  }
0x8d: {  	[spmem:s2] =	stream.indirect.scatter.add.f32 [tilespmem:s5], [sflag:$0x10], $0x80, s25, s11, $0xb8;
	[tilespmem:$0x1B880] =	vst v63  }
0x8e: {  	_ =	swait.ge [sflag:s19], $0x2800  }
0x8f: {  	[sflag:s19] =	ssyncset.done $0x0  }
0x90: {  	s30 =	sadd.s32 $0x5A, s0;
	[sflag:s19] =	ssyncadd.s32 $0xFFFFD800  }
0x91: {  	[tilespmem:s22], [sflag:$0x7] =	stream.linear.gather [hbm4b:s30+s4], $0x50, $0x38;
	[tilespmem:$0x1B880] =	vst v63  }
0x92: {  	s26 =	simm.s32 $0x4;
	s30 =	sadd.s32 $0x5A, s3  }
0x93: {  	[tilespmem:s25], [sflag:$0xD] =	stream.linear.gather [hbm4b:s30+s4], $0x50, $0x38;
	[tilespmem:$0x1B880] =	vst v63  }
0x94: {  	_ =	swait.ge [sflag:s26], $0x50  }
0x95: {  	[sflag:s26] =	ssyncset.done $0x0  }
0x96: {  	[sflag:s26] =	ssyncadd.s32 $0xFFFFFFB0  }
0x97: {  	[tilespmem:s5], [sflag:$0x1] =	stream.indirect.gather [hbm4b:s1+s11], $0x80, s7, s11, $0xb8;
	[tilespmem:$0x1B880] =	vst v63  }
0x98: {  	_ =	swait.ge [sflag:s21], $0x2800  }
0x99: {  	[sflag:s21] =	ssyncset.done $0x0  }
0x9a: {  	s25 =	simm.s32 $0xE;
	[sflag:s21] =	ssyncadd.s32 $0xFFFFD800  }
0x9b: {  	_ =	swait.ge [sflag:s25], $0x50  }
0x9c: {  	[sflag:s25] =	ssyncset.done $0x0  }
0x9d: {  	s26 =	simm.s32 $0x13E80;
	[sflag:s25] =	ssyncadd.s32 $0xFFFFFFB0  }
0x9e: {  	[spmem:s2] =	stream.indirect.scatter.add.f32 [tilespmem:s14], [sflag:$0x10], $0x80, s26, s11, $0xb8;
	[tilespmem:$0x1B880] =	vst v63  }
0x9f: {  	_ =	swait.ge [sflag:s19], $0x2800  }
0xa0: {  	[sflag:s19] =	ssyncset.done $0x0  }
0xa1: {  	s0 =	sadd.s32 $0x64, s0;
	[sflag:s19] =	ssyncadd.s32 $0xFFFFD800  }
0xa2: {  	[tilespmem:s28], [sflag:$0x8] =	stream.linear.gather [hbm4b:s0+s4], $0x50, $0x38;
	[tilespmem:$0x1B880] =	vst v63  }
0xa3: {  	s9 =	simm.s32 $0x5;
	s28 =	sadd.s32 $0x64, s3  }
0xa4: {  	[tilespmem:s26], [sflag:$0xE] =	stream.linear.gather [hbm4b:s28+s4], $0x50, $0x38;
	[tilespmem:$0x1B880] =	vst v63  }
0xa5: {  	_ =	swait.ge [sflag:s9], $0x50  }
0xa6: {  	[sflag:s9] =	ssyncset.done $0x0  }
0xa7: {  	[sflag:s9] =	ssyncadd.s32 $0xFFFFFFB0  }
0xa8: {  	[tilespmem:s14], [sflag:$0x2] =	stream.indirect.gather [hbm4b:s1+s11], $0x80, s13, s11, $0xb8;
	[tilespmem:$0x1B880] =	vst v63  }
0xa9: {  	_ =	swait.ge [sflag:s8], $0x2800  }
0xaa: {  	[sflag:s8] =	ssyncset.done $0x0  }
0xab: {  	s14 =	simm.s32 $0xF;
	[sflag:s8] =	ssyncadd.s32 $0xFFFFD800  }
0xac: {  	_ =	swait.ge [sflag:s14], $0x50  }
0xad: {  	[sflag:s14] =	ssyncset.done $0x0  }
0xae: {  	s31 =	simm.s32 $0x13F00;
	[sflag:s14] =	ssyncadd.s32 $0xFFFFFFB0  }
0xaf: {  	[spmem:s2] =	stream.indirect.scatter.add.f32 [tilespmem:s16], [sflag:$0x10], $0x80, s31, s11, $0xb8;
	[tilespmem:$0x1B880] =	vst v63  }
0xb0: {  	p1 =	por $0x0, $0x0;
	_ =	swait.ge [sflag:s19], $0x2800  }
0xb1: {  	s30 =	simm.s32 @!p1 $0x13B00;
	s0 =	sadd.s32 @!p1 $0x0, s24;
	[sflag:s19] =	ssyncset.done $0x0  }
0xb2: {  	s3 =	simm.s32 @!p1 $0x0;
	s0 =	sadd.s32 @!p1 $0x6E, s0;
	[sflag:s19] =	ssyncadd.s32 $0xFFFFD800  }
0xb3: {  	[tilespmem:s30], [sflag:$0x9] =	stream.linear.gather @!p1 [hbm4b:s0+s3], $0x50, $0x38;
	[tilespmem:$0x1B880] =	vst v63  }
0xb4: {  	s0 =	sadd.s32 @!p1 $0x0, s12  }
0xb5: {  	s30 =	simm.s32 @!p1 $0x13F00;
	s0 =	sadd.s32 @!p1 $0x6E, s0  }
0xb6: {  	[tilespmem:s30], [sflag:$0xF] =	stream.linear.gather @!p1 [hbm4b:s0+s3], $0x50, $0x38;
	[tilespmem:$0x1B880] =	vst v63  }
0xb7: {  	_ =	swait.ge [sflag:s29], $0x50  }
0xb8: {  	s30 =	simm.s32 $0x3C;
	[sflag:s29] =	ssyncset.done $0x0  }
.LBB2_2:
0xb9: {  	s29 =	simm.s32 $0x6;
	s31 =	smov.u32 s30;
	s30 =	sadd.s32 $0x3C, s30  }
0xba: {  	s20 =	simm.s32 $0x13980;
	s28 =	simm.s32 $0x19080;
	[sflag:s29] =	ssyncadd.s32 $0xFFFFFFB0  }
0xbb: {  	[tilespmem:s28], [sflag:$0x3] =	stream.indirect.gather [hbm4b:s1+s11], $0x80, s20, s11, $0xb8;
	[tilespmem:$0x1B880] =	vst v63  }
0xbc: {  	p1 =	sne.s32 s30, $0x4B0;
	_ =	swait.ge [sflag:s17], $0x2800  }
0xbd: {  	[sflag:s17] =	ssyncset.done $0x0  }
0xbe: {  	s0 =	simm.s32 $0xA;
	[sflag:s17] =	ssyncadd.s32 $0xFFFFD800  }
0xbf: {  	_ =	swait.ge [sflag:s0], $0x50  }
0xc0: {  	[sflag:s0] =	ssyncset.done $0x0  }
0xc1: {  	s13 =	simm.s32 $0x13C80;
	s7 =	simm.s32 $0x14080;
	[sflag:s0] =	ssyncadd.s32 $0xFFFFFFB0  }
0xc2: {  	[spmem:s2] =	stream.indirect.scatter.add.f32 [tilespmem:s7], [sflag:$0x10], $0x80, s13, s11, $0xb8;
	[tilespmem:$0x1B880] =	vst v63  }
0xc3: {  	_ =	swait.ge [sflag:s19], $0x2800  }
0xc4: {  	s26 =	simm.s32 $0x13880;
	s0 =	sadd.s32 s31, s24;
	[sflag:s19] =	ssyncset.done $0x0  }
0xc5: {  	s3 =	sadd.s32 s31, s12;
	s6 =	sadd.s32 $0x3C, s0;
	[sflag:s19] =	ssyncadd.s32 $0xFFFFD800  }
0xc6: {  	[tilespmem:s26], [sflag:$0x4] =	stream.linear.gather [hbm4b:s6+s4], $0x50, $0x38;
	[tilespmem:$0x1B880] =	vst v63  }
0xc7: {  	s6 =	sadd.s32 $0x3C, s3  }
0xc8: {  	[tilespmem:s13], [sflag:$0xA] =	stream.linear.gather [hbm4b:s6+s4], $0x50, $0x38;
	[tilespmem:$0x1B880] =	vst v63  }
0xc9: {  	s10 =	simm.s32 $0x13C80;
	s5 =	simm.s32 $0x7;
	s13 =	simm.s32 $0x13900  }
0xca: {  	_ =	swait.ge [sflag:s5], $0x50  }
0xcb: {  	[sflag:s5] =	ssyncset.done $0x0  }
0xcc: {  	[sflag:s5] =	ssyncadd.s32 $0xFFFFFFB0;
	s5 =	simm.s32 $0x13A00  }
0xcd: {  	[tilespmem:s7], [sflag:$0x1] =	stream.indirect.gather [hbm4b:s1+s11], $0x80, s5, s11, $0xb8;
	[tilespmem:$0x1B880] =	vst v63  }
0xce: {  	_ =	swait.ge [sflag:s21], $0x2800  }
0xcf: {  	[sflag:s21] =	ssyncset.done $0x0  }
0xd0: {  	s6 =	simm.s32 $0xB;
	[sflag:s21] =	ssyncadd.s32 $0xFFFFD800  }
0xd1: {  	_ =	swait.ge [sflag:s6], $0x50  }
0xd2: {  	[sflag:s6] =	ssyncset.done $0x0  }
0xd3: {  	s18 =	simm.s32 $0x13D00;
	s16 =	simm.s32 $0x16880;
	[sflag:s6] =	ssyncadd.s32 $0xFFFFFFB0  }
0xd4: {  	[spmem:s2] =	stream.indirect.scatter.add.f32 [tilespmem:s16], [sflag:$0x10], $0x80, s18, s11, $0xb8;
	[tilespmem:$0x1B880] =	vst v63  }
0xd5: {  	_ =	swait.ge [sflag:s19], $0x2800  }
0xd6: {  	[sflag:s19] =	ssyncset.done $0x0  }
0xd7: {  	s6 =	sadd.s32 $0x46, s0;
	[sflag:s19] =	ssyncadd.s32 $0xFFFFD800  }
0xd8: {  	[tilespmem:s13], [sflag:$0x5] =	stream.linear.gather [hbm4b:s6+s4], $0x50, $0x38;
	[tilespmem:$0x1B880] =	vst v63  }
0xd9: {  	s6 =	sadd.s32 $0x46, s3  }
0xda: {  	[tilespmem:s18], [sflag:$0xB] =	stream.linear.gather [hbm4b:s6+s4], $0x50, $0x38;
	[tilespmem:$0x1B880] =	vst v63  }
0xdb: {  	s15 =	simm.s32 $0x13D00;
	s6 =	simm.s32 $0x8  }
0xdc: {  	_ =	swait.ge [sflag:s6], $0x50  }
0xdd: {  	[sflag:s6] =	ssyncset.done $0x0  }
0xde: {  	s25 =	simm.s32 $0x13A80;
	[sflag:s6] =	ssyncadd.s32 $0xFFFFFFB0  }
0xdf: {  	[tilespmem:s16], [sflag:$0x2] =	stream.indirect.gather [hbm4b:s1+s11], $0x80, s25, s11, $0xb8;
	[tilespmem:$0x1B880] =	vst v63  }
0xe0: {  	_ =	swait.ge [sflag:s8], $0x2800  }
0xe1: {  	[sflag:s8] =	ssyncset.done $0x0  }
0xe2: {  	s6 =	simm.s32 $0xC;
	[sflag:s8] =	ssyncadd.s32 $0xFFFFD800  }
0xe3: {  	_ =	swait.ge [sflag:s6], $0x50  }
0xe4: {  	[sflag:s6] =	ssyncset.done $0x0  }
0xe5: {  	s22 =	simm.s32 $0x13D80;
	[sflag:s6] =	ssyncadd.s32 $0xFFFFFFB0  }
0xe6: {  	[spmem:s2] =	stream.indirect.scatter.add.f32 [tilespmem:s28], [sflag:$0x10], $0x80, s22, s11, $0xb8;
	[tilespmem:$0x1B880] =	vst v63  }
0xe7: {  	_ =	swait.ge [sflag:s19], $0x2800  }
0xe8: {  	[sflag:s19] =	ssyncset.done $0x0  }
0xe9: {  	s18 =	simm.s32 $0x13980;
	s6 =	sadd.s32 $0x50, s0;
	[sflag:s19] =	ssyncadd.s32 $0xFFFFD800  }
0xea: {  	[tilespmem:s20], [sflag:$0x6] =	stream.linear.gather [hbm4b:s6+s4], $0x50, $0x38;
	[tilespmem:$0x1B880] =	vst v63  }
0xeb: {  	s6 =	sadd.s32 $0x50, s3;
	s20 =	simm.s32 $0x13D80  }
0xec: {  	[tilespmem:s22], [sflag:$0xC] =	stream.linear.gather [hbm4b:s6+s4], $0x50, $0x38;
	[tilespmem:$0x1B880] =	vst v63  }
0xed: {  	_ =	swait.ge [sflag:s23], $0x50  }
0xee: {  	[sflag:s23] =	ssyncset.done $0x0  }
0xef: {  	s6 =	simm.s32 $0x13B00;
	[sflag:s23] =	ssyncadd.s32 $0xFFFFFFB0  }
0xf0: {  	[tilespmem:s28], [sflag:$0x3] =	stream.indirect.gather [hbm4b:s1+s11], $0x80, s6, s11, $0xb8;
	[tilespmem:$0x1B880] =	vst v63  }
0xf1: {  	_ =	swait.ge [sflag:s17], $0x2800  }
0xf2: {  	[sflag:s17] =	ssyncset.done $0x0  }
0xf3: {  	s6 =	simm.s32 $0xD;
	[sflag:s17] =	ssyncadd.s32 $0xFFFFD800  }
0xf4: {  	_ =	swait.ge [sflag:s6], $0x50  }
0xf5: {  	[sflag:s6] =	ssyncset.done $0x0  }
0xf6: {  	s9 =	simm.s32 $0x13E00;
	[sflag:s6] =	ssyncadd.s32 $0xFFFFFFB0  }
0xf7: {  	[spmem:s2] =	stream.indirect.scatter.add.f32 [tilespmem:s7], [sflag:$0x10], $0x80, s9, s11, $0xb8;
	[tilespmem:$0x1B880] =	vst v63  }
0xf8: {  	_ =	swait.ge [sflag:s19], $0x2800  }
0xf9: {  	[sflag:s19] =	ssyncset.done $0x0  }
0xfa: {  	s22 =	simm.s32 $0x13A00;
	s6 =	sadd.s32 $0x5A, s0;
	[sflag:s19] =	ssyncadd.s32 $0xFFFFD800  }
0xfb: {  	[tilespmem:s5], [sflag:$0x7] =	stream.linear.gather [hbm4b:s6+s4], $0x50, $0x38;
	[tilespmem:$0x1B880] =	vst v63  }
0xfc: {  	s6 =	sadd.s32 $0x5A, s3  }
0xfd: {  	[tilespmem:s9], [sflag:$0xD] =	stream.linear.gather [hbm4b:s6+s4], $0x50, $0x38;
	[tilespmem:$0x1B880] =	vst v63  }
0xfe: {  	s5 =	simm.s32 $0x13E00;
	s6 =	simm.s32 $0x4  }
0xff: {  	_ =	swait.ge [sflag:s6], $0x50  }
0x100: {  	[sflag:s6] =	ssyncset.done $0x0  }
0x101: {  	[sflag:s6] =	ssyncadd.s32 $0xFFFFFFB0  }
0x102: {  	[tilespmem:s7], [sflag:$0x1] =	stream.indirect.gather [hbm4b:s1+s11], $0x80, s26, s11, $0xb8;
	[tilespmem:$0x1B880] =	vst v63  }
0x103: {  	_ =	swait.ge [sflag:s21], $0x2800  }
0x104: {  	[sflag:s21] =	ssyncset.done $0x0  }
0x105: {  	s6 =	simm.s32 $0xE;
	[sflag:s21] =	ssyncadd.s32 $0xFFFFD800  }
0x106: {  	_ =	swait.ge [sflag:s6], $0x50  }
0x107: {  	[sflag:s6] =	ssyncset.done $0x0  }
0x108: {  	[sflag:s6] =	ssyncadd.s32 $0xFFFFFFB0;
	s6 =	simm.s32 $0x13E80  }
0x109: {  	[spmem:s2] =	stream.indirect.scatter.add.f32 [tilespmem:s16], [sflag:$0x10], $0x80, s6, s11, $0xb8;
	[tilespmem:$0x1B880] =	vst v63  }
0x10a: {  	_ =	swait.ge [sflag:s19], $0x2800  }
0x10b: {  	[sflag:s19] =	ssyncset.done $0x0  }
0x10c: {  	s0 =	sadd.s32 $0x64, s0;
	s9 =	simm.s32 $0x13A80;
	[sflag:s19] =	ssyncadd.s32 $0xFFFFD800  }
0x10d: {  	[tilespmem:s25], [sflag:$0x8] =	stream.linear.gather [hbm4b:s0+s4], $0x50, $0x38;
	[tilespmem:$0x1B880] =	vst v63  }
0x10e: {  	s0 =	sadd.s32 $0x64, s3  }
0x10f: {  	[tilespmem:s6], [sflag:$0xE] =	stream.linear.gather [hbm4b:s0+s4], $0x50, $0x38;
	[tilespmem:$0x1B880] =	vst v63  }
0x110: {  	s25 =	simm.s32 $0x13E80;
	s0 =	simm.s32 $0x5  }
0x111: {  	_ =	swait.ge [sflag:s0], $0x50  }
0x112: {  	[sflag:s0] =	ssyncset.done $0x0  }
0x113: {  	[sflag:s0] =	ssyncadd.s32 $0xFFFFFFB0  }
0x114: {  	[tilespmem:s16], [sflag:$0x2] =	stream.indirect.gather [hbm4b:s1+s11], $0x80, s13, s11, $0xb8;
	[tilespmem:$0x1B880] =	vst v63  }
0x115: {  	_ =	swait.ge [sflag:s8], $0x2800  }
0x116: {  	[sflag:s8] =	ssyncset.done $0x0  }
0x117: {  	[sflag:s8] =	ssyncadd.s32 $0xFFFFD800  }
0x118: {  	_ =	swait.ge [sflag:s14], $0x50  }
0x119: {  	[sflag:s14] =	ssyncset.done $0x0  }
0x11a: {  	s0 =	simm.s32 $0x13F00;
	[sflag:s14] =	ssyncadd.s32 $0xFFFFFFB0  }
0x11b: {  	[spmem:s2] =	stream.indirect.scatter.add.f32 [tilespmem:s28], [sflag:$0x10], $0x80, s0, s11, $0xb8;
	[tilespmem:$0x1B880] =	vst v63  }
0x11c: {  	p2 =	seq.s32 s31, $0x474;
	_ =	swait.ge [sflag:s19], $0x2800  }
0x11d: {  	s3 =	simm.s32 @!p2 $0x0;
	s0 =	sadd.s32 @!p2 s31, s24;
	[sflag:s19] =	ssyncset.done $0x0  }
0x11e: {  	s6 =	simm.s32 @!p2 $0x13B00;
	s0 =	sadd.s32 @!p2 $0x6E, s0;
	[sflag:s19] =	ssyncadd.s32 $0xFFFFD800  }
0x11f: {  	[tilespmem:s6], [sflag:$0x9] =	stream.linear.gather @!p2 [hbm4b:s0+s3], $0x50, $0x38;
	[tilespmem:$0x1B880] =	vst v63  }
.Ltmp0:
0x120: {  	s0 =	sadd.s32 @!p2 s31, s12;
	s6 =	simm.s32 @!p2 $0x13F00;
	(pc) =	sbr.rel @p1 .LBB2_2-.Ltmp0, $4  }
0x121: {  	s0 =	sadd.s32 @!p2 $0x6E, s0  }
0x122: {  	[tilespmem:s6], [sflag:$0xF] =	stream.linear.gather @!p2 [hbm4b:s0+s3], $0x50, $0x38;
	[tilespmem:$0x1B880] =	vst v63  }
0x123: {  	_ =	swait.ge [sflag:s29], $0x50  }
0x124: {  	s0 =	simm.s32 $0x6;
	[sflag:s29] =	ssyncset.done $0x0  }
0x125: {  	[sflag:s0] =	ssyncadd.s32 $0xFFFFFFB0;
	s7 =	simm.s32 $0x19080  }
0x126: {  	[tilespmem:s7], [sflag:$0x3] =	stream.indirect.gather [hbm4b:s1+s11], $0x80, s18, s11, $0xb8;
	[tilespmem:$0x1B880] =	vst v63  }
0x127: {  	_ =	swait.ge [sflag:s17], $0x2800  }
0x128: {  	[sflag:s17] =	ssyncset.done $0x0  }
0x129: {  	s6 =	simm.s32 $0xA;
	[sflag:s17] =	ssyncadd.s32 $0xFFFFD800  }
0x12a: {  	_ =	swait.ge [sflag:s6], $0x50  }
0x12b: {  	[sflag:s6] =	ssyncset.done $0x0  }
0x12c: {  	s3 =	simm.s32 $0x14080;
	[sflag:s6] =	ssyncadd.s32 $0xFFFFFFB0  }
0x12d: {  	[spmem:s2] =	stream.indirect.scatter.add.f32 [tilespmem:s3], [sflag:$0x10], $0x80, s10, s11, $0xb8;
	[tilespmem:$0x1B880] =	vst v63  }
0x12e: {  	_ =	swait.ge [sflag:s19], $0x2800  }
0x12f: {  	[sflag:s19] =	ssyncset.done $0x0  }
0x130: {  	s14 =	simm.s32 $0x7;
	[sflag:s19] =	ssyncadd.s32 $0xFFFFD800  }
0x131: {  	_ =	swait.ge [sflag:s14], $0x50  }
0x132: {  	[sflag:s14] =	ssyncset.done $0x0  }
0x133: {  	[sflag:s14] =	ssyncadd.s32 $0xFFFFFFB0  }
0x134: {  	[tilespmem:s3], [sflag:$0x1] =	stream.indirect.gather [hbm4b:s1+s11], $0x80, s22, s11, $0xb8;
	[tilespmem:$0x1B880] =	vst v63  }
0x135: {  	_ =	swait.ge [sflag:s21], $0x2800  }
0x136: {  	[sflag:s21] =	ssyncset.done $0x0  }
0x137: {  	s16 =	simm.s32 $0xB;
	[sflag:s21] =	ssyncadd.s32 $0xFFFFD800  }
0x138: {  	_ =	swait.ge [sflag:s16], $0x50  }
0x139: {  	[sflag:s16] =	ssyncset.done $0x0  }
0x13a: {  	s6 =	simm.s32 $0x16880;
	[sflag:s16] =	ssyncadd.s32 $0xFFFFFFB0  }
0x13b: {  	[spmem:s2] =	stream.indirect.scatter.add.f32 [tilespmem:s6], [sflag:$0x10], $0x80, s15, s11, $0xb8;
	[tilespmem:$0x1B880] =	vst v63  }
0x13c: {  	_ =	swait.ge [sflag:s19], $0x2800  }
0x13d: {  	[sflag:s19] =	ssyncset.done $0x0  }
0x13e: {  	s18 =	simm.s32 $0x8;
	[sflag:s19] =	ssyncadd.s32 $0xFFFFD800  }
0x13f: {  	_ =	swait.ge [sflag:s18], $0x50  }
0x140: {  	[sflag:s18] =	ssyncset.done $0x0  }
0x141: {  	[sflag:s18] =	ssyncadd.s32 $0xFFFFFFB0  }
0x142: {  	[tilespmem:s6], [sflag:$0x2] =	stream.indirect.gather [hbm4b:s1+s11], $0x80, s9, s11, $0xb8;
	[tilespmem:$0x1B880] =	vst v63  }
0x143: {  	_ =	swait.ge [sflag:s8], $0x2800  }
0x144: {  	[sflag:s8] =	ssyncset.done $0x0  }
0x145: {  	s22 =	simm.s32 $0xC;
	[sflag:s8] =	ssyncadd.s32 $0xFFFFD800  }
0x146: {  	_ =	swait.ge [sflag:s22], $0x50  }
0x147: {  	[sflag:s22] =	ssyncset.done $0x0  }
0x148: {  	[sflag:s22] =	ssyncadd.s32 $0xFFFFFFB0  }
0x149: {  	[spmem:s2] =	stream.indirect.scatter.add.f32 [tilespmem:s7], [sflag:$0x10], $0x80, s20, s11, $0xb8;
	[tilespmem:$0x1B880] =	vst v63  }
0x14a: {  	_ =	swait.ge [sflag:s19], $0x2800  }
0x14b: {  	[sflag:s19] =	ssyncset.done $0x0  }
0x14c: {  	[sflag:s19] =	ssyncadd.s32 $0xFFFFD800  }
0x14d: {  	_ =	swait.ge [sflag:s17], $0x2800  }
0x14e: {  	[sflag:s17] =	ssyncset.done $0x0  }
0x14f: {  	s26 =	simm.s32 $0xD;
	[sflag:s17] =	ssyncadd.s32 $0xFFFFD800  }
0x150: {  	_ =	swait.ge [sflag:s26], $0x50  }
0x151: {  	[sflag:s26] =	ssyncset.done $0x0  }
0x152: {  	[sflag:s26] =	ssyncadd.s32 $0xFFFFFFB0  }
0x153: {  	[spmem:s2] =	stream.indirect.scatter.add.f32 [tilespmem:s3], [sflag:$0x10], $0x80, s5, s11, $0xb8;
	[tilespmem:$0x1B880] =	vst v63  }
0x154: {  	_ =	swait.ge [sflag:s19], $0x2800  }
0x155: {  	[sflag:s19] =	ssyncset.done $0x0  }
0x156: {  	[sflag:s19] =	ssyncadd.s32 $0xFFFFD800  }
0x157: {  	_ =	swait.ge [sflag:s21], $0x2800  }
0x158: {  	[sflag:s21] =	ssyncset.done $0x0  }
0x159: {  	s28 =	simm.s32 $0xE;
	[sflag:s21] =	ssyncadd.s32 $0xFFFFD800  }
0x15a: {  	_ =	swait.ge [sflag:s28], $0x50  }
0x15b: {  	[sflag:s28] =	ssyncset.done $0x0  }
0x15c: {  	[sflag:s28] =	ssyncadd.s32 $0xFFFFFFB0  }
0x15d: {  	[spmem:s2] =	stream.indirect.scatter.add.f32 [tilespmem:s6], [sflag:$0x10], $0x80, s25, s11, $0xb8;
	[tilespmem:$0x1B880] =	vst v63  }
0x15e: {  	_ =	swait.ge [sflag:s19], $0x2800  }
0x15f: {  	[sflag:s19] =	ssyncset.done $0x0  }
0x160: {  	[sflag:s19] =	ssyncadd.s32 $0xFFFFD800  }
0x161: {  	[bflag:$0x0] =	sbarrier.arrive $0xFFFF  }
0x162: {  	s3 =	rddreg [dreg:$0x14]  }
0x163: {  	s0 =	simm.s32 @p0 $0x1FD0;
	s5 =	rddreg [dreg:$0x17]  }
0x164: {  	[hbm:s3], [sflag:s0] =	dma.local @p0 [spmem:s5], $0x2800  }
0x165: {  	s0 =	simm.s32 @p0 $0x10  }
0x166: {  	_ =	swait.ge @p0 [sflag:s0], $0x2800  }
0x167: {  	s3 =	rddreg [dreg:$0x18]  }
0x168: {  	[sflag:s0] =	ssyncset.done @p0 $0x0;
	s5 =	rddreg [dreg:$0x19]  }
0x169: {  	[sflag:s0] =	ssyncadd.s32 @p0 $0xFFFFD800;
	s0 =	rddreg [dreg:$0x12]  }
0x16a: {  	[hbm:s0], [sflag:s3] =	dma.local @!p0 [spmem:s5], $0x2700  }
0x16b: {  	s0 =	simm.s32 @!p0 $0x10  }
0x16c: {  	_ =	swait.ge @!p0 [sflag:s0], $0x2700  }
0x16d: {  	s29 =	rddreg [dreg:$0x16]  }
0x16e: {  	s30 =	rddreg [dreg:$0x15];
	s5 =	sadd.s32 $0x1, s29  }
0x16f: {  	p1 =	sne.s32 s5, s30  }
.Ltmp1:
0x170: {  	_ = 	snop;
	(pc) =	sbr.rel @p1 .LBB2_1-.Ltmp1, $4  }
0x171: {  	_ = 	snop  }
0x172: {  	s31 =	simm.s32 $0x13B00  }
0x173: {  	s7 =	simm.s32 $0x13880;
	s26 =	simm.s32 $0x5;
	[sflag:s0] =	ssyncset.done @!p0 $0x0  }
0x174: {  	s6 =	simm.s32 $0x4;
	s3 =	simm.s32 $0x13F00;
	[sflag:s0] =	ssyncadd.s32 @!p0 $0xFFFFD900  }
0x175: {  	_ =	sfence.sel $0x180000  }
0x176: {  	[bflag:$0x0] =	sbarrier.arrive $0xFFFF  }
0x177: {  	_ =	strace $0x9000004A  }
0x178: {  	s0 =	stileid.u32;
	[bflag:$0x2] =	sbarrier.arrive $0xFFFF  }
0x179: {  	p0 =	sne.s32 s0, $0x0;
	s0 =	rddreg [dreg:$0x3]  }
0x17a: {  	s0 =	sadd.s32 @!p0 $0x100000, s0  }
0x17b: {  	[sflag:s0] =	ssyncadd.tile.s32 @!p0 $0x1;
	_ =	shalt  }
.Lfunc_end2:
_tile_overlayer_lowered:
.L_overlay_start_2:
0x17c: {  	(tag) =	ssettag $0x2  }
0x17d: {  	s0 =	rddreg [dreg:$0x0];
	s2 =	stileid.u32  }
0x17e: {  	s1 =	rddreg [dreg:$0x1];
	p0 =	sne.s32 s2, $0x0  }
0x17f: {  	s3 =	rddreg [dreg:$0x2];
	[bflag:$0x3] =	sbarrier.arrive $0xFFFF;
	s2 =	simm.s32 @!p0 $0x1C10  }
0x180: {  	[timem:s3], [sflag:s2] =	dma.local @!p0 [hbm:s0], s1  }
0x181: {  	s0 =	simm.s32 @!p0 $0x10  }
0x182: {  	_ =	swait.ge @!p0 [sflag:s0], s1  }
0x183: {  	s1 =	ssub.s32 @!p0 $0x0, s1;
	[sflag:s0] =	ssyncset.done @!p0 $0x0  }
0x184: {  	[sflag:s0] =	ssyncadd.s32 @!p0 s1  }
0x185: {  	[bflag:$0x3] =	sbarrier.arrive $0xFFFF  }
0x186: {  	_ =	shalt  }

// kernel: kernel.7.cloned.1.call-start
scs
__scs_entry_jumppad:
0x0: {  	(pc) =	sbr.rel $0x88, $3  }
0x1: {  	(tag) =	ssettag $0x0;
	lr =	simm.s32 $0x1  }
0x2: {  	[smem:$0x3F92] =	sst lr;
	_ =	strace $0xD0000000  }
0x3: {  	_ = 	snop  }
0x4: {  	_ = 	snop  }
0x5: {  	_ = 	snop  }
0x6: {  	_ = 	snop  }
0x7: {  	_ = 	snop  }
__scs_overlays_trampoline_lowered:
0x8: {  	[smem:$0x3FA1] =	sst s0  }
0x9: {  	[smem:$0x3FA2] =	sst s1  }
0xa: {  	[smem:$0x3FA3] =	sst s2  }
0xb: {  	[smem:$0x3FA4] =	sst s3  }
0xc: {  	[smem:$0x3FA5] =	sst s4  }
0xd: {  	[smem:$0x3FA6] =	sst s5  }
0xe: {  	[smem:$0x3FA7] =	sst s6  }
0xf: {  	[smem:$0x3FA8] =	sst s7  }
0x10: {  	[smem:$0x3FA9] =	sst s8  }
0x11: {  	[smem:$0x3FAA] =	sst s9;
	s0 =	simm.s32 @!p0 $0x0  }
0x12: {  	s1 =	sld [smem:$0x3F90];
	s0 =	simm.s32 @p0 $0x1  }
0x13: {  	[smem:$0x3FAB] =	sst s0;
	s0 =	simm.s32 @!p1 $0x0  }
0x14: {  	s2 =	sld [smem:$0x3F8F];
	s0 =	simm.s32 @p1 $0x1  }
0x15: {  	[smem:$0x3FAC] =	sst s0;
	s0 =	simm.s32 @!p2 $0x0  }
0x16: {  	s3 =	sld [smem:$0x3FDB];
	s0 =	simm.s32 @p2 $0x1  }
0x17: {  	s4 =	simm.s32 $0x1BF5;
	[smem:$0x3FAE] =	sst s0  }
0x18: {  	s0 =	sld [smem:$0x3F91];
	_ =	swait.ge [sflag:s4], $0x0  }
0x19: {  	s7 =	sld [smem:$0x3F92]  }
0x1a: {  	s8 =	sadd.s32 $0xFFFFE003, lr  }
0x1b: {  	s9 =	sadd.s32 $0xFFFFFEF7, lr;
	s5 =	simm.s32 $0xFFFFFFFF;
	p2 =	slt.u32 s8, $0xFFFFF086  }
0x1c: {  	p1 =	slt.u32 s9, $0xF7A;
	s5 =	simm.s32 @!p2 $0x0  }
0x1d: {  	s5 =	simm.s32 @p1 $0x1;
	p0 =	seq.s32 s7, s2  }
0x1e: {  	s7 =	smul.u32 @!p0 $0xF7A, s2;
	p2 =	seq.s32 @!p0 s5, $0x0  }
0x1f: {  	s9 =	smul.u32 $0xF7A, s1;
	s8 =	simm.s32 @!p0 $0x1BF5;
	p2 =	por !p2, p0  }
0x20: {  	[sflag:s8] =	ssyncset.s32 @!p0 $0xFFFFF086;
	s6 =	sadd.s32 @!p0 s3, s7;
	s7 =	simm.s32 @!p0 $0x108  }
0x21: {  	s3 =	sadd.s32 s3, s9;
	s6 =	sadd.s32 @!p0 $0x88, s6;
	s7 =	simm.s32 @p2 $0x1082  }
0x22: {  	[simem:s7], [sflag:s8] =	dma.local @!p0 [hbm:s6], $0xF7A  }
0x23: {  	s9 =	sor.u32 $0xD0000000, s2;
	s6 =	simm.s32 $0x108;
	_ =	swait.ge @!p0 [sflag:s8], $0x0  }
0x24: {  	s3 =	sadd.s32 $0x88, s3;
	s6 =	simm.s32 @!p1 $0x1082;
	[sflag:s4] =	ssyncset.s32 $0xFFFFF086  }
0x25: {  	[simem:s6], [sflag:s4] =	dma.local [hbm:s3], $0xF7A  }
0x26: {  	[smem:$0x3F92] =	sst s1;
	(tag) =	ssettag s2;
	_ =	strace s9  }
0x27: {  	s1 =	sld [smem:$0x3FA2]  }
0x28: {  	s2 =	sld [smem:$0x3FA3]  }
0x29: {  	s4 =	sld [smem:$0x3FA5]  }
0x2a: {  	p0 =	seq.s32 s5, $0x0;
	s5 =	sld [smem:$0x3FA6]  }
0x2b: {  	s6 =	sld [smem:$0x3FA7]  }
0x2c: {  	s7 =	sld [smem:$0x3FA8]  }
0x2d: {  	s3 =	simm.s32 $0x108;
	s8 =	sld [smem:$0x3FA9]  }
0x2e: {  	s3 =	simm.s32 @!p0 $0x1082;
	s9 =	sld [smem:$0x3FAA]  }
0x2f: {  	lr =	sadd.s32 s0, s3;
	s0 =	sld [smem:$0x3FA1]  }
0x30: {  	s3 =	sld [smem:$0x3FA4]  }
0x31: {  	[smem:$0x3FAD] =	sst s10  }
0x32: {  	s10 =	sld [smem:$0x3FAB];
	_ =	sdelay $0x3  }
0x33: {  	p0 =	seq.s32 s10, $0x1;
	s10 =	sld [smem:$0x3FAD];
	_ =	sdelay $0x3  }
0x34: {  	[smem:$0x3FAD] =	sst s10  }
0x35: {  	s10 =	sld [smem:$0x3FAC];
	_ =	sdelay $0x3  }
0x36: {  	p1 =	seq.s32 s10, $0x1;
	s10 =	sld [smem:$0x3FAD];
	_ =	sdelay $0x3  }
0x37: {  	[smem:$0x3FAD] =	sst s10  }
0x38: {  	s10 =	sld [smem:$0x3FAE]  }
0x39: {  	_ = 	snop;
	(pc) =	sbr.ind lr, $3  }
0x3a: {  	_ = 	snop  }
0x3b: {  	_ = 	snop  }
0x3c: {  	p2 =	seq.s32 s10, $0x1;
	s10 =	sld [smem:$0x3FAD]  }
0x3d: {  	_ =	shalt  }
0x3e: {  	_ =	shalt  }
0x3f: {  	_ =	shalt  }
0x40: {  	_ =	shalt  }
0x41: {  	_ =	shalt  }
0x42: {  	_ =	shalt  }
0x43: {  	_ =	shalt  }
0x44: {  	_ =	shalt  }
0x45: {  	_ =	shalt  }
0x46: {  	_ =	shalt  }
0x47: {  	_ =	shalt  }
0x48: {  	_ =	shalt  }
0x49: {  	_ =	shalt  }
0x4a: {  	_ =	shalt  }
0x4b: {  	_ =	shalt  }
0x4c: {  	_ =	shalt  }
0x4d: {  	_ =	shalt  }
0x4e: {  	_ =	shalt  }
0x4f: {  	_ =	shalt  }
0x50: {  	_ =	shalt  }
0x51: {  	_ =	shalt  }
0x52: {  	_ =	shalt  }
0x53: {  	_ =	shalt  }
0x54: {  	_ =	shalt  }
0x55: {  	_ =	shalt  }
0x56: {  	_ =	shalt  }
0x57: {  	_ =	shalt  }
0x58: {  	_ =	shalt  }
0x59: {  	_ =	shalt  }
0x5a: {  	_ =	shalt  }
0x5b: {  	_ =	shalt  }
0x5c: {  	_ =	shalt  }
0x5d: {  	_ =	shalt  }
0x5e: {  	_ =	shalt  }
0x5f: {  	_ =	shalt  }
0x60: {  	_ =	shalt  }
0x61: {  	_ =	shalt  }
0x62: {  	_ =	shalt  }
0x63: {  	_ =	shalt  }
0x64: {  	_ =	shalt  }
0x65: {  	_ =	shalt  }
0x66: {  	_ =	shalt  }
0x67: {  	_ =	shalt  }
0x68: {  	_ =	shalt  }
0x69: {  	_ =	shalt  }
0x6a: {  	_ =	shalt  }
0x6b: {  	_ =	shalt  }
0x6c: {  	_ =	shalt  }
0x6d: {  	_ =	shalt  }
0x6e: {  	_ =	shalt  }
0x6f: {  	_ =	shalt  }
0x70: {  	_ =	shalt  }
0x71: {  	_ =	shalt  }
0x72: {  	_ =	shalt  }
0x73: {  	_ =	shalt  }
0x74: {  	_ =	shalt  }
0x75: {  	_ =	shalt  }
0x76: {  	_ =	shalt  }
0x77: {  	_ =	shalt  }
0x78: {  	_ =	shalt  }
0x79: {  	_ =	shalt  }
0x7a: {  	_ =	shalt  }
0x7b: {  	_ =	shalt  }
0x7c: {  	_ =	shalt  }
0x7d: {  	_ =	shalt  }
0x7e: {  	_ =	shalt  }
0x7f: {  	_ =	shalt  }
0x80: {  	_ =	shalt  }
0x81: {  	_ =	shalt  }
0x82: {  	_ =	shalt  }
0x83: {  	_ =	shalt  }
0x84: {  	_ =	shalt  }
0x85: {  	_ =	shalt  }
0x86: {  	_ =	shalt  }
0x87: {  	_ =	shalt  }
.Lfunc_end0:
.L_simem_size_0:
called_computation_lowered:
.L_overlay_start_0:
0x88: {  	s2 =	sld [smem:$0x3FD9]  }
0x89: {  	s3 =	sld [smem:$0x3FFE];
	_ =	sdelay $0x1  }
0x8a: {  	s1 =	srdreg.scid  }
0x8b: {  	s0 =	sand.u32 $0x1, s1  }
0x8c: {  	s17 =	sshll.u32 s0, $0xA;
	s2 =	sadd.s32 s3, s2  }
0x8d: {  	s2 =	sadd.s32 s2, s17  }
0x8e: {  	[smem:$0x3FB9] =	sst s2  }
0x8f: {  	_ = 	snop  }
0x90: {  	s2 =	sld [smem:$0x3FD0];
	(tm) =	ssettm $0x1  }
0x91: {  	s18 =	sld [smem:$0x3FFB];
	_ =	sdelay $0x3  }
0x92: {  	_ =	strace s18  }
0x93: {  	s3 =	sld [smem:$0x3FFC];
	_ =	sdelay $0x3  }
0x94: {  	_ =	strace s3  }
0x95: {  	s3 =	sld [smem:$0x3FFD];
	_ =	sdelay $0x3  }
0x96: {  	_ =	strace s3  }
0x97: {  	_ =	strace $0x8FFFFFFF  }
0x98: {  	s19 =	sld [smem:$0x3FDB];
	_ =	sdelay $0x1  }
0x99: {  	s4 =	simm.s32 $_scs_section_size  }
0x9a: {  	s5 =	simm.s32 $_size__tile_overlayer_lowered;
	s6 =	simm.s32 $_tile_overlayer_lowered  }
0x9b: {  	s22 =	simm.s32 $0x1BFF;
	s21 =	sshll.u32 s6, $0x1;
	s3 =	sadd.s32 s4, s19  }
0x9c: {  	s7 =	simm.s32 $0x0;
	s20 =	sshll.u32 s5, $0x1;
	s5 =	sadd.s32 s21, s3  }
0x9d: {  	[timem:s7], [sflag:s22] =	dma.local [hbm:s5], s20  }
0x9e: {  	_ =	swait.ge [sflag:s22], s20  }
0x9f: {  	s4 =	ssub.s32 $0x0, s20;
	[sflag:s22] =	ssyncset.done $0x0  }
0xa0: {  	[sflag:s22] =	ssyncadd.s32 s4;
	_ =	sdelay $0x1  }
0xa1: {  	s23 =	simm.s32 $0x1B8B  }
0xa2: {  	_ =	swait.ge [sflag:s23], $0x1  }
0xa3: {  	[sflag:s23] =	ssyncset.done $0x0  }
0xa4: {  	s25 =	simm.s32 $0x1B8E;
	s24 =	sld [smem:$0x3FFE];
	[sflag:s23] =	ssyncadd.s32 $0xFFFFFFFF  }
0xa5: {  	s26 =	simm.s32 $execute0_lowered;
	[smem:$0x3FD2] =	sst s25  }
0xa6: {  	s5 =	sshll.u32 s26, $0x1;
	_ =	strace $0x80000046;
	[dreg:$0x1] =	wrdreg $0xFFFFFFFF  }
0xa7: {  	s28 =	simm.s32 $_size_execute0_lowered;
	s3 =	sadd.s32 s3, s5;
	[dreg:$0x0] =	wrdreg $0x0  }
0xa8: {  	s5 =	sshll.u32 s28, $0x1;
	[dreg:$0x2] =	wrdreg s3  }
0xa9: {  	[dreg:$0x3] =	wrdreg s5  }
0xaa: {  	[dreg:$0x4] =	wrdreg $0xC0  }
0xab: {  	_ =	task [dreg:s7], $0x5FFFF  }
0xac: {  	[dreg:$0x1] =	wrdreg $0xFFFFFFFF  }
0xad: {  	[dreg:$0x0] =	wrdreg $0x60  }
0xae: {  	[dreg:$0x2] =	wrdreg s2  }
0xaf: {  	[dreg:$0x3] =	wrdreg s24  }
0xb0: {  	[dreg:$0x4] =	wrdreg $0x0  }
0xb1: {  	[dreg:$0x5] =	wrdreg $0x9  }
0xb2: {  	_ =	task.clear_ibuf [dreg:s7], $0x6FFFF;
	_ =	strace $0x90000046  }
0xb3: {  	s29 =	simm.s32 $0x9;
	_ =	strace $0x80000048  }
0xb4: {  	_ =	swait.ge [sflag:s29], $0x1  }
0xb5: {  	[sflag:s29] =	ssyncadd.s32 $0xFFFFFFFF  }
0xb6: {  	_ =	strace $0x90000048  }
0xb7: {  	_ =	sfence  }
0xb8: {  	s30 =	sld [smem:$0x0];
	_ =	sdelay $0x2  }
0xb9: {  	s31 =	sshll.u32 s1, $0xD;
	s1 =	sshrl.u32 s1, $0x2  }
0xba: {  	s3 =	sand.u32 $0x4000, s31;
	s1 =	sadd.s32 s1, s30  }
0xbb: {  	s0 =	sor.u32 s3, s0;
	s1 =	sshll.u32 s1, $0x11  }
0xbc: {  	s0 =	sor.u32 s1, s0  }
0xbd: {  	s0 =	sadd.s32 $0x8F2B, s0  }
0xbe: {  	[sflag:s0] =	ssyncadd.remote.s32 $0x1  }
0xbf: {  	_ =	sfence.sel $0xFFFF  }
0xc0: {  	[dreg:$0x0] =	wrdreg $0xFFFFFFFF;
	(pc) =	sbr.abs _section_cstart, $3  }
0xc1: {  	[dreg:$0x1] =	wrdreg $0xFFFFFFFF  }
0xc2: {  	_ =	task.clear_ibuf [dreg:s7], $0x2FFFF;
	_ =	strace $0x9FFFFFFF  }
0xc3: {  	(tm) =	ssettm $0x7FFFFFFF  }
tec
execute0_lowered:
.L_overlay_start_1:
0x0: {  	(tag) =	ssettag $0x1  }
0x1: {  	s1 =	rddreg [dreg:$0x0]  }
0x2: {  	s0 =	rddreg [dreg:$0x1]  }
0x3: {  	s2 =	rddreg [dreg:$0x2];
	s3 =	srdreg.scid;
	s4 =	simm.s32 $0x0  }
0x4: {  	s13 =	stileid.u32;
	s31 =	simm.s32 $0x13B00;
	s3 =	sand.u32 $0x1, s3  }
0x5: {  	[smem:$0x7FF] =	sst s4;
	s6 =	sadd.s32 $0xCC00, s0;
	s8 =	sadd.s32 $0x2E00, s0  }
0x6: {  	s10 =	sadd.s32 $0x16A00, s0;
	s0 =	sadd.s32 $0x19200, s0;
	s18 =	smul.u32 $0x4E000, s13  }
0x7: {  	s28 =	smul.u32 $0x4E2, s13;
	s29 =	sadd.s32 $0x124800, s2;
	p0 =	seq.s32 s13, $0xF  }
0x8: {  	s5 =	sshll.u32 s3, $0x4;
	_ =	strace $0x80000047;
	s20 =	smul.u32 $0x138800, s3  }
0x9: {  	s9 =	ssub.s32 $0x2, s3;
	s3 =	smul.u32 $0x4E20, s3;
	s5 =	sor.u32 s13, s5  }
0xa: {  	[dreg:$0x4] =	wrdreg s10;
	s30 =	sshrl.u32 s9, $0x1;
	s7 =	smul.u32 $0x4E2, s5  }
0xb: {  	[dreg:$0x13] =	wrdreg s29;
	s5 =	smul.u32 $0x2710, s5;
	s9 =	ssub.s32 s9, s30  }
0xc: {  	s23 =	sshrl.u32 s18, $0x2;
	s26 =	sadd.s32 s3, s6;
	s30 =	smax.u32 s9, $0x1  }
0xd: {  	s11 =	sadd.s32 s6, s7;
	s5 =	sshrl.u32 s5, $0x3;
	[dreg:$0x15] =	wrdreg s30  }
0xe: {  	s7 =	sadd.s32 s8, s7;
	[dreg:$0x5] =	wrdreg s11;
	s12 =	sadd.s32 $0xA, s5  }
0xf: {  	s3 =	sadd.s32 s3, s8;
	[dreg:$0x6] =	wrdreg s7;
	s11 =	sadd.s32 s6, s12  }
0x10: {  	s14 =	sadd.s32 $0x14, s5;
	s7 =	sadd.s32 s8, s12;
	[dreg:$0x7] =	wrdreg s11  }
0x11: {  	s17 =	sadd.s32 $0x1E, s5;
	s15 =	sadd.s32 s6, s14;
	[dreg:$0x8] =	wrdreg s7  }
0x12: {  	s21 =	sadd.s32 $0x28, s5;
	s16 =	sadd.s32 s8, s14;
	[dreg:$0x9] =	wrdreg s15  }
0x13: {  	s5 =	sadd.s32 $0x32, s5;
	s19 =	sadd.s32 s6, s17;
	[dreg:$0xa] =	wrdreg s16  }
0x14: {  	s12 =	smul.u32 $0x13800, s13;
	s14 =	sadd.s32 s6, s21;
	[dreg:$0xb] =	wrdreg s19  }
0x15: {  	s22 =	sadd.s32 s6, s5;
	s5 =	sadd.s32 s8, s5;
	[dreg:$0xd] =	wrdreg s14  }
0x16: {  	s13 =	simm.s32 $0x13900;
	s6 =	simm.s32 $0x4;
	[dreg:$0xf] =	wrdreg s22  }
0x17: {  	s7 =	sadd.s32 s8, s17;
	s11 =	sadd.s32 s8, s21;
	[dreg:$0x10] =	wrdreg s5  }
0x18: {  	s5 =	sadd.s32 s23, s2;
	s17 =	simm.s32 $0x1;
	s19 =	simm.s32 $0x10  }
0x19: {  	s21 =	simm.s32 $0x2;
	s8 =	simm.s32 $0x3;
	[dreg:$0xc] =	wrdreg s7  }
0x1a: {  	s23 =	simm.s32 $0x9;
	[dreg:$0xe] =	wrdreg s11;
	s24 =	sadd.s32 s12, s20  }
0x1b: {  	s7 =	sshrl.u32 s20, $0x3;
	[dreg:$0x11] =	wrdreg s5;
	s12 =	sadd.s32 s28, s3  }
0x1c: {  	s3 =	simm.s32 $0x13F00;
	s11 =	simm.s32 $0x50;
	s10 =	sshrl.u32 s24, $0x3  }
0x1d: {  	s5 =	simm.s32 $0x0;
	s25 =	sadd.s32 s0, s10;
	s0 =	sadd.s32 s0, s7  }
0x1e: {  	s24 =	sadd.s32 s28, s26;
	[dreg:$0x12] =	wrdreg s25;
	s0 =	sadd.s32 $0x24900, s0  }
0x1f: {  	s26 =	simm.s32 $0x5;
	s7 =	simm.s32 $0x13880;
	[dreg:$0x14] =	wrdreg s0  }
.LBB2_1:
0x20: {  	[dreg:$0x16] =	wrdreg s5  }
0x21: {  	s0 =	rddreg [dreg:$0x5]  }
0x22: {  	[tilespmem:s7], [sflag:$0x4] =	stream.linear.gather [hbm4b:s0+s4], $0x50, $0x38;
	[tilespmem:$0x1B880] =	vst v63  }
0x23: {  	s18 =	rddreg [dreg:$0x6];
	s10 =	simm.s32 $0x13C80  }
0x24: {  	[tilespmem:s10], [sflag:$0xA] =	stream.linear.gather [hbm4b:s18+s4], $0x50, $0x38;
	[tilespmem:$0x1B880] =	vst v63  }
0x25: {  	s20 =	rddreg [dreg:$0x7]  }
0x26: {  	[tilespmem:s13], [sflag:$0x5] =	stream.linear.gather [hbm4b:s20+s4], $0x50, $0x38;
	[tilespmem:$0x1B880] =	vst v63  }
0x27: {  	s22 =	rddreg [dreg:$0x8];
	s15 =	simm.s32 $0x13D00  }
0x28: {  	[tilespmem:s15], [sflag:$0xB] =	stream.linear.gather [hbm4b:s22+s4], $0x50, $0x38;
	[tilespmem:$0x1B880] =	vst v63  }
0x29: {  	s25 =	rddreg [dreg:$0x9];
	s18 =	simm.s32 $0x13980  }
0x2a: {  	[tilespmem:s18], [sflag:$0x6] =	stream.linear.gather [hbm4b:s25+s4], $0x50, $0x38;
	[tilespmem:$0x1B880] =	vst v63  }
0x2b: {  	s28 =	rddreg [dreg:$0xa];
	s20 =	simm.s32 $0x13D80  }
0x2c: {  	[tilespmem:s20], [sflag:$0xC] =	stream.linear.gather [hbm4b:s28+s4], $0x50, $0x38;
	[tilespmem:$0x1B880] =	vst v63  }
0x2d: {  	s29 =	rddreg [dreg:$0xb];
	s22 =	simm.s32 $0x13A00  }
0x2e: {  	[tilespmem:s22], [sflag:$0x7] =	stream.linear.gather [hbm4b:s29+s4], $0x50, $0x38;
	[tilespmem:$0x1B880] =	vst v63  }
0x2f: {  	s5 =	rddreg [dreg:$0xc];
	s25 =	simm.s32 $0x13E00  }
0x30: {  	[tilespmem:s25], [sflag:$0xD] =	stream.linear.gather [hbm4b:s5+s4], $0x50, $0x38;
	[tilespmem:$0x1B880] =	vst v63  }
0x31: {  	s9 =	rddreg [dreg:$0xd];
	s28 =	simm.s32 $0x13A80  }
0x32: {  	[tilespmem:s28], [sflag:$0x8] =	stream.linear.gather [hbm4b:s9+s4], $0x50, $0x38;
	[tilespmem:$0x1B880] =	vst v63  }
0x33: {  	s14 =	rddreg [dreg:$0xe];
	s16 =	simm.s32 $0x13E80  }
0x34: {  	[tilespmem:s16], [sflag:$0xE] =	stream.linear.gather [hbm4b:s14+s4], $0x50, $0x38;
	[tilespmem:$0x1B880] =	vst v63  }
0x35: {  	s29 =	rddreg [dreg:$0xf]  }
0x36: {  	[tilespmem:s31], [sflag:$0x9] =	stream.linear.gather [hbm4b:s29+s4], $0x50, $0x38;
	[tilespmem:$0x1B880] =	vst v63  }
0x37: {  	s5 =	rddreg [dreg:$0x10]  }
0x38: {  	[tilespmem:s3], [sflag:$0xF] =	stream.linear.gather [hbm4b:s5+s4], $0x50, $0x38;
	[tilespmem:$0x1B880] =	vst v63  }
0x39: {  	_ =	swait.ge [sflag:s6], $0x50  }
0x3a: {  	[sflag:s6] =	ssyncset.done $0x0  }
0x3b: {  	s5 =	simm.s32 $0x14080;
	[sflag:s6] =	ssyncadd.s32 $0xFFFFFFB0  }
0x3c: {  	[tilespmem:s5], [sflag:$0x1] =	stream.indirect.gather [hbm4b:s1+s11], $0x80, s7, s11, $0xb8;
	[tilespmem:$0x1B880] =	vst v63  }
0x3d: {  	_ =	swait.ge [sflag:s26], $0x50  }
0x3e: {  	[sflag:s26] =	ssyncset.done $0x0  }
0x3f: {  	s14 =	simm.s32 $0x16880;
	s29 =	simm.s32 $0x6;
	[sflag:s26] =	ssyncadd.s32 $0xFFFFFFB0  }
0x40: {  	[tilespmem:s14], [sflag:$0x2] =	stream.indirect.gather [hbm4b:s1+s11], $0x80, s13, s11, $0xb8;
	[tilespmem:$0x1B880] =	vst v63  }
0x41: {  	_ =	swait.ge [sflag:s29], $0x50  }
0x42: {  	s16 =	simm.s32 $0x19080;
	[sflag:s29] =	ssyncset.done $0x0;
	s0 =	rddreg [dreg:$0x13]  }
0x43: {  	s6 =	rddreg [dreg:$0x4];
	[sflag:s29] =	ssyncadd.s32 $0xFFFFFFB0;
	s3 =	sshrl.u32 @p0 s0, $0x3  }
0x44: {  	[tilespmem:s16], [sflag:$0x3] =	stream.indirect.gather [hbm4b:s1+s11], $0x80, s18, s11, $0xb8;
	[tilespmem:$0x1B880] =	vst v63  }
0x45: {  	s0 =	simm.s32 @p0 $0x1FD0;
	[dreg:$0x17] =	wrdreg s3  }
0x46: {  	[spmem:s3], [sflag:s0] =	dma.local @p0 [hbm:s6], $0x2800  }
0x47: {  	s0 =	simm.s32 @p0 $0x10  }
0x48: {  	s3 =	stileid.u32;
	_ =	swait.ge @p0 [sflag:s0], $0x2800  }
0x49: {  	s3 =	sshll.u32 @!p0 s3, $0x6;
	[sflag:s0] =	ssyncset.done @p0 $0x0  }
0x4a: {  	s3 =	sor.u32 @!p0 $0x1C10, s3;
	[sflag:s0] =	ssyncadd.s32 @p0 $0xFFFFD800;
	s0 =	rddreg [dreg:$0x11]  }
0x4b: {  	[dreg:$0x18] =	wrdreg s3;
	s0 =	sshrl.u32 @!p0 s0, $0x3  }
0x4c: {  	[dreg:$0x19] =	wrdreg s0  }
0x4d: {  	[spmem:s0], [sflag:s3] =	dma.local @!p0 [hbm:s6], $0x2700  }
0x4e: {  	s0 =	simm.s32 @!p0 $0x10  }
0x4f: {  	_ =	swait.ge @!p0 [sflag:s0], $0x2700  }
0x50: {  	[sflag:s0] =	ssyncset.done @!p0 $0x0  }
0x51: {  	[sflag:s0] =	ssyncadd.s32 @!p0 $0xFFFFD900  }
0x52: {  	[bflag:$0x0] =	sbarrier.arrive $0xFFFF  }
0x53: {  	_ =	swait.ge [sflag:s17], $0x2800  }
0x54: {  	[sflag:s17] =	ssyncset.done $0x0  }
0x55: {  	s9 =	simm.s32 $0xA;
	[sflag:s17] =	ssyncadd.s32 $0xFFFFD800  }
0x56: {  	_ =	swait.ge [sflag:s9], $0x50  }
0x57: {  	[sflag:s9] =	ssyncset.done $0x0  }
0x58: {  	[sflag:s9] =	ssyncadd.s32 $0xFFFFFFB0  }
0x59: {  	[spmem:s2] =	stream.indirect.scatter.add.f32 [tilespmem:s5], [sflag:$0x10], $0x80, s10, s11, $0xb8;
	[tilespmem:$0x1B880] =	vst v63  }
0x5a: {  	_ =	swait.ge [sflag:s19], $0x2800  }
0x5b: {  	s0 =	sadd.s32 $0x0, s24;
	[sflag:s19] =	ssyncset.done $0x0  }
0x5c: {  	s3 =	sadd.s32 $0x0, s12;
	s30 =	sadd.s32 $0x3C, s0;
	[sflag:s19] =	ssyncadd.s32 $0xFFFFD800  }
0x5d: {  	[tilespmem:s7], [sflag:$0x4] =	stream.linear.gather [hbm4b:s30+s4], $0x50, $0x38;
	[tilespmem:$0x1B880] =	vst v63  }
0x5e: {  	s30 =	sadd.s32 $0x3C, s3  }
0x5f: {  	[tilespmem:s10], [sflag:$0xA] =	stream.linear.gather [hbm4b:s30+s4], $0x50, $0x38;
	[tilespmem:$0x1B880] =	vst v63  }
0x60: {  	s10 =	simm.s32 $0x7  }
0x61: {  	_ =	swait.ge [sflag:s10], $0x50  }
0x62: {  	[sflag:s10] =	ssyncset.done $0x0  }
0x63: {  	[sflag:s10] =	ssyncadd.s32 $0xFFFFFFB0  }
0x64: {  	[tilespmem:s5], [sflag:$0x1] =	stream.indirect.gather [hbm4b:s1+s11], $0x80, s22, s11, $0xb8;
	[tilespmem:$0x1B880] =	vst v63  }
0x65: {  	_ =	swait.ge [sflag:s21], $0x2800  }
0x66: {  	[sflag:s21] =	ssyncset.done $0x0  }
0x67: {  	s10 =	simm.s32 $0xB;
	[sflag:s21] =	ssyncadd.s32 $0xFFFFD800  }
0x68: {  	_ =	swait.ge [sflag:s10], $0x50  }
0x69: {  	[sflag:s10] =	ssyncset.done $0x0  }
0x6a: {  	[sflag:s10] =	ssyncadd.s32 $0xFFFFFFB0  }
0x6b: {  	[spmem:s2] =	stream.indirect.scatter.add.f32 [tilespmem:s14], [sflag:$0x10], $0x80, s15, s11, $0xb8;
	[tilespmem:$0x1B880] =	vst v63  }
0x6c: {  	_ =	swait.ge [sflag:s19], $0x2800  }
0x6d: {  	[sflag:s19] =	ssyncset.done $0x0  }
0x6e: {  	s30 =	sadd.s32 $0x46, s0;
	[sflag:s19] =	ssyncadd.s32 $0xFFFFD800  }
0x6f: {  	[tilespmem:s13], [sflag:$0x5] =	stream.linear.gather [hbm4b:s30+s4], $0x50, $0x38;
	[tilespmem:$0x1B880] =	vst v63  }
0x70: {  	s10 =	simm.s32 $0x8;
	s30 =	sadd.s32 $0x46, s3  }
0x71: {  	[tilespmem:s15], [sflag:$0xB] =	stream.linear.gather [hbm4b:s30+s4], $0x50, $0x38;
	[tilespmem:$0x1B880] =	vst v63  }
0x72: {  	_ =	swait.ge [sflag:s10], $0x50  }
0x73: {  	[sflag:s10] =	ssyncset.done $0x0  }
0x74: {  	[sflag:s10] =	ssyncadd.s32 $0xFFFFFFB0  }
0x75: {  	[tilespmem:s14], [sflag:$0x2] =	stream.indirect.gather [hbm4b:s1+s11], $0x80, s28, s11, $0xb8;
	[tilespmem:$0x1B880] =	vst v63  }
0x76: {  	_ =	swait.ge [sflag:s8], $0x2800  }
0x77: {  	[sflag:s8] =	ssyncset.done $0x0  }
0x78: {  	s15 =	simm.s32 $0xC;
	[sflag:s8] =	ssyncadd.s32 $0xFFFFD800  }
0x79: {  	_ =	swait.ge [sflag:s15], $0x50  }
0x7a: {  	[sflag:s15] =	ssyncset.done $0x0  }
0x7b: {  	[sflag:s15] =	ssyncadd.s32 $0xFFFFFFB0  }
0x7c: {  	[spmem:s2] =	stream.indirect.scatter.add.f32 [tilespmem:s16], [sflag:$0x10], $0x80, s20, s11, $0xb8;
	[tilespmem:$0x1B880] =	vst v63  }
0x7d: {  	_ =	swait.ge [sflag:s19], $0x2800  }
0x7e: {  	[sflag:s19] =	ssyncset.done $0x0  }
0x7f: {  	s30 =	sadd.s32 $0x50, s0;
	[sflag:s19] =	ssyncadd.s32 $0xFFFFD800  }
0x80: {  	[tilespmem:s18], [sflag:$0x6] =	stream.linear.gather [hbm4b:s30+s4], $0x50, $0x38;
	[tilespmem:$0x1B880] =	vst v63  }
0x81: {  	s30 =	sadd.s32 $0x50, s3  }
0x82: {  	[tilespmem:s20], [sflag:$0xC] =	stream.linear.gather [hbm4b:s30+s4], $0x50, $0x38;
	[tilespmem:$0x1B880] =	vst v63  }
0x83: {  	_ =	swait.ge [sflag:s23], $0x50  }
0x84: {  	[sflag:s23] =	ssyncset.done $0x0  }
0x85: {  	[sflag:s23] =	ssyncadd.s32 $0xFFFFFFB0  }
0x86: {  	[tilespmem:s16], [sflag:$0x3] =	stream.indirect.gather [hbm4b:s1+s11], $0x80, s31, s11, $0xb8;
	[tilespmem:$0x1B880] =	vst v63  }
0x87: {  	_ =	swait.ge [sflag:s17], $0x2800  }
0x88: {  	[sflag:s17] =	ssyncset.done $0x0  }
0x89: {  	s20 =	simm.s32 $0xD;
	[sflag:s17] =	ssyncadd.s32 $0xFFFFD800  }
0x8a: {  	_ =	swait.ge [sflag:s20], $0x50  }
0x8b: {  	[sflag:s20] =	ssyncset.done $0x0  }
0x8c: {  	[sflag:s20] =	ssyncadd.s32 $0xFFFFFFB0  }
0x8d: {  	[spmem:s2] =	stream.indirect.scatter.add.f32 [tilespmem:s5], [sflag:$0x10], $0x80, s25, s11, $0xb8;
	[tilespmem:$0x1B880] =	vst v63  }
0x8e: {  	_ =	swait.ge [sflag:s19], $0x2800  }
0x8f: {  	[sflag:s19] =	ssyncset.done $0x0  }
0x90: {  	s30 =	sadd.s32 $0x5A, s0;
	[sflag:s19] =	ssyncadd.s32 $0xFFFFD800  }
0x91: {  	[tilespmem:s22], [sflag:$0x7] =	stream.linear.gather [hbm4b:s30+s4], $0x50, $0x38;
	[tilespmem:$0x1B880] =	vst v63  }
0x92: {  	s26 =	simm.s32 $0x4;
	s30 =	sadd.s32 $0x5A, s3  }
0x93: {  	[tilespmem:s25], [sflag:$0xD] =	stream.linear.gather [hbm4b:s30+s4], $0x50, $0x38;
	[tilespmem:$0x1B880] =	vst v63  }
0x94: {  	_ =	swait.ge [sflag:s26], $0x50  }
0x95: {  	[sflag:s26] =	ssyncset.done $0x0  }
0x96: {  	[sflag:s26] =	ssyncadd.s32 $0xFFFFFFB0  }
0x97: {  	[tilespmem:s5], [sflag:$0x1] =	stream.indirect.gather [hbm4b:s1+s11], $0x80, s7, s11, $0xb8;
	[tilespmem:$0x1B880] =	vst v63  }
0x98: {  	_ =	swait.ge [sflag:s21], $0x2800  }
0x99: {  	[sflag:s21] =	ssyncset.done $0x0  }
0x9a: {  	s25 =	simm.s32 $0xE;
	[sflag:s21] =	ssyncadd.s32 $0xFFFFD800  }
0x9b: {  	_ =	swait.ge [sflag:s25], $0x50  }
0x9c: {  	[sflag:s25] =	ssyncset.done $0x0  }
0x9d: {  	s26 =	simm.s32 $0x13E80;
	[sflag:s25] =	ssyncadd.s32 $0xFFFFFFB0  }
0x9e: {  	[spmem:s2] =	stream.indirect.scatter.add.f32 [tilespmem:s14], [sflag:$0x10], $0x80, s26, s11, $0xb8;
	[tilespmem:$0x1B880] =	vst v63  }
0x9f: {  	_ =	swait.ge [sflag:s19], $0x2800  }
0xa0: {  	[sflag:s19] =	ssyncset.done $0x0  }
0xa1: {  	s0 =	sadd.s32 $0x64, s0;
	[sflag:s19] =	ssyncadd.s32 $0xFFFFD800  }
0xa2: {  	[tilespmem:s28], [sflag:$0x8] =	stream.linear.gather [hbm4b:s0+s4], $0x50, $0x38;
	[tilespmem:$0x1B880] =	vst v63  }
0xa3: {  	s9 =	simm.s32 $0x5;
	s28 =	sadd.s32 $0x64, s3  }
0xa4: {  	[tilespmem:s26], [sflag:$0xE] =	stream.linear.gather [hbm4b:s28+s4], $0x50, $0x38;
	[tilespmem:$0x1B880] =	vst v63  }
0xa5: {  	_ =	swait.ge [sflag:s9], $0x50  }
0xa6: {  	[sflag:s9] =	ssyncset.done $0x0  }
0xa7: {  	[sflag:s9] =	ssyncadd.s32 $0xFFFFFFB0  }
0xa8: {  	[tilespmem:s14], [sflag:$0x2] =	stream.indirect.gather [hbm4b:s1+s11], $0x80, s13, s11, $0xb8;
	[tilespmem:$0x1B880] =	vst v63  }
0xa9: {  	_ =	swait.ge [sflag:s8], $0x2800  }
0xaa: {  	[sflag:s8] =	ssyncset.done $0x0  }
0xab: {  	s14 =	simm.s32 $0xF;
	[sflag:s8] =	ssyncadd.s32 $0xFFFFD800  }
0xac: {  	_ =	swait.ge [sflag:s14], $0x50  }
0xad: {  	[sflag:s14] =	ssyncset.done $0x0  }
0xae: {  	s31 =	simm.s32 $0x13F00;
	[sflag:s14] =	ssyncadd.s32 $0xFFFFFFB0  }
0xaf: {  	[spmem:s2] =	stream.indirect.scatter.add.f32 [tilespmem:s16], [sflag:$0x10], $0x80, s31, s11, $0xb8;
	[tilespmem:$0x1B880] =	vst v63  }
0xb0: {  	p1 =	por $0x0, $0x0;
	_ =	swait.ge [sflag:s19], $0x2800  }
0xb1: {  	s30 =	simm.s32 @!p1 $0x13B00;
	s0 =	sadd.s32 @!p1 $0x0, s24;
	[sflag:s19] =	ssyncset.done $0x0  }
0xb2: {  	s3 =	simm.s32 @!p1 $0x0;
	s0 =	sadd.s32 @!p1 $0x6E, s0;
	[sflag:s19] =	ssyncadd.s32 $0xFFFFD800  }
0xb3: {  	[tilespmem:s30], [sflag:$0x9] =	stream.linear.gather @!p1 [hbm4b:s0+s3], $0x50, $0x38;
	[tilespmem:$0x1B880] =	vst v63  }
0xb4: {  	s0 =	sadd.s32 @!p1 $0x0, s12  }
0xb5: {  	s30 =	simm.s32 @!p1 $0x13F00;
	s0 =	sadd.s32 @!p1 $0x6E, s0  }
0xb6: {  	[tilespmem:s30], [sflag:$0xF] =	stream.linear.gather @!p1 [hbm4b:s0+s3], $0x50, $0x38;
	[tilespmem:$0x1B880] =	vst v63  }
0xb7: {  	_ =	swait.ge [sflag:s29], $0x50  }
0xb8: {  	s30 =	simm.s32 $0x3C;
	[sflag:s29] =	ssyncset.done $0x0  }
.LBB2_2:
0xb9: {  	s29 =	simm.s32 $0x6;
	s31 =	smov.u32 s30;
	s30 =	sadd.s32 $0x3C, s30  }
0xba: {  	s20 =	simm.s32 $0x13980;
	s28 =	simm.s32 $0x19080;
	[sflag:s29] =	ssyncadd.s32 $0xFFFFFFB0  }
0xbb: {  	[tilespmem:s28], [sflag:$0x3] =	stream.indirect.gather [hbm4b:s1+s11], $0x80, s20, s11, $0xb8;
	[tilespmem:$0x1B880] =	vst v63  }
0xbc: {  	p1 =	sne.s32 s30, $0x4B0;
	_ =	swait.ge [sflag:s17], $0x2800  }
0xbd: {  	[sflag:s17] =	ssyncset.done $0x0  }
0xbe: {  	s0 =	simm.s32 $0xA;
	[sflag:s17] =	ssyncadd.s32 $0xFFFFD800  }
0xbf: {  	_ =	swait.ge [sflag:s0], $0x50  }
0xc0: {  	[sflag:s0] =	ssyncset.done $0x0  }
0xc1: {  	s13 =	simm.s32 $0x13C80;
	s7 =	simm.s32 $0x14080;
	[sflag:s0] =	ssyncadd.s32 $0xFFFFFFB0  }
0xc2: {  	[spmem:s2] =	stream.indirect.scatter.add.f32 [tilespmem:s7], [sflag:$0x10], $0x80, s13, s11, $0xb8;
	[tilespmem:$0x1B880] =	vst v63  }
0xc3: {  	_ =	swait.ge [sflag:s19], $0x2800  }
0xc4: {  	s26 =	simm.s32 $0x13880;
	s0 =	sadd.s32 s31, s24;
	[sflag:s19] =	ssyncset.done $0x0  }
0xc5: {  	s3 =	sadd.s32 s31, s12;
	s6 =	sadd.s32 $0x3C, s0;
	[sflag:s19] =	ssyncadd.s32 $0xFFFFD800  }
0xc6: {  	[tilespmem:s26], [sflag:$0x4] =	stream.linear.gather [hbm4b:s6+s4], $0x50, $0x38;
	[tilespmem:$0x1B880] =	vst v63  }
0xc7: {  	s6 =	sadd.s32 $0x3C, s3  }
0xc8: {  	[tilespmem:s13], [sflag:$0xA] =	stream.linear.gather [hbm4b:s6+s4], $0x50, $0x38;
	[tilespmem:$0x1B880] =	vst v63  }
0xc9: {  	s10 =	simm.s32 $0x13C80;
	s5 =	simm.s32 $0x7;
	s13 =	simm.s32 $0x13900  }
0xca: {  	_ =	swait.ge [sflag:s5], $0x50  }
0xcb: {  	[sflag:s5] =	ssyncset.done $0x0  }
0xcc: {  	[sflag:s5] =	ssyncadd.s32 $0xFFFFFFB0;
	s5 =	simm.s32 $0x13A00  }
0xcd: {  	[tilespmem:s7], [sflag:$0x1] =	stream.indirect.gather [hbm4b:s1+s11], $0x80, s5, s11, $0xb8;
	[tilespmem:$0x1B880] =	vst v63  }
0xce: {  	_ =	swait.ge [sflag:s21], $0x2800  }
0xcf: {  	[sflag:s21] =	ssyncset.done $0x0  }
0xd0: {  	s6 =	simm.s32 $0xB;
	[sflag:s21] =	ssyncadd.s32 $0xFFFFD800  }
0xd1: {  	_ =	swait.ge [sflag:s6], $0x50  }
0xd2: {  	[sflag:s6] =	ssyncset.done $0x0  }
0xd3: {  	s18 =	simm.s32 $0x13D00;
	s16 =	simm.s32 $0x16880;
	[sflag:s6] =	ssyncadd.s32 $0xFFFFFFB0  }
0xd4: {  	[spmem:s2] =	stream.indirect.scatter.add.f32 [tilespmem:s16], [sflag:$0x10], $0x80, s18, s11, $0xb8;
	[tilespmem:$0x1B880] =	vst v63  }
0xd5: {  	_ =	swait.ge [sflag:s19], $0x2800  }
0xd6: {  	[sflag:s19] =	ssyncset.done $0x0  }
0xd7: {  	s6 =	sadd.s32 $0x46, s0;
	[sflag:s19] =	ssyncadd.s32 $0xFFFFD800  }
0xd8: {  	[tilespmem:s13], [sflag:$0x5] =	stream.linear.gather [hbm4b:s6+s4], $0x50, $0x38;
	[tilespmem:$0x1B880] =	vst v63  }
0xd9: {  	s6 =	sadd.s32 $0x46, s3  }
0xda: {  	[tilespmem:s18], [sflag:$0xB] =	stream.linear.gather [hbm4b:s6+s4], $0x50, $0x38;
	[tilespmem:$0x1B880] =	vst v63  }
0xdb: {  	s15 =	simm.s32 $0x13D00;
	s6 =	simm.s32 $0x8  }
0xdc: {  	_ =	swait.ge [sflag:s6], $0x50  }
0xdd: {  	[sflag:s6] =	ssyncset.done $0x0  }
0xde: {  	s25 =	simm.s32 $0x13A80;
	[sflag:s6] =	ssyncadd.s32 $0xFFFFFFB0  }
0xdf: {  	[tilespmem:s16], [sflag:$0x2] =	stream.indirect.gather [hbm4b:s1+s11], $0x80, s25, s11, $0xb8;
	[tilespmem:$0x1B880] =	vst v63  }
0xe0: {  	_ =	swait.ge [sflag:s8], $0x2800  }
0xe1: {  	[sflag:s8] =	ssyncset.done $0x0  }
0xe2: {  	s6 =	simm.s32 $0xC;
	[sflag:s8] =	ssyncadd.s32 $0xFFFFD800  }
0xe3: {  	_ =	swait.ge [sflag:s6], $0x50  }
0xe4: {  	[sflag:s6] =	ssyncset.done $0x0  }
0xe5: {  	s22 =	simm.s32 $0x13D80;
	[sflag:s6] =	ssyncadd.s32 $0xFFFFFFB0  }
0xe6: {  	[spmem:s2] =	stream.indirect.scatter.add.f32 [tilespmem:s28], [sflag:$0x10], $0x80, s22, s11, $0xb8;
	[tilespmem:$0x1B880] =	vst v63  }
0xe7: {  	_ =	swait.ge [sflag:s19], $0x2800  }
0xe8: {  	[sflag:s19] =	ssyncset.done $0x0  }
0xe9: {  	s18 =	simm.s32 $0x13980;
	s6 =	sadd.s32 $0x50, s0;
	[sflag:s19] =	ssyncadd.s32 $0xFFFFD800  }
0xea: {  	[tilespmem:s20], [sflag:$0x6] =	stream.linear.gather [hbm4b:s6+s4], $0x50, $0x38;
	[tilespmem:$0x1B880] =	vst v63  }
0xeb: {  	s6 =	sadd.s32 $0x50, s3;
	s20 =	simm.s32 $0x13D80  }
0xec: {  	[tilespmem:s22], [sflag:$0xC] =	stream.linear.gather [hbm4b:s6+s4], $0x50, $0x38;
	[tilespmem:$0x1B880] =	vst v63  }
0xed: {  	_ =	swait.ge [sflag:s23], $0x50  }
0xee: {  	[sflag:s23] =	ssyncset.done $0x0  }
0xef: {  	s6 =	simm.s32 $0x13B00;
	[sflag:s23] =	ssyncadd.s32 $0xFFFFFFB0  }
0xf0: {  	[tilespmem:s28], [sflag:$0x3] =	stream.indirect.gather [hbm4b:s1+s11], $0x80, s6, s11, $0xb8;
	[tilespmem:$0x1B880] =	vst v63  }
0xf1: {  	_ =	swait.ge [sflag:s17], $0x2800  }
0xf2: {  	[sflag:s17] =	ssyncset.done $0x0  }
0xf3: {  	s6 =	simm.s32 $0xD;
	[sflag:s17] =	ssyncadd.s32 $0xFFFFD800  }
0xf4: {  	_ =	swait.ge [sflag:s6], $0x50  }
0xf5: {  	[sflag:s6] =	ssyncset.done $0x0  }
0xf6: {  	s9 =	simm.s32 $0x13E00;
	[sflag:s6] =	ssyncadd.s32 $0xFFFFFFB0  }
0xf7: {  	[spmem:s2] =	stream.indirect.scatter.add.f32 [tilespmem:s7], [sflag:$0x10], $0x80, s9, s11, $0xb8;
	[tilespmem:$0x1B880] =	vst v63  }
0xf8: {  	_ =	swait.ge [sflag:s19], $0x2800  }
0xf9: {  	[sflag:s19] =	ssyncset.done $0x0  }
0xfa: {  	s22 =	simm.s32 $0x13A00;
	s6 =	sadd.s32 $0x5A, s0;
	[sflag:s19] =	ssyncadd.s32 $0xFFFFD800  }
0xfb: {  	[tilespmem:s5], [sflag:$0x7] =	stream.linear.gather [hbm4b:s6+s4], $0x50, $0x38;
	[tilespmem:$0x1B880] =	vst v63  }
0xfc: {  	s6 =	sadd.s32 $0x5A, s3  }
0xfd: {  	[tilespmem:s9], [sflag:$0xD] =	stream.linear.gather [hbm4b:s6+s4], $0x50, $0x38;
	[tilespmem:$0x1B880] =	vst v63  }
0xfe: {  	s5 =	simm.s32 $0x13E00;
	s6 =	simm.s32 $0x4  }
0xff: {  	_ =	swait.ge [sflag:s6], $0x50  }
0x100: {  	[sflag:s6] =	ssyncset.done $0x0  }
0x101: {  	[sflag:s6] =	ssyncadd.s32 $0xFFFFFFB0  }
0x102: {  	[tilespmem:s7], [sflag:$0x1] =	stream.indirect.gather [hbm4b:s1+s11], $0x80, s26, s11, $0xb8;
	[tilespmem:$0x1B880] =	vst v63  }
0x103: {  	_ =	swait.ge [sflag:s21], $0x2800  }
0x104: {  	[sflag:s21] =	ssyncset.done $0x0  }
0x105: {  	s6 =	simm.s32 $0xE;
	[sflag:s21] =	ssyncadd.s32 $0xFFFFD800  }
0x106: {  	_ =	swait.ge [sflag:s6], $0x50  }
0x107: {  	[sflag:s6] =	ssyncset.done $0x0  }
0x108: {  	[sflag:s6] =	ssyncadd.s32 $0xFFFFFFB0;
	s6 =	simm.s32 $0x13E80  }
0x109: {  	[spmem:s2] =	stream.indirect.scatter.add.f32 [tilespmem:s16], [sflag:$0x10], $0x80, s6, s11, $0xb8;
	[tilespmem:$0x1B880] =	vst v63  }
0x10a: {  	_ =	swait.ge [sflag:s19], $0x2800  }
0x10b: {  	[sflag:s19] =	ssyncset.done $0x0  }
0x10c: {  	s0 =	sadd.s32 $0x64, s0;
	s9 =	simm.s32 $0x13A80;
	[sflag:s19] =	ssyncadd.s32 $0xFFFFD800  }
0x10d: {  	[tilespmem:s25], [sflag:$0x8] =	stream.linear.gather [hbm4b:s0+s4], $0x50, $0x38;
	[tilespmem:$0x1B880] =	vst v63  }
0x10e: {  	s0 =	sadd.s32 $0x64, s3  }
0x10f: {  	[tilespmem:s6], [sflag:$0xE] =	stream.linear.gather [hbm4b:s0+s4], $0x50, $0x38;
	[tilespmem:$0x1B880] =	vst v63  }
0x110: {  	s25 =	simm.s32 $0x13E80;
	s0 =	simm.s32 $0x5  }
0x111: {  	_ =	swait.ge [sflag:s0], $0x50  }
0x112: {  	[sflag:s0] =	ssyncset.done $0x0  }
0x113: {  	[sflag:s0] =	ssyncadd.s32 $0xFFFFFFB0  }
0x114: {  	[tilespmem:s16], [sflag:$0x2] =	stream.indirect.gather [hbm4b:s1+s11], $0x80, s13, s11, $0xb8;
	[tilespmem:$0x1B880] =	vst v63  }
0x115: {  	_ =	swait.ge [sflag:s8], $0x2800  }
0x116: {  	[sflag:s8] =	ssyncset.done $0x0  }
0x117: {  	[sflag:s8] =	ssyncadd.s32 $0xFFFFD800  }
0x118: {  	_ =	swait.ge [sflag:s14], $0x50  }
0x119: {  	[sflag:s14] =	ssyncset.done $0x0  }
0x11a: {  	s0 =	simm.s32 $0x13F00;
	[sflag:s14] =	ssyncadd.s32 $0xFFFFFFB0  }
0x11b: {  	[spmem:s2] =	stream.indirect.scatter.add.f32 [tilespmem:s28], [sflag:$0x10], $0x80, s0, s11, $0xb8;
	[tilespmem:$0x1B880] =	vst v63  }
0x11c: {  	p2 =	seq.s32 s31, $0x474;
	_ =	swait.ge [sflag:s19], $0x2800  }
0x11d: {  	s3 =	simm.s32 @!p2 $0x0;
	s0 =	sadd.s32 @!p2 s31, s24;
	[sflag:s19] =	ssyncset.done $0x0  }
0x11e: {  	s6 =	simm.s32 @!p2 $0x13B00;
	s0 =	sadd.s32 @!p2 $0x6E, s0;
	[sflag:s19] =	ssyncadd.s32 $0xFFFFD800  }
0x11f: {  	[tilespmem:s6], [sflag:$0x9] =	stream.linear.gather @!p2 [hbm4b:s0+s3], $0x50, $0x38;
	[tilespmem:$0x1B880] =	vst v63  }
.Ltmp0:
0x120: {  	s0 =	sadd.s32 @!p2 s31, s12;
	s6 =	simm.s32 @!p2 $0x13F00;
	(pc) =	sbr.rel @p1 .LBB2_2-.Ltmp0, $4  }
0x121: {  	s0 =	sadd.s32 @!p2 $0x6E, s0  }
0x122: {  	[tilespmem:s6], [sflag:$0xF] =	stream.linear.gather @!p2 [hbm4b:s0+s3], $0x50, $0x38;
	[tilespmem:$0x1B880] =	vst v63  }
0x123: {  	_ =	swait.ge [sflag:s29], $0x50  }
0x124: {  	s0 =	simm.s32 $0x6;
	[sflag:s29] =	ssyncset.done $0x0  }
0x125: {  	[sflag:s0] =	ssyncadd.s32 $0xFFFFFFB0;
	s7 =	simm.s32 $0x19080  }
0x126: {  	[tilespmem:s7], [sflag:$0x3] =	stream.indirect.gather [hbm4b:s1+s11], $0x80, s18, s11, $0xb8;
	[tilespmem:$0x1B880] =	vst v63  }
0x127: {  	_ =	swait.ge [sflag:s17], $0x2800  }
0x128: {  	[sflag:s17] =	ssyncset.done $0x0  }
0x129: {  	s6 =	simm.s32 $0xA;
	[sflag:s17] =	ssyncadd.s32 $0xFFFFD800  }
0x12a: {  	_ =	swait.ge [sflag:s6], $0x50  }
0x12b: {  	[sflag:s6] =	ssyncset.done $0x0  }
0x12c: {  	s3 =	simm.s32 $0x14080;
	[sflag:s6] =	ssyncadd.s32 $0xFFFFFFB0  }
0x12d: {  	[spmem:s2] =	stream.indirect.scatter.add.f32 [tilespmem:s3], [sflag:$0x10], $0x80, s10, s11, $0xb8;
	[tilespmem:$0x1B880] =	vst v63  }
0x12e: {  	_ =	swait.ge [sflag:s19], $0x2800  }
0x12f: {  	[sflag:s19] =	ssyncset.done $0x0  }
0x130: {  	s14 =	simm.s32 $0x7;
	[sflag:s19] =	ssyncadd.s32 $0xFFFFD800  }
0x131: {  	_ =	swait.ge [sflag:s14], $0x50  }
0x132: {  	[sflag:s14] =	ssyncset.done $0x0  }
0x133: {  	[sflag:s14] =	ssyncadd.s32 $0xFFFFFFB0  }
0x134: {  	[tilespmem:s3], [sflag:$0x1] =	stream.indirect.gather [hbm4b:s1+s11], $0x80, s22, s11, $0xb8;
	[tilespmem:$0x1B880] =	vst v63  }
0x135: {  	_ =	swait.ge [sflag:s21], $0x2800  }
0x136: {  	[sflag:s21] =	ssyncset.done $0x0  }
0x137: {  	s16 =	simm.s32 $0xB;
	[sflag:s21] =	ssyncadd.s32 $0xFFFFD800  }
0x138: {  	_ =	swait.ge [sflag:s16], $0x50  }
0x139: {  	[sflag:s16] =	ssyncset.done $0x0  }
0x13a: {  	s6 =	simm.s32 $0x16880;
	[sflag:s16] =	ssyncadd.s32 $0xFFFFFFB0  }
0x13b: {  	[spmem:s2] =	stream.indirect.scatter.add.f32 [tilespmem:s6], [sflag:$0x10], $0x80, s15, s11, $0xb8;
	[tilespmem:$0x1B880] =	vst v63  }
0x13c: {  	_ =	swait.ge [sflag:s19], $0x2800  }
0x13d: {  	[sflag:s19] =	ssyncset.done $0x0  }
0x13e: {  	s18 =	simm.s32 $0x8;
	[sflag:s19] =	ssyncadd.s32 $0xFFFFD800  }
0x13f: {  	_ =	swait.ge [sflag:s18], $0x50  }
0x140: {  	[sflag:s18] =	ssyncset.done $0x0  }
0x141: {  	[sflag:s18] =	ssyncadd.s32 $0xFFFFFFB0  }
0x142: {  	[tilespmem:s6], [sflag:$0x2] =	stream.indirect.gather [hbm4b:s1+s11], $0x80, s9, s11, $0xb8;
	[tilespmem:$0x1B880] =	vst v63  }
0x143: {  	_ =	swait.ge [sflag:s8], $0x2800  }
0x144: {  	[sflag:s8] =	ssyncset.done $0x0  }
0x145: {  	s22 =	simm.s32 $0xC;
	[sflag:s8] =	ssyncadd.s32 $0xFFFFD800  }
0x146: {  	_ =	swait.ge [sflag:s22], $0x50  }
0x147: {  	[sflag:s22] =	ssyncset.done $0x0  }
0x148: {  	[sflag:s22] =	ssyncadd.s32 $0xFFFFFFB0  }
0x149: {  	[spmem:s2] =	stream.indirect.scatter.add.f32 [tilespmem:s7], [sflag:$0x10], $0x80, s20, s11, $0xb8;
	[tilespmem:$0x1B880] =	vst v63  }
0x14a: {  	_ =	swait.ge [sflag:s19], $0x2800  }
0x14b: {  	[sflag:s19] =	ssyncset.done $0x0  }
0x14c: {  	[sflag:s19] =	ssyncadd.s32 $0xFFFFD800  }
0x14d: {  	_ =	swait.ge [sflag:s17], $0x2800  }
0x14e: {  	[sflag:s17] =	ssyncset.done $0x0  }
0x14f: {  	s26 =	simm.s32 $0xD;
	[sflag:s17] =	ssyncadd.s32 $0xFFFFD800  }
0x150: {  	_ =	swait.ge [sflag:s26], $0x50  }
0x151: {  	[sflag:s26] =	ssyncset.done $0x0  }
0x152: {  	[sflag:s26] =	ssyncadd.s32 $0xFFFFFFB0  }
0x153: {  	[spmem:s2] =	stream.indirect.scatter.add.f32 [tilespmem:s3], [sflag:$0x10], $0x80, s5, s11, $0xb8;
	[tilespmem:$0x1B880] =	vst v63  }
0x154: {  	_ =	swait.ge [sflag:s19], $0x2800  }
0x155: {  	[sflag:s19] =	ssyncset.done $0x0  }
0x156: {  	[sflag:s19] =	ssyncadd.s32 $0xFFFFD800  }
0x157: {  	_ =	swait.ge [sflag:s21], $0x2800  }
0x158: {  	[sflag:s21] =	ssyncset.done $0x0  }
0x159: {  	s28 =	simm.s32 $0xE;
	[sflag:s21] =	ssyncadd.s32 $0xFFFFD800  }
0x15a: {  	_ =	swait.ge [sflag:s28], $0x50  }
0x15b: {  	[sflag:s28] =	ssyncset.done $0x0  }
0x15c: {  	[sflag:s28] =	ssyncadd.s32 $0xFFFFFFB0  }
0x15d: {  	[spmem:s2] =	stream.indirect.scatter.add.f32 [tilespmem:s6], [sflag:$0x10], $0x80, s25, s11, $0xb8;
	[tilespmem:$0x1B880] =	vst v63  }
0x15e: {  	_ =	swait.ge [sflag:s19], $0x2800  }
0x15f: {  	[sflag:s19] =	ssyncset.done $0x0  }
0x160: {  	[sflag:s19] =	ssyncadd.s32 $0xFFFFD800  }
0x161: {  	[bflag:$0x0] =	sbarrier.arrive $0xFFFF  }
0x162: {  	s3 =	rddreg [dreg:$0x14]  }
0x163: {  	s0 =	simm.s32 @p0 $0x1FD0;
	s5 =	rddreg [dreg:$0x17]  }
0x164: {  	[hbm:s3], [sflag:s0] =	dma.local @p0 [spmem:s5], $0x2800  }
0x165: {  	s0 =	simm.s32 @p0 $0x10  }
0x166: {  	_ =	swait.ge @p0 [sflag:s0], $0x2800  }
0x167: {  	s3 =	rddreg [dreg:$0x18]  }
0x168: {  	[sflag:s0] =	ssyncset.done @p0 $0x0;
	s5 =	rddreg [dreg:$0x19]  }
0x169: {  	[sflag:s0] =	ssyncadd.s32 @p0 $0xFFFFD800;
	s0 =	rddreg [dreg:$0x12]  }
0x16a: {  	[hbm:s0], [sflag:s3] =	dma.local @!p0 [spmem:s5], $0x2700  }
0x16b: {  	s0 =	simm.s32 @!p0 $0x10  }
0x16c: {  	_ =	swait.ge @!p0 [sflag:s0], $0x2700  }
0x16d: {  	s29 =	rddreg [dreg:$0x16]  }
0x16e: {  	s30 =	rddreg [dreg:$0x15];
	s5 =	sadd.s32 $0x1, s29  }
0x16f: {  	p1 =	sne.s32 s5, s30  }
.Ltmp1:
0x170: {  	_ = 	snop;
	(pc) =	sbr.rel @p1 .LBB2_1-.Ltmp1, $4  }
0x171: {  	_ = 	snop  }
0x172: {  	s31 =	simm.s32 $0x13B00  }
0x173: {  	s7 =	simm.s32 $0x13880;
	s26 =	simm.s32 $0x5;
	[sflag:s0] =	ssyncset.done @!p0 $0x0  }
0x174: {  	s6 =	simm.s32 $0x4;
	s3 =	simm.s32 $0x13F00;
	[sflag:s0] =	ssyncadd.s32 @!p0 $0xFFFFD900  }
0x175: {  	_ =	sfence.sel $0x180000  }
0x176: {  	[bflag:$0x0] =	sbarrier.arrive $0xFFFF  }
0x177: {  	_ =	strace $0x90000047  }
0x178: {  	s0 =	stileid.u32;
	[bflag:$0x2] =	sbarrier.arrive $0xFFFF  }
0x179: {  	p0 =	sne.s32 s0, $0x0;
	s0 =	rddreg [dreg:$0x3]  }
0x17a: {  	s0 =	sadd.s32 @!p0 $0x100000, s0  }
0x17b: {  	[sflag:s0] =	ssyncadd.tile.s32 @!p0 $0x1;
	_ =	shalt  }
.Lfunc_end2:
_tile_overlayer_lowered:
.L_overlay_start_2:
0x17c: {  	(tag) =	ssettag $0x2  }
0x17d: {  	s0 =	rddreg [dreg:$0x0];
	s2 =	stileid.u32  }
0x17e: {  	s1 =	rddreg [dreg:$0x1];
	p0 =	sne.s32 s2, $0x0  }
0x17f: {  	s3 =	rddreg [dreg:$0x2];
	[bflag:$0x3] =	sbarrier.arrive $0xFFFF;
	s2 =	simm.s32 @!p0 $0x1C10  }
0x180: {  	[timem:s3], [sflag:s2] =	dma.local @!p0 [hbm:s0], s1  }
0x181: {  	s0 =	simm.s32 @!p0 $0x10  }
0x182: {  	_ =	swait.ge @!p0 [sflag:s0], s1  }
0x183: {  	s1 =	ssub.s32 @!p0 $0x0, s1;
	[sflag:s0] =	ssyncset.done @!p0 $0x0  }
0x184: {  	[sflag:s0] =	ssyncadd.s32 @!p0 s1  }
0x185: {  	[bflag:$0x3] =	sbarrier.arrive $0xFFFF  }
0x186: {  	_ =	shalt  }

</sc_bundles>
